<compile_context>
chip_gen: v7x
topology: tpu7x:2x2x1
jax: 0.10.2.dev20260603
libtpu: 0.0.44.dev20260713+nightly
codegen_flags: <defaults>
</compile_context>

<pallas_src>
import functools

import jax
import jax.numpy as jnp
from jax import lax
from jax.experimental import pallas as pl
from jax.experimental.pallas import tpu as pltpu
from jax.experimental.pallas import tpu_sc as plsc

N = 10000
E = 320000
D = 128

NC = 2
NS = 16
NW = NC * NS
C = 128
NCHUNK = E // C
CH_PER_W = NCHUNK // NW
CH_TAIL = NCHUNK - CH_PER_W * NW
RPT = 624
RPT_LAST = N - (NS - 1) * RPT



def _mm_body(x_ref, w_ref, o_ref):
    o_ref[...] = jnp.dot(x_ref[...], w_ref[...],
                         preferred_element_type=jnp.float32)


def _matmul(x, weight):
    return pl.pallas_call(
        _mm_body,
        grid=(5,),
        in_specs=[pl.BlockSpec((2000, D), lambda i: (i, 0)),
                  pl.BlockSpec((D, D), lambda i: (0, 0))],
        out_specs=pl.BlockSpec((2000, D), lambda i: (i, 0)),
        out_shape=jax.ShapeDtypeStruct((N, D), jnp.float32),
    )(x, weight)



def _combine_body(p_ref, o_ref):
    o_ref[...] = p_ref[0] + p_ref[1]


def _combine(partials):
    return pl.pallas_call(
        _combine_body,
        grid=(5,),
        in_specs=[pl.BlockSpec((2, 2000, D), lambda i: (0, i, 0))],
        out_specs=pl.BlockSpec((2000, D), lambda i: (i, 0)),
        out_shape=jax.ShapeDtypeStruct((N, D), jnp.float32),
    )(partials)



_mesh = plsc.VectorSubcoreMesh(core_axis_name="c", subcore_axis_name="s",
                               num_cores=NC, num_subcores=NS)


@functools.partial(
    pl.kernel,
    out_type=jax.ShapeDtypeStruct((NC, N, D), jnp.float32),
    mesh=_mesh,
    scratch_types=[
        pltpu.VMEM((C,), jnp.int32),
        pltpu.VMEM((C,), jnp.int32),
        pltpu.VMEM((C,), jnp.float32),
        pltpu.VMEM((C, D), jnp.float32),
        pltpu.VMEM_SHARED((N, D), jnp.float32),
        pltpu.SemaphoreType.DMA,
    ],
)
def _spmm_sc(support_hbm, src_hbm, dst_hbm, wts_hbm, zeros_hbm, out_hbm,
             src_v, dst_v, wts_v, rows_v, acc, sem):
    c = lax.axis_index("c")
    s = lax.axis_index("s")
    wid = s * NC + c

    @pl.when(s < NS - 1)
    def _zero_main():
        pltpu.sync_copy(zeros_hbm.at[pl.ds(0, RPT)],
                        acc.at[pl.ds(s * RPT, RPT)])

    @pl.when(s == NS - 1)
    def _zero_last():
        pltpu.sync_copy(zeros_hbm, acc.at[pl.ds((NS - 1) * RPT, RPT_LAST)])

    plsc.subcore_barrier()

    def do_chunk(cid):
        base = cid * C
        pltpu.sync_copy(src_hbm.at[pl.ds(base, C)], src_v)
        pltpu.sync_copy(dst_hbm.at[pl.ds(base, C)], dst_v)
        pltpu.sync_copy(wts_hbm.at[pl.ds(base, C)], wts_v)
        pltpu.async_copy(support_hbm.at[src_v], rows_v, sem).wait()

        def scale_group(g, carry):
            wvec = wts_v[pl.ds(g * 16, 16)]
            for el in range(16):
                wsp = wvec[jnp.full((16,), el, jnp.int32)]
                e = g * 16 + el
                for j in range(D // 16):
                    sl = pl.ds(j * 16, 16)
                    rows_v[e, sl] = rows_v[e, sl] * wsp
            return carry

        lax.fori_loop(0, C // 16, scale_group, 0)
        pltpu.sync_copy(rows_v, acc.at[dst_v], add=True)

    def body(t, carry):
        do_chunk(wid + t * NW)
        return carry

    lax.fori_loop(0, CH_PER_W, body, 0)

    @pl.when(wid < CH_TAIL)
    def _tail():
        do_chunk(CH_PER_W * NW + wid)

    plsc.subcore_barrier()

    @pl.when(s < NS - 1)
    def _out_main():
        r0 = s * RPT
        pltpu.sync_copy(acc.at[pl.ds(r0, RPT)],
                        out_hbm.at[c, pl.ds(r0, RPT)])

    @pl.when(s == NS - 1)
    def _out_last():
        r0 = (NS - 1) * RPT
        pltpu.sync_copy(acc.at[pl.ds(r0, RPT_LAST)],
                        out_hbm.at[c, pl.ds(r0, RPT_LAST)])


def kernel(x, edge_index, edge_weight, weight):
    support = _matmul(x, weight)
    dst = edge_index[0]
    src = edge_index[1]
    zeros = jnp.zeros((RPT_LAST, D), jnp.float32)
    partials = _spmm_sc(support, src, dst, edge_weight, zeros)
    return _combine(partials)

# --- scband reference (transcript-rebuilt; emitter-appended) ---
"""Pipeline reference for scband-graph-convolution1-41592463295065 (READ-ONLY COPY).

The authoritative reference and input builder live on the scoring server;
editing this copy changes nothing except your own understanding.
"""

import jax, jax.numpy as jnp
import numpy as np

N = 10000
E = 320000
D_IN = 128
D_OUT = 128


def oni_norm(weight, T=4, norm_groups=1, eps=1e-05):
    # Faithful JAX port of ONINorm.forward
    Z = weight.reshape(norm_groups, weight.shape[0] // norm_groups, -1)
    Zc = Z - Z.mean(axis=-1, keepdims=True)
    S = jnp.matmul(Zc, jnp.swapaxes(Zc, 1, 2))
    eye = jnp.broadcast_to(jnp.eye(S.shape[-1], dtype=S.dtype), S.shape)
    S = S + eps * eye
    norm_S = jnp.sqrt(jnp.sum(S * S, axis=(1, 2), keepdims=True))
    S = S / norm_S
    B = eye
    for _ in range(T):
        B3 = jnp.matmul(jnp.matmul(B, B), B)
        # torch.baddbmm(1.5, B, -0.5, B^3, S) == 1.5*B - 0.5*(B^3 @ S)
        B = 1.5 * B - 0.5 * jnp.matmul(B3, S)
    W = jnp.matmul(B, Zc) / jnp.sqrt(norm_S)
    return W.reshape(weight.shape)


def setup_inputs(seed: int = 0) -> dict:
    key = jax.random.key(seed)
    k1, k2, k3, k4 = jax.random.split(key, 4)
    x = jax.random.normal(k1, (N, D_IN), dtype=jnp.float32)
    edge_index = jax.random.randint(k2, (2, E), 0, N, dtype=jnp.int32)
    edge_weight = jax.random.uniform(k3, (E,), dtype=jnp.float32)
    # Learned parameter per reset_parameters(): uniform(-stdv, stdv), stdv = 1/sqrt(out_features)
    stdv = 1.0 / np.sqrt(D_OUT)
    weight = jax.random.uniform(k4, (D_IN, D_OUT), minval=-stdv, maxval=stdv, dtype=jnp.float32)
    return {"x": x, "edge_index": edge_index, "edge_weight": edge_weight, "weight": weight}


def reference(x, edge_index, edge_weight, weight):
    # Original forward computes self.W = ONINorm(weight) but then uses the RAW
    # weight in torch.mm. We replicate that faithfully (W computed, unused).
    _W = oni_norm(weight, T=4, norm_groups=1)
    support = x @ weight
    # torch.spmm(adj, support): output[row] += val * support[col]
    # edge_index[0] = row (dst), edge_index[1] = col (src)
    gathered = support[edge_index[1]] * edge_weight[:, None]
    output = jax.ops.segment_sum(gathered, edge_index[0], num_segments=x.shape[0])
    return output

if __name__ == "__main__":
    import jax
    _d = setup_inputs()
    print(jax.jit(kernel)(*tuple(_d.values())))

</pallas_src>

<mosaic_0001>
#map = affine_map<(d0, d1) -> (0, 0)>
#map1 = affine_map<(d0, d1) -> (0)>
#map2 = affine_map<(d0, d1) -> (0, 0, 0)>
module attributes {stable_mosaic.version = 14 : i64} {
  func.func @_spmm_sc(%arg0: i32, %arg1: i32, %arg2: memref<10000x128xf32, #tpu.memory_space<hbm>>, %arg3: memref<320000xi32, #tpu.memory_space<hbm>>, %arg4: memref<320000xi32, #tpu.memory_space<hbm>>, %arg5: memref<320000xf32, #tpu.memory_space<hbm>>, %arg6: memref<640x128xf32, #tpu.memory_space<hbm>>, %arg7: memref<2x10000x128xf32, #tpu.memory_space<hbm>>, %arg8: memref<128xi32, #tpu.memory_space<vmem>>, %arg9: memref<128xi32, #tpu.memory_space<vmem>>, %arg10: memref<128xf32, #tpu.memory_space<vmem>>, %arg11: memref<128x128xf32, #tpu.memory_space<vmem>>, %arg12: memref<10000x128xf32, #tpu.memory_space<vmem_shared>>, %arg13: memref<!tpu.dma_semaphore, #tpu.memory_space<semaphore_mem>>) attributes {dimension_semantics = [#tpu.dimension_semantics<core_parallel>, #tpu.dimension_semantics<subcore_parallel>], iteration_bounds = array<i64: 2, 16>, scalar_prefetch = 0 : i64, scratch_operands = 6 : i64, tpu.core_type = #tpu.core_type<sc_vector_subcore>, window_params = [{transform_indices = #map}, {transform_indices = #map1}, {transform_indices = #map1}, {transform_indices = #map1}, {transform_indices = #map}, {transform_indices = #map2}]} {
    %mul3A = arith.constant 2 : i32
    %mul3A_0 = arith.muli %arg1, %mul3A : i32
    %add3A = arith.addi %mul3A_0, %arg0 : i32
    %lt3A = arith.constant 15 : i32
    %lt3A_1 = arith.cmpi slt, %arg1, %lt3A : i32
    %convert_element_type3A = arith.extui %lt3A_1 : i1 to i32
    %cond3A = arith.constant 0 : i32
    %cond3A_2 = arith.cmpi ne, %convert_element_type3A, %cond3A : i32
    scf.if %cond3A_2 {
      %mul3A_28 = arith.constant 624 : i32
      %mul3A_29 = arith.muli %arg1, %mul3A_28 : i32
      "tpu.region"() ({
        %run_scoped3A = tpu.sem_alloc : memref<!tpu.dma_semaphore, #tpu.memory_space<semaphore_mem>>
        %dma_start3A = arith.constant 0 : i32
        %dma_start3A_30 = tpu.memref_slice %arg12[%mul3A_29, %dma_start3A] : memref<10000x128xf32, #tpu.memory_space<vmem_shared>> -> memref<624x128xf32, #tpu.memory_space<vmem_shared>>
        %dma_start3A_31 = arith.constant 0 : i32
        %dma_start3A_32 = arith.constant 0 : i32
        %dma_start3A_33 = tpu.memref_slice %arg6[%dma_start3A_31, %dma_start3A_32] : memref<640x128xf32, #tpu.memory_space<hbm>> -> memref<624x128xf32, #tpu.memory_space<hbm>>
        tpu.enqueue_dma source(%dma_start3A_33 : memref<624x128xf32, #tpu.memory_space<hbm>>) target(%dma_start3A_30 : memref<624x128xf32, #tpu.memory_space<vmem_shared>>) target_semaphore(%run_scoped3A : memref<!tpu.dma_semaphore, #tpu.memory_space<semaphore_mem>>)
        %dma_wait3A = arith.constant 0 : i32
        %dma_wait3A_34 = tpu.memref_slice %arg12[%mul3A_29, %dma_wait3A] : memref<10000x128xf32, #tpu.memory_space<vmem_shared>> -> memref<624x128xf32, #tpu.memory_space<vmem_shared>>
        %dma_wait3A_35 = arith.constant 0 : i32
        %dma_wait3A_36 = arith.constant 0 : i32
        %dma_wait3A_37 = tpu.memref_slice %arg6[%dma_wait3A_35, %dma_wait3A_36] : memref<640x128xf32, #tpu.memory_space<hbm>> -> memref<624x128xf32, #tpu.memory_space<hbm>>
        tpu.wait_dma2 semaphore(%run_scoped3A : memref<!tpu.dma_semaphore, #tpu.memory_space<semaphore_mem>>) src(%dma_wait3A_37 : memref<624x128xf32, #tpu.memory_space<hbm>>) dst(%dma_wait3A_34 : memref<624x128xf32, #tpu.memory_space<vmem_shared>>)
        tpu.yield
      }) : () -> ()
    } else {
    }
    %eq3A = arith.constant 15 : i32
    %eq3A_3 = arith.cmpi eq, %arg1, %eq3A : i32
    %convert_element_type3A_4 = arith.extui %eq3A_3 : i1 to i32
    %cond3A_5 = arith.constant 0 : i32
    %cond3A_6 = arith.cmpi ne, %convert_element_type3A_4, %cond3A_5 : i32
    scf.if %cond3A_6 {
      "tpu.region"() ({
        %run_scoped3A = tpu.sem_alloc : memref<!tpu.dma_semaphore, #tpu.memory_space<semaphore_mem>>
        %dma_start3A = arith.constant 9360 : i32
        %dma_start3A_28 = arith.constant 0 : i32
        %dma_start3A_29 = tpu.memref_slice %arg12[%dma_start3A, %dma_start3A_28] : memref<10000x128xf32, #tpu.memory_space<vmem_shared>> -> memref<640x128xf32, #tpu.memory_space<vmem_shared>>
        tpu.enqueue_dma source(%arg6 : memref<640x128xf32, #tpu.memory_space<hbm>>) target(%dma_start3A_29 : memref<640x128xf32, #tpu.memory_space<vmem_shared>>) target_semaphore(%run_scoped3A : memref<!tpu.dma_semaphore, #tpu.memory_space<semaphore_mem>>)
        %dma_wait3A = arith.constant 9360 : i32
        %dma_wait3A_30 = arith.constant 0 : i32
        %dma_wait3A_31 = tpu.memref_slice %arg12[%dma_wait3A, %dma_wait3A_30] : memref<10000x128xf32, #tpu.memory_space<vmem_shared>> -> memref<640x128xf32, #tpu.memory_space<vmem_shared>>
        tpu.wait_dma2 semaphore(%run_scoped3A : memref<!tpu.dma_semaphore, #tpu.memory_space<semaphore_mem>>) src(%arg6 : memref<640x128xf32, #tpu.memory_space<hbm>>) dst(%dma_wait3A_31 : memref<640x128xf32, #tpu.memory_space<vmem_shared>>)
        tpu.yield
      }) : () -> ()
    } else {
    }
    %barrier3A = arith.constant 0 : index
    tpu.barrier barrier_id(%barrier3A)
    %scan3A = arith.constant 0 : i32
    %scan3A_7 = arith.constant 0 : i32
    %scan3A_8 = arith.constant 78 : i32
    %scan3A_9 = arith.addi %scan3A_7, %scan3A_8 : i32
    %scan3A_10 = arith.constant 1 : i32
    scf.for %scan3A_28 = %scan3A_7 to %scan3A_9 step %scan3A_10  : i32 {
      %mul3A_29 = arith.constant 32 : i32
      %mul3A_30 = arith.muli %scan3A_28, %mul3A_29 : i32
      %add3A_31 = arith.addi %add3A, %mul3A_30 : i32
      %mul3A_32 = arith.constant 128 : i32
      %mul3A_33 = arith.muli %add3A_31, %mul3A_32 : i32
      "tpu.region"() ({
        %run_scoped3A = tpu.sem_alloc : memref<!tpu.dma_semaphore, #tpu.memory_space<semaphore_mem>>
        %dma_start3A_44 = tpu.memref_slice %arg3[%mul3A_33] : memref<320000xi32, #tpu.memory_space<hbm>> -> memref<128xi32, #tpu.memory_space<hbm>>
        %dma_start3A_45 = tpu.memref_slice %arg3[%mul3A_33] : memref<320000xi32, #tpu.memory_space<hbm>> -> memref<128xi32, #tpu.memory_space<hbm>>
        tpu.enqueue_dma source(%dma_start3A_45 : memref<128xi32, #tpu.memory_space<hbm>>) target(%arg8 : memref<128xi32, #tpu.memory_space<vmem>>) target_semaphore(%run_scoped3A : memref<!tpu.dma_semaphore, #tpu.memory_space<semaphore_mem>>)
        %dma_wait3A_46 = tpu.memref_slice %arg3[%mul3A_33] : memref<320000xi32, #tpu.memory_space<hbm>> -> memref<128xi32, #tpu.memory_space<hbm>>
        %dma_wait3A_47 = tpu.memref_slice %arg3[%mul3A_33] : memref<320000xi32, #tpu.memory_space<hbm>> -> memref<128xi32, #tpu.memory_space<hbm>>
        tpu.wait_dma2 semaphore(%run_scoped3A : memref<!tpu.dma_semaphore, #tpu.memory_space<semaphore_mem>>) src(%dma_wait3A_47 : memref<128xi32, #tpu.memory_space<hbm>>) dst(%arg8 : memref<128xi32, #tpu.memory_space<vmem>>)
        tpu.yield
      }) : () -> ()
      "tpu.region"() ({
        %run_scoped3A = tpu.sem_alloc : memref<!tpu.dma_semaphore, #tpu.memory_space<semaphore_mem>>
        %dma_start3A_44 = tpu.memref_slice %arg4[%mul3A_33] : memref<320000xi32, #tpu.memory_space<hbm>> -> memref<128xi32, #tpu.memory_space<hbm>>
        %dma_start3A_45 = tpu.memref_slice %arg4[%mul3A_33] : memref<320000xi32, #tpu.memory_space<hbm>> -> memref<128xi32, #tpu.memory_space<hbm>>
        tpu.enqueue_dma source(%dma_start3A_45 : memref<128xi32, #tpu.memory_space<hbm>>) target(%arg9 : memref<128xi32, #tpu.memory_space<vmem>>) target_semaphore(%run_scoped3A : memref<!tpu.dma_semaphore, #tpu.memory_space<semaphore_mem>>)
        %dma_wait3A_46 = tpu.memref_slice %arg4[%mul3A_33] : memref<320000xi32, #tpu.memory_space<hbm>> -> memref<128xi32, #tpu.memory_space<hbm>>
        %dma_wait3A_47 = tpu.memref_slice %arg4[%mul3A_33] : memref<320000xi32, #tpu.memory_space<hbm>> -> memref<128xi32, #tpu.memory_space<hbm>>
        tpu.wait_dma2 semaphore(%run_scoped3A : memref<!tpu.dma_semaphore, #tpu.memory_space<semaphore_mem>>) src(%dma_wait3A_47 : memref<128xi32, #tpu.memory_space<hbm>>) dst(%arg9 : memref<128xi32, #tpu.memory_space<vmem>>)
        tpu.yield
      }) : () -> ()
      "tpu.region"() ({
        %run_scoped3A = tpu.sem_alloc : memref<!tpu.dma_semaphore, #tpu.memory_space<semaphore_mem>>
        %dma_start3A_44 = tpu.memref_slice %arg5[%mul3A_33] : memref<320000xf32, #tpu.memory_space<hbm>> -> memref<128xf32, #tpu.memory_space<hbm>>
        %dma_start3A_45 = tpu.memref_slice %arg5[%mul3A_33] : memref<320000xf32, #tpu.memory_space<hbm>> -> memref<128xf32, #tpu.memory_space<hbm>>
        tpu.enqueue_dma source(%dma_start3A_45 : memref<128xf32, #tpu.memory_space<hbm>>) target(%arg10 : memref<128xf32, #tpu.memory_space<vmem>>) target_semaphore(%run_scoped3A : memref<!tpu.dma_semaphore, #tpu.memory_space<semaphore_mem>>)
        %dma_wait3A_46 = tpu.memref_slice %arg5[%mul3A_33] : memref<320000xf32, #tpu.memory_space<hbm>> -> memref<128xf32, #tpu.memory_space<hbm>>
        %dma_wait3A_47 = tpu.memref_slice %arg5[%mul3A_33] : memref<320000xf32, #tpu.memory_space<hbm>> -> memref<128xf32, #tpu.memory_space<hbm>>
        tpu.wait_dma2 semaphore(%run_scoped3A : memref<!tpu.dma_semaphore, #tpu.memory_space<semaphore_mem>>) src(%dma_wait3A_47 : memref<128xf32, #tpu.memory_space<hbm>>) dst(%arg10 : memref<128xf32, #tpu.memory_space<vmem>>)
        tpu.yield
      }) : () -> ()
      %dma_start3A = arith.constant 0 : i32
      %dma_start3A_34 = arith.constant 0 : i32
      %dma_start3A_35 = tpu.memref_slice %arg2[%dma_start3A, %dma_start3A_34] : memref<10000x128xf32, #tpu.memory_space<hbm>> -> memref<10000x128xf32, #tpu.memory_space<hbm>>
      tpu.enqueue_indirect_dma source(%dma_start3A_35 : memref<10000x128xf32, #tpu.memory_space<hbm>>) target(%arg11 : memref<128x128xf32, #tpu.memory_space<vmem>>) offsets(%arg8 : memref<128xi32, #tpu.memory_space<vmem>>) semaphore(%arg13 : memref<!tpu.dma_semaphore, #tpu.memory_space<semaphore_mem>>)
      %dma_wait3A = arith.constant 0 : i32
      %dma_wait3A_36 = arith.constant 0 : i32
      %dma_wait3A_37 = tpu.memref_slice %arg2[%dma_wait3A, %dma_wait3A_36] : memref<10000x128xf32, #tpu.memory_space<hbm>> -> memref<10000x128xf32, #tpu.memory_space<hbm>>
      tpu.wait_indirect_dma semaphore(%arg13 : memref<!tpu.dma_semaphore, #tpu.memory_space<semaphore_mem>>) src(%dma_wait3A_37 : memref<10000x128xf32, #tpu.memory_space<hbm>>) dst(%arg11 : memref<128x128xf32, #tpu.memory_space<vmem>>)
      %scan3A_38 = arith.constant 0 : i32
      %scan3A_39 = arith.constant 0 : i32
      %scan3A_40 = arith.constant 8 : i32
      %scan3A_41 = arith.addi %scan3A_39, %scan3A_40 : i32
      %scan3A_42 = arith.constant 1 : i32
      scf.for %scan3A_44 = %scan3A_39 to %scan3A_41 step %scan3A_42  : i32 {
        %mul3A_45 = arith.constant 16 : i32
        %mul3A_46 = arith.muli %scan3A_44, %mul3A_45 : i32
        %get3A = arith.index_cast %mul3A_46 : i32 to index
        %get3A_47 = tpu.vector_load %arg10[%get3A] {strides = array<i32>} : memref<128xf32, #tpu.memory_space<vmem>>, vector<16xf32>,
        %get3A_48 = vector.shape_cast %get3A_47 : vector<16xf32> to vector<16xf32>
        %broadcast_in_dim3A = arith.constant 0 : i32
        %broadcast_in_dim3A_49 = vector.broadcast %broadcast_in_dim3A : i32 to vector<16xi32>
        %lt3A_50 = arith.constant 0 : i32
        %lt3A_51 = vector.broadcast %lt3A_50 : i32 to vector<16xi32>
        %lt3A_52 = arith.cmpi slt, %broadcast_in_dim3A_49, %lt3A_51 : vector<16xi32>
        %add3A_53 = arith.constant 16 : i32
        %add3A_54 = vector.broadcast %add3A_53 : i32 to vector<16xi32>
        %add3A_55 = arith.addi %broadcast_in_dim3A_49, %add3A_54 : vector<16xi32>
        %select_n3A = arith.select %lt3A_52, %add3A_55, %broadcast_in_dim3A_49 : vector<16xi1>, vector<16xi32>
        %broadcast_in_dim3A_56 = vector.shape_cast %select_n3A : vector<16xi32> to vector<16x1xi32>
        %gather3A = vector.shape_cast %broadcast_in_dim3A_56 : vector<16x1xi32> to vector<16xi32>
        %gather3A_57 = tpu.dynamic_gather %get3A_48[%gather3A] in [0] : vector<16xf32>, vector<16xi32> -> vector<16xf32>
        %mul3A_58 = arith.constant 16 : i32
        %mul3A_59 = arith.muli %scan3A_44, %mul3A_58 : i32
        %add3A_60 = arith.constant 0 : i32
        %add3A_61 = arith.addi %mul3A_59, %add3A_60 : i32
        %get3A_62 = arith.index_cast %add3A_61 : i32 to index
        %get3A_63 = arith.constant 0 : index
        %get3A_64 = tpu.vector_load %arg11[%get3A_62, %get3A_63] {strides = array<i32>} : memref<128x128xf32, #tpu.memory_space<vmem>>, vector<1x16xf32>,
        %get3A_65 = vector.shape_cast %get3A_64 : vector<1x16xf32> to vector<16xf32>
        %mul3A_66 = arith.mulf %get3A_65, %gather3A_57 : vector<16xf32>
        %swap3A = arith.index_cast %add3A_61 : i32 to index
        %swap3A_67 = arith.constant 0 : index
        %swap3A_68 = tpu.vector_load %arg11[%swap3A, %swap3A_67] {strides = array<i32>} : memref<128x128xf32, #tpu.memory_space<vmem>>, vector<1x16xf32>,
        %swap3A_69 = vector.shape_cast %swap3A_68 : vector<1x16xf32> to vector<16xf32>
        %swap3A_70 = vector.shape_cast %mul3A_66 : vector<16xf32> to vector<1x16xf32>
        tpu.vector_store %arg11[%swap3A, %swap3A_67], %swap3A_70 {strides = array<i32>} : memref<128x128xf32, #tpu.memory_space<vmem>>, vector<1x16xf32>,
        %get3A_71 = arith.index_cast %add3A_61 : i32 to index
        %get3A_72 = arith.constant 16 : index
        %get3A_73 = tpu.vector_load %arg11[%get3A_71, %get3A_72] {strides = array<i32>} : memref<128x128xf32, #tpu.memory_space<vmem>>, vector<1x16xf32>,
        %get3A_74 = vector.shape_cast %get3A_73 : vector<1x16xf32> to vector<16xf32>
        %mul3A_75 = arith.mulf %get3A_74, %gather3A_57 : vector<16xf32>
        %swap3A_76 = arith.index_cast %add3A_61 : i32 to index
        %swap3A_77 = arith.constant 16 : index
        %swap3A_78 = tpu.vector_load %arg11[%swap3A_76, %swap3A_77] {strides = array<i32>} : memref<128x128xf32, #tpu.memory_space<vmem>>, vector<1x16xf32>,
        %swap3A_79 = vector.shape_cast %swap3A_78 : vector<1x16xf32> to vector<16xf32>
        %swap3A_80 = vector.shape_cast %mul3A_75 : vector<16xf32> to vector<1x16xf32>
        tpu.vector_store %arg11[%swap3A_76, %swap3A_77], %swap3A_80 {strides = array<i32>} : memref<128x128xf32, #tpu.memory_space<vmem>>, vector<1x16xf32>,
        %get3A_81 = arith.index_cast %add3A_61 : i32 to index
        %get3A_82 = arith.constant 32 : index
        %get3A_83 = tpu.vector_load %arg11[%get3A_81, %get3A_82] {strides = array<i32>} : memref<128x128xf32, #tpu.memory_space<vmem>>, vector<1x16xf32>,
        %get3A_84 = vector.shape_cast %get3A_83 : vector<1x16xf32> to vector<16xf32>
        %mul3A_85 = arith.mulf %get3A_84, %gather3A_57 : vector<16xf32>
        %swap3A_86 = arith.index_cast %add3A_61 : i32 to index
        %swap3A_87 = arith.constant 32 : index
        %swap3A_88 = tpu.vector_load %arg11[%swap3A_86, %swap3A_87] {strides = array<i32>} : memref<128x128xf32, #tpu.memory_space<vmem>>, vector<1x16xf32>,
        %swap3A_89 = vector.shape_cast %swap3A_88 : vector<1x16xf32> to vector<16xf32>
        %swap3A_90 = vector.shape_cast %mul3A_85 : vector<16xf32> to vector<1x16xf32>
        tpu.vector_store %arg11[%swap3A_86, %swap3A_87], %swap3A_90 {strides = array<i32>} : memref<128x128xf32, #tpu.memory_space<vmem>>, vector<1x16xf32>,
        %get3A_91 = arith.index_cast %add3A_61 : i32 to index
        %get3A_92 = arith.constant 48 : index
        %get3A_93 = tpu.vector_load %arg11[%get3A_91, %get3A_92] {strides = array<i32>} : memref<128x128xf32, #tpu.memory_space<vmem>>, vector<1x16xf32>,
        %get3A_94 = vector.shape_cast %get3A_93 : vector<1x16xf32> to vector<16xf32>
        %mul3A_95 = arith.mulf %get3A_94, %gather3A_57 : vector<16xf32>
        %swap3A_96 = arith.index_cast %add3A_61 : i32 to index
        %swap3A_97 = arith.constant 48 : index
        %swap3A_98 = tpu.vector_load %arg11[%swap3A_96, %swap3A_97] {strides = array<i32>} : memref<128x128xf32, #tpu.memory_space<vmem>>, vector<1x16xf32>,
        %swap3A_99 = vector.shape_cast %swap3A_98 : vector<1x16xf32> to vector<16xf32>
        %swap3A_100 = vector.shape_cast %mul3A_95 : vector<16xf32> to vector<1x16xf32>
        tpu.vector_store %arg11[%swap3A_96, %swap3A_97], %swap3A_100 {strides = array<i32>} : memref<128x128xf32, #tpu.memory_space<vmem>>, vector<1x16xf32>,
        %get3A_101 = arith.index_cast %add3A_61 : i32 to index
        %get3A_102 = arith.constant 64 : index
        %get3A_103 = tpu.vector_load %arg11[%get3A_101, %get3A_102] {strides = array<i32>} : memref<128x128xf32, #tpu.memory_space<vmem>>, vector<1x16xf32>,
        %get3A_104 = vector.shape_cast %get3A_103 : vector<1x16xf32> to vector<16xf32>
        %mul3A_105 = arith.mulf %get3A_104, %gather3A_57 : vector<16xf32>
        %swap3A_106 = arith.index_cast %add3A_61 : i32 to index
        %swap3A_107 = arith.constant 64 : index
        %swap3A_108 = tpu.vector_load %arg11[%swap3A_106, %swap3A_107] {strides = array<i32>} : memref<128x128xf32, #tpu.memory_space<vmem>>, vector<1x16xf32>,
        %swap3A_109 = vector.shape_cast %swap3A_108 : vector<1x16xf32> to vector<16xf32>
        %swap3A_110 = vector.shape_cast %mul3A_105 : vector<16xf32> to vector<1x16xf32>
        tpu.vector_store %arg11[%swap3A_106, %swap3A_107], %swap3A_110 {strides = array<i32>} : memref<128x128xf32, #tpu.memory_space<vmem>>, vector<1x16xf32>,
        %get3A_111 = arith.index_cast %add3A_61 : i32 to index
        %get3A_112 = arith.constant 80 : index
        %get3A_113 = tpu.vector_load %arg11[%get3A_111, %get3A_112] {strides = array<i32>} : memref<128x128xf32, #tpu.memory_space<vmem>>, vector<1x16xf32>,
        %get3A_114 = vector.shape_cast %get3A_113 : vector<1x16xf32> to vector<16xf32>
        %mul3A_115 = arith.mulf %get3A_114, %gather3A_57 : vector<16xf32>
        %swap3A_116 = arith.index_cast %add3A_61 : i32 to index
        %swap3A_117 = arith.constant 80 : index
        %swap3A_118 = tpu.vector_load %arg11[%swap3A_116, %swap3A_117] {strides = array<i32>} : memref<128x128xf32, #tpu.memory_space<vmem>>, vector<1x16xf32>,
        %swap3A_119 = vector.shape_cast %swap3A_118 : vector<1x16xf32> to vector<16xf32>
        %swap3A_120 = vector.shape_cast %mul3A_115 : vector<16xf32> to vector<1x16xf32>
        tpu.vector_store %arg11[%swap3A_116, %swap3A_117], %swap3A_120 {strides = array<i32>} : memref<128x128xf32, #tpu.memory_space<vmem>>, vector<1x16xf32>,
        %get3A_121 = arith.index_cast %add3A_61 : i32 to index
        %get3A_122 = arith.constant 96 : index
        %get3A_123 = tpu.vector_load %arg11[%get3A_121, %get3A_122] {strides = array<i32>} : memref<128x128xf32, #tpu.memory_space<vmem>>, vector<1x16xf32>,
        %get3A_124 = vector.shape_cast %get3A_123 : vector<1x16xf32> to vector<16xf32>
        %mul3A_125 = arith.mulf %get3A_124, %gather3A_57 : vector<16xf32>
        %swap3A_126 = arith.index_cast %add3A_61 : i32 to index
        %swap3A_127 = arith.constant 96 : index
        %swap3A_128 = tpu.vector_load %arg11[%swap3A_126, %swap3A_127] {strides = array<i32>} : memref<128x128xf32, #tpu.memory_space<vmem>>, vector<1x16xf32>,
        %swap3A_129 = vector.shape_cast %swap3A_128 : vector<1x16xf32> to vector<16xf32>
        %swap3A_130 = vector.shape_cast %mul3A_125 : vector<16xf32> to vector<1x16xf32>
        tpu.vector_store %arg11[%swap3A_126, %swap3A_127], %swap3A_130 {strides = array<i32>} : memref<128x128xf32, #tpu.memory_space<vmem>>, vector<1x16xf32>,
        %get3A_131 = arith.index_cast %add3A_61 : i32 to index
        %get3A_132 = arith.constant 112 : index
        %get3A_133 = tpu.vector_load %arg11[%get3A_131, %get3A_132] {strides = array<i32>} : memref<128x128xf32, #tpu.memory_space<vmem>>, vector<1x16xf32>,
        %get3A_134 = vector.shape_cast %get3A_133 : vector<1x16xf32> to vector<16xf32>
        %mul3A_135 = arith.mulf %get3A_134, %gather3A_57 : vector<16xf32>
        %swap3A_136 = arith.index_cast %add3A_61 : i32 to index
        %swap3A_137 = arith.constant 112 : index
        %swap3A_138 = tpu.vector_load %arg11[%swap3A_136, %swap3A_137] {strides = array<i32>} : memref<128x128xf32, #tpu.memory_space<vmem>>, vector<1x16xf32>,
        %swap3A_139 = vector.shape_cast %swap3A_138 : vector<1x16xf32> to vector<16xf32>
        %swap3A_140 = vector.shape_cast %mul3A_135 : vector<16xf32> to vector<1x16xf32>
        tpu.vector_store %arg11[%swap3A_136, %swap3A_137], %swap3A_140 {strides = array<i32>} : memref<128x128xf32, #tpu.memory_space<vmem>>, vector<1x16xf32>,
        %broadcast_in_dim3A_141 = arith.constant 1 : i32
        %broadcast_in_dim3A_142 = vector.broadcast %broadcast_in_dim3A_141 : i32 to vector<16xi32>
        %lt3A_143 = arith.constant 0 : i32
        %lt3A_144 = vector.broadcast %lt3A_143 : i32 to vector<16xi32>
        %lt3A_145 = arith.cmpi slt, %broadcast_in_dim3A_142, %lt3A_144 : vector<16xi32>
        %add3A_146 = arith.constant 16 : i32
        %add3A_147 = vector.broadcast %add3A_146 : i32 to vector<16xi32>
        %add3A_148 = arith.addi %broadcast_in_dim3A_142, %add3A_147 : vector<16xi32>
        %select_n3A_149 = arith.select %lt3A_145, %add3A_148, %broadcast_in_dim3A_142 : vector<16xi1>, vector<16xi32>
        %broadcast_in_dim3A_150 = vector.shape_cast %select_n3A_149 : vector<16xi32> to vector<16x1xi32>
        %gather3A_151 = vector.shape_cast %broadcast_in_dim3A_150 : vector<16x1xi32> to vector<16xi32>
        %gather3A_152 = tpu.dynamic_gather %get3A_48[%gather3A_151] in [0] : vector<16xf32>, vector<16xi32> -> vector<16xf32>
        %mul3A_153 = arith.constant 16 : i32
        %mul3A_154 = arith.muli %scan3A_44, %mul3A_153 : i32
        %add3A_155 = arith.constant 1 : i32
        %add3A_156 = arith.addi %mul3A_154, %add3A_155 : i32
        %get3A_157 = arith.index_cast %add3A_156 : i32 to index
        %get3A_158 = arith.constant 0 : index
        %get3A_159 = tpu.vector_load %arg11[%get3A_157, %get3A_158] {strides = array<i32>} : memref<128x128xf32, #tpu.memory_space<vmem>>, vector<1x16xf32>,
        %get3A_160 = vector.shape_cast %get3A_159 : vector<1x16xf32> to vector<16xf32>
        %mul3A_161 = arith.mulf %get3A_160, %gather3A_152 : vector<16xf32>
        %swap3A_162 = arith.index_cast %add3A_156 : i32 to index
        %swap3A_163 = arith.constant 0 : index
        %swap3A_164 = tpu.vector_load %arg11[%swap3A_162, %swap3A_163] {strides = array<i32>} : memref<128x128xf32, #tpu.memory_space<vmem>>, vector<1x16xf32>,
        %swap3A_165 = vector.shape_cast %swap3A_164 : vector<1x16xf32> to vector<16xf32>
        %swap3A_166 = vector.shape_cast %mul3A_161 : vector<16xf32> to vector<1x16xf32>
        tpu.vector_store %arg11[%swap3A_162, %swap3A_163], %swap3A_166 {strides = array<i32>} : memref<128x128xf32, #tpu.memory_space<vmem>>, vector<1x16xf32>,
        %get3A_167 = arith.index_cast %add3A_156 : i32 to index
        %get3A_168 = arith.constant 16 : index
        %get3A_169 = tpu.vector_load %arg11[%get3A_167, %get3A_168] {strides = array<i32>} : memref<128x128xf32, #tpu.memory_space<vmem>>, vector<1x16xf32>,
        %get3A_170 = vector.shape_cast %get3A_169 : vector<1x16xf32> to vector<16xf32>
        %mul3A_171 = arith.mulf %get3A_170, %gather3A_152 : vector<16xf32>
        %swap3A_172 = arith.index_cast %add3A_156 : i32 to index
        %swap3A_173 = arith.constant 16 : index
        %swap3A_174 = tpu.vector_load %arg11[%swap3A_172, %swap3A_173] {strides = array<i32>} : memref<128x128xf32, #tpu.memory_space<vmem>>, vector<1x16xf32>,
        %swap3A_175 = vector.shape_cast %swap3A_174 : vector<1x16xf32> to vector<16xf32>
        %swap3A_176 = vector.shape_cast %mul3A_171 : vector<16xf32> to vector<1x16xf32>
        tpu.vector_store %arg11[%swap3A_172, %swap3A_173], %swap3A_176 {strides = array<i32>} : memref<128x128xf32, #tpu.memory_space<vmem>>, vector<1x16xf32>,
        %get3A_177 = arith.index_cast %add3A_156 : i32 to index
        %get3A_178 = arith.constant 32 : index
        %get3A_179 = tpu.vector_load %arg11[%get3A_177, %get3A_178] {strides = array<i32>} : memref<128x128xf32, #tpu.memory_space<vmem>>, vector<1x16xf32>,
        %get3A_180 = vector.shape_cast %get3A_179 : vector<1x16xf32> to vector<16xf32>
        %mul3A_181 = arith.mulf %get3A_180, %gather3A_152 : vector<16xf32>
        %swap3A_182 = arith.index_cast %add3A_156 : i32 to index
        %swap3A_183 = arith.constant 32 : index
        %swap3A_184 = tpu.vector_load %arg11[%swap3A_182, %swap3A_183] {strides = array<i32>} : memref<128x128xf32, #tpu.memory_space<vmem>>, vector<1x16xf32>,
        %swap3A_185 = vector.shape_cast %swap3A_184 : vector<1x16xf32> to vector<16xf32>
        %swap3A_186 = vector.shape_cast %mul3A_181 : vector<16xf32> to vector<1x16xf32>
        tpu.vector_store %arg11[%swap3A_182, %swap3A_183], %swap3A_186 {strides = array<i32>} : memref<128x128xf32, #tpu.memory_space<vmem>>, vector<1x16xf32>,
        %get3A_187 = arith.index_cast %add3A_156 : i32 to index
        %get3A_188 = arith.constant 48 : index
        %get3A_189 = tpu.vector_load %arg11[%get3A_187, %get3A_188] {strides = array<i32>} : memref<128x128xf32, #tpu.memory_space<vmem>>, vector<1x16xf32>,
        %get3A_190 = vector.shape_cast %get3A_189 : vector<1x16xf32> to vector<16xf32>
        %mul3A_191 = arith.mulf %get3A_190, %gather3A_152 : vector<16xf32>
        %swap3A_192 = arith.index_cast %add3A_156 : i32 to index
        %swap3A_193 = arith.constant 48 : index
        %swap3A_194 = tpu.vector_load %arg11[%swap3A_192, %swap3A_193] {strides = array<i32>} : memref<128x128xf32, #tpu.memory_space<vmem>>, vector<1x16xf32>,
        %swap3A_195 = vector.shape_cast %swap3A_194 : vector<1x16xf32> to vector<16xf32>
        %swap3A_196 = vector.shape_cast %mul3A_191 : vector<16xf32> to vector<1x16xf32>
        tpu.vector_store %arg11[%swap3A_192, %swap3A_193], %swap3A_196 {strides = array<i32>} : memref<128x128xf32, #tpu.memory_space<vmem>>, vector<1x16xf32>,
        %get3A_197 = arith.index_cast %add3A_156 : i32 to index
        %get3A_198 = arith.constant 64 : index
        %get3A_199 = tpu.vector_load %arg11[%get3A_197, %get3A_198] {strides = array<i32>} : memref<128x128xf32, #tpu.memory_space<vmem>>, vector<1x16xf32>,
        %get3A_200 = vector.shape_cast %get3A_199 : vector<1x16xf32> to vector<16xf32>
        %mul3A_201 = arith.mulf %get3A_200, %gather3A_152 : vector<16xf32>
        %swap3A_202 = arith.index_cast %add3A_156 : i32 to index
        %swap3A_203 = arith.constant 64 : index
        %swap3A_204 = tpu.vector_load %arg11[%swap3A_202, %swap3A_203] {strides = array<i32>} : memref<128x128xf32, #tpu.memory_space<vmem>>, vector<1x16xf32>,
        %swap3A_205 = vector.shape_cast %swap3A_204 : vector<1x16xf32> to vector<16xf32>
        %swap3A_206 = vector.shape_cast %mul3A_201 : vector<16xf32> to vector<1x16xf32>
        tpu.vector_store %arg11[%swap3A_202, %swap3A_203], %swap3A_206 {strides = array<i32>} : memref<128x128xf32, #tpu.memory_space<vmem>>, vector<1x16xf32>,
        %get3A_207 = arith.index_cast %add3A_156 : i32 to index
        %get3A_208 = arith.constant 80 : index
        %get3A_209 = tpu.vector_load %arg11[%get3A_207, %get3A_208] {strides = array<i32>} : memref<128x128xf32, #tpu.memory_space<vmem>>, vector<1x16xf32>,
        %get3A_210 = vector.shape_cast %get3A_209 : vector<1x16xf32> to vector<16xf32>
        %mul3A_211 = arith.mulf %get3A_210, %gather3A_152 : vector<16xf32>
        %swap3A_212 = arith.index_cast %add3A_156 : i32 to index
        %swap3A_213 = arith.constant 80 : index
        %swap3A_214 = tpu.vector_load %arg11[%swap3A_212, %swap3A_213] {strides = array<i32>} : memref<128x128xf32, #tpu.memory_space<vmem>>, vector<1x16xf32>,
        %swap3A_215 = vector.shape_cast %swap3A_214 : vector<1x16xf32> to vector<16xf32>
        %swap3A_216 = vector.shape_cast %mul3A_211 : vector<16xf32> to vector<1x16xf32>
        tpu.vector_store %arg11[%swap3A_212, %swap3A_213], %swap3A_216 {strides = array<i32>} : memref<128x128xf32, #tpu.memory_space<vmem>>, vector<1x16xf32>,
        %get3A_217 = arith.index_cast %add3A_156 : i32 to index
        %get3A_218 = arith.constant 96 : index
        %get3A_219 = tpu.vector_load %arg11[%get3A_217, %get3A_218] {strides = array<i32>} : memref<128x128xf32, #tpu.memory_space<vmem>>, vector<1x16xf32>,
        %get3A_220 = vector.shape_cast %get3A_219 : vector<1x16xf32> to vector<16xf32>
        %mul3A_221 = arith.mulf %get3A_220, %gather3A_152 : vector<16xf32>
        %swap3A_222 = arith.index_cast %add3A_156 : i32 to index
        %swap3A_223 = arith.constant 96 : index
        %swap3A_224 = tpu.vector_load %arg11[%swap3A_222, %swap3A_223] {strides = array<i32>} : memref<128x128xf32, #tpu.memory_space<vmem>>, vector<1x16xf32>,
        %swap3A_225 = vector.shape_cast %swap3A_224 : vector<1x16xf32> to vector<16xf32>
        %swap3A_226 = vector.shape_cast %mul3A_221 : vector<16xf32> to vector<1x16xf32>
        tpu.vector_store %arg11[%swap3A_222, %swap3A_223], %swap3A_226 {strides = array<i32>} : memref<128x128xf32, #tpu.memory_space<vmem>>, vector<1x16xf32>,
        %get3A_227 = arith.index_cast %add3A_156 : i32 to index
        %get3A_228 = arith.constant 112 : index
        %get3A_229 = tpu.vector_load %arg11[%get3A_227, %get3A_228] {strides = array<i32>} : memref<128x128xf32, #tpu.memory_space<vmem>>, vector<1x16xf32>,
        %get3A_230 = vector.shape_cast %get3A_229 : vector<1x16xf32> to vector<16xf32>
        %mul3A_231 = arith.mulf %get3A_230, %gather3A_152 : vector<16xf32>
        %swap3A_232 = arith.index_cast %add3A_156 : i32 to index
        %swap3A_233 = arith.constant 112 : index
        %swap3A_234 = tpu.vector_load %arg11[%swap3A_232, %swap3A_233] {strides = array<i32>} : memref<128x128xf32, #tpu.memory_space<vmem>>, vector<1x16xf32>,
        %swap3A_235 = vector.shape_cast %swap3A_234 : vector<1x16xf32> to vector<16xf32>
        %swap3A_236 = vector.shape_cast %mul3A_231 : vector<16xf32> to vector<1x16xf32>
        tpu.vector_store %arg11[%swap3A_232, %swap3A_233], %swap3A_236 {strides = array<i32>} : memref<128x128xf32, #tpu.memory_space<vmem>>, vector<1x16xf32>,
        %broadcast_in_dim3A_237 = arith.constant 2 : i32
        %broadcast_in_dim3A_238 = vector.broadcast %broadcast_in_dim3A_237 : i32 to vector<16xi32>
        %lt3A_239 = arith.constant 0 : i32
        %lt3A_240 = vector.broadcast %lt3A_239 : i32 to vector<16xi32>
        %lt3A_241 = arith.cmpi slt, %broadcast_in_dim3A_238, %lt3A_240 : vector<16xi32>
        %add3A_242 = arith.constant 16 : i32
        %add3A_243 = vector.broadcast %add3A_242 : i32 to vector<16xi32>
        %add3A_244 = arith.addi %broadcast_in_dim3A_238, %add3A_243 : vector<16xi32>
        %select_n3A_245 = arith.select %lt3A_241, %add3A_244, %broadcast_in_dim3A_238 : vector<16xi1>, vector<16xi32>
        %broadcast_in_dim3A_246 = vector.shape_cast %select_n3A_245 : vector<16xi32> to vector<16x1xi32>
        %gather3A_247 = vector.shape_cast %broadcast_in_dim3A_246 : vector<16x1xi32> to vector<16xi32>
        %gather3A_248 = tpu.dynamic_gather %get3A_48[%gather3A_247] in [0] : vector<16xf32>, vector<16xi32> -> vector<16xf32>
        %mul3A_249 = arith.constant 16 : i32
        %mul3A_250 = arith.muli %scan3A_44, %mul3A_249 : i32
        %add3A_251 = arith.constant 2 : i32
        %add3A_252 = arith.addi %mul3A_250, %add3A_251 : i32
        %get3A_253 = arith.index_cast %add3A_252 : i32 to index
        %get3A_254 = arith.constant 0 : index
        %get3A_255 = tpu.vector_load %arg11[%get3A_253, %get3A_254] {strides = array<i32>} : memref<128x128xf32, #tpu.memory_space<vmem>>, vector<1x16xf32>,
        %get3A_256 = vector.shape_cast %get3A_255 : vector<1x16xf32> to vector<16xf32>
        %mul3A_257 = arith.mulf %get3A_256, %gather3A_248 : vector<16xf32>
        %swap3A_258 = arith.index_cast %add3A_252 : i32 to index
        %swap3A_259 = arith.constant 0 : index
        %swap3A_260 = tpu.vector_load %arg11[%swap3A_258, %swap3A_259] {strides = array<i32>} : memref<128x128xf32, #tpu.memory_space<vmem>>, vector<1x16xf32>,
        %swap3A_261 = vector.shape_cast %swap3A_260 : vector<1x16xf32> to vector<16xf32>
        %swap3A_262 = vector.shape_cast %mul3A_257 : vector<16xf32> to vector<1x16xf32>
        tpu.vector_store %arg11[%swap3A_258, %swap3A_259], %swap3A_262 {strides = array<i32>} : memref<128x128xf32, #tpu.memory_space<vmem>>, vector<1x16xf32>,
        %get3A_263 = arith.index_cast %add3A_252 : i32 to index
        %get3A_264 = arith.constant 16 : index
        %get3A_265 = tpu.vector_load %arg11[%get3A_263, %get3A_264] {strides = array<i32>} : memref<128x128xf32, #tpu.memory_space<vmem>>, vector<1x16xf32>,
        %get3A_266 = vector.shape_cast %get3A_265 : vector<1x16xf32> to vector<16xf32>
        %mul3A_267 = arith.mulf %get3A_266, %gather3A_248 : vector<16xf32>
        %swap3A_268 = arith.index_cast %add3A_252 : i32 to index
        %swap3A_269 = arith.constant 16 : index
        %swap3A_270 = tpu.vector_load %arg11[%swap3A_268, %swap3A_269] {strides = array<i32>} : memref<128x128xf32, #tpu.memory_space<vmem>>, vector<1x16xf32>,
        %swap3A_271 = vector.shape_cast %swap3A_270 : vector<1x16xf32> to vector<16xf32>
        %swap3A_272 = vector.shape_cast %mul3A_267 : vector<16xf32> to vector<1x16xf32>
        tpu.vector_store %arg11[%swap3A_268, %swap3A_269], %swap3A_272 {strides = array<i32>} : memref<128x128xf32, #tpu.memory_space<vmem>>, vector<1x16xf32>,
        %get3A_273 = arith.index_cast %add3A_252 : i32 to index
        %get3A_274 = arith.constant 32 : index
        %get3A_275 = tpu.vector_load %arg11[%get3A_273, %get3A_274] {strides = array<i32>} : memref<128x128xf32, #tpu.memory_space<vmem>>, vector<1x16xf32>,
        %get3A_276 = vector.shape_cast %get3A_275 : vector<1x16xf32> to vector<16xf32>
        %mul3A_277 = arith.mulf %get3A_276, %gather3A_248 : vector<16xf32>
        %swap3A_278 = arith.index_cast %add3A_252 : i32 to index
        %swap3A_279 = arith.constant 32 : index
        %swap3A_280 = tpu.vector_load %arg11[%swap3A_278, %swap3A_279] {strides = array<i32>} : memref<128x128xf32, #tpu.memory_space<vmem>>, vector<1x16xf32>,
        %swap3A_281 = vector.shape_cast %swap3A_280 : vector<1x16xf32> to vector<16xf32>
        %swap3A_282 = vector.shape_cast %mul3A_277 : vector<16xf32> to vector<1x16xf32>
        tpu.vector_store %arg11[%swap3A_278, %swap3A_279], %swap3A_282 {strides = array<i32>} : memref<128x128xf32, #tpu.memory_space<vmem>>, vector<1x16xf32>,
        %get3A_283 = arith.index_cast %add3A_252 : i32 to index
        %get3A_284 = arith.constant 48 : index
        %get3A_285 = tpu.vector_load %arg11[%get3A_283, %get3A_284] {strides = array<i32>} : memref<128x128xf32, #tpu.memory_space<vmem>>, vector<1x16xf32>,
        %get3A_286 = vector.shape_cast %get3A_285 : vector<1x16xf32> to vector<16xf32>
        %mul3A_287 = arith.mulf %get3A_286, %gather3A_248 : vector<16xf32>
        %swap3A_288 = arith.index_cast %add3A_252 : i32 to index
        %swap3A_289 = arith.constant 48 : index
        %swap3A_290 = tpu.vector_load %arg11[%swap3A_288, %swap3A_289] {strides = array<i32>} : memref<128x128xf32, #tpu.memory_space<vmem>>, vector<1x16xf32>,
        %swap3A_291 = vector.shape_cast %swap3A_290 : vector<1x16xf32> to vector<16xf32>
        %swap3A_292 = vector.shape_cast %mul3A_287 : vector<16xf32> to vector<1x16xf32>
        tpu.vector_store %arg11[%swap3A_288, %swap3A_289], %swap3A_292 {strides = array<i32>} : memref<128x128xf32, #tpu.memory_space<vmem>>, vector<1x16xf32>,
        %get3A_293 = arith.index_cast %add3A_252 : i32 to index
        %get3A_294 = arith.constant 64 : index
        %get3A_295 = tpu.vector_load %arg11[%get3A_293, %get3A_294] {strides = array<i32>} : memref<128x128xf32, #tpu.memory_space<vmem>>, vector<1x16xf32>,
        %get3A_296 = vector.shape_cast %get3A_295 : vector<1x16xf32> to vector<16xf32>
        %mul3A_297 = arith.mulf %get3A_296, %gather3A_248 : vector<16xf32>
        %swap3A_298 = arith.index_cast %add3A_252 : i32 to index
        %swap3A_299 = arith.constant 64 : index
        %swap3A_300 = tpu.vector_load %arg11[%swap3A_298, %swap3A_299] {strides = array<i32>} : memref<128x128xf32, #tpu.memory_space<vmem>>, vector<1x16xf32>,
        %swap3A_301 = vector.shape_cast %swap3A_300 : vector<1x16xf32> to vector<16xf32>
        %swap3A_302 = vector.shape_cast %mul3A_297 : vector<16xf32> to vector<1x16xf32>
        tpu.vector_store %arg11[%swap3A_298, %swap3A_299], %swap3A_302 {strides = array<i32>} : memref<128x128xf32, #tpu.memory_space<vmem>>, vector<1x16xf32>,
        %get3A_303 = arith.index_cast %add3A_252 : i32 to index
        %get3A_304 = arith.constant 80 : index
        %get3A_305 = tpu.vector_load %arg11[%get3A_303, %get3A_304] {strides = array<i32>} : memref<128x128xf32, #tpu.memory_space<vmem>>, vector<1x16xf32>,
        %get3A_306 = vector.shape_cast %get3A_305 : vector<1x16xf32> to vector<16xf32>
        %mul3A_307 = arith.mulf %get3A_306, %gather3A_248 : vector<16xf32>
        %swap3A_308 = arith.index_cast %add3A_252 : i32 to index
        %swap3A_309 = arith.constant 80 : index
        %swap3A_310 = tpu.vector_load %arg11[%swap3A_308, %swap3A_309] {strides = array<i32>} : memref<128x128xf32, #tpu.memory_space<vmem>>, vector<1x16xf32>,
        %swap3A_311 = vector.shape_cast %swap3A_310 : vector<1x16xf32> to vector<16xf32>
        %swap3A_312 = vector.shape_cast %mul3A_307 : vector<16xf32> to vector<1x16xf32>
        tpu.vector_store %arg11[%swap3A_308, %swap3A_309], %swap3A_312 {strides = array<i32>} : memref<128x128xf32, #tpu.memory_space<vmem>>, vector<1x16xf32>,
        %get3A_313 = arith.index_cast %add3A_252 : i32 to index
        %get3A_314 = arith.constant 96 : index
        %get3A_315 = tpu.vector_load %arg11[%get3A_313, %get3A_314] {strides = array<i32>} : memref<128x128xf32, #tpu.memory_space<vmem>>, vector<1x16xf32>,
        %get3A_316 = vector.shape_cast %get3A_315 : vector<1x16xf32> to vector<16xf32>
        %mul3A_317 = arith.mulf %get3A_316, %gather3A_248 : vector<16xf32>
        %swap3A_318 = arith.index_cast %add3A_252 : i32 to index
        %swap3A_319 = arith.constant 96 : index
        %swap3A_320 = tpu.vector_load %arg11[%swap3A_318, %swap3A_319] {strides = array<i32>} : memref<128x128xf32, #tpu.memory_space<vmem>>, vector<1x16xf32>,
        %swap3A_321 = vector.shape_cast %swap3A_320 : vector<1x16xf32> to vector<16xf32>
        %swap3A_322 = vector.shape_cast %mul3A_317 : vector<16xf32> to vector<1x16xf32>
        tpu.vector_store %arg11[%swap3A_318, %swap3A_319], %swap3A_322 {strides = array<i32>} : memref<128x128xf32, #tpu.memory_space<vmem>>, vector<1x16xf32>,
        %get3A_323 = arith.index_cast %add3A_252 : i32 to index
        %get3A_324 = arith.constant 112 : index
        %get3A_325 = tpu.vector_load %arg11[%get3A_323, %get3A_324] {strides = array<i32>} : memref<128x128xf32, #tpu.memory_space<vmem>>, vector<1x16xf32>,
        %get3A_326 = vector.shape_cast %get3A_325 : vector<1x16xf32> to vector<16xf32>
        %mul3A_327 = arith.mulf %get3A_326, %gather3A_248 : vector<16xf32>
        %swap3A_328 = arith.index_cast %add3A_252 : i32 to index
        %swap3A_329 = arith.constant 112 : index
        %swap3A_330 = tpu.vector_load %arg11[%swap3A_328, %swap3A_329] {strides = array<i32>} : memref<128x128xf32, #tpu.memory_space<vmem>>, vector<1x16xf32>,
        %swap3A_331 = vector.shape_cast %swap3A_330 : vector<1x16xf32> to vector<16xf32>
        %swap3A_332 = vector.shape_cast %mul3A_327 : vector<16xf32> to vector<1x16xf32>
        tpu.vector_store %arg11[%swap3A_328, %swap3A_329], %swap3A_332 {strides = array<i32>} : memref<128x128xf32, #tpu.memory_space<vmem>>, vector<1x16xf32>,
        %broadcast_in_dim3A_333 = arith.constant 3 : i32
        %broadcast_in_dim3A_334 = vector.broadcast %broadcast_in_dim3A_333 : i32 to vector<16xi32>
        %lt3A_335 = arith.constant 0 : i32
        %lt3A_336 = vector.broadcast %lt3A_335 : i32 to vector<16xi32>
        %lt3A_337 = arith.cmpi slt, %broadcast_in_dim3A_334, %lt3A_336 : vector<16xi32>
        %add3A_338 = arith.constant 16 : i32
        %add3A_339 = vector.broadcast %add3A_338 : i32 to vector<16xi32>
        %add3A_340 = arith.addi %broadcast_in_dim3A_334, %add3A_339 : vector<16xi32>
        %select_n3A_341 = arith.select %lt3A_337, %add3A_340, %broadcast_in_dim3A_334 : vector<16xi1>, vector<16xi32>
        %broadcast_in_dim3A_342 = vector.shape_cast %select_n3A_341 : vector<16xi32> to vector<16x1xi32>
        %gather3A_343 = vector.shape_cast %broadcast_in_dim3A_342 : vector<16x1xi32> to vector<16xi32>
        %gather3A_344 = tpu.dynamic_gather %get3A_48[%gather3A_343] in [0] : vector<16xf32>, vector<16xi32> -> vector<16xf32>
        %mul3A_345 = arith.constant 16 : i32
        %mul3A_346 = arith.muli %scan3A_44, %mul3A_345 : i32
        %add3A_347 = arith.constant 3 : i32
        %add3A_348 = arith.addi %mul3A_346, %add3A_347 : i32
        %get3A_349 = arith.index_cast %add3A_348 : i32 to index
        %get3A_350 = arith.constant 0 : index
        %get3A_351 = tpu.vector_load %arg11[%get3A_349, %get3A_350] {strides = array<i32>} : memref<128x128xf32, #tpu.memory_space<vmem>>, vector<1x16xf32>,
        %get3A_352 = vector.shape_cast %get3A_351 : vector<1x16xf32> to vector<16xf32>
        %mul3A_353 = arith.mulf %get3A_352, %gather3A_344 : vector<16xf32>
        %swap3A_354 = arith.index_cast %add3A_348 : i32 to index
        %swap3A_355 = arith.constant 0 : index
        %swap3A_356 = tpu.vector_load %arg11[%swap3A_354, %swap3A_355] {strides = array<i32>} : memref<128x128xf32, #tpu.memory_space<vmem>>, vector<1x16xf32>,
        %swap3A_357 = vector.shape_cast %swap3A_356 : vector<1x16xf32> to vector<16xf32>
        %swap3A_358 = vector.shape_cast %mul3A_353 : vector<16xf32> to vector<1x16xf32>
        tpu.vector_store %arg11[%swap3A_354, %swap3A_355], %swap3A_358 {strides = array<i32>} : memref<128x128xf32, #tpu.memory_space<vmem>>, vector<1x16xf32>,
        %get3A_359 = arith.index_cast %add3A_348 : i32 to index
        %get3A_360 = arith.constant 16 : index
        %get3A_361 = tpu.vector_load %arg11[%get3A_359, %get3A_360] {strides = array<i32>} : memref<128x128xf32, #tpu.memory_space<vmem>>, vector<1x16xf32>,
        %get3A_362 = vector.shape_cast %get3A_361 : vector<1x16xf32> to vector<16xf32>
        %mul3A_363 = arith.mulf %get3A_362, %gather3A_344 : vector<16xf32>
        %swap3A_364 = arith.index_cast %add3A_348 : i32 to index
        %swap3A_365 = arith.constant 16 : index
        %swap3A_366 = tpu.vector_load %arg11[%swap3A_364, %swap3A_365] {strides = array<i32>} : memref<128x128xf32, #tpu.memory_space<vmem>>, vector<1x16xf32>,
        %swap3A_367 = vector.shape_cast %swap3A_366 : vector<1x16xf32> to vector<16xf32>
        %swap3A_368 = vector.shape_cast %mul3A_363 : vector<16xf32> to vector<1x16xf32>
        tpu.vector_store %arg11[%swap3A_364, %swap3A_365], %swap3A_368 {strides = array<i32>} : memref<128x128xf32, #tpu.memory_space<vmem>>, vector<1x16xf32>,
        %get3A_369 = arith.index_cast %add3A_348 : i32 to index
        %get3A_370 = arith.constant 32 : index
        %get3A_371 = tpu.vector_load %arg11[%get3A_369, %get3A_370] {strides = array<i32>} : memref<128x128xf32, #tpu.memory_space<vmem>>, vector<1x16xf32>,
        %get3A_372 = vector.shape_cast %get3A_371 : vector<1x16xf32> to vector<16xf32>
        %mul3A_373 = arith.mulf %get3A_372, %gather3A_344 : vector<16xf32>
        %swap3A_374 = arith.index_cast %add3A_348 : i32 to index
        %swap3A_375 = arith.constant 32 : index
        %swap3A_376 = tpu.vector_load %arg11[%swap3A_374, %swap3A_375] {strides = array<i32>} : memref<128x128xf32, #tpu.memory_space<vmem>>, vector<1x16xf32>,
        %swap3A_377 = vector.shape_cast %swap3A_376 : vector<1x16xf32> to vector<16xf32>
        %swap3A_378 = vector.shape_cast %mul3A_373 : vector<16xf32> to vector<1x16xf32>
        tpu.vector_store %arg11[%swap3A_374, %swap3A_375], %swap3A_378 {strides = array<i32>} : memref<128x128xf32, #tpu.memory_space<vmem>>, vector<1x16xf32>,
        %get3A_379 = arith.index_cast %add3A_348 : i32 to index
        %get3A_380 = arith.constant 48 : index
        %get3A_381 = tpu.vector_load %arg11[%get3A_379, %get3A_380] {strides = array<i32>} : memref<128x128xf32, #tpu.memory_space<vmem>>, vector<1x16xf32>,
        %get3A_382 = vector.shape_cast %get3A_381 : vector<1x16xf32> to vector<16xf32>
        %mul3A_383 = arith.mulf %get3A_382, %gather3A_344 : vector<16xf32>
        %swap3A_384 = arith.index_cast %add3A_348 : i32 to index
        %swap3A_385 = arith.constant 48 : index
        %swap3A_386 = tpu.vector_load %arg11[%swap3A_384, %swap3A_385] {strides = array<i32>} : memref<128x128xf32, #tpu.memory_space<vmem>>, vector<1x16xf32>,
        %swap3A_387 = vector.shape_cast %swap3A_386 : vector<1x16xf32> to vector<16xf32>
        %swap3A_388 = vector.shape_cast %mul3A_383 : vector<16xf32> to vector<1x16xf32>
        tpu.vector_store %arg11[%swap3A_384, %swap3A_385], %swap3A_388 {strides = array<i32>} : memref<128x128xf32, #tpu.memory_space<vmem>>, vector<1x16xf32>,
        %get3A_389 = arith.index_cast %add3A_348 : i32 to index
        %get3A_390 = arith.constant 64 : index
        %get3A_391 = tpu.vector_load %arg11[%get3A_389, %get3A_390] {strides = array<i32>} : memref<128x128xf32, #tpu.memory_space<vmem>>, vector<1x16xf32>,
        %get3A_392 = vector.shape_cast %get3A_391 : vector<1x16xf32> to vector<16xf32>
        %mul3A_393 = arith.mulf %get3A_392, %gather3A_344 : vector<16xf32>
        %swap3A_394 = arith.index_cast %add3A_348 : i32 to index
        %swap3A_395 = arith.constant 64 : index
        %swap3A_396 = tpu.vector_load %arg11[%swap3A_394, %swap3A_395] {strides = array<i32>} : memref<128x128xf32, #tpu.memory_space<vmem>>, vector<1x16xf32>,
        %swap3A_397 = vector.shape_cast %swap3A_396 : vector<1x16xf32> to vector<16xf32>
        %swap3A_398 = vector.shape_cast %mul3A_393 : vector<16xf32> to vector<1x16xf32>
        tpu.vector_store %arg11[%swap3A_394, %swap3A_395], %swap3A_398 {strides = array<i32>} : memref<128x128xf32, #tpu.memory_space<vmem>>, vector<1x16xf32>,
        %get3A_399 = arith.index_cast %add3A_348 : i32 to index
        %get3A_400 = arith.constant 80 : index
        %get3A_401 = tpu.vector_load %arg11[%get3A_399, %get3A_400] {strides = array<i32>} : memref<128x128xf32, #tpu.memory_space<vmem>>, vector<1x16xf32>,
        %get3A_402 = vector.shape_cast %get3A_401 : vector<1x16xf32> to vector<16xf32>
        %mul3A_403 = arith.mulf %get3A_402, %gather3A_344 : vector<16xf32>
        %swap3A_404 = arith.index_cast %add3A_348 : i32 to index
        %swap3A_405 = arith.constant 80 : index
        %swap3A_406 = tpu.vector_load %arg11[%swap3A_404, %swap3A_405] {strides = array<i32>} : memref<128x128xf32, #tpu.memory_space<vmem>>, vector<1x16xf32>,
        %swap3A_407 = vector.shape_cast %swap3A_406 : vector<1x16xf32> to vector<16xf32>
        %swap3A_408 = vector.shape_cast %mul3A_403 : vector<16xf32> to vector<1x16xf32>
        tpu.vector_store %arg11[%swap3A_404, %swap3A_405], %swap3A_408 {strides = array<i32>} : memref<128x128xf32, #tpu.memory_space<vmem>>, vector<1x16xf32>,
        %get3A_409 = arith.index_cast %add3A_348 : i32 to index
        %get3A_410 = arith.constant 96 : index
        %get3A_411 = tpu.vector_load %arg11[%get3A_409, %get3A_410] {strides = array<i32>} : memref<128x128xf32, #tpu.memory_space<vmem>>, vector<1x16xf32>,
        %get3A_412 = vector.shape_cast %get3A_411 : vector<1x16xf32> to vector<16xf32>
        %mul3A_413 = arith.mulf %get3A_412, %gather3A_344 : vector<16xf32>
        %swap3A_414 = arith.index_cast %add3A_348 : i32 to index
        %swap3A_415 = arith.constant 96 : index
        %swap3A_416 = tpu.vector_load %arg11[%swap3A_414, %swap3A_415] {strides = array<i32>} : memref<128x128xf32, #tpu.memory_space<vmem>>, vector<1x16xf32>,
        %swap3A_417 = vector.shape_cast %swap3A_416 : vector<1x16xf32> to vector<16xf32>
        %swap3A_418 = vector.shape_cast %mul3A_413 : vector<16xf32> to vector<1x16xf32>
        tpu.vector_store %arg11[%swap3A_414, %swap3A_415], %swap3A_418 {strides = array<i32>} : memref<128x128xf32, #tpu.memory_space<vmem>>, vector<1x16xf32>,
        %get3A_419 = arith.index_cast %add3A_348 : i32 to index
        %get3A_420 = arith.constant 112 : index
        %get3A_421 = tpu.vector_load %arg11[%get3A_419, %get3A_420] {strides = array<i32>} : memref<128x128xf32, #tpu.memory_space<vmem>>, vector<1x16xf32>,
        %get3A_422 = vector.shape_cast %get3A_421 : vector<1x16xf32> to vector<16xf32>
        %mul3A_423 = arith.mulf %get3A_422, %gather3A_344 : vector<16xf32>
        %swap3A_424 = arith.index_cast %add3A_348 : i32 to index
        %swap3A_425 = arith.constant 112 : index
        %swap3A_426 = tpu.vector_load %arg11[%swap3A_424, %swap3A_425] {strides = array<i32>} : memref<128x128xf32, #tpu.memory_space<vmem>>, vector<1x16xf32>,
        %swap3A_427 = vector.shape_cast %swap3A_426 : vector<1x16xf32> to vector<16xf32>
        %swap3A_428 = vector.shape_cast %mul3A_423 : vector<16xf32> to vector<1x16xf32>
        tpu.vector_store %arg11[%swap3A_424, %swap3A_425], %swap3A_428 {strides = array<i32>} : memref<128x128xf32, #tpu.memory_space<vmem>>, vector<1x16xf32>,
        %broadcast_in_dim3A_429 = arith.constant 4 : i32
        %broadcast_in_dim3A_430 = vector.broadcast %broadcast_in_dim3A_429 : i32 to vector<16xi32>
        %lt3A_431 = arith.constant 0 : i32
        %lt3A_432 = vector.broadcast %lt3A_431 : i32 to vector<16xi32>
        %lt3A_433 = arith.cmpi slt, %broadcast_in_dim3A_430, %lt3A_432 : vector<16xi32>
        %add3A_434 = arith.constant 16 : i32
        %add3A_435 = vector.broadcast %add3A_434 : i32 to vector<16xi32>
        %add3A_436 = arith.addi %broadcast_in_dim3A_430, %add3A_435 : vector<16xi32>
        %select_n3A_437 = arith.select %lt3A_433, %add3A_436, %broadcast_in_dim3A_430 : vector<16xi1>, vector<16xi32>
        %broadcast_in_dim3A_438 = vector.shape_cast %select_n3A_437 : vector<16xi32> to vector<16x1xi32>
        %gather3A_439 = vector.shape_cast %broadcast_in_dim3A_438 : vector<16x1xi32> to vector<16xi32>
        %gather3A_440 = tpu.dynamic_gather %get3A_48[%gather3A_439] in [0] : vector<16xf32>, vector<16xi32> -> vector<16xf32>
        %mul3A_441 = arith.constant 16 : i32
        %mul3A_442 = arith.muli %scan3A_44, %mul3A_441 : i32
        %add3A_443 = arith.constant 4 : i32
        %add3A_444 = arith.addi %mul3A_442, %add3A_443 : i32
        %get3A_445 = arith.index_cast %add3A_444 : i32 to index
        %get3A_446 = arith.constant 0 : index
        %get3A_447 = tpu.vector_load %arg11[%get3A_445, %get3A_446] {strides = array<i32>} : memref<128x128xf32, #tpu.memory_space<vmem>>, vector<1x16xf32>,
        %get3A_448 = vector.shape_cast %get3A_447 : vector<1x16xf32> to vector<16xf32>
        %mul3A_449 = arith.mulf %get3A_448, %gather3A_440 : vector<16xf32>
        %swap3A_450 = arith.index_cast %add3A_444 : i32 to index
        %swap3A_451 = arith.constant 0 : index
        %swap3A_452 = tpu.vector_load %arg11[%swap3A_450, %swap3A_451] {strides = array<i32>} : memref<128x128xf32, #tpu.memory_space<vmem>>, vector<1x16xf32>,
        %swap3A_453 = vector.shape_cast %swap3A_452 : vector<1x16xf32> to vector<16xf32>
        %swap3A_454 = vector.shape_cast %mul3A_449 : vector<16xf32> to vector<1x16xf32>
        tpu.vector_store %arg11[%swap3A_450, %swap3A_451], %swap3A_454 {strides = array<i32>} : memref<128x128xf32, #tpu.memory_space<vmem>>, vector<1x16xf32>,
        %get3A_455 = arith.index_cast %add3A_444 : i32 to index
        %get3A_456 = arith.constant 16 : index
        %get3A_457 = tpu.vector_load %arg11[%get3A_455, %get3A_456] {strides = array<i32>} : memref<128x128xf32, #tpu.memory_space<vmem>>, vector<1x16xf32>,
        %get3A_458 = vector.shape_cast %get3A_457 : vector<1x16xf32> to vector<16xf32>
        %mul3A_459 = arith.mulf %get3A_458, %gather3A_440 : vector<16xf32>
        %swap3A_460 = arith.index_cast %add3A_444 : i32 to index
        %swap3A_461 = arith.constant 16 : index
        %swap3A_462 = tpu.vector_load %arg11[%swap3A_460, %swap3A_461] {strides = array<i32>} : memref<128x128xf32, #tpu.memory_space<vmem>>, vector<1x16xf32>,
        %swap3A_463 = vector.shape_cast %swap3A_462 : vector<1x16xf32> to vector<16xf32>
        %swap3A_464 = vector.shape_cast %mul3A_459 : vector<16xf32> to vector<1x16xf32>
        tpu.vector_store %arg11[%swap3A_460, %swap3A_461], %swap3A_464 {strides = array<i32>} : memref<128x128xf32, #tpu.memory_space<vmem>>, vector<1x16xf32>,
        %get3A_465 = arith.index_cast %add3A_444 : i32 to index
        %get3A_466 = arith.constant 32 : index
        %get3A_467 = tpu.vector_load %arg11[%get3A_465, %get3A_466] {strides = array<i32>} : memref<128x128xf32, #tpu.memory_space<vmem>>, vector<1x16xf32>,
        %get3A_468 = vector.shape_cast %get3A_467 : vector<1x16xf32> to vector<16xf32>
        %mul3A_469 = arith.mulf %get3A_468, %gather3A_440 : vector<16xf32>
        %swap3A_470 = arith.index_cast %add3A_444 : i32 to index
        %swap3A_471 = arith.constant 32 : index
        %swap3A_472 = tpu.vector_load %arg11[%swap3A_470, %swap3A_471] {strides = array<i32>} : memref<128x128xf32, #tpu.memory_space<vmem>>, vector<1x16xf32>,
        %swap3A_473 = vector.shape_cast %swap3A_472 : vector<1x16xf32> to vector<16xf32>
        %swap3A_474 = vector.shape_cast %mul3A_469 : vector<16xf32> to vector<1x16xf32>
        tpu.vector_store %arg11[%swap3A_470, %swap3A_471], %swap3A_474 {strides = array<i32>} : memref<128x128xf32, #tpu.memory_space<vmem>>, vector<1x16xf32>,
        %get3A_475 = arith.index_cast %add3A_444 : i32 to index
        %get3A_476 = arith.constant 48 : index
        %get3A_477 = tpu.vector_load %arg11[%get3A_475, %get3A_476] {strides = array<i32>} : memref<128x128xf32, #tpu.memory_space<vmem>>, vector<1x16xf32>,
        %get3A_478 = vector.shape_cast %get3A_477 : vector<1x16xf32> to vector<16xf32>
        %mul3A_479 = arith.mulf %get3A_478, %gather3A_440 : vector<16xf32>
        %swap3A_480 = arith.index_cast %add3A_444 : i32 to index
        %swap3A_481 = arith.constant 48 : index
        %swap3A_482 = tpu.vector_load %arg11[%swap3A_480, %swap3A_481] {strides = array<i32>} : memref<128x128xf32, #tpu.memory_space<vmem>>, vector<1x16xf32>,
        %swap3A_483 = vector.shape_cast %swap3A_482 : vector<1x16xf32> to vector<16xf32>
        %swap3A_484 = vector.shape_cast %mul3A_479 : vector<16xf32> to vector<1x16xf32>
        tpu.vector_store %arg11[%swap3A_480, %swap3A_481], %swap3A_484 {strides = array<i32>} : memref<128x128xf32, #tpu.memory_space<vmem>>, vector<1x16xf32>,
        %get3A_485 = arith.index_cast %add3A_444 : i32 to index
        %get3A_486 = arith.constant 64 : index
        %get3A_487 = tpu.vector_load %arg11[%get3A_485, %get3A_486] {strides = array<i32>} : memref<128x128xf32, #tpu.memory_space<vmem>>, vector<1x16xf32>,
        %get3A_488 = vector.shape_cast %get3A_487 : vector<1x16xf32> to vector<16xf32>
        %mul3A_489 = arith.mulf %get3A_488, %gather3A_440 : vector<16xf32>
        %swap3A_490 = arith.index_cast %add3A_444 : i32 to index
        %swap3A_491 = arith.constant 64 : index
        %swap3A_492 = tpu.vector_load %arg11[%swap3A_490, %swap3A_491] {strides = array<i32>} : memref<128x128xf32, #tpu.memory_space<vmem>>, vector<1x16xf32>,
        %swap3A_493 = vector.shape_cast %swap3A_492 : vector<1x16xf32> to vector<16xf32>
        %swap3A_494 = vector.shape_cast %mul3A_489 : vector<16xf32> to vector<1x16xf32>
        tpu.vector_store %arg11[%swap3A_490, %swap3A_491], %swap3A_494 {strides = array<i32>} : memref<128x128xf32, #tpu.memory_space<vmem>>, vector<1x16xf32>,
        %get3A_495 = arith.index_cast %add3A_444 : i32 to index
        %get3A_496 = arith.constant 80 : index
        %get3A_497 = tpu.vector_load %arg11[%get3A_495, %get3A_496] {strides = array<i32>} : memref<128x128xf32, #tpu.memory_space<vmem>>, vector<1x16xf32>,
        %get3A_498 = vector.shape_cast %get3A_497 : vector<1x16xf32> to vector<16xf32>
        %mul3A_499 = arith.mulf %get3A_498, %gather3A_440 : vector<16xf32>
        %swap3A_500 = arith.index_cast %add3A_444 : i32 to index
        %swap3A_501 = arith.constant 80 : index
        %swap3A_502 = tpu.vector_load %arg11[%swap3A_500, %swap3A_501] {strides = array<i32>} : memref<128x128xf32, #tpu.memory_space<vmem>>, vector<1x16xf32>,
        %swap3A_503 = vector.shape_cast %swap3A_502 : vector<1x16xf32> to vector<16xf32>
        %swap3A_504 = vector.shape_cast %mul3A_499 : vector<16xf32> to vector<1x16xf32>
        tpu.vector_store %arg11[%swap3A_500, %swap3A_501], %swap3A_504 {strides = array<i32>} : memref<128x128xf32, #tpu.memory_space<vmem>>, vector<1x16xf32>,
        %get3A_505 = arith.index_cast %add3A_444 : i32 to index
        %get3A_506 = arith.constant 96 : index
        %get3A_507 = tpu.vector_load %arg11[%get3A_505, %get3A_506] {strides = array<i32>} : memref<128x128xf32, #tpu.memory_space<vmem>>, vector<1x16xf32>,
        %get3A_508 = vector.shape_cast %get3A_507 : vector<1x16xf32> to vector<16xf32>
        %mul3A_509 = arith.mulf %get3A_508, %gather3A_440 : vector<16xf32>
        %swap3A_510 = arith.index_cast %add3A_444 : i32 to index
        %swap3A_511 = arith.constant 96 : index
        %swap3A_512 = tpu.vector_load %arg11[%swap3A_510, %swap3A_511] {strides = array<i32>} : memref<128x128xf32, #tpu.memory_space<vmem>>, vector<1x16xf32>,
        %swap3A_513 = vector.shape_cast %swap3A_512 : vector<1x16xf32> to vector<16xf32>
        %swap3A_514 = vector.shape_cast %mul3A_509 : vector<16xf32> to vector<1x16xf32>
        tpu.vector_store %arg11[%swap3A_510, %swap3A_511], %swap3A_514 {strides = array<i32>} : memref<128x128xf32, #tpu.memory_space<vmem>>, vector<1x16xf32>,
        %get3A_515 = arith.index_cast %add3A_444 : i32 to index
        %get3A_516 = arith.constant 112 : index
        %get3A_517 = tpu.vector_load %arg11[%get3A_515, %get3A_516] {strides = array<i32>} : memref<128x128xf32, #tpu.memory_space<vmem>>, vector<1x16xf32>,
        %get3A_518 = vector.shape_cast %get3A_517 : vector<1x16xf32> to vector<16xf32>
        %mul3A_519 = arith.mulf %get3A_518, %gather3A_440 : vector<16xf32>
        %swap3A_520 = arith.index_cast %add3A_444 : i32 to index
        %swap3A_521 = arith.constant 112 : index
        %swap3A_522 = tpu.vector_load %arg11[%swap3A_520, %swap3A_521] {strides = array<i32>} : memref<128x128xf32, #tpu.memory_space<vmem>>, vector<1x16xf32>,
        %swap3A_523 = vector.shape_cast %swap3A_522 : vector<1x16xf32> to vector<16xf32>
        %swap3A_524 = vector.shape_cast %mul3A_519 : vector<16xf32> to vector<1x16xf32>
        tpu.vector_store %arg11[%swap3A_520, %swap3A_521], %swap3A_524 {strides = array<i32>} : memref<128x128xf32, #tpu.memory_space<vmem>>, vector<1x16xf32>,
        %broadcast_in_dim3A_525 = arith.constant 5 : i32
        %broadcast_in_dim3A_526 = vector.broadcast %broadcast_in_dim3A_525 : i32 to vector<16xi32>
        %lt3A_527 = arith.constant 0 : i32
        %lt3A_528 = vector.broadcast %lt3A_527 : i32 to vector<16xi32>
        %lt3A_529 = arith.cmpi slt, %broadcast_in_dim3A_526, %lt3A_528 : vector<16xi32>
        %add3A_530 = arith.constant 16 : i32
        %add3A_531 = vector.broadcast %add3A_530 : i32 to vector<16xi32>
        %add3A_532 = arith.addi %broadcast_in_dim3A_526, %add3A_531 : vector<16xi32>
        %select_n3A_533 = arith.select %lt3A_529, %add3A_532, %broadcast_in_dim3A_526 : vector<16xi1>, vector<16xi32>
        %broadcast_in_dim3A_534 = vector.shape_cast %select_n3A_533 : vector<16xi32> to vector<16x1xi32>
        %gather3A_535 = vector.shape_cast %broadcast_in_dim3A_534 : vector<16x1xi32> to vector<16xi32>
        %gather3A_536 = tpu.dynamic_gather %get3A_48[%gather3A_535] in [0] : vector<16xf32>, vector<16xi32> -> vector<16xf32>
        %mul3A_537 = arith.constant 16 : i32
        %mul3A_538 = arith.muli %scan3A_44, %mul3A_537 : i32
        %add3A_539 = arith.constant 5 : i32
        %add3A_540 = arith.addi %mul3A_538, %add3A_539 : i32
        %get3A_541 = arith.index_cast %add3A_540 : i32 to index
        %get3A_542 = arith.constant 0 : index
        %get3A_543 = tpu.vector_load %arg11[%get3A_541, %get3A_542] {strides = array<i32>} : memref<128x128xf32, #tpu.memory_space<vmem>>, vector<1x16xf32>,
        %get3A_544 = vector.shape_cast %get3A_543 : vector<1x16xf32> to vector<16xf32>
        %mul3A_545 = arith.mulf %get3A_544, %gather3A_536 : vector<16xf32>
        %swap3A_546 = arith.index_cast %add3A_540 : i32 to index
        %swap3A_547 = arith.constant 0 : index
        %swap3A_548 = tpu.vector_load %arg11[%swap3A_546, %swap3A_547] {strides = array<i32>} : memref<128x128xf32, #tpu.memory_space<vmem>>, vector<1x16xf32>,
        %swap3A_549 = vector.shape_cast %swap3A_548 : vector<1x16xf32> to vector<16xf32>
        %swap3A_550 = vector.shape_cast %mul3A_545 : vector<16xf32> to vector<1x16xf32>
        tpu.vector_store %arg11[%swap3A_546, %swap3A_547], %swap3A_550 {strides = array<i32>} : memref<128x128xf32, #tpu.memory_space<vmem>>, vector<1x16xf32>,
        %get3A_551 = arith.index_cast %add3A_540 : i32 to index
        %get3A_552 = arith.constant 16 : index
        %get3A_553 = tpu.vector_load %arg11[%get3A_551, %get3A_552] {strides = array<i32>} : memref<128x128xf32, #tpu.memory_space<vmem>>, vector<1x16xf32>,
        %get3A_554 = vector.shape_cast %get3A_553 : vector<1x16xf32> to vector<16xf32>
        %mul3A_555 = arith.mulf %get3A_554, %gather3A_536 : vector<16xf32>
        %swap3A_556 = arith.index_cast %add3A_540 : i32 to index
        %swap3A_557 = arith.constant 16 : index
        %swap3A_558 = tpu.vector_load %arg11[%swap3A_556, %swap3A_557] {strides = array<i32>} : memref<128x128xf32, #tpu.memory_space<vmem>>, vector<1x16xf32>,
        %swap3A_559 = vector.shape_cast %swap3A_558 : vector<1x16xf32> to vector<16xf32>
        %swap3A_560 = vector.shape_cast %mul3A_555 : vector<16xf32> to vector<1x16xf32>
        tpu.vector_store %arg11[%swap3A_556, %swap3A_557], %swap3A_560 {strides = array<i32>} : memref<128x128xf32, #tpu.memory_space<vmem>>, vector<1x16xf32>,
        %get3A_561 = arith.index_cast %add3A_540 : i32 to index
        %get3A_562 = arith.constant 32 : index
        %get3A_563 = tpu.vector_load %arg11[%get3A_561, %get3A_562] {strides = array<i32>} : memref<128x128xf32, #tpu.memory_space<vmem>>, vector<1x16xf32>,
        %get3A_564 = vector.shape_cast %get3A_563 : vector<1x16xf32> to vector<16xf32>
        %mul3A_565 = arith.mulf %get3A_564, %gather3A_536 : vector<16xf32>
        %swap3A_566 = arith.index_cast %add3A_540 : i32 to index
        %swap3A_567 = arith.constant 32 : index
        %swap3A_568 = tpu.vector_load %arg11[%swap3A_566, %swap3A_567] {strides = array<i32>} : memref<128x128xf32, #tpu.memory_space<vmem>>, vector<1x16xf32>,
        %swap3A_569 = vector.shape_cast %swap3A_568 : vector<1x16xf32> to vector<16xf32>
        %swap3A_570 = vector.shape_cast %mul3A_565 : vector<16xf32> to vector<1x16xf32>
        tpu.vector_store %arg11[%swap3A_566, %swap3A_567], %swap3A_570 {strides = array<i32>} : memref<128x128xf32, #tpu.memory_space<vmem>>, vector<1x16xf32>,
        %get3A_571 = arith.index_cast %add3A_540 : i32 to index
        %get3A_572 = arith.constant 48 : index
        %get3A_573 = tpu.vector_load %arg11[%get3A_571, %get3A_572] {strides = array<i32>} : memref<128x128xf32, #tpu.memory_space<vmem>>, vector<1x16xf32>,
        %get3A_574 = vector.shape_cast %get3A_573 : vector<1x16xf32> to vector<16xf32>
        %mul3A_575 = arith.mulf %get3A_574, %gather3A_536 : vector<16xf32>
        %swap3A_576 = arith.index_cast %add3A_540 : i32 to index
        %swap3A_577 = arith.constant 48 : index
        %swap3A_578 = tpu.vector_load %arg11[%swap3A_576, %swap3A_577] {strides = array<i32>} : memref<128x128xf32, #tpu.memory_space<vmem>>, vector<1x16xf32>,
        %swap3A_579 = vector.shape_cast %swap3A_578 : vector<1x16xf32> to vector<16xf32>
        %swap3A_580 = vector.shape_cast %mul3A_575 : vector<16xf32> to vector<1x16xf32>
        tpu.vector_store %arg11[%swap3A_576, %swap3A_577], %swap3A_580 {strides = array<i32>} : memref<128x128xf32, #tpu.memory_space<vmem>>, vector<1x16xf32>,
        %get3A_581 = arith.index_cast %add3A_540 : i32 to index
        %get3A_582 = arith.constant 64 : index
        %get3A_583 = tpu.vector_load %arg11[%get3A_581, %get3A_582] {strides = array<i32>} : memref<128x128xf32, #tpu.memory_space<vmem>>, vector<1x16xf32>,
        %get3A_584 = vector.shape_cast %get3A_583 : vector<1x16xf32> to vector<16xf32>
        %mul3A_585 = arith.mulf %get3A_584, %gather3A_536 : vector<16xf32>
        %swap3A_586 = arith.index_cast %add3A_540 : i32 to index
        %swap3A_587 = arith.constant 64 : index
        %swap3A_588 = tpu.vector_load %arg11[%swap3A_586, %swap3A_587] {strides = array<i32>} : memref<128x128xf32, #tpu.memory_space<vmem>>, vector<1x16xf32>,
        %swap3A_589 = vector.shape_cast %swap3A_588 : vector<1x16xf32> to vector<16xf32>
        %swap3A_590 = vector.shape_cast %mul3A_585 : vector<16xf32> to vector<1x16xf32>
        tpu.vector_store %arg11[%swap3A_586, %swap3A_587], %swap3A_590 {strides = array<i32>} : memref<128x128xf32, #tpu.memory_space<vmem>>, vector<1x16xf32>,
        %get3A_591 = arith.index_cast %add3A_540 : i32 to index
        %get3A_592 = arith.constant 80 : index
        %get3A_593 = tpu.vector_load %arg11[%get3A_591, %get3A_592] {strides = array<i32>} : memref<128x128xf32, #tpu.memory_space<vmem>>, vector<1x16xf32>,
        %get3A_594 = vector.shape_cast %get3A_593 : vector<1x16xf32> to vector<16xf32>
        %mul3A_595 = arith.mulf %get3A_594, %gather3A_536 : vector<16xf32>
        %swap3A_596 = arith.index_cast %add3A_540 : i32 to index
        %swap3A_597 = arith.constant 80 : index
        %swap3A_598 = tpu.vector_load %arg11[%swap3A_596, %swap3A_597] {strides = array<i32>} : memref<128x128xf32, #tpu.memory_space<vmem>>, vector<1x16xf32>,
        %swap3A_599 = vector.shape_cast %swap3A_598 : vector<1x16xf32> to vector<16xf32>
        %swap3A_600 = vector.shape_cast %mul3A_595 : vector<16xf32> to vector<1x16xf32>
        tpu.vector_store %arg11[%swap3A_596, %swap3A_597], %swap3A_600 {strides = array<i32>} : memref<128x128xf32, #tpu.memory_space<vmem>>, vector<1x16xf32>,
        %get3A_601 = arith.index_cast %add3A_540 : i32 to index
        %get3A_602 = arith.constant 96 : index
        %get3A_603 = tpu.vector_load %arg11[%get3A_601, %get3A_602] {strides = array<i32>} : memref<128x128xf32, #tpu.memory_space<vmem>>, vector<1x16xf32>,
        %get3A_604 = vector.shape_cast %get3A_603 : vector<1x16xf32> to vector<16xf32>
        %mul3A_605 = arith.mulf %get3A_604, %gather3A_536 : vector<16xf32>
        %swap3A_606 = arith.index_cast %add3A_540 : i32 to index
        %swap3A_607 = arith.constant 96 : index
        %swap3A_608 = tpu.vector_load %arg11[%swap3A_606, %swap3A_607] {strides = array<i32>} : memref<128x128xf32, #tpu.memory_space<vmem>>, vector<1x16xf32>,
        %swap3A_609 = vector.shape_cast %swap3A_608 : vector<1x16xf32> to vector<16xf32>
        %swap3A_610 = vector.shape_cast %mul3A_605 : vector<16xf32> to vector<1x16xf32>
        tpu.vector_store %arg11[%swap3A_606, %swap3A_607], %swap3A_610 {strides = array<i32>} : memref<128x128xf32, #tpu.memory_space<vmem>>, vector<1x16xf32>,
        %get3A_611 = arith.index_cast %add3A_540 : i32 to index
        %get3A_612 = arith.constant 112 : index
        %get3A_613 = tpu.vector_load %arg11[%get3A_611, %get3A_612] {strides = array<i32>} : memref<128x128xf32, #tpu.memory_space<vmem>>, vector<1x16xf32>,
        %get3A_614 = vector.shape_cast %get3A_613 : vector<1x16xf32> to vector<16xf32>
        %mul3A_615 = arith.mulf %get3A_614, %gather3A_536 : vector<16xf32>
        %swap3A_616 = arith.index_cast %add3A_540 : i32 to index
        %swap3A_617 = arith.constant 112 : index
        %swap3A_618 = tpu.vector_load %arg11[%swap3A_616, %swap3A_617] {strides = array<i32>} : memref<128x128xf32, #tpu.memory_space<vmem>>, vector<1x16xf32>,
        %swap3A_619 = vector.shape_cast %swap3A_618 : vector<1x16xf32> to vector<16xf32>
        %swap3A_620 = vector.shape_cast %mul3A_615 : vector<16xf32> to vector<1x16xf32>
        tpu.vector_store %arg11[%swap3A_616, %swap3A_617], %swap3A_620 {strides = array<i32>} : memref<128x128xf32, #tpu.memory_space<vmem>>, vector<1x16xf32>,
        %broadcast_in_dim3A_621 = arith.constant 6 : i32
        %broadcast_in_dim3A_622 = vector.broadcast %broadcast_in_dim3A_621 : i32 to vector<16xi32>
        %lt3A_623 = arith.constant 0 : i32
        %lt3A_624 = vector.broadcast %lt3A_623 : i32 to vector<16xi32>
        %lt3A_625 = arith.cmpi slt, %broadcast_in_dim3A_622, %lt3A_624 : vector<16xi32>
        %add3A_626 = arith.constant 16 : i32
        %add3A_627 = vector.broadcast %add3A_626 : i32 to vector<16xi32>
        %add3A_628 = arith.addi %broadcast_in_dim3A_622, %add3A_627 : vector<16xi32>
        %select_n3A_629 = arith.select %lt3A_625, %add3A_628, %broadcast_in_dim3A_622 : vector<16xi1>, vector<16xi32>
        %broadcast_in_dim3A_630 = vector.shape_cast %select_n3A_629 : vector<16xi32> to vector<16x1xi32>
        %gather3A_631 = vector.shape_cast %broadcast_in_dim3A_630 : vector<16x1xi32> to vector<16xi32>
        %gather3A_632 = tpu.dynamic_gather %get3A_48[%gather3A_631] in [0] : vector<16xf32>, vector<16xi32> -> vector<16xf32>
        %mul3A_633 = arith.constant 16 : i32
        %mul3A_634 = arith.muli %scan3A_44, %mul3A_633 : i32
        %add3A_635 = arith.constant 6 : i32
        %add3A_636 = arith.addi %mul3A_634, %add3A_635 : i32
        %get3A_637 = arith.index_cast %add3A_636 : i32 to index
        %get3A_638 = arith.constant 0 : index
        %get3A_639 = tpu.vector_load %arg11[%get3A_637, %get3A_638] {strides = array<i32>} : memref<128x128xf32, #tpu.memory_space<vmem>>, vector<1x16xf32>,
        %get3A_640 = vector.shape_cast %get3A_639 : vector<1x16xf32> to vector<16xf32>
        %mul3A_641 = arith.mulf %get3A_640, %gather3A_632 : vector<16xf32>
        %swap3A_642 = arith.index_cast %add3A_636 : i32 to index
        %swap3A_643 = arith.constant 0 : index
        %swap3A_644 = tpu.vector_load %arg11[%swap3A_642, %swap3A_643] {strides = array<i32>} : memref<128x128xf32, #tpu.memory_space<vmem>>, vector<1x16xf32>,
        %swap3A_645 = vector.shape_cast %swap3A_644 : vector<1x16xf32> to vector<16xf32>
        %swap3A_646 = vector.shape_cast %mul3A_641 : vector<16xf32> to vector<1x16xf32>
        tpu.vector_store %arg11[%swap3A_642, %swap3A_643], %swap3A_646 {strides = array<i32>} : memref<128x128xf32, #tpu.memory_space<vmem>>, vector<1x16xf32>,
        %get3A_647 = arith.index_cast %add3A_636 : i32 to index
        %get3A_648 = arith.constant 16 : index
        %get3A_649 = tpu.vector_load %arg11[%get3A_647, %get3A_648] {strides = array<i32>} : memref<128x128xf32, #tpu.memory_space<vmem>>, vector<1x16xf32>,
        %get3A_650 = vector.shape_cast %get3A_649 : vector<1x16xf32> to vector<16xf32>
        %mul3A_651 = arith.mulf %get3A_650, %gather3A_632 : vector<16xf32>
        %swap3A_652 = arith.index_cast %add3A_636 : i32 to index
        %swap3A_653 = arith.constant 16 : index
        %swap3A_654 = tpu.vector_load %arg11[%swap3A_652, %swap3A_653] {strides = array<i32>} : memref<128x128xf32, #tpu.memory_space<vmem>>, vector<1x16xf32>,
        %swap3A_655 = vector.shape_cast %swap3A_654 : vector<1x16xf32> to vector<16xf32>
        %swap3A_656 = vector.shape_cast %mul3A_651 : vector<16xf32> to vector<1x16xf32>
        tpu.vector_store %arg11[%swap3A_652, %swap3A_653], %swap3A_656 {strides = array<i32>} : memref<128x128xf32, #tpu.memory_space<vmem>>, vector<1x16xf32>,
        %get3A_657 = arith.index_cast %add3A_636 : i32 to index
        %get3A_658 = arith.constant 32 : index
        %get3A_659 = tpu.vector_load %arg11[%get3A_657, %get3A_658] {strides = array<i32>} : memref<128x128xf32, #tpu.memory_space<vmem>>, vector<1x16xf32>,
        %get3A_660 = vector.shape_cast %get3A_659 : vector<1x16xf32> to vector<16xf32>
        %mul3A_661 = arith.mulf %get3A_660, %gather3A_632 : vector<16xf32>
        %swap3A_662 = arith.index_cast %add3A_636 : i32 to index
        %swap3A_663 = arith.constant 32 : index
        %swap3A_664 = tpu.vector_load %arg11[%swap3A_662, %swap3A_663] {strides = array<i32>} : memref<128x128xf32, #tpu.memory_space<vmem>>, vector<1x16xf32>,
        %swap3A_665 = vector.shape_cast %swap3A_664 : vector<1x16xf32> to vector<16xf32>
        %swap3A_666 = vector.shape_cast %mul3A_661 : vector<16xf32> to vector<1x16xf32>
        tpu.vector_store %arg11[%swap3A_662, %swap3A_663], %swap3A_666 {strides = array<i32>} : memref<128x128xf32, #tpu.memory_space<vmem>>, vector<1x16xf32>,
        %get3A_667 = arith.index_cast %add3A_636 : i32 to index
        %get3A_668 = arith.constant 48 : index
        %get3A_669 = tpu.vector_load %arg11[%get3A_667, %get3A_668] {strides = array<i32>} : memref<128x128xf32, #tpu.memory_space<vmem>>, vector<1x16xf32>,
        %get3A_670 = vector.shape_cast %get3A_669 : vector<1x16xf32> to vector<16xf32>
        %mul3A_671 = arith.mulf %get3A_670, %gather3A_632 : vector<16xf32>
        %swap3A_672 = arith.index_cast %add3A_636 : i32 to index
        %swap3A_673 = arith.constant 48 : index
        %swap3A_674 = tpu.vector_load %arg11[%swap3A_672, %swap3A_673] {strides = array<i32>} : memref<128x128xf32, #tpu.memory_space<vmem>>, vector<1x16xf32>,
        %swap3A_675 = vector.shape_cast %swap3A_674 : vector<1x16xf32> to vector<16xf32>
        %swap3A_676 = vector.shape_cast %mul3A_671 : vector<16xf32> to vector<1x16xf32>
        tpu.vector_store %arg11[%swap3A_672, %swap3A_673], %swap3A_676 {strides = array<i32>} : memref<128x128xf32, #tpu.memory_space<vmem>>, vector<1x16xf32>,
        %get3A_677 = arith.index_cast %add3A_636 : i32 to index
        %get3A_678 = arith.constant 64 : index
        %get3A_679 = tpu.vector_load %arg11[%get3A_677, %get3A_678] {strides = array<i32>} : memref<128x128xf32, #tpu.memory_space<vmem>>, vector<1x16xf32>,
        %get3A_680 = vector.shape_cast %get3A_679 : vector<1x16xf32> to vector<16xf32>
        %mul3A_681 = arith.mulf %get3A_680, %gather3A_632 : vector<16xf32>
        %swap3A_682 = arith.index_cast %add3A_636 : i32 to index
        %swap3A_683 = arith.constant 64 : index
        %swap3A_684 = tpu.vector_load %arg11[%swap3A_682, %swap3A_683] {strides = array<i32>} : memref<128x128xf32, #tpu.memory_space<vmem>>, vector<1x16xf32>,
        %swap3A_685 = vector.shape_cast %swap3A_684 : vector<1x16xf32> to vector<16xf32>
        %swap3A_686 = vector.shape_cast %mul3A_681 : vector<16xf32> to vector<1x16xf32>
        tpu.vector_store %arg11[%swap3A_682, %swap3A_683], %swap3A_686 {strides = array<i32>} : memref<128x128xf32, #tpu.memory_space<vmem>>, vector<1x16xf32>,
        %get3A_687 = arith.index_cast %add3A_636 : i32 to index
        %get3A_688 = arith.constant 80 : index
        %get3A_689 = tpu.vector_load %arg11[%get3A_687, %get3A_688] {strides = array<i32>} : memref<128x128xf32, #tpu.memory_space<vmem>>, vector<1x16xf32>,
        %get3A_690 = vector.shape_cast %get3A_689 : vector<1x16xf32> to vector<16xf32>
        %mul3A_691 = arith.mulf %get3A_690, %gather3A_632 : vector<16xf32>
        %swap3A_692 = arith.index_cast %add3A_636 : i32 to index
        %swap3A_693 = arith.constant 80 : index
        %swap3A_694 = tpu.vector_load %arg11[%swap3A_692, %swap3A_693] {strides = array<i32>} : memref<128x128xf32, #tpu.memory_space<vmem>>, vector<1x16xf32>,
        %swap3A_695 = vector.shape_cast %swap3A_694 : vector<1x16xf32> to vector<16xf32>
        %swap3A_696 = vector.shape_cast %mul3A_691 : vector<16xf32> to vector<1x16xf32>
        tpu.vector_store %arg11[%swap3A_692, %swap3A_693], %swap3A_696 {strides = array<i32>} : memref<128x128xf32, #tpu.memory_space<vmem>>, vector<1x16xf32>,
        %get3A_697 = arith.index_cast %add3A_636 : i32 to index
        %get3A_698 = arith.constant 96 : index
        %get3A_699 = tpu.vector_load %arg11[%get3A_697, %get3A_698] {strides = array<i32>} : memref<128x128xf32, #tpu.memory_space<vmem>>, vector<1x16xf32>,
        %get3A_700 = vector.shape_cast %get3A_699 : vector<1x16xf32> to vector<16xf32>
        %mul3A_701 = arith.mulf %get3A_700, %gather3A_632 : vector<16xf32>
        %swap3A_702 = arith.index_cast %add3A_636 : i32 to index
        %swap3A_703 = arith.constant 96 : index
        %swap3A_704 = tpu.vector_load %arg11[%swap3A_702, %swap3A_703] {strides = array<i32>} : memref<128x128xf32, #tpu.memory_space<vmem>>, vector<1x16xf32>,
        %swap3A_705 = vector.shape_cast %swap3A_704 : vector<1x16xf32> to vector<16xf32>
        %swap3A_706 = vector.shape_cast %mul3A_701 : vector<16xf32> to vector<1x16xf32>
        tpu.vector_store %arg11[%swap3A_702, %swap3A_703], %swap3A_706 {strides = array<i32>} : memref<128x128xf32, #tpu.memory_space<vmem>>, vector<1x16xf32>,
        %get3A_707 = arith.index_cast %add3A_636 : i32 to index
        %get3A_708 = arith.constant 112 : index
        %get3A_709 = tpu.vector_load %arg11[%get3A_707, %get3A_708] {strides = array<i32>} : memref<128x128xf32, #tpu.memory_space<vmem>>, vector<1x16xf32>,
        %get3A_710 = vector.shape_cast %get3A_709 : vector<1x16xf32> to vector<16xf32>
        %mul3A_711 = arith.mulf %get3A_710, %gather3A_632 : vector<16xf32>
        %swap3A_712 = arith.index_cast %add3A_636 : i32 to index
        %swap3A_713 = arith.constant 112 : index
        %swap3A_714 = tpu.vector_load %arg11[%swap3A_712, %swap3A_713] {strides = array<i32>} : memref<128x128xf32, #tpu.memory_space<vmem>>, vector<1x16xf32>,
        %swap3A_715 = vector.shape_cast %swap3A_714 : vector<1x16xf32> to vector<16xf32>
        %swap3A_716 = vector.shape_cast %mul3A_711 : vector<16xf32> to vector<1x16xf32>
        tpu.vector_store %arg11[%swap3A_712, %swap3A_713], %swap3A_716 {strides = array<i32>} : memref<128x128xf32, #tpu.memory_space<vmem>>, vector<1x16xf32>,
        %broadcast_in_dim3A_717 = arith.constant 7 : i32
        %broadcast_in_dim3A_718 = vector.broadcast %broadcast_in_dim3A_717 : i32 to vector<16xi32>
        %lt3A_719 = arith.constant 0 : i32
        %lt3A_720 = vector.broadcast %lt3A_719 : i32 to vector<16xi32>
        %lt3A_721 = arith.cmpi slt, %broadcast_in_dim3A_718, %lt3A_720 : vector<16xi32>
        %add3A_722 = arith.constant 16 : i32
        %add3A_723 = vector.broadcast %add3A_722 : i32 to vector<16xi32>
        %add3A_724 = arith.addi %broadcast_in_dim3A_718, %add3A_723 : vector<16xi32>
        %select_n3A_725 = arith.select %lt3A_721, %add3A_724, %broadcast_in_dim3A_718 : vector<16xi1>, vector<16xi32>
        %broadcast_in_dim3A_726 = vector.shape_cast %select_n3A_725 : vector<16xi32> to vector<16x1xi32>
        %gather3A_727 = vector.shape_cast %broadcast_in_dim3A_726 : vector<16x1xi32> to vector<16xi32>
        %gather3A_728 = tpu.dynamic_gather %get3A_48[%gather3A_727] in [0] : vector<16xf32>, vector<16xi32> -> vector<16xf32>
        %mul3A_729 = arith.constant 16 : i32
        %mul3A_730 = arith.muli %scan3A_44, %mul3A_729 : i32
        %add3A_731 = arith.constant 7 : i32
        %add3A_732 = arith.addi %mul3A_730, %add3A_731 : i32
        %get3A_733 = arith.index_cast %add3A_732 : i32 to index
        %get3A_734 = arith.constant 0 : index
        %get3A_735 = tpu.vector_load %arg11[%get3A_733, %get3A_734] {strides = array<i32>} : memref<128x128xf32, #tpu.memory_space<vmem>>, vector<1x16xf32>,
        %get3A_736 = vector.shape_cast %get3A_735 : vector<1x16xf32> to vector<16xf32>
        %mul3A_737 = arith.mulf %get3A_736, %gather3A_728 : vector<16xf32>
        %swap3A_738 = arith.index_cast %add3A_732 : i32 to index
        %swap3A_739 = arith.constant 0 : index
        %swap3A_740 = tpu.vector_load %arg11[%swap3A_738, %swap3A_739] {strides = array<i32>} : memref<128x128xf32, #tpu.memory_space<vmem>>, vector<1x16xf32>,
        %swap3A_741 = vector.shape_cast %swap3A_740 : vector<1x16xf32> to vector<16xf32>
        %swap3A_742 = vector.shape_cast %mul3A_737 : vector<16xf32> to vector<1x16xf32>
        tpu.vector_store %arg11[%swap3A_738, %swap3A_739], %swap3A_742 {strides = array<i32>} : memref<128x128xf32, #tpu.memory_space<vmem>>, vector<1x16xf32>,
        %get3A_743 = arith.index_cast %add3A_732 : i32 to index
        %get3A_744 = arith.constant 16 : index
        %get3A_745 = tpu.vector_load %arg11[%get3A_743, %get3A_744] {strides = array<i32>} : memref<128x128xf32, #tpu.memory_space<vmem>>, vector<1x16xf32>,
        %get3A_746 = vector.shape_cast %get3A_745 : vector<1x16xf32> to vector<16xf32>
        %mul3A_747 = arith.mulf %get3A_746, %gather3A_728 : vector<16xf32>
        %swap3A_748 = arith.index_cast %add3A_732 : i32 to index
        %swap3A_749 = arith.constant 16 : index
        %swap3A_750 = tpu.vector_load %arg11[%swap3A_748, %swap3A_749] {strides = array<i32>} : memref<128x128xf32, #tpu.memory_space<vmem>>, vector<1x16xf32>,
        %swap3A_751 = vector.shape_cast %swap3A_750 : vector<1x16xf32> to vector<16xf32>
        %swap3A_752 = vector.shape_cast %mul3A_747 : vector<16xf32> to vector<1x16xf32>
        tpu.vector_store %arg11[%swap3A_748, %swap3A_749], %swap3A_752 {strides = array<i32>} : memref<128x128xf32, #tpu.memory_space<vmem>>, vector<1x16xf32>,
        %get3A_753 = arith.index_cast %add3A_732 : i32 to index
        %get3A_754 = arith.constant 32 : index
        %get3A_755 = tpu.vector_load %arg11[%get3A_753, %get3A_754] {strides = array<i32>} : memref<128x128xf32, #tpu.memory_space<vmem>>, vector<1x16xf32>,
        %get3A_756 = vector.shape_cast %get3A_755 : vector<1x16xf32> to vector<16xf32>
        %mul3A_757 = arith.mulf %get3A_756, %gather3A_728 : vector<16xf32>
        %swap3A_758 = arith.index_cast %add3A_732 : i32 to index
        %swap3A_759 = arith.constant 32 : index
        %swap3A_760 = tpu.vector_load %arg11[%swap3A_758, %swap3A_759] {strides = array<i32>} : memref<128x128xf32, #tpu.memory_space<vmem>>, vector<1x16xf32>,
        %swap3A_761 = vector.shape_cast %swap3A_760 : vector<1x16xf32> to vector<16xf32>
        %swap3A_762 = vector.shape_cast %mul3A_757 : vector<16xf32> to vector<1x16xf32>
        tpu.vector_store %arg11[%swap3A_758, %swap3A_759], %swap3A_762 {strides = array<i32>} : memref<128x128xf32, #tpu.memory_space<vmem>>, vector<1x16xf32>,
        %get3A_763 = arith.index_cast %add3A_732 : i32 to index
        %get3A_764 = arith.constant 48 : index
        %get3A_765 = tpu.vector_load %arg11[%get3A_763, %get3A_764] {strides = array<i32>} : memref<128x128xf32, #tpu.memory_space<vmem>>, vector<1x16xf32>,
        %get3A_766 = vector.shape_cast %get3A_765 : vector<1x16xf32> to vector<16xf32>
        %mul3A_767 = arith.mulf %get3A_766, %gather3A_728 : vector<16xf32>
        %swap3A_768 = arith.index_cast %add3A_732 : i32 to index
        %swap3A_769 = arith.constant 48 : index
        %swap3A_770 = tpu.vector_load %arg11[%swap3A_768, %swap3A_769] {strides = array<i32>} : memref<128x128xf32, #tpu.memory_space<vmem>>, vector<1x16xf32>,
        %swap3A_771 = vector.shape_cast %swap3A_770 : vector<1x16xf32> to vector<16xf32>
        %swap3A_772 = vector.shape_cast %mul3A_767 : vector<16xf32> to vector<1x16xf32>
        tpu.vector_store %arg11[%swap3A_768, %swap3A_769], %swap3A_772 {strides = array<i32>} : memref<128x128xf32, #tpu.memory_space<vmem>>, vector<1x16xf32>,
        %get3A_773 = arith.index_cast %add3A_732 : i32 to index
        %get3A_774 = arith.constant 64 : index
        %get3A_775 = tpu.vector_load %arg11[%get3A_773, %get3A_774] {strides = array<i32>} : memref<128x128xf32, #tpu.memory_space<vmem>>, vector<1x16xf32>,
        %get3A_776 = vector.shape_cast %get3A_775 : vector<1x16xf32> to vector<16xf32>
        %mul3A_777 = arith.mulf %get3A_776, %gather3A_728 : vector<16xf32>
        %swap3A_778 = arith.index_cast %add3A_732 : i32 to index
        %swap3A_779 = arith.constant 64 : index
        %swap3A_780 = tpu.vector_load %arg11[%swap3A_778, %swap3A_779] {strides = array<i32>} : memref<128x128xf32, #tpu.memory_space<vmem>>, vector<1x16xf32>,
        %swap3A_781 = vector.shape_cast %swap3A_780 : vector<1x16xf32> to vector<16xf32>
        %swap3A_782 = vector.shape_cast %mul3A_777 : vector<16xf32> to vector<1x16xf32>
        tpu.vector_store %arg11[%swap3A_778, %swap3A_779], %swap3A_782 {strides = array<i32>} : memref<128x128xf32, #tpu.memory_space<vmem>>, vector<1x16xf32>,
        %get3A_783 = arith.index_cast %add3A_732 : i32 to index
        %get3A_784 = arith.constant 80 : index
        %get3A_785 = tpu.vector_load %arg11[%get3A_783, %get3A_784] {strides = array<i32>} : memref<128x128xf32, #tpu.memory_space<vmem>>, vector<1x16xf32>,
        %get3A_786 = vector.shape_cast %get3A_785 : vector<1x16xf32> to vector<16xf32>
        %mul3A_787 = arith.mulf %get3A_786, %gather3A_728 : vector<16xf32>
        %swap3A_788 = arith.index_cast %add3A_732 : i32 to index
        %swap3A_789 = arith.constant 80 : index
        %swap3A_790 = tpu.vector_load %arg11[%swap3A_788, %swap3A_789] {strides = array<i32>} : memref<128x128xf32, #tpu.memory_space<vmem>>, vector<1x16xf32>,
        %swap3A_791 = vector.shape_cast %swap3A_790 : vector<1x16xf32> to vector<16xf32>
        %swap3A_792 = vector.shape_cast %mul3A_787 : vector<16xf32> to vector<1x16xf32>
        tpu.vector_store %arg11[%swap3A_788, %swap3A_789], %swap3A_792 {strides = array<i32>} : memref<128x128xf32, #tpu.memory_space<vmem>>, vector<1x16xf32>,
        %get3A_793 = arith.index_cast %add3A_732 : i32 to index
        %get3A_794 = arith.constant 96 : index
        %get3A_795 = tpu.vector_load %arg11[%get3A_793, %get3A_794] {strides = array<i32>} : memref<128x128xf32, #tpu.memory_space<vmem>>, vector<1x16xf32>,
        %get3A_796 = vector.shape_cast %get3A_795 : vector<1x16xf32> to vector<16xf32>
        %mul3A_797 = arith.mulf %get3A_796, %gather3A_728 : vector<16xf32>
        %swap3A_798 = arith.index_cast %add3A_732 : i32 to index
        %swap3A_799 = arith.constant 96 : index
        %swap3A_800 = tpu.vector_load %arg11[%swap3A_798, %swap3A_799] {strides = array<i32>} : memref<128x128xf32, #tpu.memory_space<vmem>>, vector<1x16xf32>,
        %swap3A_801 = vector.shape_cast %swap3A_800 : vector<1x16xf32> to vector<16xf32>
        %swap3A_802 = vector.shape_cast %mul3A_797 : vector<16xf32> to vector<1x16xf32>
        tpu.vector_store %arg11[%swap3A_798, %swap3A_799], %swap3A_802 {strides = array<i32>} : memref<128x128xf32, #tpu.memory_space<vmem>>, vector<1x16xf32>,
        %get3A_803 = arith.index_cast %add3A_732 : i32 to index
        %get3A_804 = arith.constant 112 : index
        %get3A_805 = tpu.vector_load %arg11[%get3A_803, %get3A_804] {strides = array<i32>} : memref<128x128xf32, #tpu.memory_space<vmem>>, vector<1x16xf32>,
        %get3A_806 = vector.shape_cast %get3A_805 : vector<1x16xf32> to vector<16xf32>
        %mul3A_807 = arith.mulf %get3A_806, %gather3A_728 : vector<16xf32>
        %swap3A_808 = arith.index_cast %add3A_732 : i32 to index
        %swap3A_809 = arith.constant 112 : index
        %swap3A_810 = tpu.vector_load %arg11[%swap3A_808, %swap3A_809] {strides = array<i32>} : memref<128x128xf32, #tpu.memory_space<vmem>>, vector<1x16xf32>,
        %swap3A_811 = vector.shape_cast %swap3A_810 : vector<1x16xf32> to vector<16xf32>
        %swap3A_812 = vector.shape_cast %mul3A_807 : vector<16xf32> to vector<1x16xf32>
        tpu.vector_store %arg11[%swap3A_808, %swap3A_809], %swap3A_812 {strides = array<i32>} : memref<128x128xf32, #tpu.memory_space<vmem>>, vector<1x16xf32>,
        %broadcast_in_dim3A_813 = arith.constant 8 : i32
        %broadcast_in_dim3A_814 = vector.broadcast %broadcast_in_dim3A_813 : i32 to vector<16xi32>
        %lt3A_815 = arith.constant 0 : i32
        %lt3A_816 = vector.broadcast %lt3A_815 : i32 to vector<16xi32>
        %lt3A_817 = arith.cmpi slt, %broadcast_in_dim3A_814, %lt3A_816 : vector<16xi32>
        %add3A_818 = arith.constant 16 : i32
        %add3A_819 = vector.broadcast %add3A_818 : i32 to vector<16xi32>
        %add3A_820 = arith.addi %broadcast_in_dim3A_814, %add3A_819 : vector<16xi32>
        %select_n3A_821 = arith.select %lt3A_817, %add3A_820, %broadcast_in_dim3A_814 : vector<16xi1>, vector<16xi32>
        %broadcast_in_dim3A_822 = vector.shape_cast %select_n3A_821 : vector<16xi32> to vector<16x1xi32>
        %gather3A_823 = vector.shape_cast %broadcast_in_dim3A_822 : vector<16x1xi32> to vector<16xi32>
        %gather3A_824 = tpu.dynamic_gather %get3A_48[%gather3A_823] in [0] : vector<16xf32>, vector<16xi32> -> vector<16xf32>
        %mul3A_825 = arith.constant 16 : i32
        %mul3A_826 = arith.muli %scan3A_44, %mul3A_825 : i32
        %add3A_827 = arith.constant 8 : i32
        %add3A_828 = arith.addi %mul3A_826, %add3A_827 : i32
        %get3A_829 = arith.index_cast %add3A_828 : i32 to index
        %get3A_830 = arith.constant 0 : index
        %get3A_831 = tpu.vector_load %arg11[%get3A_829, %get3A_830] {strides = array<i32>} : memref<128x128xf32, #tpu.memory_space<vmem>>, vector<1x16xf32>,
        %get3A_832 = vector.shape_cast %get3A_831 : vector<1x16xf32> to vector<16xf32>
        %mul3A_833 = arith.mulf %get3A_832, %gather3A_824 : vector<16xf32>
        %swap3A_834 = arith.index_cast %add3A_828 : i32 to index
        %swap3A_835 = arith.constant 0 : index
        %swap3A_836 = tpu.vector_load %arg11[%swap3A_834, %swap3A_835] {strides = array<i32>} : memref<128x128xf32, #tpu.memory_space<vmem>>, vector<1x16xf32>,
        %swap3A_837 = vector.shape_cast %swap3A_836 : vector<1x16xf32> to vector<16xf32>
        %swap3A_838 = vector.shape_cast %mul3A_833 : vector<16xf32> to vector<1x16xf32>
        tpu.vector_store %arg11[%swap3A_834, %swap3A_835], %swap3A_838 {strides = array<i32>} : memref<128x128xf32, #tpu.memory_space<vmem>>, vector<1x16xf32>,
        %get3A_839 = arith.index_cast %add3A_828 : i32 to index
        %get3A_840 = arith.constant 16 : index
        %get3A_841 = tpu.vector_load %arg11[%get3A_839, %get3A_840] {strides = array<i32>} : memref<128x128xf32, #tpu.memory_space<vmem>>, vector<1x16xf32>,
        %get3A_842 = vector.shape_cast %get3A_841 : vector<1x16xf32> to vector<16xf32>
        %mul3A_843 = arith.mulf %get3A_842, %gather3A_824 : vector<16xf32>
        %swap3A_844 = arith.index_cast %add3A_828 : i32 to index
        %swap3A_845 = arith.constant 16 : index
        %swap3A_846 = tpu.vector_load %arg11[%swap3A_844, %swap3A_845] {strides = array<i32>} : memref<128x128xf32, #tpu.memory_space<vmem>>, vector<1x16xf32>,
        %swap3A_847 = vector.shape_cast %swap3A_846 : vector<1x16xf32> to vector<16xf32>
        %swap3A_848 = vector.shape_cast %mul3A_843 : vector<16xf32> to vector<1x16xf32>
        tpu.vector_store %arg11[%swap3A_844, %swap3A_845], %swap3A_848 {strides = array<i32>} : memref<128x128xf32, #tpu.memory_space<vmem>>, vector<1x16xf32>,
        %get3A_849 = arith.index_cast %add3A_828 : i32 to index
        %get3A_850 = arith.constant 32 : index
        %get3A_851 = tpu.vector_load %arg11[%get3A_849, %get3A_850] {strides = array<i32>} : memref<128x128xf32, #tpu.memory_space<vmem>>, vector<1x16xf32>,
        %get3A_852 = vector.shape_cast %get3A_851 : vector<1x16xf32> to vector<16xf32>
        %mul3A_853 = arith.mulf %get3A_852, %gather3A_824 : vector<16xf32>
        %swap3A_854 = arith.index_cast %add3A_828 : i32 to index
        %swap3A_855 = arith.constant 32 : index
        %swap3A_856 = tpu.vector_load %arg11[%swap3A_854, %swap3A_855] {strides = array<i32>} : memref<128x128xf32, #tpu.memory_space<vmem>>, vector<1x16xf32>,
        %swap3A_857 = vector.shape_cast %swap3A_856 : vector<1x16xf32> to vector<16xf32>
        %swap3A_858 = vector.shape_cast %mul3A_853 : vector<16xf32> to vector<1x16xf32>
        tpu.vector_store %arg11[%swap3A_854, %swap3A_855], %swap3A_858 {strides = array<i32>} : memref<128x128xf32, #tpu.memory_space<vmem>>, vector<1x16xf32>,
        %get3A_859 = arith.index_cast %add3A_828 : i32 to index
        %get3A_860 = arith.constant 48 : index
        %get3A_861 = tpu.vector_load %arg11[%get3A_859, %get3A_860] {strides = array<i32>} : memref<128x128xf32, #tpu.memory_space<vmem>>, vector<1x16xf32>,
        %get3A_862 = vector.shape_cast %get3A_861 : vector<1x16xf32> to vector<16xf32>
        %mul3A_863 = arith.mulf %get3A_862, %gather3A_824 : vector<16xf32>
        %swap3A_864 = arith.index_cast %add3A_828 : i32 to index
        %swap3A_865 = arith.constant 48 : index
        %swap3A_866 = tpu.vector_load %arg11[%swap3A_864, %swap3A_865] {strides = array<i32>} : memref<128x128xf32, #tpu.memory_space<vmem>>, vector<1x16xf32>,
        %swap3A_867 = vector.shape_cast %swap3A_866 : vector<1x16xf32> to vector<16xf32>
        %swap3A_868 = vector.shape_cast %mul3A_863 : vector<16xf32> to vector<1x16xf32>
        tpu.vector_store %arg11[%swap3A_864, %swap3A_865], %swap3A_868 {strides = array<i32>} : memref<128x128xf32, #tpu.memory_space<vmem>>, vector<1x16xf32>,
        %get3A_869 = arith.index_cast %add3A_828 : i32 to index
        %get3A_870 = arith.constant 64 : index
        %get3A_871 = tpu.vector_load %arg11[%get3A_869, %get3A_870] {strides = array<i32>} : memref<128x128xf32, #tpu.memory_space<vmem>>, vector<1x16xf32>,
        %get3A_872 = vector.shape_cast %get3A_871 : vector<1x16xf32> to vector<16xf32>
        %mul3A_873 = arith.mulf %get3A_872, %gather3A_824 : vector<16xf32>
        %swap3A_874 = arith.index_cast %add3A_828 : i32 to index
        %swap3A_875 = arith.constant 64 : index
        %swap3A_876 = tpu.vector_load %arg11[%swap3A_874, %swap3A_875] {strides = array<i32>} : memref<128x128xf32, #tpu.memory_space<vmem>>, vector<1x16xf32>,
        %swap3A_877 = vector.shape_cast %swap3A_876 : vector<1x16xf32> to vector<16xf32>
        %swap3A_878 = vector.shape_cast %mul3A_873 : vector<16xf32> to vector<1x16xf32>
        tpu.vector_store %arg11[%swap3A_874, %swap3A_875], %swap3A_878 {strides = array<i32>} : memref<128x128xf32, #tpu.memory_space<vmem>>, vector<1x16xf32>,
        %get3A_879 = arith.index_cast %add3A_828 : i32 to index
        %get3A_880 = arith.constant 80 : index
        %get3A_881 = tpu.vector_load %arg11[%get3A_879, %get3A_880] {strides = array<i32>} : memref<128x128xf32, #tpu.memory_space<vmem>>, vector<1x16xf32>,
        %get3A_882 = vector.shape_cast %get3A_881 : vector<1x16xf32> to vector<16xf32>
        %mul3A_883 = arith.mulf %get3A_882, %gather3A_824 : vector<16xf32>
        %swap3A_884 = arith.index_cast %add3A_828 : i32 to index
        %swap3A_885 = arith.constant 80 : index
        %swap3A_886 = tpu.vector_load %arg11[%swap3A_884, %swap3A_885] {strides = array<i32>} : memref<128x128xf32, #tpu.memory_space<vmem>>, vector<1x16xf32>,
        %swap3A_887 = vector.shape_cast %swap3A_886 : vector<1x16xf32> to vector<16xf32>
        %swap3A_888 = vector.shape_cast %mul3A_883 : vector<16xf32> to vector<1x16xf32>
        tpu.vector_store %arg11[%swap3A_884, %swap3A_885], %swap3A_888 {strides = array<i32>} : memref<128x128xf32, #tpu.memory_space<vmem>>, vector<1x16xf32>,
        %get3A_889 = arith.index_cast %add3A_828 : i32 to index
        %get3A_890 = arith.constant 96 : index
        %get3A_891 = tpu.vector_load %arg11[%get3A_889, %get3A_890] {strides = array<i32>} : memref<128x128xf32, #tpu.memory_space<vmem>>, vector<1x16xf32>,
        %get3A_892 = vector.shape_cast %get3A_891 : vector<1x16xf32> to vector<16xf32>
        %mul3A_893 = arith.mulf %get3A_892, %gather3A_824 : vector<16xf32>
        %swap3A_894 = arith.index_cast %add3A_828 : i32 to index
        %swap3A_895 = arith.constant 96 : index
        %swap3A_896 = tpu.vector_load %arg11[%swap3A_894, %swap3A_895] {strides = array<i32>} : memref<128x128xf32, #tpu.memory_space<vmem>>, vector<1x16xf32>,
        %swap3A_897 = vector.shape_cast %swap3A_896 : vector<1x16xf32> to vector<16xf32>
        %swap3A_898 = vector.shape_cast %mul3A_893 : vector<16xf32> to vector<1x16xf32>
        tpu.vector_store %arg11[%swap3A_894, %swap3A_895], %swap3A_898 {strides = array<i32>} : memref<128x128xf32, #tpu.memory_space<vmem>>, vector<1x16xf32>,
        %get3A_899 = arith.index_cast %add3A_828 : i32 to index
        %get3A_900 = arith.constant 112 : index
        %get3A_901 = tpu.vector_load %arg11[%get3A_899, %get3A_900] {strides = array<i32>} : memref<128x128xf32, #tpu.memory_space<vmem>>, vector<1x16xf32>,
        %get3A_902 = vector.shape_cast %get3A_901 : vector<1x16xf32> to vector<16xf32>
        %mul3A_903 = arith.mulf %get3A_902, %gather3A_824 : vector<16xf32>
        %swap3A_904 = arith.index_cast %add3A_828 : i32 to index
        %swap3A_905 = arith.constant 112 : index
        %swap3A_906 = tpu.vector_load %arg11[%swap3A_904, %swap3A_905] {strides = array<i32>} : memref<128x128xf32, #tpu.memory_space<vmem>>, vector<1x16xf32>,
        %swap3A_907 = vector.shape_cast %swap3A_906 : vector<1x16xf32> to vector<16xf32>
        %swap3A_908 = vector.shape_cast %mul3A_903 : vector<16xf32> to vector<1x16xf32>
        tpu.vector_store %arg11[%swap3A_904, %swap3A_905], %swap3A_908 {strides = array<i32>} : memref<128x128xf32, #tpu.memory_space<vmem>>, vector<1x16xf32>,
        %broadcast_in_dim3A_909 = arith.constant 9 : i32
        %broadcast_in_dim3A_910 = vector.broadcast %broadcast_in_dim3A_909 : i32 to vector<16xi32>
        %lt3A_911 = arith.constant 0 : i32
        %lt3A_912 = vector.broadcast %lt3A_911 : i32 to vector<16xi32>
        %lt3A_913 = arith.cmpi slt, %broadcast_in_dim3A_910, %lt3A_912 : vector<16xi32>
        %add3A_914 = arith.constant 16 : i32
        %add3A_915 = vector.broadcast %add3A_914 : i32 to vector<16xi32>
        %add3A_916 = arith.addi %broadcast_in_dim3A_910, %add3A_915 : vector<16xi32>
        %select_n3A_917 = arith.select %lt3A_913, %add3A_916, %broadcast_in_dim3A_910 : vector<16xi1>, vector<16xi32>
        %broadcast_in_dim3A_918 = vector.shape_cast %select_n3A_917 : vector<16xi32> to vector<16x1xi32>
        %gather3A_919 = vector.shape_cast %broadcast_in_dim3A_918 : vector<16x1xi32> to vector<16xi32>
        %gather3A_920 = tpu.dynamic_gather %get3A_48[%gather3A_919] in [0] : vector<16xf32>, vector<16xi32> -> vector<16xf32>
        %mul3A_921 = arith.constant 16 : i32
        %mul3A_922 = arith.muli %scan3A_44, %mul3A_921 : i32
        %add3A_923 = arith.constant 9 : i32
        %add3A_924 = arith.addi %mul3A_922, %add3A_923 : i32
        %get3A_925 = arith.index_cast %add3A_924 : i32 to index
        %get3A_926 = arith.constant 0 : index
        %get3A_927 = tpu.vector_load %arg11[%get3A_925, %get3A_926] {strides = array<i32>} : memref<128x128xf32, #tpu.memory_space<vmem>>, vector<1x16xf32>,
        %get3A_928 = vector.shape_cast %get3A_927 : vector<1x16xf32> to vector<16xf32>
        %mul3A_929 = arith.mulf %get3A_928, %gather3A_920 : vector<16xf32>
        %swap3A_930 = arith.index_cast %add3A_924 : i32 to index
        %swap3A_931 = arith.constant 0 : index
        %swap3A_932 = tpu.vector_load %arg11[%swap3A_930, %swap3A_931] {strides = array<i32>} : memref<128x128xf32, #tpu.memory_space<vmem>>, vector<1x16xf32>,
        %swap3A_933 = vector.shape_cast %swap3A_932 : vector<1x16xf32> to vector<16xf32>
        %swap3A_934 = vector.shape_cast %mul3A_929 : vector<16xf32> to vector<1x16xf32>
        tpu.vector_store %arg11[%swap3A_930, %swap3A_931], %swap3A_934 {strides = array<i32>} : memref<128x128xf32, #tpu.memory_space<vmem>>, vector<1x16xf32>,
        %get3A_935 = arith.index_cast %add3A_924 : i32 to index
        %get3A_936 = arith.constant 16 : index
        %get3A_937 = tpu.vector_load %arg11[%get3A_935, %get3A_936] {strides = array<i32>} : memref<128x128xf32, #tpu.memory_space<vmem>>, vector<1x16xf32>,
        %get3A_938 = vector.shape_cast %get3A_937 : vector<1x16xf32> to vector<16xf32>
        %mul3A_939 = arith.mulf %get3A_938, %gather3A_920 : vector<16xf32>
        %swap3A_940 = arith.index_cast %add3A_924 : i32 to index
        %swap3A_941 = arith.constant 16 : index
        %swap3A_942 = tpu.vector_load %arg11[%swap3A_940, %swap3A_941] {strides = array<i32>} : memref<128x128xf32, #tpu.memory_space<vmem>>, vector<1x16xf32>,
        %swap3A_943 = vector.shape_cast %swap3A_942 : vector<1x16xf32> to vector<16xf32>
        %swap3A_944 = vector.shape_cast %mul3A_939 : vector<16xf32> to vector<1x16xf32>
        tpu.vector_store %arg11[%swap3A_940, %swap3A_941], %swap3A_944 {strides = array<i32>} : memref<128x128xf32, #tpu.memory_space<vmem>>, vector<1x16xf32>,
        %get3A_945 = arith.index_cast %add3A_924 : i32 to index
        %get3A_946 = arith.constant 32 : index
        %get3A_947 = tpu.vector_load %arg11[%get3A_945, %get3A_946] {strides = array<i32>} : memref<128x128xf32, #tpu.memory_space<vmem>>, vector<1x16xf32>,
        %get3A_948 = vector.shape_cast %get3A_947 : vector<1x16xf32> to vector<16xf32>
        %mul3A_949 = arith.mulf %get3A_948, %gather3A_920 : vector<16xf32>
        %swap3A_950 = arith.index_cast %add3A_924 : i32 to index
        %swap3A_951 = arith.constant 32 : index
        %swap3A_952 = tpu.vector_load %arg11[%swap3A_950, %swap3A_951] {strides = array<i32>} : memref<128x128xf32, #tpu.memory_space<vmem>>, vector<1x16xf32>,
        %swap3A_953 = vector.shape_cast %swap3A_952 : vector<1x16xf32> to vector<16xf32>
        %swap3A_954 = vector.shape_cast %mul3A_949 : vector<16xf32> to vector<1x16xf32>
        tpu.vector_store %arg11[%swap3A_950, %swap3A_951], %swap3A_954 {strides = array<i32>} : memref<128x128xf32, #tpu.memory_space<vmem>>, vector<1x16xf32>,
        %get3A_955 = arith.index_cast %add3A_924 : i32 to index
        %get3A_956 = arith.constant 48 : index
        %get3A_957 = tpu.vector_load %arg11[%get3A_955, %get3A_956] {strides = array<i32>} : memref<128x128xf32, #tpu.memory_space<vmem>>, vector<1x16xf32>,
        %get3A_958 = vector.shape_cast %get3A_957 : vector<1x16xf32> to vector<16xf32>
        %mul3A_959 = arith.mulf %get3A_958, %gather3A_920 : vector<16xf32>
        %swap3A_960 = arith.index_cast %add3A_924 : i32 to index
        %swap3A_961 = arith.constant 48 : index
        %swap3A_962 = tpu.vector_load %arg11[%swap3A_960, %swap3A_961] {strides = array<i32>} : memref<128x128xf32, #tpu.memory_space<vmem>>, vector<1x16xf32>,
        %swap3A_963 = vector.shape_cast %swap3A_962 : vector<1x16xf32> to vector<16xf32>
        %swap3A_964 = vector.shape_cast %mul3A_959 : vector<16xf32> to vector<1x16xf32>
        tpu.vector_store %arg11[%swap3A_960, %swap3A_961], %swap3A_964 {strides = array<i32>} : memref<128x128xf32, #tpu.memory_space<vmem>>, vector<1x16xf32>,
        %get3A_965 = arith.index_cast %add3A_924 : i32 to index
        %get3A_966 = arith.constant 64 : index
        %get3A_967 = tpu.vector_load %arg11[%get3A_965, %get3A_966] {strides = array<i32>} : memref<128x128xf32, #tpu.memory_space<vmem>>, vector<1x16xf32>,
        %get3A_968 = vector.shape_cast %get3A_967 : vector<1x16xf32> to vector<16xf32>
        %mul3A_969 = arith.mulf %get3A_968, %gather3A_920 : vector<16xf32>
        %swap3A_970 = arith.index_cast %add3A_924 : i32 to index
        %swap3A_971 = arith.constant 64 : index
        %swap3A_972 = tpu.vector_load %arg11[%swap3A_970, %swap3A_971] {strides = array<i32>} : memref<128x128xf32, #tpu.memory_space<vmem>>, vector<1x16xf32>,
        %swap3A_973 = vector.shape_cast %swap3A_972 : vector<1x16xf32> to vector<16xf32>
        %swap3A_974 = vector.shape_cast %mul3A_969 : vector<16xf32> to vector<1x16xf32>
        tpu.vector_store %arg11[%swap3A_970, %swap3A_971], %swap3A_974 {strides = array<i32>} : memref<128x128xf32, #tpu.memory_space<vmem>>, vector<1x16xf32>,
        %get3A_975 = arith.index_cast %add3A_924 : i32 to index
        %get3A_976 = arith.constant 80 : index
        %get3A_977 = tpu.vector_load %arg11[%get3A_975, %get3A_976] {strides = array<i32>} : memref<128x128xf32, #tpu.memory_space<vmem>>, vector<1x16xf32>,
        %get3A_978 = vector.shape_cast %get3A_977 : vector<1x16xf32> to vector<16xf32>
        %mul3A_979 = arith.mulf %get3A_978, %gather3A_920 : vector<16xf32>
        %swap3A_980 = arith.index_cast %add3A_924 : i32 to index
        %swap3A_981 = arith.constant 80 : index
        %swap3A_982 = tpu.vector_load %arg11[%swap3A_980, %swap3A_981] {strides = array<i32>} : memref<128x128xf32, #tpu.memory_space<vmem>>, vector<1x16xf32>,
        %swap3A_983 = vector.shape_cast %swap3A_982 : vector<1x16xf32> to vector<16xf32>
        %swap3A_984 = vector.shape_cast %mul3A_979 : vector<16xf32> to vector<1x16xf32>
        tpu.vector_store %arg11[%swap3A_980, %swap3A_981], %swap3A_984 {strides = array<i32>} : memref<128x128xf32, #tpu.memory_space<vmem>>, vector<1x16xf32>,
        %get3A_985 = arith.index_cast %add3A_924 : i32 to index
        %get3A_986 = arith.constant 96 : index
        %get3A_987 = tpu.vector_load %arg11[%get3A_985, %get3A_986] {strides = array<i32>} : memref<128x128xf32, #tpu.memory_space<vmem>>, vector<1x16xf32>,
        %get3A_988 = vector.shape_cast %get3A_987 : vector<1x16xf32> to vector<16xf32>
        %mul3A_989 = arith.mulf %get3A_988, %gather3A_920 : vector<16xf32>
        %swap3A_990 = arith.index_cast %add3A_924 : i32 to index
        %swap3A_991 = arith.constant 96 : index
        %swap3A_992 = tpu.vector_load %arg11[%swap3A_990, %swap3A_991] {strides = array<i32>} : memref<128x128xf32, #tpu.memory_space<vmem>>, vector<1x16xf32>,
        %swap3A_993 = vector.shape_cast %swap3A_992 : vector<1x16xf32> to vector<16xf32>
        %swap3A_994 = vector.shape_cast %mul3A_989 : vector<16xf32> to vector<1x16xf32>
        tpu.vector_store %arg11[%swap3A_990, %swap3A_991], %swap3A_994 {strides = array<i32>} : memref<128x128xf32, #tpu.memory_space<vmem>>, vector<1x16xf32>,
        %get3A_995 = arith.index_cast %add3A_924 : i32 to index
        %get3A_996 = arith.constant 112 : index
        %get3A_997 = tpu.vector_load %arg11[%get3A_995, %get3A_996] {strides = array<i32>} : memref<128x128xf32, #tpu.memory_space<vmem>>, vector<1x16xf32>,
        %get3A_998 = vector.shape_cast %get3A_997 : vector<1x16xf32> to vector<16xf32>
        %mul3A_999 = arith.mulf %get3A_998, %gather3A_920 : vector<16xf32>
        %swap3A_1000 = arith.index_cast %add3A_924 : i32 to index
        %swap3A_1001 = arith.constant 112 : index
        %swap3A_1002 = tpu.vector_load %arg11[%swap3A_1000, %swap3A_1001] {strides = array<i32>} : memref<128x128xf32, #tpu.memory_space<vmem>>, vector<1x16xf32>,
        %swap3A_1003 = vector.shape_cast %swap3A_1002 : vector<1x16xf32> to vector<16xf32>
        %swap3A_1004 = vector.shape_cast %mul3A_999 : vector<16xf32> to vector<1x16xf32>
        tpu.vector_store %arg11[%swap3A_1000, %swap3A_1001], %swap3A_1004 {strides = array<i32>} : memref<128x128xf32, #tpu.memory_space<vmem>>, vector<1x16xf32>,
        %broadcast_in_dim3A_1005 = arith.constant 10 : i32
        %broadcast_in_dim3A_1006 = vector.broadcast %broadcast_in_dim3A_1005 : i32 to vector<16xi32>
        %lt3A_1007 = arith.constant 0 : i32
        %lt3A_1008 = vector.broadcast %lt3A_1007 : i32 to vector<16xi32>
        %lt3A_1009 = arith.cmpi slt, %broadcast_in_dim3A_1006, %lt3A_1008 : vector<16xi32>
        %add3A_1010 = arith.constant 16 : i32
        %add3A_1011 = vector.broadcast %add3A_1010 : i32 to vector<16xi32>
        %add3A_1012 = arith.addi %broadcast_in_dim3A_1006, %add3A_1011 : vector<16xi32>
        %select_n3A_1013 = arith.select %lt3A_1009, %add3A_1012, %broadcast_in_dim3A_1006 : vector<16xi1>, vector<16xi32>
        %broadcast_in_dim3A_1014 = vector.shape_cast %select_n3A_1013 : vector<16xi32> to vector<16x1xi32>
        %gather3A_1015 = vector.shape_cast %broadcast_in_dim3A_1014 : vector<16x1xi32> to vector<16xi32>
        %gather3A_1016 = tpu.dynamic_gather %get3A_48[%gather3A_1015] in [0] : vector<16xf32>, vector<16xi32> -> vector<16xf32>
        %mul3A_1017 = arith.constant 16 : i32
        %mul3A_1018 = arith.muli %scan3A_44, %mul3A_1017 : i32
        %add3A_1019 = arith.constant 10 : i32
        %add3A_1020 = arith.addi %mul3A_1018, %add3A_1019 : i32
        %get3A_1021 = arith.index_cast %add3A_1020 : i32 to index
        %get3A_1022 = arith.constant 0 : index
        %get3A_1023 = tpu.vector_load %arg11[%get3A_1021, %get3A_1022] {strides = array<i32>} : memref<128x128xf32, #tpu.memory_space<vmem>>, vector<1x16xf32>,
        %get3A_1024 = vector.shape_cast %get3A_1023 : vector<1x16xf32> to vector<16xf32>
        %mul3A_1025 = arith.mulf %get3A_1024, %gather3A_1016 : vector<16xf32>
        %swap3A_1026 = arith.index_cast %add3A_1020 : i32 to index
        %swap3A_1027 = arith.constant 0 : index
        %swap3A_1028 = tpu.vector_load %arg11[%swap3A_1026, %swap3A_1027] {strides = array<i32>} : memref<128x128xf32, #tpu.memory_space<vmem>>, vector<1x16xf32>,
        %swap3A_1029 = vector.shape_cast %swap3A_1028 : vector<1x16xf32> to vector<16xf32>
        %swap3A_1030 = vector.shape_cast %mul3A_1025 : vector<16xf32> to vector<1x16xf32>
        tpu.vector_store %arg11[%swap3A_1026, %swap3A_1027], %swap3A_1030 {strides = array<i32>} : memref<128x128xf32, #tpu.memory_space<vmem>>, vector<1x16xf32>,
        %get3A_1031 = arith.index_cast %add3A_1020 : i32 to index
        %get3A_1032 = arith.constant 16 : index
        %get3A_1033 = tpu.vector_load %arg11[%get3A_1031, %get3A_1032] {strides = array<i32>} : memref<128x128xf32, #tpu.memory_space<vmem>>, vector<1x16xf32>,
        %get3A_1034 = vector.shape_cast %get3A_1033 : vector<1x16xf32> to vector<16xf32>
        %mul3A_1035 = arith.mulf %get3A_1034, %gather3A_1016 : vector<16xf32>
        %swap3A_1036 = arith.index_cast %add3A_1020 : i32 to index
        %swap3A_1037 = arith.constant 16 : index
        %swap3A_1038 = tpu.vector_load %arg11[%swap3A_1036, %swap3A_1037] {strides = array<i32>} : memref<128x128xf32, #tpu.memory_space<vmem>>, vector<1x16xf32>,
        %swap3A_1039 = vector.shape_cast %swap3A_1038 : vector<1x16xf32> to vector<16xf32>
        %swap3A_1040 = vector.shape_cast %mul3A_1035 : vector<16xf32> to vector<1x16xf32>
        tpu.vector_store %arg11[%swap3A_1036, %swap3A_1037], %swap3A_1040 {strides = array<i32>} : memref<128x128xf32, #tpu.memory_space<vmem>>, vector<1x16xf32>,
        %get3A_1041 = arith.index_cast %add3A_1020 : i32 to index
        %get3A_1042 = arith.constant 32 : index
        %get3A_1043 = tpu.vector_load %arg11[%get3A_1041, %get3A_1042] {strides = array<i32>} : memref<128x128xf32, #tpu.memory_space<vmem>>, vector<1x16xf32>,
        %get3A_1044 = vector.shape_cast %get3A_1043 : vector<1x16xf32> to vector<16xf32>
        %mul3A_1045 = arith.mulf %get3A_1044, %gather3A_1016 : vector<16xf32>
        %swap3A_1046 = arith.index_cast %add3A_1020 : i32 to index
        %swap3A_1047 = arith.constant 32 : index
        %swap3A_1048 = tpu.vector_load %arg11[%swap3A_1046, %swap3A_1047] {strides = array<i32>} : memref<128x128xf32, #tpu.memory_space<vmem>>, vector<1x16xf32>,
        %swap3A_1049 = vector.shape_cast %swap3A_1048 : vector<1x16xf32> to vector<16xf32>
        %swap3A_1050 = vector.shape_cast %mul3A_1045 : vector<16xf32> to vector<1x16xf32>
        tpu.vector_store %arg11[%swap3A_1046, %swap3A_1047], %swap3A_1050 {strides = array<i32>} : memref<128x128xf32, #tpu.memory_space<vmem>>, vector<1x16xf32>,
        %get3A_1051 = arith.index_cast %add3A_1020 : i32 to index
        %get3A_1052 = arith.constant 48 : index
        %get3A_1053 = tpu.vector_load %arg11[%get3A_1051, %get3A_1052] {strides = array<i32>} : memref<128x128xf32, #tpu.memory_space<vmem>>, vector<1x16xf32>,
        %get3A_1054 = vector.shape_cast %get3A_1053 : vector<1x16xf32> to vector<16xf32>
        %mul3A_1055 = arith.mulf %get3A_1054, %gather3A_1016 : vector<16xf32>
        %swap3A_1056 = arith.index_cast %add3A_1020 : i32 to index
        %swap3A_1057 = arith.constant 48 : index
        %swap3A_1058 = tpu.vector_load %arg11[%swap3A_1056, %swap3A_1057] {strides = array<i32>} : memref<128x128xf32, #tpu.memory_space<vmem>>, vector<1x16xf32>,
        %swap3A_1059 = vector.shape_cast %swap3A_1058 : vector<1x16xf32> to vector<16xf32>
        %swap3A_1060 = vector.shape_cast %mul3A_1055 : vector<16xf32> to vector<1x16xf32>
        tpu.vector_store %arg11[%swap3A_1056, %swap3A_1057], %swap3A_1060 {strides = array<i32>} : memref<128x128xf32, #tpu.memory_space<vmem>>, vector<1x16xf32>,
        %get3A_1061 = arith.index_cast %add3A_1020 : i32 to index
        %get3A_1062 = arith.constant 64 : index
        %get3A_1063 = tpu.vector_load %arg11[%get3A_1061, %get3A_1062] {strides = array<i32>} : memref<128x128xf32, #tpu.memory_space<vmem>>, vector<1x16xf32>,
        %get3A_1064 = vector.shape_cast %get3A_1063 : vector<1x16xf32> to vector<16xf32>
        %mul3A_1065 = arith.mulf %get3A_1064, %gather3A_1016 : vector<16xf32>
        %swap3A_1066 = arith.index_cast %add3A_1020 : i32 to index
        %swap3A_1067 = arith.constant 64 : index
        %swap3A_1068 = tpu.vector_load %arg11[%swap3A_1066, %swap3A_1067] {strides = array<i32>} : memref<128x128xf32, #tpu.memory_space<vmem>>, vector<1x16xf32>,
        %swap3A_1069 = vector.shape_cast %swap3A_1068 : vector<1x16xf32> to vector<16xf32>
        %swap3A_1070 = vector.shape_cast %mul3A_1065 : vector<16xf32> to vector<1x16xf32>
        tpu.vector_store %arg11[%swap3A_1066, %swap3A_1067], %swap3A_1070 {strides = array<i32>} : memref<128x128xf32, #tpu.memory_space<vmem>>, vector<1x16xf32>,
        %get3A_1071 = arith.index_cast %add3A_1020 : i32 to index
        %get3A_1072 = arith.constant 80 : index
        %get3A_1073 = tpu.vector_load %arg11[%get3A_1071, %get3A_1072] {strides = array<i32>} : memref<128x128xf32, #tpu.memory_space<vmem>>, vector<1x16xf32>,
        %get3A_1074 = vector.shape_cast %get3A_1073 : vector<1x16xf32> to vector<16xf32>
        %mul3A_1075 = arith.mulf %get3A_1074, %gather3A_1016 : vector<16xf32>
        %swap3A_1076 = arith.index_cast %add3A_1020 : i32 to index
        %swap3A_1077 = arith.constant 80 : index
        %swap3A_1078 = tpu.vector_load %arg11[%swap3A_1076, %swap3A_1077] {strides = array<i32>} : memref<128x128xf32, #tpu.memory_space<vmem>>, vector<1x16xf32>,
        %swap3A_1079 = vector.shape_cast %swap3A_1078 : vector<1x16xf32> to vector<16xf32>
        %swap3A_1080 = vector.shape_cast %mul3A_1075 : vector<16xf32> to vector<1x16xf32>
        tpu.vector_store %arg11[%swap3A_1076, %swap3A_1077], %swap3A_1080 {strides = array<i32>} : memref<128x128xf32, #tpu.memory_space<vmem>>, vector<1x16xf32>,
        %get3A_1081 = arith.index_cast %add3A_1020 : i32 to index
        %get3A_1082 = arith.constant 96 : index
        %get3A_1083 = tpu.vector_load %arg11[%get3A_1081, %get3A_1082] {strides = array<i32>} : memref<128x128xf32, #tpu.memory_space<vmem>>, vector<1x16xf32>,
        %get3A_1084 = vector.shape_cast %get3A_1083 : vector<1x16xf32> to vector<16xf32>
        %mul3A_1085 = arith.mulf %get3A_1084, %gather3A_1016 : vector<16xf32>
        %swap3A_1086 = arith.index_cast %add3A_1020 : i32 to index
        %swap3A_1087 = arith.constant 96 : index
        %swap3A_1088 = tpu.vector_load %arg11[%swap3A_1086, %swap3A_1087] {strides = array<i32>} : memref<128x128xf32, #tpu.memory_space<vmem>>, vector<1x16xf32>,
        %swap3A_1089 = vector.shape_cast %swap3A_1088 : vector<1x16xf32> to vector<16xf32>
        %swap3A_1090 = vector.shape_cast %mul3A_1085 : vector<16xf32> to vector<1x16xf32>
        tpu.vector_store %arg11[%swap3A_1086, %swap3A_1087], %swap3A_1090 {strides = array<i32>} : memref<128x128xf32, #tpu.memory_space<vmem>>, vector<1x16xf32>,
        %get3A_1091 = arith.index_cast %add3A_1020 : i32 to index
        %get3A_1092 = arith.constant 112 : index
        %get3A_1093 = tpu.vector_load %arg11[%get3A_1091, %get3A_1092] {strides = array<i32>} : memref<128x128xf32, #tpu.memory_space<vmem>>, vector<1x16xf32>,
        %get3A_1094 = vector.shape_cast %get3A_1093 : vector<1x16xf32> to vector<16xf32>
        %mul3A_1095 = arith.mulf %get3A_1094, %gather3A_1016 : vector<16xf32>
        %swap3A_1096 = arith.index_cast %add3A_1020 : i32 to index
        %swap3A_1097 = arith.constant 112 : index
        %swap3A_1098 = tpu.vector_load %arg11[%swap3A_1096, %swap3A_1097] {strides = array<i32>} : memref<128x128xf32, #tpu.memory_space<vmem>>, vector<1x16xf32>,
        %swap3A_1099 = vector.shape_cast %swap3A_1098 : vector<1x16xf32> to vector<16xf32>
        %swap3A_1100 = vector.shape_cast %mul3A_1095 : vector<16xf32> to vector<1x16xf32>
        tpu.vector_store %arg11[%swap3A_1096, %swap3A_1097], %swap3A_1100 {strides = array<i32>} : memref<128x128xf32, #tpu.memory_space<vmem>>, vector<1x16xf32>,
        %broadcast_in_dim3A_1101 = arith.constant 11 : i32
        %broadcast_in_dim3A_1102 = vector.broadcast %broadcast_in_dim3A_1101 : i32 to vector<16xi32>
        %lt3A_1103 = arith.constant 0 : i32
        %lt3A_1104 = vector.broadcast %lt3A_1103 : i32 to vector<16xi32>
        %lt3A_1105 = arith.cmpi slt, %broadcast_in_dim3A_1102, %lt3A_1104 : vector<16xi32>
        %add3A_1106 = arith.constant 16 : i32
        %add3A_1107 = vector.broadcast %add3A_1106 : i32 to vector<16xi32>
        %add3A_1108 = arith.addi %broadcast_in_dim3A_1102, %add3A_1107 : vector<16xi32>
        %select_n3A_1109 = arith.select %lt3A_1105, %add3A_1108, %broadcast_in_dim3A_1102 : vector<16xi1>, vector<16xi32>
        %broadcast_in_dim3A_1110 = vector.shape_cast %select_n3A_1109 : vector<16xi32> to vector<16x1xi32>
        %gather3A_1111 = vector.shape_cast %broadcast_in_dim3A_1110 : vector<16x1xi32> to vector<16xi32>
        %gather3A_1112 = tpu.dynamic_gather %get3A_48[%gather3A_1111] in [0] : vector<16xf32>, vector<16xi32> -> vector<16xf32>
        %mul3A_1113 = arith.constant 16 : i32
        %mul3A_1114 = arith.muli %scan3A_44, %mul3A_1113 : i32
        %add3A_1115 = arith.constant 11 : i32
        %add3A_1116 = arith.addi %mul3A_1114, %add3A_1115 : i32
        %get3A_1117 = arith.index_cast %add3A_1116 : i32 to index
        %get3A_1118 = arith.constant 0 : index
        %get3A_1119 = tpu.vector_load %arg11[%get3A_1117, %get3A_1118] {strides = array<i32>} : memref<128x128xf32, #tpu.memory_space<vmem>>, vector<1x16xf32>,
        %get3A_1120 = vector.shape_cast %get3A_1119 : vector<1x16xf32> to vector<16xf32>
        %mul3A_1121 = arith.mulf %get3A_1120, %gather3A_1112 : vector<16xf32>
        %swap3A_1122 = arith.index_cast %add3A_1116 : i32 to index
        %swap3A_1123 = arith.constant 0 : index
        %swap3A_1124 = tpu.vector_load %arg11[%swap3A_1122, %swap3A_1123] {strides = array<i32>} : memref<128x128xf32, #tpu.memory_space<vmem>>, vector<1x16xf32>,
        %swap3A_1125 = vector.shape_cast %swap3A_1124 : vector<1x16xf32> to vector<16xf32>
        %swap3A_1126 = vector.shape_cast %mul3A_1121 : vector<16xf32> to vector<1x16xf32>
        tpu.vector_store %arg11[%swap3A_1122, %swap3A_1123], %swap3A_1126 {strides = array<i32>} : memref<128x128xf32, #tpu.memory_space<vmem>>, vector<1x16xf32>,
        %get3A_1127 = arith.index_cast %add3A_1116 : i32 to index
        %get3A_1128 = arith.constant 16 : index
        %get3A_1129 = tpu.vector_load %arg11[%get3A_1127, %get3A_1128] {strides = array<i32>} : memref<128x128xf32, #tpu.memory_space<vmem>>, vector<1x16xf32>,
        %get3A_1130 = vector.shape_cast %get3A_1129 : vector<1x16xf32> to vector<16xf32>
        %mul3A_1131 = arith.mulf %get3A_1130, %gather3A_1112 : vector<16xf32>
        %swap3A_1132 = arith.index_cast %add3A_1116 : i32 to index
        %swap3A_1133 = arith.constant 16 : index
        %swap3A_1134 = tpu.vector_load %arg11[%swap3A_1132, %swap3A_1133] {strides = array<i32>} : memref<128x128xf32, #tpu.memory_space<vmem>>, vector<1x16xf32>,
        %swap3A_1135 = vector.shape_cast %swap3A_1134 : vector<1x16xf32> to vector<16xf32>
        %swap3A_1136 = vector.shape_cast %mul3A_1131 : vector<16xf32> to vector<1x16xf32>
        tpu.vector_store %arg11[%swap3A_1132, %swap3A_1133], %swap3A_1136 {strides = array<i32>} : memref<128x128xf32, #tpu.memory_space<vmem>>, vector<1x16xf32>,
        %get3A_1137 = arith.index_cast %add3A_1116 : i32 to index
        %get3A_1138 = arith.constant 32 : index
        %get3A_1139 = tpu.vector_load %arg11[%get3A_1137, %get3A_1138] {strides = array<i32>} : memref<128x128xf32, #tpu.memory_space<vmem>>, vector<1x16xf32>,
        %get3A_1140 = vector.shape_cast %get3A_1139 : vector<1x16xf32> to vector<16xf32>
        %mul3A_1141 = arith.mulf %get3A_1140, %gather3A_1112 : vector<16xf32>
        %swap3A_1142 = arith.index_cast %add3A_1116 : i32 to index
        %swap3A_1143 = arith.constant 32 : index
        %swap3A_1144 = tpu.vector_load %arg11[%swap3A_1142, %swap3A_1143] {strides = array<i32>} : memref<128x128xf32, #tpu.memory_space<vmem>>, vector<1x16xf32>,
        %swap3A_1145 = vector.shape_cast %swap3A_1144 : vector<1x16xf32> to vector<16xf32>
        %swap3A_1146 = vector.shape_cast %mul3A_1141 : vector<16xf32> to vector<1x16xf32>
        tpu.vector_store %arg11[%swap3A_1142, %swap3A_1143], %swap3A_1146 {strides = array<i32>} : memref<128x128xf32, #tpu.memory_space<vmem>>, vector<1x16xf32>,
        %get3A_1147 = arith.index_cast %add3A_1116 : i32 to index
        %get3A_1148 = arith.constant 48 : index
        %get3A_1149 = tpu.vector_load %arg11[%get3A_1147, %get3A_1148] {strides = array<i32>} : memref<128x128xf32, #tpu.memory_space<vmem>>, vector<1x16xf32>,
        %get3A_1150 = vector.shape_cast %get3A_1149 : vector<1x16xf32> to vector<16xf32>
        %mul3A_1151 = arith.mulf %get3A_1150, %gather3A_1112 : vector<16xf32>
        %swap3A_1152 = arith.index_cast %add3A_1116 : i32 to index
        %swap3A_1153 = arith.constant 48 : index
        %swap3A_1154 = tpu.vector_load %arg11[%swap3A_1152, %swap3A_1153] {strides = array<i32>} : memref<128x128xf32, #tpu.memory_space<vmem>>, vector<1x16xf32>,
        %swap3A_1155 = vector.shape_cast %swap3A_1154 : vector<1x16xf32> to vector<16xf32>
        %swap3A_1156 = vector.shape_cast %mul3A_1151 : vector<16xf32> to vector<1x16xf32>
        tpu.vector_store %arg11[%swap3A_1152, %swap3A_1153], %swap3A_1156 {strides = array<i32>} : memref<128x128xf32, #tpu.memory_space<vmem>>, vector<1x16xf32>,
        %get3A_1157 = arith.index_cast %add3A_1116 : i32 to index
        %get3A_1158 = arith.constant 64 : index
        %get3A_1159 = tpu.vector_load %arg11[%get3A_1157, %get3A_1158] {strides = array<i32>} : memref<128x128xf32, #tpu.memory_space<vmem>>, vector<1x16xf32>,
        %get3A_1160 = vector.shape_cast %get3A_1159 : vector<1x16xf32> to vector<16xf32>
        %mul3A_1161 = arith.mulf %get3A_1160, %gather3A_1112 : vector<16xf32>
        %swap3A_1162 = arith.index_cast %add3A_1116 : i32 to index
        %swap3A_1163 = arith.constant 64 : index
        %swap3A_1164 = tpu.vector_load %arg11[%swap3A_1162, %swap3A_1163] {strides = array<i32>} : memref<128x128xf32, #tpu.memory_space<vmem>>, vector<1x16xf32>,
        %swap3A_1165 = vector.shape_cast %swap3A_1164 : vector<1x16xf32> to vector<16xf32>
        %swap3A_1166 = vector.shape_cast %mul3A_1161 : vector<16xf32> to vector<1x16xf32>
        tpu.vector_store %arg11[%swap3A_1162, %swap3A_1163], %swap3A_1166 {strides = array<i32>} : memref<128x128xf32, #tpu.memory_space<vmem>>, vector<1x16xf32>,
        %get3A_1167 = arith.index_cast %add3A_1116 : i32 to index
        %get3A_1168 = arith.constant 80 : index
        %get3A_1169 = tpu.vector_load %arg11[%get3A_1167, %get3A_1168] {strides = array<i32>} : memref<128x128xf32, #tpu.memory_space<vmem>>, vector<1x16xf32>,
        %get3A_1170 = vector.shape_cast %get3A_1169 : vector<1x16xf32> to vector<16xf32>
        %mul3A_1171 = arith.mulf %get3A_1170, %gather3A_1112 : vector<16xf32>
        %swap3A_1172 = arith.index_cast %add3A_1116 : i32 to index
        %swap3A_1173 = arith.constant 80 : index
        %swap3A_1174 = tpu.vector_load %arg11[%swap3A_1172, %swap3A_1173] {strides = array<i32>} : memref<128x128xf32, #tpu.memory_space<vmem>>, vector<1x16xf32>,
        %swap3A_1175 = vector.shape_cast %swap3A_1174 : vector<1x16xf32> to vector<16xf32>
        %swap3A_1176 = vector.shape_cast %mul3A_1171 : vector<16xf32> to vector<1x16xf32>
        tpu.vector_store %arg11[%swap3A_1172, %swap3A_1173], %swap3A_1176 {strides = array<i32>} : memref<128x128xf32, #tpu.memory_space<vmem>>, vector<1x16xf32>,
        %get3A_1177 = arith.index_cast %add3A_1116 : i32 to index
        %get3A_1178 = arith.constant 96 : index
        %get3A_1179 = tpu.vector_load %arg11[%get3A_1177, %get3A_1178] {strides = array<i32>} : memref<128x128xf32, #tpu.memory_space<vmem>>, vector<1x16xf32>,
        %get3A_1180 = vector.shape_cast %get3A_1179 : vector<1x16xf32> to vector<16xf32>
        %mul3A_1181 = arith.mulf %get3A_1180, %gather3A_1112 : vector<16xf32>
        %swap3A_1182 = arith.index_cast %add3A_1116 : i32 to index
        %swap3A_1183 = arith.constant 96 : index
        %swap3A_1184 = tpu.vector_load %arg11[%swap3A_1182, %swap3A_1183] {strides = array<i32>} : memref<128x128xf32, #tpu.memory_space<vmem>>, vector<1x16xf32>,
        %swap3A_1185 = vector.shape_cast %swap3A_1184 : vector<1x16xf32> to vector<16xf32>
        %swap3A_1186 = vector.shape_cast %mul3A_1181 : vector<16xf32> to vector<1x16xf32>
        tpu.vector_store %arg11[%swap3A_1182, %swap3A_1183], %swap3A_1186 {strides = array<i32>} : memref<128x128xf32, #tpu.memory_space<vmem>>, vector<1x16xf32>,
        %get3A_1187 = arith.index_cast %add3A_1116 : i32 to index
        %get3A_1188 = arith.constant 112 : index
        %get3A_1189 = tpu.vector_load %arg11[%get3A_1187, %get3A_1188] {strides = array<i32>} : memref<128x128xf32, #tpu.memory_space<vmem>>, vector<1x16xf32>,
        %get3A_1190 = vector.shape_cast %get3A_1189 : vector<1x16xf32> to vector<16xf32>
        %mul3A_1191 = arith.mulf %get3A_1190, %gather3A_1112 : vector<16xf32>
        %swap3A_1192 = arith.index_cast %add3A_1116 : i32 to index
        %swap3A_1193 = arith.constant 112 : index
        %swap3A_1194 = tpu.vector_load %arg11[%swap3A_1192, %swap3A_1193] {strides = array<i32>} : memref<128x128xf32, #tpu.memory_space<vmem>>, vector<1x16xf32>,
        %swap3A_1195 = vector.shape_cast %swap3A_1194 : vector<1x16xf32> to vector<16xf32>
        %swap3A_1196 = vector.shape_cast %mul3A_1191 : vector<16xf32> to vector<1x16xf32>
        tpu.vector_store %arg11[%swap3A_1192, %swap3A_1193], %swap3A_1196 {strides = array<i32>} : memref<128x128xf32, #tpu.memory_space<vmem>>, vector<1x16xf32>,
        %broadcast_in_dim3A_1197 = arith.constant 12 : i32
        %broadcast_in_dim3A_1198 = vector.broadcast %broadcast_in_dim3A_1197 : i32 to vector<16xi32>
        %lt3A_1199 = arith.constant 0 : i32
        %lt3A_1200 = vector.broadcast %lt3A_1199 : i32 to vector<16xi32>
        %lt3A_1201 = arith.cmpi slt, %broadcast_in_dim3A_1198, %lt3A_1200 : vector<16xi32>
        %add3A_1202 = arith.constant 16 : i32
        %add3A_1203 = vector.broadcast %add3A_1202 : i32 to vector<16xi32>
        %add3A_1204 = arith.addi %broadcast_in_dim3A_1198, %add3A_1203 : vector<16xi32>
        %select_n3A_1205 = arith.select %lt3A_1201, %add3A_1204, %broadcast_in_dim3A_1198 : vector<16xi1>, vector<16xi32>
        %broadcast_in_dim3A_1206 = vector.shape_cast %select_n3A_1205 : vector<16xi32> to vector<16x1xi32>
        %gather3A_1207 = vector.shape_cast %broadcast_in_dim3A_1206 : vector<16x1xi32> to vector<16xi32>
        %gather3A_1208 = tpu.dynamic_gather %get3A_48[%gather3A_1207] in [0] : vector<16xf32>, vector<16xi32> -> vector<16xf32>
        %mul3A_1209 = arith.constant 16 : i32
        %mul3A_1210 = arith.muli %scan3A_44, %mul3A_1209 : i32
        %add3A_1211 = arith.constant 12 : i32
        %add3A_1212 = arith.addi %mul3A_1210, %add3A_1211 : i32
        %get3A_1213 = arith.index_cast %add3A_1212 : i32 to index
        %get3A_1214 = arith.constant 0 : index
        %get3A_1215 = tpu.vector_load %arg11[%get3A_1213, %get3A_1214] {strides = array<i32>} : memref<128x128xf32, #tpu.memory_space<vmem>>, vector<1x16xf32>,
        %get3A_1216 = vector.shape_cast %get3A_1215 : vector<1x16xf32> to vector<16xf32>
        %mul3A_1217 = arith.mulf %get3A_1216, %gather3A_1208 : vector<16xf32>
        %swap3A_1218 = arith.index_cast %add3A_1212 : i32 to index
        %swap3A_1219 = arith.constant 0 : index
        %swap3A_1220 = tpu.vector_load %arg11[%swap3A_1218, %swap3A_1219] {strides = array<i32>} : memref<128x128xf32, #tpu.memory_space<vmem>>, vector<1x16xf32>,
        %swap3A_1221 = vector.shape_cast %swap3A_1220 : vector<1x16xf32> to vector<16xf32>
        %swap3A_1222 = vector.shape_cast %mul3A_1217 : vector<16xf32> to vector<1x16xf32>
        tpu.vector_store %arg11[%swap3A_1218, %swap3A_1219], %swap3A_1222 {strides = array<i32>} : memref<128x128xf32, #tpu.memory_space<vmem>>, vector<1x16xf32>,
        %get3A_1223 = arith.index_cast %add3A_1212 : i32 to index
        %get3A_1224 = arith.constant 16 : index
        %get3A_1225 = tpu.vector_load %arg11[%get3A_1223, %get3A_1224] {strides = array<i32>} : memref<128x128xf32, #tpu.memory_space<vmem>>, vector<1x16xf32>,
        %get3A_1226 = vector.shape_cast %get3A_1225 : vector<1x16xf32> to vector<16xf32>
        %mul3A_1227 = arith.mulf %get3A_1226, %gather3A_1208 : vector<16xf32>
        %swap3A_1228 = arith.index_cast %add3A_1212 : i32 to index
        %swap3A_1229 = arith.constant 16 : index
        %swap3A_1230 = tpu.vector_load %arg11[%swap3A_1228, %swap3A_1229] {strides = array<i32>} : memref<128x128xf32, #tpu.memory_space<vmem>>, vector<1x16xf32>,
        %swap3A_1231 = vector.shape_cast %swap3A_1230 : vector<1x16xf32> to vector<16xf32>
        %swap3A_1232 = vector.shape_cast %mul3A_1227 : vector<16xf32> to vector<1x16xf32>
        tpu.vector_store %arg11[%swap3A_1228, %swap3A_1229], %swap3A_1232 {strides = array<i32>} : memref<128x128xf32, #tpu.memory_space<vmem>>, vector<1x16xf32>,
        %get3A_1233 = arith.index_cast %add3A_1212 : i32 to index
        %get3A_1234 = arith.constant 32 : index
        %get3A_1235 = tpu.vector_load %arg11[%get3A_1233, %get3A_1234] {strides = array<i32>} : memref<128x128xf32, #tpu.memory_space<vmem>>, vector<1x16xf32>,
        %get3A_1236 = vector.shape_cast %get3A_1235 : vector<1x16xf32> to vector<16xf32>
        %mul3A_1237 = arith.mulf %get3A_1236, %gather3A_1208 : vector<16xf32>
        %swap3A_1238 = arith.index_cast %add3A_1212 : i32 to index
        %swap3A_1239 = arith.constant 32 : index
        %swap3A_1240 = tpu.vector_load %arg11[%swap3A_1238, %swap3A_1239] {strides = array<i32>} : memref<128x128xf32, #tpu.memory_space<vmem>>, vector<1x16xf32>,
        %swap3A_1241 = vector.shape_cast %swap3A_1240 : vector<1x16xf32> to vector<16xf32>
        %swap3A_1242 = vector.shape_cast %mul3A_1237 : vector<16xf32> to vector<1x16xf32>
        tpu.vector_store %arg11[%swap3A_1238, %swap3A_1239], %swap3A_1242 {strides = array<i32>} : memref<128x128xf32, #tpu.memory_space<vmem>>, vector<1x16xf32>,
        %get3A_1243 = arith.index_cast %add3A_1212 : i32 to index
        %get3A_1244 = arith.constant 48 : index
        %get3A_1245 = tpu.vector_load %arg11[%get3A_1243, %get3A_1244] {strides = array<i32>} : memref<128x128xf32, #tpu.memory_space<vmem>>, vector<1x16xf32>,
        %get3A_1246 = vector.shape_cast %get3A_1245 : vector<1x16xf32> to vector<16xf32>
        %mul3A_1247 = arith.mulf %get3A_1246, %gather3A_1208 : vector<16xf32>
        %swap3A_1248 = arith.index_cast %add3A_1212 : i32 to index
        %swap3A_1249 = arith.constant 48 : index
        %swap3A_1250 = tpu.vector_load %arg11[%swap3A_1248, %swap3A_1249] {strides = array<i32>} : memref<128x128xf32, #tpu.memory_space<vmem>>, vector<1x16xf32>,
        %swap3A_1251 = vector.shape_cast %swap3A_1250 : vector<1x16xf32> to vector<16xf32>
        %swap3A_1252 = vector.shape_cast %mul3A_1247 : vector<16xf32> to vector<1x16xf32>
        tpu.vector_store %arg11[%swap3A_1248, %swap3A_1249], %swap3A_1252 {strides = array<i32>} : memref<128x128xf32, #tpu.memory_space<vmem>>, vector<1x16xf32>,
        %get3A_1253 = arith.index_cast %add3A_1212 : i32 to index
        %get3A_1254 = arith.constant 64 : index
        %get3A_1255 = tpu.vector_load %arg11[%get3A_1253, %get3A_1254] {strides = array<i32>} : memref<128x128xf32, #tpu.memory_space<vmem>>, vector<1x16xf32>,
        %get3A_1256 = vector.shape_cast %get3A_1255 : vector<1x16xf32> to vector<16xf32>
        %mul3A_1257 = arith.mulf %get3A_1256, %gather3A_1208 : vector<16xf32>
        %swap3A_1258 = arith.index_cast %add3A_1212 : i32 to index
        %swap3A_1259 = arith.constant 64 : index
        %swap3A_1260 = tpu.vector_load %arg11[%swap3A_1258, %swap3A_1259] {strides = array<i32>} : memref<128x128xf32, #tpu.memory_space<vmem>>, vector<1x16xf32>,
        %swap3A_1261 = vector.shape_cast %swap3A_1260 : vector<1x16xf32> to vector<16xf32>
        %swap3A_1262 = vector.shape_cast %mul3A_1257 : vector<16xf32> to vector<1x16xf32>
        tpu.vector_store %arg11[%swap3A_1258, %swap3A_1259], %swap3A_1262 {strides = array<i32>} : memref<128x128xf32, #tpu.memory_space<vmem>>, vector<1x16xf32>,
        %get3A_1263 = arith.index_cast %add3A_1212 : i32 to index
        %get3A_1264 = arith.constant 80 : index
        %get3A_1265 = tpu.vector_load %arg11[%get3A_1263, %get3A_1264] {strides = array<i32>} : memref<128x128xf32, #tpu.memory_space<vmem>>, vector<1x16xf32>,
        %get3A_1266 = vector.shape_cast %get3A_1265 : vector<1x16xf32> to vector<16xf32>
        %mul3A_1267 = arith.mulf %get3A_1266, %gather3A_1208 : vector<16xf32>
        %swap3A_1268 = arith.index_cast %add3A_1212 : i32 to index
        %swap3A_1269 = arith.constant 80 : index
        %swap3A_1270 = tpu.vector_load %arg11[%swap3A_1268, %swap3A_1269] {strides = array<i32>} : memref<128x128xf32, #tpu.memory_space<vmem>>, vector<1x16xf32>,
        %swap3A_1271 = vector.shape_cast %swap3A_1270 : vector<1x16xf32> to vector<16xf32>
        %swap3A_1272 = vector.shape_cast %mul3A_1267 : vector<16xf32> to vector<1x16xf32>
        tpu.vector_store %arg11[%swap3A_1268, %swap3A_1269], %swap3A_1272 {strides = array<i32>} : memref<128x128xf32, #tpu.memory_space<vmem>>, vector<1x16xf32>,
        %get3A_1273 = arith.index_cast %add3A_1212 : i32 to index
        %get3A_1274 = arith.constant 96 : index
        %get3A_1275 = tpu.vector_load %arg11[%get3A_1273, %get3A_1274] {strides = array<i32>} : memref<128x128xf32, #tpu.memory_space<vmem>>, vector<1x16xf32>,
        %get3A_1276 = vector.shape_cast %get3A_1275 : vector<1x16xf32> to vector<16xf32>
        %mul3A_1277 = arith.mulf %get3A_1276, %gather3A_1208 : vector<16xf32>
        %swap3A_1278 = arith.index_cast %add3A_1212 : i32 to index
        %swap3A_1279 = arith.constant 96 : index
        %swap3A_1280 = tpu.vector_load %arg11[%swap3A_1278, %swap3A_1279] {strides = array<i32>} : memref<128x128xf32, #tpu.memory_space<vmem>>, vector<1x16xf32>,
        %swap3A_1281 = vector.shape_cast %swap3A_1280 : vector<1x16xf32> to vector<16xf32>
        %swap3A_1282 = vector.shape_cast %mul3A_1277 : vector<16xf32> to vector<1x16xf32>
        tpu.vector_store %arg11[%swap3A_1278, %swap3A_1279], %swap3A_1282 {strides = array<i32>} : memref<128x128xf32, #tpu.memory_space<vmem>>, vector<1x16xf32>,
        %get3A_1283 = arith.index_cast %add3A_1212 : i32 to index
        %get3A_1284 = arith.constant 112 : index
        %get3A_1285 = tpu.vector_load %arg11[%get3A_1283, %get3A_1284] {strides = array<i32>} : memref<128x128xf32, #tpu.memory_space<vmem>>, vector<1x16xf32>,
        %get3A_1286 = vector.shape_cast %get3A_1285 : vector<1x16xf32> to vector<16xf32>
        %mul3A_1287 = arith.mulf %get3A_1286, %gather3A_1208 : vector<16xf32>
        %swap3A_1288 = arith.index_cast %add3A_1212 : i32 to index
        %swap3A_1289 = arith.constant 112 : index
        %swap3A_1290 = tpu.vector_load %arg11[%swap3A_1288, %swap3A_1289] {strides = array<i32>} : memref<128x128xf32, #tpu.memory_space<vmem>>, vector<1x16xf32>,
        %swap3A_1291 = vector.shape_cast %swap3A_1290 : vector<1x16xf32> to vector<16xf32>
        %swap3A_1292 = vector.shape_cast %mul3A_1287 : vector<16xf32> to vector<1x16xf32>
        tpu.vector_store %arg11[%swap3A_1288, %swap3A_1289], %swap3A_1292 {strides = array<i32>} : memref<128x128xf32, #tpu.memory_space<vmem>>, vector<1x16xf32>,
        %broadcast_in_dim3A_1293 = arith.constant 13 : i32
        %broadcast_in_dim3A_1294 = vector.broadcast %broadcast_in_dim3A_1293 : i32 to vector<16xi32>
        %lt3A_1295 = arith.constant 0 : i32
        %lt3A_1296 = vector.broadcast %lt3A_1295 : i32 to vector<16xi32>
        %lt3A_1297 = arith.cmpi slt, %broadcast_in_dim3A_1294, %lt3A_1296 : vector<16xi32>
        %add3A_1298 = arith.constant 16 : i32
        %add3A_1299 = vector.broadcast %add3A_1298 : i32 to vector<16xi32>
        %add3A_1300 = arith.addi %broadcast_in_dim3A_1294, %add3A_1299 : vector<16xi32>
        %select_n3A_1301 = arith.select %lt3A_1297, %add3A_1300, %broadcast_in_dim3A_1294 : vector<16xi1>, vector<16xi32>
        %broadcast_in_dim3A_1302 = vector.shape_cast %select_n3A_1301 : vector<16xi32> to vector<16x1xi32>
        %gather3A_1303 = vector.shape_cast %broadcast_in_dim3A_1302 : vector<16x1xi32> to vector<16xi32>
        %gather3A_1304 = tpu.dynamic_gather %get3A_48[%gather3A_1303] in [0] : vector<16xf32>, vector<16xi32> -> vector<16xf32>
        %mul3A_1305 = arith.constant 16 : i32
        %mul3A_1306 = arith.muli %scan3A_44, %mul3A_1305 : i32
        %add3A_1307 = arith.constant 13 : i32
        %add3A_1308 = arith.addi %mul3A_1306, %add3A_1307 : i32
        %get3A_1309 = arith.index_cast %add3A_1308 : i32 to index
        %get3A_1310 = arith.constant 0 : index
        %get3A_1311 = tpu.vector_load %arg11[%get3A_1309, %get3A_1310] {strides = array<i32>} : memref<128x128xf32, #tpu.memory_space<vmem>>, vector<1x16xf32>,
        %get3A_1312 = vector.shape_cast %get3A_1311 : vector<1x16xf32> to vector<16xf32>
        %mul3A_1313 = arith.mulf %get3A_1312, %gather3A_1304 : vector<16xf32>
        %swap3A_1314 = arith.index_cast %add3A_1308 : i32 to index
        %swap3A_1315 = arith.constant 0 : index
        %swap3A_1316 = tpu.vector_load %arg11[%swap3A_1314, %swap3A_1315] {strides = array<i32>} : memref<128x128xf32, #tpu.memory_space<vmem>>, vector<1x16xf32>,
        %swap3A_1317 = vector.shape_cast %swap3A_1316 : vector<1x16xf32> to vector<16xf32>
        %swap3A_1318 = vector.shape_cast %mul3A_1313 : vector<16xf32> to vector<1x16xf32>
        tpu.vector_store %arg11[%swap3A_1314, %swap3A_1315], %swap3A_1318 {strides = array<i32>} : memref<128x128xf32, #tpu.memory_space<vmem>>, vector<1x16xf32>,
        %get3A_1319 = arith.index_cast %add3A_1308 : i32 to index
        %get3A_1320 = arith.constant 16 : index
        %get3A_1321 = tpu.vector_load %arg11[%get3A_1319, %get3A_1320] {strides = array<i32>} : memref<128x128xf32, #tpu.memory_space<vmem>>, vector<1x16xf32>,
        %get3A_1322 = vector.shape_cast %get3A_1321 : vector<1x16xf32> to vector<16xf32>
        %mul3A_1323 = arith.mulf %get3A_1322, %gather3A_1304 : vector<16xf32>
        %swap3A_1324 = arith.index_cast %add3A_1308 : i32 to index
        %swap3A_1325 = arith.constant 16 : index
        %swap3A_1326 = tpu.vector_load %arg11[%swap3A_1324, %swap3A_1325] {strides = array<i32>} : memref<128x128xf32, #tpu.memory_space<vmem>>, vector<1x16xf32>,
        %swap3A_1327 = vector.shape_cast %swap3A_1326 : vector<1x16xf32> to vector<16xf32>
        %swap3A_1328 = vector.shape_cast %mul3A_1323 : vector<16xf32> to vector<1x16xf32>
        tpu.vector_store %arg11[%swap3A_1324, %swap3A_1325], %swap3A_1328 {strides = array<i32>} : memref<128x128xf32, #tpu.memory_space<vmem>>, vector<1x16xf32>,
        %get3A_1329 = arith.index_cast %add3A_1308 : i32 to index
        %get3A_1330 = arith.constant 32 : index
        %get3A_1331 = tpu.vector_load %arg11[%get3A_1329, %get3A_1330] {strides = array<i32>} : memref<128x128xf32, #tpu.memory_space<vmem>>, vector<1x16xf32>,
        %get3A_1332 = vector.shape_cast %get3A_1331 : vector<1x16xf32> to vector<16xf32>
        %mul3A_1333 = arith.mulf %get3A_1332, %gather3A_1304 : vector<16xf32>
        %swap3A_1334 = arith.index_cast %add3A_1308 : i32 to index
        %swap3A_1335 = arith.constant 32 : index
        %swap3A_1336 = tpu.vector_load %arg11[%swap3A_1334, %swap3A_1335] {strides = array<i32>} : memref<128x128xf32, #tpu.memory_space<vmem>>, vector<1x16xf32>,
        %swap3A_1337 = vector.shape_cast %swap3A_1336 : vector<1x16xf32> to vector<16xf32>
        %swap3A_1338 = vector.shape_cast %mul3A_1333 : vector<16xf32> to vector<1x16xf32>
        tpu.vector_store %arg11[%swap3A_1334, %swap3A_1335], %swap3A_1338 {strides = array<i32>} : memref<128x128xf32, #tpu.memory_space<vmem>>, vector<1x16xf32>,
        %get3A_1339 = arith.index_cast %add3A_1308 : i32 to index
        %get3A_1340 = arith.constant 48 : index
        %get3A_1341 = tpu.vector_load %arg11[%get3A_1339, %get3A_1340] {strides = array<i32>} : memref<128x128xf32, #tpu.memory_space<vmem>>, vector<1x16xf32>,
        %get3A_1342 = vector.shape_cast %get3A_1341 : vector<1x16xf32> to vector<16xf32>
        %mul3A_1343 = arith.mulf %get3A_1342, %gather3A_1304 : vector<16xf32>
        %swap3A_1344 = arith.index_cast %add3A_1308 : i32 to index
        %swap3A_1345 = arith.constant 48 : index
        %swap3A_1346 = tpu.vector_load %arg11[%swap3A_1344, %swap3A_1345] {strides = array<i32>} : memref<128x128xf32, #tpu.memory_space<vmem>>, vector<1x16xf32>,
        %swap3A_1347 = vector.shape_cast %swap3A_1346 : vector<1x16xf32> to vector<16xf32>
        %swap3A_1348 = vector.shape_cast %mul3A_1343 : vector<16xf32> to vector<1x16xf32>
        tpu.vector_store %arg11[%swap3A_1344, %swap3A_1345], %swap3A_1348 {strides = array<i32>} : memref<128x128xf32, #tpu.memory_space<vmem>>, vector<1x16xf32>,
        %get3A_1349 = arith.index_cast %add3A_1308 : i32 to index
        %get3A_1350 = arith.constant 64 : index
        %get3A_1351 = tpu.vector_load %arg11[%get3A_1349, %get3A_1350] {strides = array<i32>} : memref<128x128xf32, #tpu.memory_space<vmem>>, vector<1x16xf32>,
        %get3A_1352 = vector.shape_cast %get3A_1351 : vector<1x16xf32> to vector<16xf32>
        %mul3A_1353 = arith.mulf %get3A_1352, %gather3A_1304 : vector<16xf32>
        %swap3A_1354 = arith.index_cast %add3A_1308 : i32 to index
        %swap3A_1355 = arith.constant 64 : index
        %swap3A_1356 = tpu.vector_load %arg11[%swap3A_1354, %swap3A_1355] {strides = array<i32>} : memref<128x128xf32, #tpu.memory_space<vmem>>, vector<1x16xf32>,
        %swap3A_1357 = vector.shape_cast %swap3A_1356 : vector<1x16xf32> to vector<16xf32>
        %swap3A_1358 = vector.shape_cast %mul3A_1353 : vector<16xf32> to vector<1x16xf32>
        tpu.vector_store %arg11[%swap3A_1354, %swap3A_1355], %swap3A_1358 {strides = array<i32>} : memref<128x128xf32, #tpu.memory_space<vmem>>, vector<1x16xf32>,
        %get3A_1359 = arith.index_cast %add3A_1308 : i32 to index
        %get3A_1360 = arith.constant 80 : index
        %get3A_1361 = tpu.vector_load %arg11[%get3A_1359, %get3A_1360] {strides = array<i32>} : memref<128x128xf32, #tpu.memory_space<vmem>>, vector<1x16xf32>,
        %get3A_1362 = vector.shape_cast %get3A_1361 : vector<1x16xf32> to vector<16xf32>
        %mul3A_1363 = arith.mulf %get3A_1362, %gather3A_1304 : vector<16xf32>
        %swap3A_1364 = arith.index_cast %add3A_1308 : i32 to index
        %swap3A_1365 = arith.constant 80 : index
        %swap3A_1366 = tpu.vector_load %arg11[%swap3A_1364, %swap3A_1365] {strides = array<i32>} : memref<128x128xf32, #tpu.memory_space<vmem>>, vector<1x16xf32>,
        %swap3A_1367 = vector.shape_cast %swap3A_1366 : vector<1x16xf32> to vector<16xf32>
        %swap3A_1368 = vector.shape_cast %mul3A_1363 : vector<16xf32> to vector<1x16xf32>
        tpu.vector_store %arg11[%swap3A_1364, %swap3A_1365], %swap3A_1368 {strides = array<i32>} : memref<128x128xf32, #tpu.memory_space<vmem>>, vector<1x16xf32>,
        %get3A_1369 = arith.index_cast %add3A_1308 : i32 to index
        %get3A_1370 = arith.constant 96 : index
        %get3A_1371 = tpu.vector_load %arg11[%get3A_1369, %get3A_1370] {strides = array<i32>} : memref<128x128xf32, #tpu.memory_space<vmem>>, vector<1x16xf32>,
        %get3A_1372 = vector.shape_cast %get3A_1371 : vector<1x16xf32> to vector<16xf32>
        %mul3A_1373 = arith.mulf %get3A_1372, %gather3A_1304 : vector<16xf32>
        %swap3A_1374 = arith.index_cast %add3A_1308 : i32 to index
        %swap3A_1375 = arith.constant 96 : index
        %swap3A_1376 = tpu.vector_load %arg11[%swap3A_1374, %swap3A_1375] {strides = array<i32>} : memref<128x128xf32, #tpu.memory_space<vmem>>, vector<1x16xf32>,
        %swap3A_1377 = vector.shape_cast %swap3A_1376 : vector<1x16xf32> to vector<16xf32>
        %swap3A_1378 = vector.shape_cast %mul3A_1373 : vector<16xf32> to vector<1x16xf32>
        tpu.vector_store %arg11[%swap3A_1374, %swap3A_1375], %swap3A_1378 {strides = array<i32>} : memref<128x128xf32, #tpu.memory_space<vmem>>, vector<1x16xf32>,
        %get3A_1379 = arith.index_cast %add3A_1308 : i32 to index
        %get3A_1380 = arith.constant 112 : index
        %get3A_1381 = tpu.vector_load %arg11[%get3A_1379, %get3A_1380] {strides = array<i32>} : memref<128x128xf32, #tpu.memory_space<vmem>>, vector<1x16xf32>,
        %get3A_1382 = vector.shape_cast %get3A_1381 : vector<1x16xf32> to vector<16xf32>
        %mul3A_1383 = arith.mulf %get3A_1382, %gather3A_1304 : vector<16xf32>
        %swap3A_1384 = arith.index_cast %add3A_1308 : i32 to index
        %swap3A_1385 = arith.constant 112 : index
        %swap3A_1386 = tpu.vector_load %arg11[%swap3A_1384, %swap3A_1385] {strides = array<i32>} : memref<128x128xf32, #tpu.memory_space<vmem>>, vector<1x16xf32>,
        %swap3A_1387 = vector.shape_cast %swap3A_1386 : vector<1x16xf32> to vector<16xf32>
        %swap3A_1388 = vector.shape_cast %mul3A_1383 : vector<16xf32> to vector<1x16xf32>
        tpu.vector_store %arg11[%swap3A_1384, %swap3A_1385], %swap3A_1388 {strides = array<i32>} : memref<128x128xf32, #tpu.memory_space<vmem>>, vector<1x16xf32>,
        %broadcast_in_dim3A_1389 = arith.constant 14 : i32
        %broadcast_in_dim3A_1390 = vector.broadcast %broadcast_in_dim3A_1389 : i32 to vector<16xi32>
        %lt3A_1391 = arith.constant 0 : i32
        %lt3A_1392 = vector.broadcast %lt3A_1391 : i32 to vector<16xi32>
        %lt3A_1393 = arith.cmpi slt, %broadcast_in_dim3A_1390, %lt3A_1392 : vector<16xi32>
        %add3A_1394 = arith.constant 16 : i32
        %add3A_1395 = vector.broadcast %add3A_1394 : i32 to vector<16xi32>
        %add3A_1396 = arith.addi %broadcast_in_dim3A_1390, %add3A_1395 : vector<16xi32>
        %select_n3A_1397 = arith.select %lt3A_1393, %add3A_1396, %broadcast_in_dim3A_1390 : vector<16xi1>, vector<16xi32>
        %broadcast_in_dim3A_1398 = vector.shape_cast %select_n3A_1397 : vector<16xi32> to vector<16x1xi32>
        %gather3A_1399 = vector.shape_cast %broadcast_in_dim3A_1398 : vector<16x1xi32> to vector<16xi32>
        %gather3A_1400 = tpu.dynamic_gather %get3A_48[%gather3A_1399] in [0] : vector<16xf32>, vector<16xi32> -> vector<16xf32>
        %mul3A_1401 = arith.constant 16 : i32
        %mul3A_1402 = arith.muli %scan3A_44, %mul3A_1401 : i32
        %add3A_1403 = arith.constant 14 : i32
        %add3A_1404 = arith.addi %mul3A_1402, %add3A_1403 : i32
        %get3A_1405 = arith.index_cast %add3A_1404 : i32 to index
        %get3A_1406 = arith.constant 0 : index
        %get3A_1407 = tpu.vector_load %arg11[%get3A_1405, %get3A_1406] {strides = array<i32>} : memref<128x128xf32, #tpu.memory_space<vmem>>, vector<1x16xf32>,
        %get3A_1408 = vector.shape_cast %get3A_1407 : vector<1x16xf32> to vector<16xf32>
        %mul3A_1409 = arith.mulf %get3A_1408, %gather3A_1400 : vector<16xf32>
        %swap3A_1410 = arith.index_cast %add3A_1404 : i32 to index
        %swap3A_1411 = arith.constant 0 : index
        %swap3A_1412 = tpu.vector_load %arg11[%swap3A_1410, %swap3A_1411] {strides = array<i32>} : memref<128x128xf32, #tpu.memory_space<vmem>>, vector<1x16xf32>,
        %swap3A_1413 = vector.shape_cast %swap3A_1412 : vector<1x16xf32> to vector<16xf32>
        %swap3A_1414 = vector.shape_cast %mul3A_1409 : vector<16xf32> to vector<1x16xf32>
        tpu.vector_store %arg11[%swap3A_1410, %swap3A_1411], %swap3A_1414 {strides = array<i32>} : memref<128x128xf32, #tpu.memory_space<vmem>>, vector<1x16xf32>,
        %get3A_1415 = arith.index_cast %add3A_1404 : i32 to index
        %get3A_1416 = arith.constant 16 : index
        %get3A_1417 = tpu.vector_load %arg11[%get3A_1415, %get3A_1416] {strides = array<i32>} : memref<128x128xf32, #tpu.memory_space<vmem>>, vector<1x16xf32>,
        %get3A_1418 = vector.shape_cast %get3A_1417 : vector<1x16xf32> to vector<16xf32>
        %mul3A_1419 = arith.mulf %get3A_1418, %gather3A_1400 : vector<16xf32>
        %swap3A_1420 = arith.index_cast %add3A_1404 : i32 to index
        %swap3A_1421 = arith.constant 16 : index
        %swap3A_1422 = tpu.vector_load %arg11[%swap3A_1420, %swap3A_1421] {strides = array<i32>} : memref<128x128xf32, #tpu.memory_space<vmem>>, vector<1x16xf32>,
        %swap3A_1423 = vector.shape_cast %swap3A_1422 : vector<1x16xf32> to vector<16xf32>
        %swap3A_1424 = vector.shape_cast %mul3A_1419 : vector<16xf32> to vector<1x16xf32>
        tpu.vector_store %arg11[%swap3A_1420, %swap3A_1421], %swap3A_1424 {strides = array<i32>} : memref<128x128xf32, #tpu.memory_space<vmem>>, vector<1x16xf32>,
        %get3A_1425 = arith.index_cast %add3A_1404 : i32 to index
        %get3A_1426 = arith.constant 32 : index
        %get3A_1427 = tpu.vector_load %arg11[%get3A_1425, %get3A_1426] {strides = array<i32>} : memref<128x128xf32, #tpu.memory_space<vmem>>, vector<1x16xf32>,
        %get3A_1428 = vector.shape_cast %get3A_1427 : vector<1x16xf32> to vector<16xf32>
        %mul3A_1429 = arith.mulf %get3A_1428, %gather3A_1400 : vector<16xf32>
        %swap3A_1430 = arith.index_cast %add3A_1404 : i32 to index
        %swap3A_1431 = arith.constant 32 : index
        %swap3A_1432 = tpu.vector_load %arg11[%swap3A_1430, %swap3A_1431] {strides = array<i32>} : memref<128x128xf32, #tpu.memory_space<vmem>>, vector<1x16xf32>,
        %swap3A_1433 = vector.shape_cast %swap3A_1432 : vector<1x16xf32> to vector<16xf32>
        %swap3A_1434 = vector.shape_cast %mul3A_1429 : vector<16xf32> to vector<1x16xf32>
        tpu.vector_store %arg11[%swap3A_1430, %swap3A_1431], %swap3A_1434 {strides = array<i32>} : memref<128x128xf32, #tpu.memory_space<vmem>>, vector<1x16xf32>,
        %get3A_1435 = arith.index_cast %add3A_1404 : i32 to index
        %get3A_1436 = arith.constant 48 : index
        %get3A_1437 = tpu.vector_load %arg11[%get3A_1435, %get3A_1436] {strides = array<i32>} : memref<128x128xf32, #tpu.memory_space<vmem>>, vector<1x16xf32>,
        %get3A_1438 = vector.shape_cast %get3A_1437 : vector<1x16xf32> to vector<16xf32>
        %mul3A_1439 = arith.mulf %get3A_1438, %gather3A_1400 : vector<16xf32>
        %swap3A_1440 = arith.index_cast %add3A_1404 : i32 to index
        %swap3A_1441 = arith.constant 48 : index
        %swap3A_1442 = tpu.vector_load %arg11[%swap3A_1440, %swap3A_1441] {strides = array<i32>} : memref<128x128xf32, #tpu.memory_space<vmem>>, vector<1x16xf32>,
        %swap3A_1443 = vector.shape_cast %swap3A_1442 : vector<1x16xf32> to vector<16xf32>
        %swap3A_1444 = vector.shape_cast %mul3A_1439 : vector<16xf32> to vector<1x16xf32>
        tpu.vector_store %arg11[%swap3A_1440, %swap3A_1441], %swap3A_1444 {strides = array<i32>} : memref<128x128xf32, #tpu.memory_space<vmem>>, vector<1x16xf32>,
        %get3A_1445 = arith.index_cast %add3A_1404 : i32 to index
        %get3A_1446 = arith.constant 64 : index
        %get3A_1447 = tpu.vector_load %arg11[%get3A_1445, %get3A_1446] {strides = array<i32>} : memref<128x128xf32, #tpu.memory_space<vmem>>, vector<1x16xf32>,
        %get3A_1448 = vector.shape_cast %get3A_1447 : vector<1x16xf32> to vector<16xf32>
        %mul3A_1449 = arith.mulf %get3A_1448, %gather3A_1400 : vector<16xf32>
        %swap3A_1450 = arith.index_cast %add3A_1404 : i32 to index
        %swap3A_1451 = arith.constant 64 : index
        %swap3A_1452 = tpu.vector_load %arg11[%swap3A_1450, %swap3A_1451] {strides = array<i32>} : memref<128x128xf32, #tpu.memory_space<vmem>>, vector<1x16xf32>,
        %swap3A_1453 = vector.shape_cast %swap3A_1452 : vector<1x16xf32> to vector<16xf32>
        %swap3A_1454 = vector.shape_cast %mul3A_1449 : vector<16xf32> to vector<1x16xf32>
        tpu.vector_store %arg11[%swap3A_1450, %swap3A_1451], %swap3A_1454 {strides = array<i32>} : memref<128x128xf32, #tpu.memory_space<vmem>>, vector<1x16xf32>,
        %get3A_1455 = arith.index_cast %add3A_1404 : i32 to index
        %get3A_1456 = arith.constant 80 : index
        %get3A_1457 = tpu.vector_load %arg11[%get3A_1455, %get3A_1456] {strides = array<i32>} : memref<128x128xf32, #tpu.memory_space<vmem>>, vector<1x16xf32>,
        %get3A_1458 = vector.shape_cast %get3A_1457 : vector<1x16xf32> to vector<16xf32>
        %mul3A_1459 = arith.mulf %get3A_1458, %gather3A_1400 : vector<16xf32>
        %swap3A_1460 = arith.index_cast %add3A_1404 : i32 to index
        %swap3A_1461 = arith.constant 80 : index
        %swap3A_1462 = tpu.vector_load %arg11[%swap3A_1460, %swap3A_1461] {strides = array<i32>} : memref<128x128xf32, #tpu.memory_space<vmem>>, vector<1x16xf32>,
        %swap3A_1463 = vector.shape_cast %swap3A_1462 : vector<1x16xf32> to vector<16xf32>
        %swap3A_1464 = vector.shape_cast %mul3A_1459 : vector<16xf32> to vector<1x16xf32>
        tpu.vector_store %arg11[%swap3A_1460, %swap3A_1461], %swap3A_1464 {strides = array<i32>} : memref<128x128xf32, #tpu.memory_space<vmem>>, vector<1x16xf32>,
        %get3A_1465 = arith.index_cast %add3A_1404 : i32 to index
        %get3A_1466 = arith.constant 96 : index
        %get3A_1467 = tpu.vector_load %arg11[%get3A_1465, %get3A_1466] {strides = array<i32>} : memref<128x128xf32, #tpu.memory_space<vmem>>, vector<1x16xf32>,
        %get3A_1468 = vector.shape_cast %get3A_1467 : vector<1x16xf32> to vector<16xf32>
        %mul3A_1469 = arith.mulf %get3A_1468, %gather3A_1400 : vector<16xf32>
        %swap3A_1470 = arith.index_cast %add3A_1404 : i32 to index
        %swap3A_1471 = arith.constant 96 : index
        %swap3A_1472 = tpu.vector_load %arg11[%swap3A_1470, %swap3A_1471] {strides = array<i32>} : memref<128x128xf32, #tpu.memory_space<vmem>>, vector<1x16xf32>,
        %swap3A_1473 = vector.shape_cast %swap3A_1472 : vector<1x16xf32> to vector<16xf32>
        %swap3A_1474 = vector.shape_cast %mul3A_1469 : vector<16xf32> to vector<1x16xf32>
        tpu.vector_store %arg11[%swap3A_1470, %swap3A_1471], %swap3A_1474 {strides = array<i32>} : memref<128x128xf32, #tpu.memory_space<vmem>>, vector<1x16xf32>,
        %get3A_1475 = arith.index_cast %add3A_1404 : i32 to index
        %get3A_1476 = arith.constant 112 : index
        %get3A_1477 = tpu.vector_load %arg11[%get3A_1475, %get3A_1476] {strides = array<i32>} : memref<128x128xf32, #tpu.memory_space<vmem>>, vector<1x16xf32>,
        %get3A_1478 = vector.shape_cast %get3A_1477 : vector<1x16xf32> to vector<16xf32>
        %mul3A_1479 = arith.mulf %get3A_1478, %gather3A_1400 : vector<16xf32>
        %swap3A_1480 = arith.index_cast %add3A_1404 : i32 to index
        %swap3A_1481 = arith.constant 112 : index
        %swap3A_1482 = tpu.vector_load %arg11[%swap3A_1480, %swap3A_1481] {strides = array<i32>} : memref<128x128xf32, #tpu.memory_space<vmem>>, vector<1x16xf32>,
        %swap3A_1483 = vector.shape_cast %swap3A_1482 : vector<1x16xf32> to vector<16xf32>
        %swap3A_1484 = vector.shape_cast %mul3A_1479 : vector<16xf32> to vector<1x16xf32>
        tpu.vector_store %arg11[%swap3A_1480, %swap3A_1481], %swap3A_1484 {strides = array<i32>} : memref<128x128xf32, #tpu.memory_space<vmem>>, vector<1x16xf32>,
        %broadcast_in_dim3A_1485 = arith.constant 15 : i32
        %broadcast_in_dim3A_1486 = vector.broadcast %broadcast_in_dim3A_1485 : i32 to vector<16xi32>
        %lt3A_1487 = arith.constant 0 : i32
        %lt3A_1488 = vector.broadcast %lt3A_1487 : i32 to vector<16xi32>
        %lt3A_1489 = arith.cmpi slt, %broadcast_in_dim3A_1486, %lt3A_1488 : vector<16xi32>
        %add3A_1490 = arith.constant 16 : i32
        %add3A_1491 = vector.broadcast %add3A_1490 : i32 to vector<16xi32>
        %add3A_1492 = arith.addi %broadcast_in_dim3A_1486, %add3A_1491 : vector<16xi32>
        %select_n3A_1493 = arith.select %lt3A_1489, %add3A_1492, %broadcast_in_dim3A_1486 : vector<16xi1>, vector<16xi32>
        %broadcast_in_dim3A_1494 = vector.shape_cast %select_n3A_1493 : vector<16xi32> to vector<16x1xi32>
        %gather3A_1495 = vector.shape_cast %broadcast_in_dim3A_1494 : vector<16x1xi32> to vector<16xi32>
        %gather3A_1496 = tpu.dynamic_gather %get3A_48[%gather3A_1495] in [0] : vector<16xf32>, vector<16xi32> -> vector<16xf32>
        %mul3A_1497 = arith.constant 16 : i32
        %mul3A_1498 = arith.muli %scan3A_44, %mul3A_1497 : i32
        %add3A_1499 = arith.constant 15 : i32
        %add3A_1500 = arith.addi %mul3A_1498, %add3A_1499 : i32
        %get3A_1501 = arith.index_cast %add3A_1500 : i32 to index
        %get3A_1502 = arith.constant 0 : index
        %get3A_1503 = tpu.vector_load %arg11[%get3A_1501, %get3A_1502] {strides = array<i32>} : memref<128x128xf32, #tpu.memory_space<vmem>>, vector<1x16xf32>,
        %get3A_1504 = vector.shape_cast %get3A_1503 : vector<1x16xf32> to vector<16xf32>
        %mul3A_1505 = arith.mulf %get3A_1504, %gather3A_1496 : vector<16xf32>
        %swap3A_1506 = arith.index_cast %add3A_1500 : i32 to index
        %swap3A_1507 = arith.constant 0 : index
        %swap3A_1508 = tpu.vector_load %arg11[%swap3A_1506, %swap3A_1507] {strides = array<i32>} : memref<128x128xf32, #tpu.memory_space<vmem>>, vector<1x16xf32>,
        %swap3A_1509 = vector.shape_cast %swap3A_1508 : vector<1x16xf32> to vector<16xf32>
        %swap3A_1510 = vector.shape_cast %mul3A_1505 : vector<16xf32> to vector<1x16xf32>
        tpu.vector_store %arg11[%swap3A_1506, %swap3A_1507], %swap3A_1510 {strides = array<i32>} : memref<128x128xf32, #tpu.memory_space<vmem>>, vector<1x16xf32>,
        %get3A_1511 = arith.index_cast %add3A_1500 : i32 to index
        %get3A_1512 = arith.constant 16 : index
        %get3A_1513 = tpu.vector_load %arg11[%get3A_1511, %get3A_1512] {strides = array<i32>} : memref<128x128xf32, #tpu.memory_space<vmem>>, vector<1x16xf32>,
        %get3A_1514 = vector.shape_cast %get3A_1513 : vector<1x16xf32> to vector<16xf32>
        %mul3A_1515 = arith.mulf %get3A_1514, %gather3A_1496 : vector<16xf32>
        %swap3A_1516 = arith.index_cast %add3A_1500 : i32 to index
        %swap3A_1517 = arith.constant 16 : index
        %swap3A_1518 = tpu.vector_load %arg11[%swap3A_1516, %swap3A_1517] {strides = array<i32>} : memref<128x128xf32, #tpu.memory_space<vmem>>, vector<1x16xf32>,
        %swap3A_1519 = vector.shape_cast %swap3A_1518 : vector<1x16xf32> to vector<16xf32>
        %swap3A_1520 = vector.shape_cast %mul3A_1515 : vector<16xf32> to vector<1x16xf32>
        tpu.vector_store %arg11[%swap3A_1516, %swap3A_1517], %swap3A_1520 {strides = array<i32>} : memref<128x128xf32, #tpu.memory_space<vmem>>, vector<1x16xf32>,
        %get3A_1521 = arith.index_cast %add3A_1500 : i32 to index
        %get3A_1522 = arith.constant 32 : index
        %get3A_1523 = tpu.vector_load %arg11[%get3A_1521, %get3A_1522] {strides = array<i32>} : memref<128x128xf32, #tpu.memory_space<vmem>>, vector<1x16xf32>,
        %get3A_1524 = vector.shape_cast %get3A_1523 : vector<1x16xf32> to vector<16xf32>
        %mul3A_1525 = arith.mulf %get3A_1524, %gather3A_1496 : vector<16xf32>
        %swap3A_1526 = arith.index_cast %add3A_1500 : i32 to index
        %swap3A_1527 = arith.constant 32 : index
        %swap3A_1528 = tpu.vector_load %arg11[%swap3A_1526, %swap3A_1527] {strides = array<i32>} : memref<128x128xf32, #tpu.memory_space<vmem>>, vector<1x16xf32>,
        %swap3A_1529 = vector.shape_cast %swap3A_1528 : vector<1x16xf32> to vector<16xf32>
        %swap3A_1530 = vector.shape_cast %mul3A_1525 : vector<16xf32> to vector<1x16xf32>
        tpu.vector_store %arg11[%swap3A_1526, %swap3A_1527], %swap3A_1530 {strides = array<i32>} : memref<128x128xf32, #tpu.memory_space<vmem>>, vector<1x16xf32>,
        %get3A_1531 = arith.index_cast %add3A_1500 : i32 to index
        %get3A_1532 = arith.constant 48 : index
        %get3A_1533 = tpu.vector_load %arg11[%get3A_1531, %get3A_1532] {strides = array<i32>} : memref<128x128xf32, #tpu.memory_space<vmem>>, vector<1x16xf32>,
        %get3A_1534 = vector.shape_cast %get3A_1533 : vector<1x16xf32> to vector<16xf32>
        %mul3A_1535 = arith.mulf %get3A_1534, %gather3A_1496 : vector<16xf32>
        %swap3A_1536 = arith.index_cast %add3A_1500 : i32 to index
        %swap3A_1537 = arith.constant 48 : index
        %swap3A_1538 = tpu.vector_load %arg11[%swap3A_1536, %swap3A_1537] {strides = array<i32>} : memref<128x128xf32, #tpu.memory_space<vmem>>, vector<1x16xf32>,
        %swap3A_1539 = vector.shape_cast %swap3A_1538 : vector<1x16xf32> to vector<16xf32>
        %swap3A_1540 = vector.shape_cast %mul3A_1535 : vector<16xf32> to vector<1x16xf32>
        tpu.vector_store %arg11[%swap3A_1536, %swap3A_1537], %swap3A_1540 {strides = array<i32>} : memref<128x128xf32, #tpu.memory_space<vmem>>, vector<1x16xf32>,
        %get3A_1541 = arith.index_cast %add3A_1500 : i32 to index
        %get3A_1542 = arith.constant 64 : index
        %get3A_1543 = tpu.vector_load %arg11[%get3A_1541, %get3A_1542] {strides = array<i32>} : memref<128x128xf32, #tpu.memory_space<vmem>>, vector<1x16xf32>,
        %get3A_1544 = vector.shape_cast %get3A_1543 : vector<1x16xf32> to vector<16xf32>
        %mul3A_1545 = arith.mulf %get3A_1544, %gather3A_1496 : vector<16xf32>
        %swap3A_1546 = arith.index_cast %add3A_1500 : i32 to index
        %swap3A_1547 = arith.constant 64 : index
        %swap3A_1548 = tpu.vector_load %arg11[%swap3A_1546, %swap3A_1547] {strides = array<i32>} : memref<128x128xf32, #tpu.memory_space<vmem>>, vector<1x16xf32>,
        %swap3A_1549 = vector.shape_cast %swap3A_1548 : vector<1x16xf32> to vector<16xf32>
        %swap3A_1550 = vector.shape_cast %mul3A_1545 : vector<16xf32> to vector<1x16xf32>
        tpu.vector_store %arg11[%swap3A_1546, %swap3A_1547], %swap3A_1550 {strides = array<i32>} : memref<128x128xf32, #tpu.memory_space<vmem>>, vector<1x16xf32>,
        %get3A_1551 = arith.index_cast %add3A_1500 : i32 to index
        %get3A_1552 = arith.constant 80 : index
        %get3A_1553 = tpu.vector_load %arg11[%get3A_1551, %get3A_1552] {strides = array<i32>} : memref<128x128xf32, #tpu.memory_space<vmem>>, vector<1x16xf32>,
        %get3A_1554 = vector.shape_cast %get3A_1553 : vector<1x16xf32> to vector<16xf32>
        %mul3A_1555 = arith.mulf %get3A_1554, %gather3A_1496 : vector<16xf32>
        %swap3A_1556 = arith.index_cast %add3A_1500 : i32 to index
        %swap3A_1557 = arith.constant 80 : index
        %swap3A_1558 = tpu.vector_load %arg11[%swap3A_1556, %swap3A_1557] {strides = array<i32>} : memref<128x128xf32, #tpu.memory_space<vmem>>, vector<1x16xf32>,
        %swap3A_1559 = vector.shape_cast %swap3A_1558 : vector<1x16xf32> to vector<16xf32>
        %swap3A_1560 = vector.shape_cast %mul3A_1555 : vector<16xf32> to vector<1x16xf32>
        tpu.vector_store %arg11[%swap3A_1556, %swap3A_1557], %swap3A_1560 {strides = array<i32>} : memref<128x128xf32, #tpu.memory_space<vmem>>, vector<1x16xf32>,
        %get3A_1561 = arith.index_cast %add3A_1500 : i32 to index
        %get3A_1562 = arith.constant 96 : index
        %get3A_1563 = tpu.vector_load %arg11[%get3A_1561, %get3A_1562] {strides = array<i32>} : memref<128x128xf32, #tpu.memory_space<vmem>>, vector<1x16xf32>,
        %get3A_1564 = vector.shape_cast %get3A_1563 : vector<1x16xf32> to vector<16xf32>
        %mul3A_1565 = arith.mulf %get3A_1564, %gather3A_1496 : vector<16xf32>
        %swap3A_1566 = arith.index_cast %add3A_1500 : i32 to index
        %swap3A_1567 = arith.constant 96 : index
        %swap3A_1568 = tpu.vector_load %arg11[%swap3A_1566, %swap3A_1567] {strides = array<i32>} : memref<128x128xf32, #tpu.memory_space<vmem>>, vector<1x16xf32>,
        %swap3A_1569 = vector.shape_cast %swap3A_1568 : vector<1x16xf32> to vector<16xf32>
        %swap3A_1570 = vector.shape_cast %mul3A_1565 : vector<16xf32> to vector<1x16xf32>
        tpu.vector_store %arg11[%swap3A_1566, %swap3A_1567], %swap3A_1570 {strides = array<i32>} : memref<128x128xf32, #tpu.memory_space<vmem>>, vector<1x16xf32>,
        %get3A_1571 = arith.index_cast %add3A_1500 : i32 to index
        %get3A_1572 = arith.constant 112 : index
        %get3A_1573 = tpu.vector_load %arg11[%get3A_1571, %get3A_1572] {strides = array<i32>} : memref<128x128xf32, #tpu.memory_space<vmem>>, vector<1x16xf32>,
        %get3A_1574 = vector.shape_cast %get3A_1573 : vector<1x16xf32> to vector<16xf32>
        %mul3A_1575 = arith.mulf %get3A_1574, %gather3A_1496 : vector<16xf32>
        %swap3A_1576 = arith.index_cast %add3A_1500 : i32 to index
        %swap3A_1577 = arith.constant 112 : index
        %swap3A_1578 = tpu.vector_load %arg11[%swap3A_1576, %swap3A_1577] {strides = array<i32>} : memref<128x128xf32, #tpu.memory_space<vmem>>, vector<1x16xf32>,
        %swap3A_1579 = vector.shape_cast %swap3A_1578 : vector<1x16xf32> to vector<16xf32>
        %swap3A_1580 = vector.shape_cast %mul3A_1575 : vector<16xf32> to vector<1x16xf32>
        tpu.vector_store %arg11[%swap3A_1576, %swap3A_1577], %swap3A_1580 {strides = array<i32>} : memref<128x128xf32, #tpu.memory_space<vmem>>, vector<1x16xf32>,
      }
      %scan3A_43 = arith.constant 8 : i32
      "tpu.region"() ({
        %run_scoped3A = tpu.sem_alloc : memref<!tpu.dma_semaphore, #tpu.memory_space<semaphore_mem>>
        %dma_start3A_44 = arith.constant 0 : i32
        %dma_start3A_45 = arith.constant 0 : i32
        %dma_start3A_46 = tpu.memref_slice %arg12[%dma_start3A_44, %dma_start3A_45] : memref<10000x128xf32, #tpu.memory_space<vmem_shared>> -> memref<10000x128xf32, #tpu.memory_space<vmem_shared>>
        tpu.enqueue_indirect_dma source(%arg11 : memref<128x128xf32, #tpu.memory_space<vmem>>) target(%dma_start3A_46 : memref<10000x128xf32, #tpu.memory_space<vmem_shared>>) offsets(%arg9 : memref<128xi32, #tpu.memory_space<vmem>>) semaphore(%run_scoped3A : memref<!tpu.dma_semaphore, #tpu.memory_space<semaphore_mem>>) {add = true}
        %dma_wait3A_47 = arith.constant 0 : i32
        %dma_wait3A_48 = arith.constant 0 : i32
        %dma_wait3A_49 = tpu.memref_slice %arg12[%dma_wait3A_47, %dma_wait3A_48] : memref<10000x128xf32, #tpu.memory_space<vmem_shared>> -> memref<10000x128xf32, #tpu.memory_space<vmem_shared>>
        tpu.wait_indirect_dma semaphore(%run_scoped3A : memref<!tpu.dma_semaphore, #tpu.memory_space<semaphore_mem>>) src(%arg11 : memref<128x128xf32, #tpu.memory_space<vmem>>) dst(%dma_wait3A_49 : memref<10000x128xf32, #tpu.memory_space<vmem_shared>>)
        tpu.yield
      }) : () -> ()
    }
    %scan3A_11 = arith.constant 78 : i32
    %lt3A_12 = arith.constant 4 : i32
    %lt3A_13 = arith.cmpi slt, %add3A, %lt3A_12 : i32
    %convert_element_type3A_14 = arith.extui %lt3A_13 : i1 to i32
    %cond3A_15 = arith.constant 0 : i32
    %cond3A_16 = arith.cmpi ne, %convert_element_type3A_14, %cond3A_15 : i32
    scf.if %cond3A_16 {
      %add3A_28 = arith.constant 2496 : i32
      %add3A_29 = arith.addi %add3A_28, %add3A : i32
      %mul3A_30 = arith.constant 128 : i32
      %mul3A_31 = arith.muli %add3A_29, %mul3A_30 : i32
      "tpu.region"() ({
        %run_scoped3A = tpu.sem_alloc : memref<!tpu.dma_semaphore, #tpu.memory_space<semaphore_mem>>
        %dma_start3A_42 = tpu.memref_slice %arg3[%mul3A_31] : memref<320000xi32, #tpu.memory_space<hbm>> -> memref<128xi32, #tpu.memory_space<hbm>>
        %dma_start3A_43 = tpu.memref_slice %arg3[%mul3A_31] : memref<320000xi32, #tpu.memory_space<hbm>> -> memref<128xi32, #tpu.memory_space<hbm>>
        tpu.enqueue_dma source(%dma_start3A_43 : memref<128xi32, #tpu.memory_space<hbm>>) target(%arg8 : memref<128xi32, #tpu.memory_space<vmem>>) target_semaphore(%run_scoped3A : memref<!tpu.dma_semaphore, #tpu.memory_space<semaphore_mem>>)
        %dma_wait3A_44 = tpu.memref_slice %arg3[%mul3A_31] : memref<320000xi32, #tpu.memory_space<hbm>> -> memref<128xi32, #tpu.memory_space<hbm>>
        %dma_wait3A_45 = tpu.memref_slice %arg3[%mul3A_31] : memref<320000xi32, #tpu.memory_space<hbm>> -> memref<128xi32, #tpu.memory_space<hbm>>
        tpu.wait_dma2 semaphore(%run_scoped3A : memref<!tpu.dma_semaphore, #tpu.memory_space<semaphore_mem>>) src(%dma_wait3A_45 : memref<128xi32, #tpu.memory_space<hbm>>) dst(%arg8 : memref<128xi32, #tpu.memory_space<vmem>>)
        tpu.yield
      }) : () -> ()
      "tpu.region"() ({
        %run_scoped3A = tpu.sem_alloc : memref<!tpu.dma_semaphore, #tpu.memory_space<semaphore_mem>>
        %dma_start3A_42 = tpu.memref_slice %arg4[%mul3A_31] : memref<320000xi32, #tpu.memory_space<hbm>> -> memref<128xi32, #tpu.memory_space<hbm>>
        %dma_start3A_43 = tpu.memref_slice %arg4[%mul3A_31] : memref<320000xi32, #tpu.memory_space<hbm>> -> memref<128xi32, #tpu.memory_space<hbm>>
        tpu.enqueue_dma source(%dma_start3A_43 : memref<128xi32, #tpu.memory_space<hbm>>) target(%arg9 : memref<128xi32, #tpu.memory_space<vmem>>) target_semaphore(%run_scoped3A : memref<!tpu.dma_semaphore, #tpu.memory_space<semaphore_mem>>)
        %dma_wait3A_44 = tpu.memref_slice %arg4[%mul3A_31] : memref<320000xi32, #tpu.memory_space<hbm>> -> memref<128xi32, #tpu.memory_space<hbm>>
        %dma_wait3A_45 = tpu.memref_slice %arg4[%mul3A_31] : memref<320000xi32, #tpu.memory_space<hbm>> -> memref<128xi32, #tpu.memory_space<hbm>>
        tpu.wait_dma2 semaphore(%run_scoped3A : memref<!tpu.dma_semaphore, #tpu.memory_space<semaphore_mem>>) src(%dma_wait3A_45 : memref<128xi32, #tpu.memory_space<hbm>>) dst(%arg9 : memref<128xi32, #tpu.memory_space<vmem>>)
        tpu.yield
      }) : () -> ()
      "tpu.region"() ({
        %run_scoped3A = tpu.sem_alloc : memref<!tpu.dma_semaphore, #tpu.memory_space<semaphore_mem>>
        %dma_start3A_42 = tpu.memref_slice %arg5[%mul3A_31] : memref<320000xf32, #tpu.memory_space<hbm>> -> memref<128xf32, #tpu.memory_space<hbm>>
        %dma_start3A_43 = tpu.memref_slice %arg5[%mul3A_31] : memref<320000xf32, #tpu.memory_space<hbm>> -> memref<128xf32, #tpu.memory_space<hbm>>
        tpu.enqueue_dma source(%dma_start3A_43 : memref<128xf32, #tpu.memory_space<hbm>>) target(%arg10 : memref<128xf32, #tpu.memory_space<vmem>>) target_semaphore(%run_scoped3A : memref<!tpu.dma_semaphore, #tpu.memory_space<semaphore_mem>>)
        %dma_wait3A_44 = tpu.memref_slice %arg5[%mul3A_31] : memref<320000xf32, #tpu.memory_space<hbm>> -> memref<128xf32, #tpu.memory_space<hbm>>
        %dma_wait3A_45 = tpu.memref_slice %arg5[%mul3A_31] : memref<320000xf32, #tpu.memory_space<hbm>> -> memref<128xf32, #tpu.memory_space<hbm>>
        tpu.wait_dma2 semaphore(%run_scoped3A : memref<!tpu.dma_semaphore, #tpu.memory_space<semaphore_mem>>) src(%dma_wait3A_45 : memref<128xf32, #tpu.memory_space<hbm>>) dst(%arg10 : memref<128xf32, #tpu.memory_space<vmem>>)
        tpu.yield
      }) : () -> ()
      %dma_start3A = arith.constant 0 : i32
      %dma_start3A_32 = arith.constant 0 : i32
      %dma_start3A_33 = tpu.memref_slice %arg2[%dma_start3A, %dma_start3A_32] : memref<10000x128xf32, #tpu.memory_space<hbm>> -> memref<10000x128xf32, #tpu.memory_space<hbm>>
      tpu.enqueue_indirect_dma source(%dma_start3A_33 : memref<10000x128xf32, #tpu.memory_space<hbm>>) target(%arg11 : memref<128x128xf32, #tpu.memory_space<vmem>>) offsets(%arg8 : memref<128xi32, #tpu.memory_space<vmem>>) semaphore(%arg13 : memref<!tpu.dma_semaphore, #tpu.memory_space<semaphore_mem>>)
      %dma_wait3A = arith.constant 0 : i32
      %dma_wait3A_34 = arith.constant 0 : i32
      %dma_wait3A_35 = tpu.memref_slice %arg2[%dma_wait3A, %dma_wait3A_34] : memref<10000x128xf32, #tpu.memory_space<hbm>> -> memref<10000x128xf32, #tpu.memory_space<hbm>>
      tpu.wait_indirect_dma semaphore(%arg13 : memref<!tpu.dma_semaphore, #tpu.memory_space<semaphore_mem>>) src(%dma_wait3A_35 : memref<10000x128xf32, #tpu.memory_space<hbm>>) dst(%arg11 : memref<128x128xf32, #tpu.memory_space<vmem>>)
      %scan3A_36 = arith.constant 0 : i32
      %scan3A_37 = arith.constant 0 : i32
      %scan3A_38 = arith.constant 8 : i32
      %scan3A_39 = arith.addi %scan3A_37, %scan3A_38 : i32
      %scan3A_40 = arith.constant 1 : i32
      scf.for %scan3A_42 = %scan3A_37 to %scan3A_39 step %scan3A_40  : i32 {
        %mul3A_43 = arith.constant 16 : i32
        %mul3A_44 = arith.muli %scan3A_42, %mul3A_43 : i32
        %get3A = arith.index_cast %mul3A_44 : i32 to index
        %get3A_45 = tpu.vector_load %arg10[%get3A] {strides = array<i32>} : memref<128xf32, #tpu.memory_space<vmem>>, vector<16xf32>,
        %get3A_46 = vector.shape_cast %get3A_45 : vector<16xf32> to vector<16xf32>
        %broadcast_in_dim3A = arith.constant 0 : i32
        %broadcast_in_dim3A_47 = vector.broadcast %broadcast_in_dim3A : i32 to vector<16xi32>
        %lt3A_48 = arith.constant 0 : i32
        %lt3A_49 = vector.broadcast %lt3A_48 : i32 to vector<16xi32>
        %lt3A_50 = arith.cmpi slt, %broadcast_in_dim3A_47, %lt3A_49 : vector<16xi32>
        %add3A_51 = arith.constant 16 : i32
        %add3A_52 = vector.broadcast %add3A_51 : i32 to vector<16xi32>
        %add3A_53 = arith.addi %broadcast_in_dim3A_47, %add3A_52 : vector<16xi32>
        %select_n3A = arith.select %lt3A_50, %add3A_53, %broadcast_in_dim3A_47 : vector<16xi1>, vector<16xi32>
        %broadcast_in_dim3A_54 = vector.shape_cast %select_n3A : vector<16xi32> to vector<16x1xi32>
        %gather3A = vector.shape_cast %broadcast_in_dim3A_54 : vector<16x1xi32> to vector<16xi32>
        %gather3A_55 = tpu.dynamic_gather %get3A_46[%gather3A] in [0] : vector<16xf32>, vector<16xi32> -> vector<16xf32>
        %mul3A_56 = arith.constant 16 : i32
        %mul3A_57 = arith.muli %scan3A_42, %mul3A_56 : i32
        %add3A_58 = arith.constant 0 : i32
        %add3A_59 = arith.addi %mul3A_57, %add3A_58 : i32
        %get3A_60 = arith.index_cast %add3A_59 : i32 to index
        %get3A_61 = arith.constant 0 : index
        %get3A_62 = tpu.vector_load %arg11[%get3A_60, %get3A_61] {strides = array<i32>} : memref<128x128xf32, #tpu.memory_space<vmem>>, vector<1x16xf32>,
        %get3A_63 = vector.shape_cast %get3A_62 : vector<1x16xf32> to vector<16xf32>
        %mul3A_64 = arith.mulf %get3A_63, %gather3A_55 : vector<16xf32>
        %swap3A = arith.index_cast %add3A_59 : i32 to index
        %swap3A_65 = arith.constant 0 : index
        %swap3A_66 = tpu.vector_load %arg11[%swap3A, %swap3A_65] {strides = array<i32>} : memref<128x128xf32, #tpu.memory_space<vmem>>, vector<1x16xf32>,
        %swap3A_67 = vector.shape_cast %swap3A_66 : vector<1x16xf32> to vector<16xf32>
        %swap3A_68 = vector.shape_cast %mul3A_64 : vector<16xf32> to vector<1x16xf32>
        tpu.vector_store %arg11[%swap3A, %swap3A_65], %swap3A_68 {strides = array<i32>} : memref<128x128xf32, #tpu.memory_space<vmem>>, vector<1x16xf32>,
        %get3A_69 = arith.index_cast %add3A_59 : i32 to index
        %get3A_70 = arith.constant 16 : index
        %get3A_71 = tpu.vector_load %arg11[%get3A_69, %get3A_70] {strides = array<i32>} : memref<128x128xf32, #tpu.memory_space<vmem>>, vector<1x16xf32>,
        %get3A_72 = vector.shape_cast %get3A_71 : vector<1x16xf32> to vector<16xf32>
        %mul3A_73 = arith.mulf %get3A_72, %gather3A_55 : vector<16xf32>
        %swap3A_74 = arith.index_cast %add3A_59 : i32 to index
        %swap3A_75 = arith.constant 16 : index
        %swap3A_76 = tpu.vector_load %arg11[%swap3A_74, %swap3A_75] {strides = array<i32>} : memref<128x128xf32, #tpu.memory_space<vmem>>, vector<1x16xf32>,
        %swap3A_77 = vector.shape_cast %swap3A_76 : vector<1x16xf32> to vector<16xf32>
        %swap3A_78 = vector.shape_cast %mul3A_73 : vector<16xf32> to vector<1x16xf32>
        tpu.vector_store %arg11[%swap3A_74, %swap3A_75], %swap3A_78 {strides = array<i32>} : memref<128x128xf32, #tpu.memory_space<vmem>>, vector<1x16xf32>,
        %get3A_79 = arith.index_cast %add3A_59 : i32 to index
        %get3A_80 = arith.constant 32 : index
        %get3A_81 = tpu.vector_load %arg11[%get3A_79, %get3A_80] {strides = array<i32>} : memref<128x128xf32, #tpu.memory_space<vmem>>, vector<1x16xf32>,
        %get3A_82 = vector.shape_cast %get3A_81 : vector<1x16xf32> to vector<16xf32>
        %mul3A_83 = arith.mulf %get3A_82, %gather3A_55 : vector<16xf32>
        %swap3A_84 = arith.index_cast %add3A_59 : i32 to index
        %swap3A_85 = arith.constant 32 : index
        %swap3A_86 = tpu.vector_load %arg11[%swap3A_84, %swap3A_85] {strides = array<i32>} : memref<128x128xf32, #tpu.memory_space<vmem>>, vector<1x16xf32>,
        %swap3A_87 = vector.shape_cast %swap3A_86 : vector<1x16xf32> to vector<16xf32>
        %swap3A_88 = vector.shape_cast %mul3A_83 : vector<16xf32> to vector<1x16xf32>
        tpu.vector_store %arg11[%swap3A_84, %swap3A_85], %swap3A_88 {strides = array<i32>} : memref<128x128xf32, #tpu.memory_space<vmem>>, vector<1x16xf32>,
        %get3A_89 = arith.index_cast %add3A_59 : i32 to index
        %get3A_90 = arith.constant 48 : index
        %get3A_91 = tpu.vector_load %arg11[%get3A_89, %get3A_90] {strides = array<i32>} : memref<128x128xf32, #tpu.memory_space<vmem>>, vector<1x16xf32>,
        %get3A_92 = vector.shape_cast %get3A_91 : vector<1x16xf32> to vector<16xf32>
        %mul3A_93 = arith.mulf %get3A_92, %gather3A_55 : vector<16xf32>
        %swap3A_94 = arith.index_cast %add3A_59 : i32 to index
        %swap3A_95 = arith.constant 48 : index
        %swap3A_96 = tpu.vector_load %arg11[%swap3A_94, %swap3A_95] {strides = array<i32>} : memref<128x128xf32, #tpu.memory_space<vmem>>, vector<1x16xf32>,
        %swap3A_97 = vector.shape_cast %swap3A_96 : vector<1x16xf32> to vector<16xf32>
        %swap3A_98 = vector.shape_cast %mul3A_93 : vector<16xf32> to vector<1x16xf32>
        tpu.vector_store %arg11[%swap3A_94, %swap3A_95], %swap3A_98 {strides = array<i32>} : memref<128x128xf32, #tpu.memory_space<vmem>>, vector<1x16xf32>,
        %get3A_99 = arith.index_cast %add3A_59 : i32 to index
        %get3A_100 = arith.constant 64 : index
        %get3A_101 = tpu.vector_load %arg11[%get3A_99, %get3A_100] {strides = array<i32>} : memref<128x128xf32, #tpu.memory_space<vmem>>, vector<1x16xf32>,
        %get3A_102 = vector.shape_cast %get3A_101 : vector<1x16xf32> to vector<16xf32>
        %mul3A_103 = arith.mulf %get3A_102, %gather3A_55 : vector<16xf32>
        %swap3A_104 = arith.index_cast %add3A_59 : i32 to index
        %swap3A_105 = arith.constant 64 : index
        %swap3A_106 = tpu.vector_load %arg11[%swap3A_104, %swap3A_105] {strides = array<i32>} : memref<128x128xf32, #tpu.memory_space<vmem>>, vector<1x16xf32>,
        %swap3A_107 = vector.shape_cast %swap3A_106 : vector<1x16xf32> to vector<16xf32>
        %swap3A_108 = vector.shape_cast %mul3A_103 : vector<16xf32> to vector<1x16xf32>
        tpu.vector_store %arg11[%swap3A_104, %swap3A_105], %swap3A_108 {strides = array<i32>} : memref<128x128xf32, #tpu.memory_space<vmem>>, vector<1x16xf32>,
        %get3A_109 = arith.index_cast %add3A_59 : i32 to index
        %get3A_110 = arith.constant 80 : index
        %get3A_111 = tpu.vector_load %arg11[%get3A_109, %get3A_110] {strides = array<i32>} : memref<128x128xf32, #tpu.memory_space<vmem>>, vector<1x16xf32>,
        %get3A_112 = vector.shape_cast %get3A_111 : vector<1x16xf32> to vector<16xf32>
        %mul3A_113 = arith.mulf %get3A_112, %gather3A_55 : vector<16xf32>
        %swap3A_114 = arith.index_cast %add3A_59 : i32 to index
        %swap3A_115 = arith.constant 80 : index
        %swap3A_116 = tpu.vector_load %arg11[%swap3A_114, %swap3A_115] {strides = array<i32>} : memref<128x128xf32, #tpu.memory_space<vmem>>, vector<1x16xf32>,
        %swap3A_117 = vector.shape_cast %swap3A_116 : vector<1x16xf32> to vector<16xf32>
        %swap3A_118 = vector.shape_cast %mul3A_113 : vector<16xf32> to vector<1x16xf32>
        tpu.vector_store %arg11[%swap3A_114, %swap3A_115], %swap3A_118 {strides = array<i32>} : memref<128x128xf32, #tpu.memory_space<vmem>>, vector<1x16xf32>,
        %get3A_119 = arith.index_cast %add3A_59 : i32 to index
        %get3A_120 = arith.constant 96 : index
        %get3A_121 = tpu.vector_load %arg11[%get3A_119, %get3A_120] {strides = array<i32>} : memref<128x128xf32, #tpu.memory_space<vmem>>, vector<1x16xf32>,
        %get3A_122 = vector.shape_cast %get3A_121 : vector<1x16xf32> to vector<16xf32>
        %mul3A_123 = arith.mulf %get3A_122, %gather3A_55 : vector<16xf32>
        %swap3A_124 = arith.index_cast %add3A_59 : i32 to index
        %swap3A_125 = arith.constant 96 : index
        %swap3A_126 = tpu.vector_load %arg11[%swap3A_124, %swap3A_125] {strides = array<i32>} : memref<128x128xf32, #tpu.memory_space<vmem>>, vector<1x16xf32>,
        %swap3A_127 = vector.shape_cast %swap3A_126 : vector<1x16xf32> to vector<16xf32>
        %swap3A_128 = vector.shape_cast %mul3A_123 : vector<16xf32> to vector<1x16xf32>
        tpu.vector_store %arg11[%swap3A_124, %swap3A_125], %swap3A_128 {strides = array<i32>} : memref<128x128xf32, #tpu.memory_space<vmem>>, vector<1x16xf32>,
        %get3A_129 = arith.index_cast %add3A_59 : i32 to index
        %get3A_130 = arith.constant 112 : index
        %get3A_131 = tpu.vector_load %arg11[%get3A_129, %get3A_130] {strides = array<i32>} : memref<128x128xf32, #tpu.memory_space<vmem>>, vector<1x16xf32>,
        %get3A_132 = vector.shape_cast %get3A_131 : vector<1x16xf32> to vector<16xf32>
        %mul3A_133 = arith.mulf %get3A_132, %gather3A_55 : vector<16xf32>
        %swap3A_134 = arith.index_cast %add3A_59 : i32 to index
        %swap3A_135 = arith.constant 112 : index
        %swap3A_136 = tpu.vector_load %arg11[%swap3A_134, %swap3A_135] {strides = array<i32>} : memref<128x128xf32, #tpu.memory_space<vmem>>, vector<1x16xf32>,
        %swap3A_137 = vector.shape_cast %swap3A_136 : vector<1x16xf32> to vector<16xf32>
        %swap3A_138 = vector.shape_cast %mul3A_133 : vector<16xf32> to vector<1x16xf32>
        tpu.vector_store %arg11[%swap3A_134, %swap3A_135], %swap3A_138 {strides = array<i32>} : memref<128x128xf32, #tpu.memory_space<vmem>>, vector<1x16xf32>,
        %broadcast_in_dim3A_139 = arith.constant 1 : i32
        %broadcast_in_dim3A_140 = vector.broadcast %broadcast_in_dim3A_139 : i32 to vector<16xi32>
        %lt3A_141 = arith.constant 0 : i32
        %lt3A_142 = vector.broadcast %lt3A_141 : i32 to vector<16xi32>
        %lt3A_143 = arith.cmpi slt, %broadcast_in_dim3A_140, %lt3A_142 : vector<16xi32>
        %add3A_144 = arith.constant 16 : i32
        %add3A_145 = vector.broadcast %add3A_144 : i32 to vector<16xi32>
        %add3A_146 = arith.addi %broadcast_in_dim3A_140, %add3A_145 : vector<16xi32>
        %select_n3A_147 = arith.select %lt3A_143, %add3A_146, %broadcast_in_dim3A_140 : vector<16xi1>, vector<16xi32>
        %broadcast_in_dim3A_148 = vector.shape_cast %select_n3A_147 : vector<16xi32> to vector<16x1xi32>
        %gather3A_149 = vector.shape_cast %broadcast_in_dim3A_148 : vector<16x1xi32> to vector<16xi32>
        %gather3A_150 = tpu.dynamic_gather %get3A_46[%gather3A_149] in [0] : vector<16xf32>, vector<16xi32> -> vector<16xf32>
        %mul3A_151 = arith.constant 16 : i32
        %mul3A_152 = arith.muli %scan3A_42, %mul3A_151 : i32
        %add3A_153 = arith.constant 1 : i32
        %add3A_154 = arith.addi %mul3A_152, %add3A_153 : i32
        %get3A_155 = arith.index_cast %add3A_154 : i32 to index
        %get3A_156 = arith.constant 0 : index
        %get3A_157 = tpu.vector_load %arg11[%get3A_155, %get3A_156] {strides = array<i32>} : memref<128x128xf32, #tpu.memory_space<vmem>>, vector<1x16xf32>,
        %get3A_158 = vector.shape_cast %get3A_157 : vector<1x16xf32> to vector<16xf32>
        %mul3A_159 = arith.mulf %get3A_158, %gather3A_150 : vector<16xf32>
        %swap3A_160 = arith.index_cast %add3A_154 : i32 to index
        %swap3A_161 = arith.constant 0 : index
        %swap3A_162 = tpu.vector_load %arg11[%swap3A_160, %swap3A_161] {strides = array<i32>} : memref<128x128xf32, #tpu.memory_space<vmem>>, vector<1x16xf32>,
        %swap3A_163 = vector.shape_cast %swap3A_162 : vector<1x16xf32> to vector<16xf32>
        %swap3A_164 = vector.shape_cast %mul3A_159 : vector<16xf32> to vector<1x16xf32>
        tpu.vector_store %arg11[%swap3A_160, %swap3A_161], %swap3A_164 {strides = array<i32>} : memref<128x128xf32, #tpu.memory_space<vmem>>, vector<1x16xf32>,
        %get3A_165 = arith.index_cast %add3A_154 : i32 to index
        %get3A_166 = arith.constant 16 : index
        %get3A_167 = tpu.vector_load %arg11[%get3A_165, %get3A_166] {strides = array<i32>} : memref<128x128xf32, #tpu.memory_space<vmem>>, vector<1x16xf32>,
        %get3A_168 = vector.shape_cast %get3A_167 : vector<1x16xf32> to vector<16xf32>
        %mul3A_169 = arith.mulf %get3A_168, %gather3A_150 : vector<16xf32>
        %swap3A_170 = arith.index_cast %add3A_154 : i32 to index
        %swap3A_171 = arith.constant 16 : index
        %swap3A_172 = tpu.vector_load %arg11[%swap3A_170, %swap3A_171] {strides = array<i32>} : memref<128x128xf32, #tpu.memory_space<vmem>>, vector<1x16xf32>,
        %swap3A_173 = vector.shape_cast %swap3A_172 : vector<1x16xf32> to vector<16xf32>
        %swap3A_174 = vector.shape_cast %mul3A_169 : vector<16xf32> to vector<1x16xf32>
        tpu.vector_store %arg11[%swap3A_170, %swap3A_171], %swap3A_174 {strides = array<i32>} : memref<128x128xf32, #tpu.memory_space<vmem>>, vector<1x16xf32>,
        %get3A_175 = arith.index_cast %add3A_154 : i32 to index
        %get3A_176 = arith.constant 32 : index
        %get3A_177 = tpu.vector_load %arg11[%get3A_175, %get3A_176] {strides = array<i32>} : memref<128x128xf32, #tpu.memory_space<vmem>>, vector<1x16xf32>,
        %get3A_178 = vector.shape_cast %get3A_177 : vector<1x16xf32> to vector<16xf32>
        %mul3A_179 = arith.mulf %get3A_178, %gather3A_150 : vector<16xf32>
        %swap3A_180 = arith.index_cast %add3A_154 : i32 to index
        %swap3A_181 = arith.constant 32 : index
        %swap3A_182 = tpu.vector_load %arg11[%swap3A_180, %swap3A_181] {strides = array<i32>} : memref<128x128xf32, #tpu.memory_space<vmem>>, vector<1x16xf32>,
        %swap3A_183 = vector.shape_cast %swap3A_182 : vector<1x16xf32> to vector<16xf32>
        %swap3A_184 = vector.shape_cast %mul3A_179 : vector<16xf32> to vector<1x16xf32>
        tpu.vector_store %arg11[%swap3A_180, %swap3A_181], %swap3A_184 {strides = array<i32>} : memref<128x128xf32, #tpu.memory_space<vmem>>, vector<1x16xf32>,
        %get3A_185 = arith.index_cast %add3A_154 : i32 to index
        %get3A_186 = arith.constant 48 : index
        %get3A_187 = tpu.vector_load %arg11[%get3A_185, %get3A_186] {strides = array<i32>} : memref<128x128xf32, #tpu.memory_space<vmem>>, vector<1x16xf32>,
        %get3A_188 = vector.shape_cast %get3A_187 : vector<1x16xf32> to vector<16xf32>
        %mul3A_189 = arith.mulf %get3A_188, %gather3A_150 : vector<16xf32>
        %swap3A_190 = arith.index_cast %add3A_154 : i32 to index
        %swap3A_191 = arith.constant 48 : index
        %swap3A_192 = tpu.vector_load %arg11[%swap3A_190, %swap3A_191] {strides = array<i32>} : memref<128x128xf32, #tpu.memory_space<vmem>>, vector<1x16xf32>,
        %swap3A_193 = vector.shape_cast %swap3A_192 : vector<1x16xf32> to vector<16xf32>
        %swap3A_194 = vector.shape_cast %mul3A_189 : vector<16xf32> to vector<1x16xf32>
        tpu.vector_store %arg11[%swap3A_190, %swap3A_191], %swap3A_194 {strides = array<i32>} : memref<128x128xf32, #tpu.memory_space<vmem>>, vector<1x16xf32>,
        %get3A_195 = arith.index_cast %add3A_154 : i32 to index
        %get3A_196 = arith.constant 64 : index
        %get3A_197 = tpu.vector_load %arg11[%get3A_195, %get3A_196] {strides = array<i32>} : memref<128x128xf32, #tpu.memory_space<vmem>>, vector<1x16xf32>,
        %get3A_198 = vector.shape_cast %get3A_197 : vector<1x16xf32> to vector<16xf32>
        %mul3A_199 = arith.mulf %get3A_198, %gather3A_150 : vector<16xf32>
        %swap3A_200 = arith.index_cast %add3A_154 : i32 to index
        %swap3A_201 = arith.constant 64 : index
        %swap3A_202 = tpu.vector_load %arg11[%swap3A_200, %swap3A_201] {strides = array<i32>} : memref<128x128xf32, #tpu.memory_space<vmem>>, vector<1x16xf32>,
        %swap3A_203 = vector.shape_cast %swap3A_202 : vector<1x16xf32> to vector<16xf32>
        %swap3A_204 = vector.shape_cast %mul3A_199 : vector<16xf32> to vector<1x16xf32>
        tpu.vector_store %arg11[%swap3A_200, %swap3A_201], %swap3A_204 {strides = array<i32>} : memref<128x128xf32, #tpu.memory_space<vmem>>, vector<1x16xf32>,
        %get3A_205 = arith.index_cast %add3A_154 : i32 to index
        %get3A_206 = arith.constant 80 : index
        %get3A_207 = tpu.vector_load %arg11[%get3A_205, %get3A_206] {strides = array<i32>} : memref<128x128xf32, #tpu.memory_space<vmem>>, vector<1x16xf32>,
        %get3A_208 = vector.shape_cast %get3A_207 : vector<1x16xf32> to vector<16xf32>
        %mul3A_209 = arith.mulf %get3A_208, %gather3A_150 : vector<16xf32>
        %swap3A_210 = arith.index_cast %add3A_154 : i32 to index
        %swap3A_211 = arith.constant 80 : index
        %swap3A_212 = tpu.vector_load %arg11[%swap3A_210, %swap3A_211] {strides = array<i32>} : memref<128x128xf32, #tpu.memory_space<vmem>>, vector<1x16xf32>,
        %swap3A_213 = vector.shape_cast %swap3A_212 : vector<1x16xf32> to vector<16xf32>
        %swap3A_214 = vector.shape_cast %mul3A_209 : vector<16xf32> to vector<1x16xf32>
        tpu.vector_store %arg11[%swap3A_210, %swap3A_211], %swap3A_214 {strides = array<i32>} : memref<128x128xf32, #tpu.memory_space<vmem>>, vector<1x16xf32>,
        %get3A_215 = arith.index_cast %add3A_154 : i32 to index
        %get3A_216 = arith.constant 96 : index
        %get3A_217 = tpu.vector_load %arg11[%get3A_215, %get3A_216] {strides = array<i32>} : memref<128x128xf32, #tpu.memory_space<vmem>>, vector<1x16xf32>,
        %get3A_218 = vector.shape_cast %get3A_217 : vector<1x16xf32> to vector<16xf32>
        %mul3A_219 = arith.mulf %get3A_218, %gather3A_150 : vector<16xf32>
        %swap3A_220 = arith.index_cast %add3A_154 : i32 to index
        %swap3A_221 = arith.constant 96 : index
        %swap3A_222 = tpu.vector_load %arg11[%swap3A_220, %swap3A_221] {strides = array<i32>} : memref<128x128xf32, #tpu.memory_space<vmem>>, vector<1x16xf32>,
        %swap3A_223 = vector.shape_cast %swap3A_222 : vector<1x16xf32> to vector<16xf32>
        %swap3A_224 = vector.shape_cast %mul3A_219 : vector<16xf32> to vector<1x16xf32>
        tpu.vector_store %arg11[%swap3A_220, %swap3A_221], %swap3A_224 {strides = array<i32>} : memref<128x128xf32, #tpu.memory_space<vmem>>, vector<1x16xf32>,
        %get3A_225 = arith.index_cast %add3A_154 : i32 to index
        %get3A_226 = arith.constant 112 : index
        %get3A_227 = tpu.vector_load %arg11[%get3A_225, %get3A_226] {strides = array<i32>} : memref<128x128xf32, #tpu.memory_space<vmem>>, vector<1x16xf32>,
        %get3A_228 = vector.shape_cast %get3A_227 : vector<1x16xf32> to vector<16xf32>
        %mul3A_229 = arith.mulf %get3A_228, %gather3A_150 : vector<16xf32>
        %swap3A_230 = arith.index_cast %add3A_154 : i32 to index
        %swap3A_231 = arith.constant 112 : index
        %swap3A_232 = tpu.vector_load %arg11[%swap3A_230, %swap3A_231] {strides = array<i32>} : memref<128x128xf32, #tpu.memory_space<vmem>>, vector<1x16xf32>,
        %swap3A_233 = vector.shape_cast %swap3A_232 : vector<1x16xf32> to vector<16xf32>
        %swap3A_234 = vector.shape_cast %mul3A_229 : vector<16xf32> to vector<1x16xf32>
        tpu.vector_store %arg11[%swap3A_230, %swap3A_231], %swap3A_234 {strides = array<i32>} : memref<128x128xf32, #tpu.memory_space<vmem>>, vector<1x16xf32>,
        %broadcast_in_dim3A_235 = arith.constant 2 : i32
        %broadcast_in_dim3A_236 = vector.broadcast %broadcast_in_dim3A_235 : i32 to vector<16xi32>
        %lt3A_237 = arith.constant 0 : i32
        %lt3A_238 = vector.broadcast %lt3A_237 : i32 to vector<16xi32>
        %lt3A_239 = arith.cmpi slt, %broadcast_in_dim3A_236, %lt3A_238 : vector<16xi32>
        %add3A_240 = arith.constant 16 : i32
        %add3A_241 = vector.broadcast %add3A_240 : i32 to vector<16xi32>
        %add3A_242 = arith.addi %broadcast_in_dim3A_236, %add3A_241 : vector<16xi32>
        %select_n3A_243 = arith.select %lt3A_239, %add3A_242, %broadcast_in_dim3A_236 : vector<16xi1>, vector<16xi32>
        %broadcast_in_dim3A_244 = vector.shape_cast %select_n3A_243 : vector<16xi32> to vector<16x1xi32>
        %gather3A_245 = vector.shape_cast %broadcast_in_dim3A_244 : vector<16x1xi32> to vector<16xi32>
        %gather3A_246 = tpu.dynamic_gather %get3A_46[%gather3A_245] in [0] : vector<16xf32>, vector<16xi32> -> vector<16xf32>
        %mul3A_247 = arith.constant 16 : i32
        %mul3A_248 = arith.muli %scan3A_42, %mul3A_247 : i32
        %add3A_249 = arith.constant 2 : i32
        %add3A_250 = arith.addi %mul3A_248, %add3A_249 : i32
        %get3A_251 = arith.index_cast %add3A_250 : i32 to index
        %get3A_252 = arith.constant 0 : index
        %get3A_253 = tpu.vector_load %arg11[%get3A_251, %get3A_252] {strides = array<i32>} : memref<128x128xf32, #tpu.memory_space<vmem>>, vector<1x16xf32>,
        %get3A_254 = vector.shape_cast %get3A_253 : vector<1x16xf32> to vector<16xf32>
        %mul3A_255 = arith.mulf %get3A_254, %gather3A_246 : vector<16xf32>
        %swap3A_256 = arith.index_cast %add3A_250 : i32 to index
        %swap3A_257 = arith.constant 0 : index
        %swap3A_258 = tpu.vector_load %arg11[%swap3A_256, %swap3A_257] {strides = array<i32>} : memref<128x128xf32, #tpu.memory_space<vmem>>, vector<1x16xf32>,
        %swap3A_259 = vector.shape_cast %swap3A_258 : vector<1x16xf32> to vector<16xf32>
        %swap3A_260 = vector.shape_cast %mul3A_255 : vector<16xf32> to vector<1x16xf32>
        tpu.vector_store %arg11[%swap3A_256, %swap3A_257], %swap3A_260 {strides = array<i32>} : memref<128x128xf32, #tpu.memory_space<vmem>>, vector<1x16xf32>,
        %get3A_261 = arith.index_cast %add3A_250 : i32 to index
        %get3A_262 = arith.constant 16 : index
        %get3A_263 = tpu.vector_load %arg11[%get3A_261, %get3A_262] {strides = array<i32>} : memref<128x128xf32, #tpu.memory_space<vmem>>, vector<1x16xf32>,
        %get3A_264 = vector.shape_cast %get3A_263 : vector<1x16xf32> to vector<16xf32>
        %mul3A_265 = arith.mulf %get3A_264, %gather3A_246 : vector<16xf32>
        %swap3A_266 = arith.index_cast %add3A_250 : i32 to index
        %swap3A_267 = arith.constant 16 : index
        %swap3A_268 = tpu.vector_load %arg11[%swap3A_266, %swap3A_267] {strides = array<i32>} : memref<128x128xf32, #tpu.memory_space<vmem>>, vector<1x16xf32>,
        %swap3A_269 = vector.shape_cast %swap3A_268 : vector<1x16xf32> to vector<16xf32>
        %swap3A_270 = vector.shape_cast %mul3A_265 : vector<16xf32> to vector<1x16xf32>
        tpu.vector_store %arg11[%swap3A_266, %swap3A_267], %swap3A_270 {strides = array<i32>} : memref<128x128xf32, #tpu.memory_space<vmem>>, vector<1x16xf32>,
        %get3A_271 = arith.index_cast %add3A_250 : i32 to index
        %get3A_272 = arith.constant 32 : index
        %get3A_273 = tpu.vector_load %arg11[%get3A_271, %get3A_272] {strides = array<i32>} : memref<128x128xf32, #tpu.memory_space<vmem>>, vector<1x16xf32>,
        %get3A_274 = vector.shape_cast %get3A_273 : vector<1x16xf32> to vector<16xf32>
        %mul3A_275 = arith.mulf %get3A_274, %gather3A_246 : vector<16xf32>
        %swap3A_276 = arith.index_cast %add3A_250 : i32 to index
        %swap3A_277 = arith.constant 32 : index
        %swap3A_278 = tpu.vector_load %arg11[%swap3A_276, %swap3A_277] {strides = array<i32>} : memref<128x128xf32, #tpu.memory_space<vmem>>, vector<1x16xf32>,
        %swap3A_279 = vector.shape_cast %swap3A_278 : vector<1x16xf32> to vector<16xf32>
        %swap3A_280 = vector.shape_cast %mul3A_275 : vector<16xf32> to vector<1x16xf32>
        tpu.vector_store %arg11[%swap3A_276, %swap3A_277], %swap3A_280 {strides = array<i32>} : memref<128x128xf32, #tpu.memory_space<vmem>>, vector<1x16xf32>,
        %get3A_281 = arith.index_cast %add3A_250 : i32 to index
        %get3A_282 = arith.constant 48 : index
        %get3A_283 = tpu.vector_load %arg11[%get3A_281, %get3A_282] {strides = array<i32>} : memref<128x128xf32, #tpu.memory_space<vmem>>, vector<1x16xf32>,
        %get3A_284 = vector.shape_cast %get3A_283 : vector<1x16xf32> to vector<16xf32>
        %mul3A_285 = arith.mulf %get3A_284, %gather3A_246 : vector<16xf32>
        %swap3A_286 = arith.index_cast %add3A_250 : i32 to index
        %swap3A_287 = arith.constant 48 : index
        %swap3A_288 = tpu.vector_load %arg11[%swap3A_286, %swap3A_287] {strides = array<i32>} : memref<128x128xf32, #tpu.memory_space<vmem>>, vector<1x16xf32>,
        %swap3A_289 = vector.shape_cast %swap3A_288 : vector<1x16xf32> to vector<16xf32>
        %swap3A_290 = vector.shape_cast %mul3A_285 : vector<16xf32> to vector<1x16xf32>
        tpu.vector_store %arg11[%swap3A_286, %swap3A_287], %swap3A_290 {strides = array<i32>} : memref<128x128xf32, #tpu.memory_space<vmem>>, vector<1x16xf32>,
        %get3A_291 = arith.index_cast %add3A_250 : i32 to index
        %get3A_292 = arith.constant 64 : index
        %get3A_293 = tpu.vector_load %arg11[%get3A_291, %get3A_292] {strides = array<i32>} : memref<128x128xf32, #tpu.memory_space<vmem>>, vector<1x16xf32>,
        %get3A_294 = vector.shape_cast %get3A_293 : vector<1x16xf32> to vector<16xf32>
        %mul3A_295 = arith.mulf %get3A_294, %gather3A_246 : vector<16xf32>
        %swap3A_296 = arith.index_cast %add3A_250 : i32 to index
        %swap3A_297 = arith.constant 64 : index
        %swap3A_298 = tpu.vector_load %arg11[%swap3A_296, %swap3A_297] {strides = array<i32>} : memref<128x128xf32, #tpu.memory_space<vmem>>, vector<1x16xf32>,
        %swap3A_299 = vector.shape_cast %swap3A_298 : vector<1x16xf32> to vector<16xf32>
        %swap3A_300 = vector.shape_cast %mul3A_295 : vector<16xf32> to vector<1x16xf32>
        tpu.vector_store %arg11[%swap3A_296, %swap3A_297], %swap3A_300 {strides = array<i32>} : memref<128x128xf32, #tpu.memory_space<vmem>>, vector<1x16xf32>,
        %get3A_301 = arith.index_cast %add3A_250 : i32 to index
        %get3A_302 = arith.constant 80 : index
        %get3A_303 = tpu.vector_load %arg11[%get3A_301, %get3A_302] {strides = array<i32>} : memref<128x128xf32, #tpu.memory_space<vmem>>, vector<1x16xf32>,
        %get3A_304 = vector.shape_cast %get3A_303 : vector<1x16xf32> to vector<16xf32>
        %mul3A_305 = arith.mulf %get3A_304, %gather3A_246 : vector<16xf32>
        %swap3A_306 = arith.index_cast %add3A_250 : i32 to index
        %swap3A_307 = arith.constant 80 : index
        %swap3A_308 = tpu.vector_load %arg11[%swap3A_306, %swap3A_307] {strides = array<i32>} : memref<128x128xf32, #tpu.memory_space<vmem>>, vector<1x16xf32>,
        %swap3A_309 = vector.shape_cast %swap3A_308 : vector<1x16xf32> to vector<16xf32>
        %swap3A_310 = vector.shape_cast %mul3A_305 : vector<16xf32> to vector<1x16xf32>
        tpu.vector_store %arg11[%swap3A_306, %swap3A_307], %swap3A_310 {strides = array<i32>} : memref<128x128xf32, #tpu.memory_space<vmem>>, vector<1x16xf32>,
        %get3A_311 = arith.index_cast %add3A_250 : i32 to index
        %get3A_312 = arith.constant 96 : index
        %get3A_313 = tpu.vector_load %arg11[%get3A_311, %get3A_312] {strides = array<i32>} : memref<128x128xf32, #tpu.memory_space<vmem>>, vector<1x16xf32>,
        %get3A_314 = vector.shape_cast %get3A_313 : vector<1x16xf32> to vector<16xf32>
        %mul3A_315 = arith.mulf %get3A_314, %gather3A_246 : vector<16xf32>
        %swap3A_316 = arith.index_cast %add3A_250 : i32 to index
        %swap3A_317 = arith.constant 96 : index
        %swap3A_318 = tpu.vector_load %arg11[%swap3A_316, %swap3A_317] {strides = array<i32>} : memref<128x128xf32, #tpu.memory_space<vmem>>, vector<1x16xf32>,
        %swap3A_319 = vector.shape_cast %swap3A_318 : vector<1x16xf32> to vector<16xf32>
        %swap3A_320 = vector.shape_cast %mul3A_315 : vector<16xf32> to vector<1x16xf32>
        tpu.vector_store %arg11[%swap3A_316, %swap3A_317], %swap3A_320 {strides = array<i32>} : memref<128x128xf32, #tpu.memory_space<vmem>>, vector<1x16xf32>,
        %get3A_321 = arith.index_cast %add3A_250 : i32 to index
        %get3A_322 = arith.constant 112 : index
        %get3A_323 = tpu.vector_load %arg11[%get3A_321, %get3A_322] {strides = array<i32>} : memref<128x128xf32, #tpu.memory_space<vmem>>, vector<1x16xf32>,
        %get3A_324 = vector.shape_cast %get3A_323 : vector<1x16xf32> to vector<16xf32>
        %mul3A_325 = arith.mulf %get3A_324, %gather3A_246 : vector<16xf32>
        %swap3A_326 = arith.index_cast %add3A_250 : i32 to index
        %swap3A_327 = arith.constant 112 : index
        %swap3A_328 = tpu.vector_load %arg11[%swap3A_326, %swap3A_327] {strides = array<i32>} : memref<128x128xf32, #tpu.memory_space<vmem>>, vector<1x16xf32>,
        %swap3A_329 = vector.shape_cast %swap3A_328 : vector<1x16xf32> to vector<16xf32>
        %swap3A_330 = vector.shape_cast %mul3A_325 : vector<16xf32> to vector<1x16xf32>
        tpu.vector_store %arg11[%swap3A_326, %swap3A_327], %swap3A_330 {strides = array<i32>} : memref<128x128xf32, #tpu.memory_space<vmem>>, vector<1x16xf32>,
        %broadcast_in_dim3A_331 = arith.constant 3 : i32
        %broadcast_in_dim3A_332 = vector.broadcast %broadcast_in_dim3A_331 : i32 to vector<16xi32>
        %lt3A_333 = arith.constant 0 : i32
        %lt3A_334 = vector.broadcast %lt3A_333 : i32 to vector<16xi32>
        %lt3A_335 = arith.cmpi slt, %broadcast_in_dim3A_332, %lt3A_334 : vector<16xi32>
        %add3A_336 = arith.constant 16 : i32
        %add3A_337 = vector.broadcast %add3A_336 : i32 to vector<16xi32>
        %add3A_338 = arith.addi %broadcast_in_dim3A_332, %add3A_337 : vector<16xi32>
        %select_n3A_339 = arith.select %lt3A_335, %add3A_338, %broadcast_in_dim3A_332 : vector<16xi1>, vector<16xi32>
        %broadcast_in_dim3A_340 = vector.shape_cast %select_n3A_339 : vector<16xi32> to vector<16x1xi32>
        %gather3A_341 = vector.shape_cast %broadcast_in_dim3A_340 : vector<16x1xi32> to vector<16xi32>
        %gather3A_342 = tpu.dynamic_gather %get3A_46[%gather3A_341] in [0] : vector<16xf32>, vector<16xi32> -> vector<16xf32>
        %mul3A_343 = arith.constant 16 : i32
        %mul3A_344 = arith.muli %scan3A_42, %mul3A_343 : i32
        %add3A_345 = arith.constant 3 : i32
        %add3A_346 = arith.addi %mul3A_344, %add3A_345 : i32
        %get3A_347 = arith.index_cast %add3A_346 : i32 to index
        %get3A_348 = arith.constant 0 : index
        %get3A_349 = tpu.vector_load %arg11[%get3A_347, %get3A_348] {strides = array<i32>} : memref<128x128xf32, #tpu.memory_space<vmem>>, vector<1x16xf32>,
        %get3A_350 = vector.shape_cast %get3A_349 : vector<1x16xf32> to vector<16xf32>
        %mul3A_351 = arith.mulf %get3A_350, %gather3A_342 : vector<16xf32>
        %swap3A_352 = arith.index_cast %add3A_346 : i32 to index
        %swap3A_353 = arith.constant 0 : index
        %swap3A_354 = tpu.vector_load %arg11[%swap3A_352, %swap3A_353] {strides = array<i32>} : memref<128x128xf32, #tpu.memory_space<vmem>>, vector<1x16xf32>,
        %swap3A_355 = vector.shape_cast %swap3A_354 : vector<1x16xf32> to vector<16xf32>
        %swap3A_356 = vector.shape_cast %mul3A_351 : vector<16xf32> to vector<1x16xf32>
        tpu.vector_store %arg11[%swap3A_352, %swap3A_353], %swap3A_356 {strides = array<i32>} : memref<128x128xf32, #tpu.memory_space<vmem>>, vector<1x16xf32>,
        %get3A_357 = arith.index_cast %add3A_346 : i32 to index
        %get3A_358 = arith.constant 16 : index
        %get3A_359 = tpu.vector_load %arg11[%get3A_357, %get3A_358] {strides = array<i32>} : memref<128x128xf32, #tpu.memory_space<vmem>>, vector<1x16xf32>,
        %get3A_360 = vector.shape_cast %get3A_359 : vector<1x16xf32> to vector<16xf32>
        %mul3A_361 = arith.mulf %get3A_360, %gather3A_342 : vector<16xf32>
        %swap3A_362 = arith.index_cast %add3A_346 : i32 to index
        %swap3A_363 = arith.constant 16 : index
        %swap3A_364 = tpu.vector_load %arg11[%swap3A_362, %swap3A_363] {strides = array<i32>} : memref<128x128xf32, #tpu.memory_space<vmem>>, vector<1x16xf32>,
        %swap3A_365 = vector.shape_cast %swap3A_364 : vector<1x16xf32> to vector<16xf32>
        %swap3A_366 = vector.shape_cast %mul3A_361 : vector<16xf32> to vector<1x16xf32>
        tpu.vector_store %arg11[%swap3A_362, %swap3A_363], %swap3A_366 {strides = array<i32>} : memref<128x128xf32, #tpu.memory_space<vmem>>, vector<1x16xf32>,
        %get3A_367 = arith.index_cast %add3A_346 : i32 to index
        %get3A_368 = arith.constant 32 : index
        %get3A_369 = tpu.vector_load %arg11[%get3A_367, %get3A_368] {strides = array<i32>} : memref<128x128xf32, #tpu.memory_space<vmem>>, vector<1x16xf32>,
        %get3A_370 = vector.shape_cast %get3A_369 : vector<1x16xf32> to vector<16xf32>
        %mul3A_371 = arith.mulf %get3A_370, %gather3A_342 : vector<16xf32>
        %swap3A_372 = arith.index_cast %add3A_346 : i32 to index
        %swap3A_373 = arith.constant 32 : index
        %swap3A_374 = tpu.vector_load %arg11[%swap3A_372, %swap3A_373] {strides = array<i32>} : memref<128x128xf32, #tpu.memory_space<vmem>>, vector<1x16xf32>,
        %swap3A_375 = vector.shape_cast %swap3A_374 : vector<1x16xf32> to vector<16xf32>
        %swap3A_376 = vector.shape_cast %mul3A_371 : vector<16xf32> to vector<1x16xf32>
        tpu.vector_store %arg11[%swap3A_372, %swap3A_373], %swap3A_376 {strides = array<i32>} : memref<128x128xf32, #tpu.memory_space<vmem>>, vector<1x16xf32>,
        %get3A_377 = arith.index_cast %add3A_346 : i32 to index
        %get3A_378 = arith.constant 48 : index
        %get3A_379 = tpu.vector_load %arg11[%get3A_377, %get3A_378] {strides = array<i32>} : memref<128x128xf32, #tpu.memory_space<vmem>>, vector<1x16xf32>,
        %get3A_380 = vector.shape_cast %get3A_379 : vector<1x16xf32> to vector<16xf32>
        %mul3A_381 = arith.mulf %get3A_380, %gather3A_342 : vector<16xf32>
        %swap3A_382 = arith.index_cast %add3A_346 : i32 to index
        %swap3A_383 = arith.constant 48 : index
        %swap3A_384 = tpu.vector_load %arg11[%swap3A_382, %swap3A_383] {strides = array<i32>} : memref<128x128xf32, #tpu.memory_space<vmem>>, vector<1x16xf32>,
        %swap3A_385 = vector.shape_cast %swap3A_384 : vector<1x16xf32> to vector<16xf32>
        %swap3A_386 = vector.shape_cast %mul3A_381 : vector<16xf32> to vector<1x16xf32>
        tpu.vector_store %arg11[%swap3A_382, %swap3A_383], %swap3A_386 {strides = array<i32>} : memref<128x128xf32, #tpu.memory_space<vmem>>, vector<1x16xf32>,
        %get3A_387 = arith.index_cast %add3A_346 : i32 to index
        %get3A_388 = arith.constant 64 : index
        %get3A_389 = tpu.vector_load %arg11[%get3A_387, %get3A_388] {strides = array<i32>} : memref<128x128xf32, #tpu.memory_space<vmem>>, vector<1x16xf32>,
        %get3A_390 = vector.shape_cast %get3A_389 : vector<1x16xf32> to vector<16xf32>
        %mul3A_391 = arith.mulf %get3A_390, %gather3A_342 : vector<16xf32>
        %swap3A_392 = arith.index_cast %add3A_346 : i32 to index
        %swap3A_393 = arith.constant 64 : index
        %swap3A_394 = tpu.vector_load %arg11[%swap3A_392, %swap3A_393] {strides = array<i32>} : memref<128x128xf32, #tpu.memory_space<vmem>>, vector<1x16xf32>,
        %swap3A_395 = vector.shape_cast %swap3A_394 : vector<1x16xf32> to vector<16xf32>
        %swap3A_396 = vector.shape_cast %mul3A_391 : vector<16xf32> to vector<1x16xf32>
        tpu.vector_store %arg11[%swap3A_392, %swap3A_393], %swap3A_396 {strides = array<i32>} : memref<128x128xf32, #tpu.memory_space<vmem>>, vector<1x16xf32>,
        %get3A_397 = arith.index_cast %add3A_346 : i32 to index
        %get3A_398 = arith.constant 80 : index
        %get3A_399 = tpu.vector_load %arg11[%get3A_397, %get3A_398] {strides = array<i32>} : memref<128x128xf32, #tpu.memory_space<vmem>>, vector<1x16xf32>,
        %get3A_400 = vector.shape_cast %get3A_399 : vector<1x16xf32> to vector<16xf32>
        %mul3A_401 = arith.mulf %get3A_400, %gather3A_342 : vector<16xf32>
        %swap3A_402 = arith.index_cast %add3A_346 : i32 to index
        %swap3A_403 = arith.constant 80 : index
        %swap3A_404 = tpu.vector_load %arg11[%swap3A_402, %swap3A_403] {strides = array<i32>} : memref<128x128xf32, #tpu.memory_space<vmem>>, vector<1x16xf32>,
        %swap3A_405 = vector.shape_cast %swap3A_404 : vector<1x16xf32> to vector<16xf32>
        %swap3A_406 = vector.shape_cast %mul3A_401 : vector<16xf32> to vector<1x16xf32>
        tpu.vector_store %arg11[%swap3A_402, %swap3A_403], %swap3A_406 {strides = array<i32>} : memref<128x128xf32, #tpu.memory_space<vmem>>, vector<1x16xf32>,
        %get3A_407 = arith.index_cast %add3A_346 : i32 to index
        %get3A_408 = arith.constant 96 : index
        %get3A_409 = tpu.vector_load %arg11[%get3A_407, %get3A_408] {strides = array<i32>} : memref<128x128xf32, #tpu.memory_space<vmem>>, vector<1x16xf32>,
        %get3A_410 = vector.shape_cast %get3A_409 : vector<1x16xf32> to vector<16xf32>
        %mul3A_411 = arith.mulf %get3A_410, %gather3A_342 : vector<16xf32>
        %swap3A_412 = arith.index_cast %add3A_346 : i32 to index
        %swap3A_413 = arith.constant 96 : index
        %swap3A_414 = tpu.vector_load %arg11[%swap3A_412, %swap3A_413] {strides = array<i32>} : memref<128x128xf32, #tpu.memory_space<vmem>>, vector<1x16xf32>,
        %swap3A_415 = vector.shape_cast %swap3A_414 : vector<1x16xf32> to vector<16xf32>
        %swap3A_416 = vector.shape_cast %mul3A_411 : vector<16xf32> to vector<1x16xf32>
        tpu.vector_store %arg11[%swap3A_412, %swap3A_413], %swap3A_416 {strides = array<i32>} : memref<128x128xf32, #tpu.memory_space<vmem>>, vector<1x16xf32>,
        %get3A_417 = arith.index_cast %add3A_346 : i32 to index
        %get3A_418 = arith.constant 112 : index
        %get3A_419 = tpu.vector_load %arg11[%get3A_417, %get3A_418] {strides = array<i32>} : memref<128x128xf32, #tpu.memory_space<vmem>>, vector<1x16xf32>,
        %get3A_420 = vector.shape_cast %get3A_419 : vector<1x16xf32> to vector<16xf32>
        %mul3A_421 = arith.mulf %get3A_420, %gather3A_342 : vector<16xf32>
        %swap3A_422 = arith.index_cast %add3A_346 : i32 to index
        %swap3A_423 = arith.constant 112 : index
        %swap3A_424 = tpu.vector_load %arg11[%swap3A_422, %swap3A_423] {strides = array<i32>} : memref<128x128xf32, #tpu.memory_space<vmem>>, vector<1x16xf32>,
        %swap3A_425 = vector.shape_cast %swap3A_424 : vector<1x16xf32> to vector<16xf32>
        %swap3A_426 = vector.shape_cast %mul3A_421 : vector<16xf32> to vector<1x16xf32>
        tpu.vector_store %arg11[%swap3A_422, %swap3A_423], %swap3A_426 {strides = array<i32>} : memref<128x128xf32, #tpu.memory_space<vmem>>, vector<1x16xf32>,
        %broadcast_in_dim3A_427 = arith.constant 4 : i32
        %broadcast_in_dim3A_428 = vector.broadcast %broadcast_in_dim3A_427 : i32 to vector<16xi32>
        %lt3A_429 = arith.constant 0 : i32
        %lt3A_430 = vector.broadcast %lt3A_429 : i32 to vector<16xi32>
        %lt3A_431 = arith.cmpi slt, %broadcast_in_dim3A_428, %lt3A_430 : vector<16xi32>
        %add3A_432 = arith.constant 16 : i32
        %add3A_433 = vector.broadcast %add3A_432 : i32 to vector<16xi32>
        %add3A_434 = arith.addi %broadcast_in_dim3A_428, %add3A_433 : vector<16xi32>
        %select_n3A_435 = arith.select %lt3A_431, %add3A_434, %broadcast_in_dim3A_428 : vector<16xi1>, vector<16xi32>
        %broadcast_in_dim3A_436 = vector.shape_cast %select_n3A_435 : vector<16xi32> to vector<16x1xi32>
        %gather3A_437 = vector.shape_cast %broadcast_in_dim3A_436 : vector<16x1xi32> to vector<16xi32>
        %gather3A_438 = tpu.dynamic_gather %get3A_46[%gather3A_437] in [0] : vector<16xf32>, vector<16xi32> -> vector<16xf32>
        %mul3A_439 = arith.constant 16 : i32
        %mul3A_440 = arith.muli %scan3A_42, %mul3A_439 : i32
        %add3A_441 = arith.constant 4 : i32
        %add3A_442 = arith.addi %mul3A_440, %add3A_441 : i32
        %get3A_443 = arith.index_cast %add3A_442 : i32 to index
        %get3A_444 = arith.constant 0 : index
        %get3A_445 = tpu.vector_load %arg11[%get3A_443, %get3A_444] {strides = array<i32>} : memref<128x128xf32, #tpu.memory_space<vmem>>, vector<1x16xf32>,
        %get3A_446 = vector.shape_cast %get3A_445 : vector<1x16xf32> to vector<16xf32>
        %mul3A_447 = arith.mulf %get3A_446, %gather3A_438 : vector<16xf32>
        %swap3A_448 = arith.index_cast %add3A_442 : i32 to index
        %swap3A_449 = arith.constant 0 : index
        %swap3A_450 = tpu.vector_load %arg11[%swap3A_448, %swap3A_449] {strides = array<i32>} : memref<128x128xf32, #tpu.memory_space<vmem>>, vector<1x16xf32>,
        %swap3A_451 = vector.shape_cast %swap3A_450 : vector<1x16xf32> to vector<16xf32>
        %swap3A_452 = vector.shape_cast %mul3A_447 : vector<16xf32> to vector<1x16xf32>
        tpu.vector_store %arg11[%swap3A_448, %swap3A_449], %swap3A_452 {strides = array<i32>} : memref<128x128xf32, #tpu.memory_space<vmem>>, vector<1x16xf32>,
        %get3A_453 = arith.index_cast %add3A_442 : i32 to index
        %get3A_454 = arith.constant 16 : index
        %get3A_455 = tpu.vector_load %arg11[%get3A_453, %get3A_454] {strides = array<i32>} : memref<128x128xf32, #tpu.memory_space<vmem>>, vector<1x16xf32>,
        %get3A_456 = vector.shape_cast %get3A_455 : vector<1x16xf32> to vector<16xf32>
        %mul3A_457 = arith.mulf %get3A_456, %gather3A_438 : vector<16xf32>
        %swap3A_458 = arith.index_cast %add3A_442 : i32 to index
        %swap3A_459 = arith.constant 16 : index
        %swap3A_460 = tpu.vector_load %arg11[%swap3A_458, %swap3A_459] {strides = array<i32>} : memref<128x128xf32, #tpu.memory_space<vmem>>, vector<1x16xf32>,
        %swap3A_461 = vector.shape_cast %swap3A_460 : vector<1x16xf32> to vector<16xf32>
        %swap3A_462 = vector.shape_cast %mul3A_457 : vector<16xf32> to vector<1x16xf32>
        tpu.vector_store %arg11[%swap3A_458, %swap3A_459], %swap3A_462 {strides = array<i32>} : memref<128x128xf32, #tpu.memory_space<vmem>>, vector<1x16xf32>,
        %get3A_463 = arith.index_cast %add3A_442 : i32 to index
        %get3A_464 = arith.constant 32 : index
        %get3A_465 = tpu.vector_load %arg11[%get3A_463, %get3A_464] {strides = array<i32>} : memref<128x128xf32, #tpu.memory_space<vmem>>, vector<1x16xf32>,
        %get3A_466 = vector.shape_cast %get3A_465 : vector<1x16xf32> to vector<16xf32>
        %mul3A_467 = arith.mulf %get3A_466, %gather3A_438 : vector<16xf32>
        %swap3A_468 = arith.index_cast %add3A_442 : i32 to index
        %swap3A_469 = arith.constant 32 : index
        %swap3A_470 = tpu.vector_load %arg11[%swap3A_468, %swap3A_469] {strides = array<i32>} : memref<128x128xf32, #tpu.memory_space<vmem>>, vector<1x16xf32>,
        %swap3A_471 = vector.shape_cast %swap3A_470 : vector<1x16xf32> to vector<16xf32>
        %swap3A_472 = vector.shape_cast %mul3A_467 : vector<16xf32> to vector<1x16xf32>
        tpu.vector_store %arg11[%swap3A_468, %swap3A_469], %swap3A_472 {strides = array<i32>} : memref<128x128xf32, #tpu.memory_space<vmem>>, vector<1x16xf32>,
        %get3A_473 = arith.index_cast %add3A_442 : i32 to index
        %get3A_474 = arith.constant 48 : index
        %get3A_475 = tpu.vector_load %arg11[%get3A_473, %get3A_474] {strides = array<i32>} : memref<128x128xf32, #tpu.memory_space<vmem>>, vector<1x16xf32>,
        %get3A_476 = vector.shape_cast %get3A_475 : vector<1x16xf32> to vector<16xf32>
        %mul3A_477 = arith.mulf %get3A_476, %gather3A_438 : vector<16xf32>
        %swap3A_478 = arith.index_cast %add3A_442 : i32 to index
        %swap3A_479 = arith.constant 48 : index
        %swap3A_480 = tpu.vector_load %arg11[%swap3A_478, %swap3A_479] {strides = array<i32>} : memref<128x128xf32, #tpu.memory_space<vmem>>, vector<1x16xf32>,
        %swap3A_481 = vector.shape_cast %swap3A_480 : vector<1x16xf32> to vector<16xf32>
        %swap3A_482 = vector.shape_cast %mul3A_477 : vector<16xf32> to vector<1x16xf32>
        tpu.vector_store %arg11[%swap3A_478, %swap3A_479], %swap3A_482 {strides = array<i32>} : memref<128x128xf32, #tpu.memory_space<vmem>>, vector<1x16xf32>,
        %get3A_483 = arith.index_cast %add3A_442 : i32 to index
        %get3A_484 = arith.constant 64 : index
        %get3A_485 = tpu.vector_load %arg11[%get3A_483, %get3A_484] {strides = array<i32>} : memref<128x128xf32, #tpu.memory_space<vmem>>, vector<1x16xf32>,
        %get3A_486 = vector.shape_cast %get3A_485 : vector<1x16xf32> to vector<16xf32>
        %mul3A_487 = arith.mulf %get3A_486, %gather3A_438 : vector<16xf32>
        %swap3A_488 = arith.index_cast %add3A_442 : i32 to index
        %swap3A_489 = arith.constant 64 : index
        %swap3A_490 = tpu.vector_load %arg11[%swap3A_488, %swap3A_489] {strides = array<i32>} : memref<128x128xf32, #tpu.memory_space<vmem>>, vector<1x16xf32>,
        %swap3A_491 = vector.shape_cast %swap3A_490 : vector<1x16xf32> to vector<16xf32>
        %swap3A_492 = vector.shape_cast %mul3A_487 : vector<16xf32> to vector<1x16xf32>
        tpu.vector_store %arg11[%swap3A_488, %swap3A_489], %swap3A_492 {strides = array<i32>} : memref<128x128xf32, #tpu.memory_space<vmem>>, vector<1x16xf32>,
        %get3A_493 = arith.index_cast %add3A_442 : i32 to index
        %get3A_494 = arith.constant 80 : index
        %get3A_495 = tpu.vector_load %arg11[%get3A_493, %get3A_494] {strides = array<i32>} : memref<128x128xf32, #tpu.memory_space<vmem>>, vector<1x16xf32>,
        %get3A_496 = vector.shape_cast %get3A_495 : vector<1x16xf32> to vector<16xf32>
        %mul3A_497 = arith.mulf %get3A_496, %gather3A_438 : vector<16xf32>
        %swap3A_498 = arith.index_cast %add3A_442 : i32 to index
        %swap3A_499 = arith.constant 80 : index
        %swap3A_500 = tpu.vector_load %arg11[%swap3A_498, %swap3A_499] {strides = array<i32>} : memref<128x128xf32, #tpu.memory_space<vmem>>, vector<1x16xf32>,
        %swap3A_501 = vector.shape_cast %swap3A_500 : vector<1x16xf32> to vector<16xf32>
        %swap3A_502 = vector.shape_cast %mul3A_497 : vector<16xf32> to vector<1x16xf32>
        tpu.vector_store %arg11[%swap3A_498, %swap3A_499], %swap3A_502 {strides = array<i32>} : memref<128x128xf32, #tpu.memory_space<vmem>>, vector<1x16xf32>,
        %get3A_503 = arith.index_cast %add3A_442 : i32 to index
        %get3A_504 = arith.constant 96 : index
        %get3A_505 = tpu.vector_load %arg11[%get3A_503, %get3A_504] {strides = array<i32>} : memref<128x128xf32, #tpu.memory_space<vmem>>, vector<1x16xf32>,
        %get3A_506 = vector.shape_cast %get3A_505 : vector<1x16xf32> to vector<16xf32>
        %mul3A_507 = arith.mulf %get3A_506, %gather3A_438 : vector<16xf32>
        %swap3A_508 = arith.index_cast %add3A_442 : i32 to index
        %swap3A_509 = arith.constant 96 : index
        %swap3A_510 = tpu.vector_load %arg11[%swap3A_508, %swap3A_509] {strides = array<i32>} : memref<128x128xf32, #tpu.memory_space<vmem>>, vector<1x16xf32>,
        %swap3A_511 = vector.shape_cast %swap3A_510 : vector<1x16xf32> to vector<16xf32>
        %swap3A_512 = vector.shape_cast %mul3A_507 : vector<16xf32> to vector<1x16xf32>
        tpu.vector_store %arg11[%swap3A_508, %swap3A_509], %swap3A_512 {strides = array<i32>} : memref<128x128xf32, #tpu.memory_space<vmem>>, vector<1x16xf32>,
        %get3A_513 = arith.index_cast %add3A_442 : i32 to index
        %get3A_514 = arith.constant 112 : index
        %get3A_515 = tpu.vector_load %arg11[%get3A_513, %get3A_514] {strides = array<i32>} : memref<128x128xf32, #tpu.memory_space<vmem>>, vector<1x16xf32>,
        %get3A_516 = vector.shape_cast %get3A_515 : vector<1x16xf32> to vector<16xf32>
        %mul3A_517 = arith.mulf %get3A_516, %gather3A_438 : vector<16xf32>
        %swap3A_518 = arith.index_cast %add3A_442 : i32 to index
        %swap3A_519 = arith.constant 112 : index
        %swap3A_520 = tpu.vector_load %arg11[%swap3A_518, %swap3A_519] {strides = array<i32>} : memref<128x128xf32, #tpu.memory_space<vmem>>, vector<1x16xf32>,
        %swap3A_521 = vector.shape_cast %swap3A_520 : vector<1x16xf32> to vector<16xf32>
        %swap3A_522 = vector.shape_cast %mul3A_517 : vector<16xf32> to vector<1x16xf32>
        tpu.vector_store %arg11[%swap3A_518, %swap3A_519], %swap3A_522 {strides = array<i32>} : memref<128x128xf32, #tpu.memory_space<vmem>>, vector<1x16xf32>,
        %broadcast_in_dim3A_523 = arith.constant 5 : i32
        %broadcast_in_dim3A_524 = vector.broadcast %broadcast_in_dim3A_523 : i32 to vector<16xi32>
        %lt3A_525 = arith.constant 0 : i32
        %lt3A_526 = vector.broadcast %lt3A_525 : i32 to vector<16xi32>
        %lt3A_527 = arith.cmpi slt, %broadcast_in_dim3A_524, %lt3A_526 : vector<16xi32>
        %add3A_528 = arith.constant 16 : i32
        %add3A_529 = vector.broadcast %add3A_528 : i32 to vector<16xi32>
        %add3A_530 = arith.addi %broadcast_in_dim3A_524, %add3A_529 : vector<16xi32>
        %select_n3A_531 = arith.select %lt3A_527, %add3A_530, %broadcast_in_dim3A_524 : vector<16xi1>, vector<16xi32>
        %broadcast_in_dim3A_532 = vector.shape_cast %select_n3A_531 : vector<16xi32> to vector<16x1xi32>
        %gather3A_533 = vector.shape_cast %broadcast_in_dim3A_532 : vector<16x1xi32> to vector<16xi32>
        %gather3A_534 = tpu.dynamic_gather %get3A_46[%gather3A_533] in [0] : vector<16xf32>, vector<16xi32> -> vector<16xf32>
        %mul3A_535 = arith.constant 16 : i32
        %mul3A_536 = arith.muli %scan3A_42, %mul3A_535 : i32
        %add3A_537 = arith.constant 5 : i32
        %add3A_538 = arith.addi %mul3A_536, %add3A_537 : i32
        %get3A_539 = arith.index_cast %add3A_538 : i32 to index
        %get3A_540 = arith.constant 0 : index
        %get3A_541 = tpu.vector_load %arg11[%get3A_539, %get3A_540] {strides = array<i32>} : memref<128x128xf32, #tpu.memory_space<vmem>>, vector<1x16xf32>,
        %get3A_542 = vector.shape_cast %get3A_541 : vector<1x16xf32> to vector<16xf32>
        %mul3A_543 = arith.mulf %get3A_542, %gather3A_534 : vector<16xf32>
        %swap3A_544 = arith.index_cast %add3A_538 : i32 to index
        %swap3A_545 = arith.constant 0 : index
        %swap3A_546 = tpu.vector_load %arg11[%swap3A_544, %swap3A_545] {strides = array<i32>} : memref<128x128xf32, #tpu.memory_space<vmem>>, vector<1x16xf32>,
        %swap3A_547 = vector.shape_cast %swap3A_546 : vector<1x16xf32> to vector<16xf32>
        %swap3A_548 = vector.shape_cast %mul3A_543 : vector<16xf32> to vector<1x16xf32>
        tpu.vector_store %arg11[%swap3A_544, %swap3A_545], %swap3A_548 {strides = array<i32>} : memref<128x128xf32, #tpu.memory_space<vmem>>, vector<1x16xf32>,
        %get3A_549 = arith.index_cast %add3A_538 : i32 to index
        %get3A_550 = arith.constant 16 : index
        %get3A_551 = tpu.vector_load %arg11[%get3A_549, %get3A_550] {strides = array<i32>} : memref<128x128xf32, #tpu.memory_space<vmem>>, vector<1x16xf32>,
        %get3A_552 = vector.shape_cast %get3A_551 : vector<1x16xf32> to vector<16xf32>
        %mul3A_553 = arith.mulf %get3A_552, %gather3A_534 : vector<16xf32>
        %swap3A_554 = arith.index_cast %add3A_538 : i32 to index
        %swap3A_555 = arith.constant 16 : index
        %swap3A_556 = tpu.vector_load %arg11[%swap3A_554, %swap3A_555] {strides = array<i32>} : memref<128x128xf32, #tpu.memory_space<vmem>>, vector<1x16xf32>,
        %swap3A_557 = vector.shape_cast %swap3A_556 : vector<1x16xf32> to vector<16xf32>
        %swap3A_558 = vector.shape_cast %mul3A_553 : vector<16xf32> to vector<1x16xf32>
        tpu.vector_store %arg11[%swap3A_554, %swap3A_555], %swap3A_558 {strides = array<i32>} : memref<128x128xf32, #tpu.memory_space<vmem>>, vector<1x16xf32>,
        %get3A_559 = arith.index_cast %add3A_538 : i32 to index
        %get3A_560 = arith.constant 32 : index
        %get3A_561 = tpu.vector_load %arg11[%get3A_559, %get3A_560] {strides = array<i32>} : memref<128x128xf32, #tpu.memory_space<vmem>>, vector<1x16xf32>,
        %get3A_562 = vector.shape_cast %get3A_561 : vector<1x16xf32> to vector<16xf32>
        %mul3A_563 = arith.mulf %get3A_562, %gather3A_534 : vector<16xf32>
        %swap3A_564 = arith.index_cast %add3A_538 : i32 to index
        %swap3A_565 = arith.constant 32 : index
        %swap3A_566 = tpu.vector_load %arg11[%swap3A_564, %swap3A_565] {strides = array<i32>} : memref<128x128xf32, #tpu.memory_space<vmem>>, vector<1x16xf32>,
        %swap3A_567 = vector.shape_cast %swap3A_566 : vector<1x16xf32> to vector<16xf32>
        %swap3A_568 = vector.shape_cast %mul3A_563 : vector<16xf32> to vector<1x16xf32>
        tpu.vector_store %arg11[%swap3A_564, %swap3A_565], %swap3A_568 {strides = array<i32>} : memref<128x128xf32, #tpu.memory_space<vmem>>, vector<1x16xf32>,
        %get3A_569 = arith.index_cast %add3A_538 : i32 to index
        %get3A_570 = arith.constant 48 : index
        %get3A_571 = tpu.vector_load %arg11[%get3A_569, %get3A_570] {strides = array<i32>} : memref<128x128xf32, #tpu.memory_space<vmem>>, vector<1x16xf32>,
        %get3A_572 = vector.shape_cast %get3A_571 : vector<1x16xf32> to vector<16xf32>
        %mul3A_573 = arith.mulf %get3A_572, %gather3A_534 : vector<16xf32>
        %swap3A_574 = arith.index_cast %add3A_538 : i32 to index
        %swap3A_575 = arith.constant 48 : index
        %swap3A_576 = tpu.vector_load %arg11[%swap3A_574, %swap3A_575] {strides = array<i32>} : memref<128x128xf32, #tpu.memory_space<vmem>>, vector<1x16xf32>,
        %swap3A_577 = vector.shape_cast %swap3A_576 : vector<1x16xf32> to vector<16xf32>
        %swap3A_578 = vector.shape_cast %mul3A_573 : vector<16xf32> to vector<1x16xf32>
        tpu.vector_store %arg11[%swap3A_574, %swap3A_575], %swap3A_578 {strides = array<i32>} : memref<128x128xf32, #tpu.memory_space<vmem>>, vector<1x16xf32>,
        %get3A_579 = arith.index_cast %add3A_538 : i32 to index
        %get3A_580 = arith.constant 64 : index
        %get3A_581 = tpu.vector_load %arg11[%get3A_579, %get3A_580] {strides = array<i32>} : memref<128x128xf32, #tpu.memory_space<vmem>>, vector<1x16xf32>,
        %get3A_582 = vector.shape_cast %get3A_581 : vector<1x16xf32> to vector<16xf32>
        %mul3A_583 = arith.mulf %get3A_582, %gather3A_534 : vector<16xf32>
        %swap3A_584 = arith.index_cast %add3A_538 : i32 to index
        %swap3A_585 = arith.constant 64 : index
        %swap3A_586 = tpu.vector_load %arg11[%swap3A_584, %swap3A_585] {strides = array<i32>} : memref<128x128xf32, #tpu.memory_space<vmem>>, vector<1x16xf32>,
        %swap3A_587 = vector.shape_cast %swap3A_586 : vector<1x16xf32> to vector<16xf32>
        %swap3A_588 = vector.shape_cast %mul3A_583 : vector<16xf32> to vector<1x16xf32>
        tpu.vector_store %arg11[%swap3A_584, %swap3A_585], %swap3A_588 {strides = array<i32>} : memref<128x128xf32, #tpu.memory_space<vmem>>, vector<1x16xf32>,
        %get3A_589 = arith.index_cast %add3A_538 : i32 to index
        %get3A_590 = arith.constant 80 : index
        %get3A_591 = tpu.vector_load %arg11[%get3A_589, %get3A_590] {strides = array<i32>} : memref<128x128xf32, #tpu.memory_space<vmem>>, vector<1x16xf32>,
        %get3A_592 = vector.shape_cast %get3A_591 : vector<1x16xf32> to vector<16xf32>
        %mul3A_593 = arith.mulf %get3A_592, %gather3A_534 : vector<16xf32>
        %swap3A_594 = arith.index_cast %add3A_538 : i32 to index
        %swap3A_595 = arith.constant 80 : index
        %swap3A_596 = tpu.vector_load %arg11[%swap3A_594, %swap3A_595] {strides = array<i32>} : memref<128x128xf32, #tpu.memory_space<vmem>>, vector<1x16xf32>,
        %swap3A_597 = vector.shape_cast %swap3A_596 : vector<1x16xf32> to vector<16xf32>
        %swap3A_598 = vector.shape_cast %mul3A_593 : vector<16xf32> to vector<1x16xf32>
        tpu.vector_store %arg11[%swap3A_594, %swap3A_595], %swap3A_598 {strides = array<i32>} : memref<128x128xf32, #tpu.memory_space<vmem>>, vector<1x16xf32>,
        %get3A_599 = arith.index_cast %add3A_538 : i32 to index
        %get3A_600 = arith.constant 96 : index
        %get3A_601 = tpu.vector_load %arg11[%get3A_599, %get3A_600] {strides = array<i32>} : memref<128x128xf32, #tpu.memory_space<vmem>>, vector<1x16xf32>,
        %get3A_602 = vector.shape_cast %get3A_601 : vector<1x16xf32> to vector<16xf32>
        %mul3A_603 = arith.mulf %get3A_602, %gather3A_534 : vector<16xf32>
        %swap3A_604 = arith.index_cast %add3A_538 : i32 to index
        %swap3A_605 = arith.constant 96 : index
        %swap3A_606 = tpu.vector_load %arg11[%swap3A_604, %swap3A_605] {strides = array<i32>} : memref<128x128xf32, #tpu.memory_space<vmem>>, vector<1x16xf32>,
        %swap3A_607 = vector.shape_cast %swap3A_606 : vector<1x16xf32> to vector<16xf32>
        %swap3A_608 = vector.shape_cast %mul3A_603 : vector<16xf32> to vector<1x16xf32>
        tpu.vector_store %arg11[%swap3A_604, %swap3A_605], %swap3A_608 {strides = array<i32>} : memref<128x128xf32, #tpu.memory_space<vmem>>, vector<1x16xf32>,
        %get3A_609 = arith.index_cast %add3A_538 : i32 to index
        %get3A_610 = arith.constant 112 : index
        %get3A_611 = tpu.vector_load %arg11[%get3A_609, %get3A_610] {strides = array<i32>} : memref<128x128xf32, #tpu.memory_space<vmem>>, vector<1x16xf32>,
        %get3A_612 = vector.shape_cast %get3A_611 : vector<1x16xf32> to vector<16xf32>
        %mul3A_613 = arith.mulf %get3A_612, %gather3A_534 : vector<16xf32>
        %swap3A_614 = arith.index_cast %add3A_538 : i32 to index
        %swap3A_615 = arith.constant 112 : index
        %swap3A_616 = tpu.vector_load %arg11[%swap3A_614, %swap3A_615] {strides = array<i32>} : memref<128x128xf32, #tpu.memory_space<vmem>>, vector<1x16xf32>,
        %swap3A_617 = vector.shape_cast %swap3A_616 : vector<1x16xf32> to vector<16xf32>
        %swap3A_618 = vector.shape_cast %mul3A_613 : vector<16xf32> to vector<1x16xf32>
        tpu.vector_store %arg11[%swap3A_614, %swap3A_615], %swap3A_618 {strides = array<i32>} : memref<128x128xf32, #tpu.memory_space<vmem>>, vector<1x16xf32>,
        %broadcast_in_dim3A_619 = arith.constant 6 : i32
        %broadcast_in_dim3A_620 = vector.broadcast %broadcast_in_dim3A_619 : i32 to vector<16xi32>
        %lt3A_621 = arith.constant 0 : i32
        %lt3A_622 = vector.broadcast %lt3A_621 : i32 to vector<16xi32>
        %lt3A_623 = arith.cmpi slt, %broadcast_in_dim3A_620, %lt3A_622 : vector<16xi32>
        %add3A_624 = arith.constant 16 : i32
        %add3A_625 = vector.broadcast %add3A_624 : i32 to vector<16xi32>
        %add3A_626 = arith.addi %broadcast_in_dim3A_620, %add3A_625 : vector<16xi32>
        %select_n3A_627 = arith.select %lt3A_623, %add3A_626, %broadcast_in_dim3A_620 : vector<16xi1>, vector<16xi32>
        %broadcast_in_dim3A_628 = vector.shape_cast %select_n3A_627 : vector<16xi32> to vector<16x1xi32>
        %gather3A_629 = vector.shape_cast %broadcast_in_dim3A_628 : vector<16x1xi32> to vector<16xi32>
        %gather3A_630 = tpu.dynamic_gather %get3A_46[%gather3A_629] in [0] : vector<16xf32>, vector<16xi32> -> vector<16xf32>
        %mul3A_631 = arith.constant 16 : i32
        %mul3A_632 = arith.muli %scan3A_42, %mul3A_631 : i32
        %add3A_633 = arith.constant 6 : i32
        %add3A_634 = arith.addi %mul3A_632, %add3A_633 : i32
        %get3A_635 = arith.index_cast %add3A_634 : i32 to index
        %get3A_636 = arith.constant 0 : index
        %get3A_637 = tpu.vector_load %arg11[%get3A_635, %get3A_636] {strides = array<i32>} : memref<128x128xf32, #tpu.memory_space<vmem>>, vector<1x16xf32>,
        %get3A_638 = vector.shape_cast %get3A_637 : vector<1x16xf32> to vector<16xf32>
        %mul3A_639 = arith.mulf %get3A_638, %gather3A_630 : vector<16xf32>
        %swap3A_640 = arith.index_cast %add3A_634 : i32 to index
        %swap3A_641 = arith.constant 0 : index
        %swap3A_642 = tpu.vector_load %arg11[%swap3A_640, %swap3A_641] {strides = array<i32>} : memref<128x128xf32, #tpu.memory_space<vmem>>, vector<1x16xf32>,
        %swap3A_643 = vector.shape_cast %swap3A_642 : vector<1x16xf32> to vector<16xf32>
        %swap3A_644 = vector.shape_cast %mul3A_639 : vector<16xf32> to vector<1x16xf32>
        tpu.vector_store %arg11[%swap3A_640, %swap3A_641], %swap3A_644 {strides = array<i32>} : memref<128x128xf32, #tpu.memory_space<vmem>>, vector<1x16xf32>,
        %get3A_645 = arith.index_cast %add3A_634 : i32 to index
        %get3A_646 = arith.constant 16 : index
        %get3A_647 = tpu.vector_load %arg11[%get3A_645, %get3A_646] {strides = array<i32>} : memref<128x128xf32, #tpu.memory_space<vmem>>, vector<1x16xf32>,
        %get3A_648 = vector.shape_cast %get3A_647 : vector<1x16xf32> to vector<16xf32>
        %mul3A_649 = arith.mulf %get3A_648, %gather3A_630 : vector<16xf32>
        %swap3A_650 = arith.index_cast %add3A_634 : i32 to index
        %swap3A_651 = arith.constant 16 : index
        %swap3A_652 = tpu.vector_load %arg11[%swap3A_650, %swap3A_651] {strides = array<i32>} : memref<128x128xf32, #tpu.memory_space<vmem>>, vector<1x16xf32>,
        %swap3A_653 = vector.shape_cast %swap3A_652 : vector<1x16xf32> to vector<16xf32>
        %swap3A_654 = vector.shape_cast %mul3A_649 : vector<16xf32> to vector<1x16xf32>
        tpu.vector_store %arg11[%swap3A_650, %swap3A_651], %swap3A_654 {strides = array<i32>} : memref<128x128xf32, #tpu.memory_space<vmem>>, vector<1x16xf32>,
        %get3A_655 = arith.index_cast %add3A_634 : i32 to index
        %get3A_656 = arith.constant 32 : index
        %get3A_657 = tpu.vector_load %arg11[%get3A_655, %get3A_656] {strides = array<i32>} : memref<128x128xf32, #tpu.memory_space<vmem>>, vector<1x16xf32>,
        %get3A_658 = vector.shape_cast %get3A_657 : vector<1x16xf32> to vector<16xf32>
        %mul3A_659 = arith.mulf %get3A_658, %gather3A_630 : vector<16xf32>
        %swap3A_660 = arith.index_cast %add3A_634 : i32 to index
        %swap3A_661 = arith.constant 32 : index
        %swap3A_662 = tpu.vector_load %arg11[%swap3A_660, %swap3A_661] {strides = array<i32>} : memref<128x128xf32, #tpu.memory_space<vmem>>, vector<1x16xf32>,
        %swap3A_663 = vector.shape_cast %swap3A_662 : vector<1x16xf32> to vector<16xf32>
        %swap3A_664 = vector.shape_cast %mul3A_659 : vector<16xf32> to vector<1x16xf32>
        tpu.vector_store %arg11[%swap3A_660, %swap3A_661], %swap3A_664 {strides = array<i32>} : memref<128x128xf32, #tpu.memory_space<vmem>>, vector<1x16xf32>,
        %get3A_665 = arith.index_cast %add3A_634 : i32 to index
        %get3A_666 = arith.constant 48 : index
        %get3A_667 = tpu.vector_load %arg11[%get3A_665, %get3A_666] {strides = array<i32>} : memref<128x128xf32, #tpu.memory_space<vmem>>, vector<1x16xf32>,
        %get3A_668 = vector.shape_cast %get3A_667 : vector<1x16xf32> to vector<16xf32>
        %mul3A_669 = arith.mulf %get3A_668, %gather3A_630 : vector<16xf32>
        %swap3A_670 = arith.index_cast %add3A_634 : i32 to index
        %swap3A_671 = arith.constant 48 : index
        %swap3A_672 = tpu.vector_load %arg11[%swap3A_670, %swap3A_671] {strides = array<i32>} : memref<128x128xf32, #tpu.memory_space<vmem>>, vector<1x16xf32>,
        %swap3A_673 = vector.shape_cast %swap3A_672 : vector<1x16xf32> to vector<16xf32>
        %swap3A_674 = vector.shape_cast %mul3A_669 : vector<16xf32> to vector<1x16xf32>
        tpu.vector_store %arg11[%swap3A_670, %swap3A_671], %swap3A_674 {strides = array<i32>} : memref<128x128xf32, #tpu.memory_space<vmem>>, vector<1x16xf32>,
        %get3A_675 = arith.index_cast %add3A_634 : i32 to index
        %get3A_676 = arith.constant 64 : index
        %get3A_677 = tpu.vector_load %arg11[%get3A_675, %get3A_676] {strides = array<i32>} : memref<128x128xf32, #tpu.memory_space<vmem>>, vector<1x16xf32>,
        %get3A_678 = vector.shape_cast %get3A_677 : vector<1x16xf32> to vector<16xf32>
        %mul3A_679 = arith.mulf %get3A_678, %gather3A_630 : vector<16xf32>
        %swap3A_680 = arith.index_cast %add3A_634 : i32 to index
        %swap3A_681 = arith.constant 64 : index
        %swap3A_682 = tpu.vector_load %arg11[%swap3A_680, %swap3A_681] {strides = array<i32>} : memref<128x128xf32, #tpu.memory_space<vmem>>, vector<1x16xf32>,
        %swap3A_683 = vector.shape_cast %swap3A_682 : vector<1x16xf32> to vector<16xf32>
        %swap3A_684 = vector.shape_cast %mul3A_679 : vector<16xf32> to vector<1x16xf32>
        tpu.vector_store %arg11[%swap3A_680, %swap3A_681], %swap3A_684 {strides = array<i32>} : memref<128x128xf32, #tpu.memory_space<vmem>>, vector<1x16xf32>,
        %get3A_685 = arith.index_cast %add3A_634 : i32 to index
        %get3A_686 = arith.constant 80 : index
        %get3A_687 = tpu.vector_load %arg11[%get3A_685, %get3A_686] {strides = array<i32>} : memref<128x128xf32, #tpu.memory_space<vmem>>, vector<1x16xf32>,
        %get3A_688 = vector.shape_cast %get3A_687 : vector<1x16xf32> to vector<16xf32>
        %mul3A_689 = arith.mulf %get3A_688, %gather3A_630 : vector<16xf32>
        %swap3A_690 = arith.index_cast %add3A_634 : i32 to index
        %swap3A_691 = arith.constant 80 : index
        %swap3A_692 = tpu.vector_load %arg11[%swap3A_690, %swap3A_691] {strides = array<i32>} : memref<128x128xf32, #tpu.memory_space<vmem>>, vector<1x16xf32>,
        %swap3A_693 = vector.shape_cast %swap3A_692 : vector<1x16xf32> to vector<16xf32>
        %swap3A_694 = vector.shape_cast %mul3A_689 : vector<16xf32> to vector<1x16xf32>
        tpu.vector_store %arg11[%swap3A_690, %swap3A_691], %swap3A_694 {strides = array<i32>} : memref<128x128xf32, #tpu.memory_space<vmem>>, vector<1x16xf32>,
        %get3A_695 = arith.index_cast %add3A_634 : i32 to index
        %get3A_696 = arith.constant 96 : index
        %get3A_697 = tpu.vector_load %arg11[%get3A_695, %get3A_696] {strides = array<i32>} : memref<128x128xf32, #tpu.memory_space<vmem>>, vector<1x16xf32>,
        %get3A_698 = vector.shape_cast %get3A_697 : vector<1x16xf32> to vector<16xf32>
        %mul3A_699 = arith.mulf %get3A_698, %gather3A_630 : vector<16xf32>
        %swap3A_700 = arith.index_cast %add3A_634 : i32 to index
        %swap3A_701 = arith.constant 96 : index
        %swap3A_702 = tpu.vector_load %arg11[%swap3A_700, %swap3A_701] {strides = array<i32>} : memref<128x128xf32, #tpu.memory_space<vmem>>, vector<1x16xf32>,
        %swap3A_703 = vector.shape_cast %swap3A_702 : vector<1x16xf32> to vector<16xf32>
        %swap3A_704 = vector.shape_cast %mul3A_699 : vector<16xf32> to vector<1x16xf32>
        tpu.vector_store %arg11[%swap3A_700, %swap3A_701], %swap3A_704 {strides = array<i32>} : memref<128x128xf32, #tpu.memory_space<vmem>>, vector<1x16xf32>,
        %get3A_705 = arith.index_cast %add3A_634 : i32 to index
        %get3A_706 = arith.constant 112 : index
        %get3A_707 = tpu.vector_load %arg11[%get3A_705, %get3A_706] {strides = array<i32>} : memref<128x128xf32, #tpu.memory_space<vmem>>, vector<1x16xf32>,
        %get3A_708 = vector.shape_cast %get3A_707 : vector<1x16xf32> to vector<16xf32>
        %mul3A_709 = arith.mulf %get3A_708, %gather3A_630 : vector<16xf32>
        %swap3A_710 = arith.index_cast %add3A_634 : i32 to index
        %swap3A_711 = arith.constant 112 : index
        %swap3A_712 = tpu.vector_load %arg11[%swap3A_710, %swap3A_711] {strides = array<i32>} : memref<128x128xf32, #tpu.memory_space<vmem>>, vector<1x16xf32>,
        %swap3A_713 = vector.shape_cast %swap3A_712 : vector<1x16xf32> to vector<16xf32>
        %swap3A_714 = vector.shape_cast %mul3A_709 : vector<16xf32> to vector<1x16xf32>
        tpu.vector_store %arg11[%swap3A_710, %swap3A_711], %swap3A_714 {strides = array<i32>} : memref<128x128xf32, #tpu.memory_space<vmem>>, vector<1x16xf32>,
        %broadcast_in_dim3A_715 = arith.constant 7 : i32
        %broadcast_in_dim3A_716 = vector.broadcast %broadcast_in_dim3A_715 : i32 to vector<16xi32>
        %lt3A_717 = arith.constant 0 : i32
        %lt3A_718 = vector.broadcast %lt3A_717 : i32 to vector<16xi32>
        %lt3A_719 = arith.cmpi slt, %broadcast_in_dim3A_716, %lt3A_718 : vector<16xi32>
        %add3A_720 = arith.constant 16 : i32
        %add3A_721 = vector.broadcast %add3A_720 : i32 to vector<16xi32>
        %add3A_722 = arith.addi %broadcast_in_dim3A_716, %add3A_721 : vector<16xi32>
        %select_n3A_723 = arith.select %lt3A_719, %add3A_722, %broadcast_in_dim3A_716 : vector<16xi1>, vector<16xi32>
        %broadcast_in_dim3A_724 = vector.shape_cast %select_n3A_723 : vector<16xi32> to vector<16x1xi32>
        %gather3A_725 = vector.shape_cast %broadcast_in_dim3A_724 : vector<16x1xi32> to vector<16xi32>
        %gather3A_726 = tpu.dynamic_gather %get3A_46[%gather3A_725] in [0] : vector<16xf32>, vector<16xi32> -> vector<16xf32>
        %mul3A_727 = arith.constant 16 : i32
        %mul3A_728 = arith.muli %scan3A_42, %mul3A_727 : i32
        %add3A_729 = arith.constant 7 : i32
        %add3A_730 = arith.addi %mul3A_728, %add3A_729 : i32
        %get3A_731 = arith.index_cast %add3A_730 : i32 to index
        %get3A_732 = arith.constant 0 : index
        %get3A_733 = tpu.vector_load %arg11[%get3A_731, %get3A_732] {strides = array<i32>} : memref<128x128xf32, #tpu.memory_space<vmem>>, vector<1x16xf32>,
        %get3A_734 = vector.shape_cast %get3A_733 : vector<1x16xf32> to vector<16xf32>
        %mul3A_735 = arith.mulf %get3A_734, %gather3A_726 : vector<16xf32>
        %swap3A_736 = arith.index_cast %add3A_730 : i32 to index
        %swap3A_737 = arith.constant 0 : index
        %swap3A_738 = tpu.vector_load %arg11[%swap3A_736, %swap3A_737] {strides = array<i32>} : memref<128x128xf32, #tpu.memory_space<vmem>>, vector<1x16xf32>,
        %swap3A_739 = vector.shape_cast %swap3A_738 : vector<1x16xf32> to vector<16xf32>
        %swap3A_740 = vector.shape_cast %mul3A_735 : vector<16xf32> to vector<1x16xf32>
        tpu.vector_store %arg11[%swap3A_736, %swap3A_737], %swap3A_740 {strides = array<i32>} : memref<128x128xf32, #tpu.memory_space<vmem>>, vector<1x16xf32>,
        %get3A_741 = arith.index_cast %add3A_730 : i32 to index
        %get3A_742 = arith.constant 16 : index
        %get3A_743 = tpu.vector_load %arg11[%get3A_741, %get3A_742] {strides = array<i32>} : memref<128x128xf32, #tpu.memory_space<vmem>>, vector<1x16xf32>,
        %get3A_744 = vector.shape_cast %get3A_743 : vector<1x16xf32> to vector<16xf32>
        %mul3A_745 = arith.mulf %get3A_744, %gather3A_726 : vector<16xf32>
        %swap3A_746 = arith.index_cast %add3A_730 : i32 to index
        %swap3A_747 = arith.constant 16 : index
        %swap3A_748 = tpu.vector_load %arg11[%swap3A_746, %swap3A_747] {strides = array<i32>} : memref<128x128xf32, #tpu.memory_space<vmem>>, vector<1x16xf32>,
        %swap3A_749 = vector.shape_cast %swap3A_748 : vector<1x16xf32> to vector<16xf32>
        %swap3A_750 = vector.shape_cast %mul3A_745 : vector<16xf32> to vector<1x16xf32>
        tpu.vector_store %arg11[%swap3A_746, %swap3A_747], %swap3A_750 {strides = array<i32>} : memref<128x128xf32, #tpu.memory_space<vmem>>, vector<1x16xf32>,
        %get3A_751 = arith.index_cast %add3A_730 : i32 to index
        %get3A_752 = arith.constant 32 : index
        %get3A_753 = tpu.vector_load %arg11[%get3A_751, %get3A_752] {strides = array<i32>} : memref<128x128xf32, #tpu.memory_space<vmem>>, vector<1x16xf32>,
        %get3A_754 = vector.shape_cast %get3A_753 : vector<1x16xf32> to vector<16xf32>
        %mul3A_755 = arith.mulf %get3A_754, %gather3A_726 : vector<16xf32>
        %swap3A_756 = arith.index_cast %add3A_730 : i32 to index
        %swap3A_757 = arith.constant 32 : index
        %swap3A_758 = tpu.vector_load %arg11[%swap3A_756, %swap3A_757] {strides = array<i32>} : memref<128x128xf32, #tpu.memory_space<vmem>>, vector<1x16xf32>,
        %swap3A_759 = vector.shape_cast %swap3A_758 : vector<1x16xf32> to vector<16xf32>
        %swap3A_760 = vector.shape_cast %mul3A_755 : vector<16xf32> to vector<1x16xf32>
        tpu.vector_store %arg11[%swap3A_756, %swap3A_757], %swap3A_760 {strides = array<i32>} : memref<128x128xf32, #tpu.memory_space<vmem>>, vector<1x16xf32>,
        %get3A_761 = arith.index_cast %add3A_730 : i32 to index
        %get3A_762 = arith.constant 48 : index
        %get3A_763 = tpu.vector_load %arg11[%get3A_761, %get3A_762] {strides = array<i32>} : memref<128x128xf32, #tpu.memory_space<vmem>>, vector<1x16xf32>,
        %get3A_764 = vector.shape_cast %get3A_763 : vector<1x16xf32> to vector<16xf32>
        %mul3A_765 = arith.mulf %get3A_764, %gather3A_726 : vector<16xf32>
        %swap3A_766 = arith.index_cast %add3A_730 : i32 to index
        %swap3A_767 = arith.constant 48 : index
        %swap3A_768 = tpu.vector_load %arg11[%swap3A_766, %swap3A_767] {strides = array<i32>} : memref<128x128xf32, #tpu.memory_space<vmem>>, vector<1x16xf32>,
        %swap3A_769 = vector.shape_cast %swap3A_768 : vector<1x16xf32> to vector<16xf32>
        %swap3A_770 = vector.shape_cast %mul3A_765 : vector<16xf32> to vector<1x16xf32>
        tpu.vector_store %arg11[%swap3A_766, %swap3A_767], %swap3A_770 {strides = array<i32>} : memref<128x128xf32, #tpu.memory_space<vmem>>, vector<1x16xf32>,
        %get3A_771 = arith.index_cast %add3A_730 : i32 to index
        %get3A_772 = arith.constant 64 : index
        %get3A_773 = tpu.vector_load %arg11[%get3A_771, %get3A_772] {strides = array<i32>} : memref<128x128xf32, #tpu.memory_space<vmem>>, vector<1x16xf32>,
        %get3A_774 = vector.shape_cast %get3A_773 : vector<1x16xf32> to vector<16xf32>
        %mul3A_775 = arith.mulf %get3A_774, %gather3A_726 : vector<16xf32>
        %swap3A_776 = arith.index_cast %add3A_730 : i32 to index
        %swap3A_777 = arith.constant 64 : index
        %swap3A_778 = tpu.vector_load %arg11[%swap3A_776, %swap3A_777] {strides = array<i32>} : memref<128x128xf32, #tpu.memory_space<vmem>>, vector<1x16xf32>,
        %swap3A_779 = vector.shape_cast %swap3A_778 : vector<1x16xf32> to vector<16xf32>
        %swap3A_780 = vector.shape_cast %mul3A_775 : vector<16xf32> to vector<1x16xf32>
        tpu.vector_store %arg11[%swap3A_776, %swap3A_777], %swap3A_780 {strides = array<i32>} : memref<128x128xf32, #tpu.memory_space<vmem>>, vector<1x16xf32>,
        %get3A_781 = arith.index_cast %add3A_730 : i32 to index
        %get3A_782 = arith.constant 80 : index
        %get3A_783 = tpu.vector_load %arg11[%get3A_781, %get3A_782] {strides = array<i32>} : memref<128x128xf32, #tpu.memory_space<vmem>>, vector<1x16xf32>,
        %get3A_784 = vector.shape_cast %get3A_783 : vector<1x16xf32> to vector<16xf32>
        %mul3A_785 = arith.mulf %get3A_784, %gather3A_726 : vector<16xf32>
        %swap3A_786 = arith.index_cast %add3A_730 : i32 to index
        %swap3A_787 = arith.constant 80 : index
        %swap3A_788 = tpu.vector_load %arg11[%swap3A_786, %swap3A_787] {strides = array<i32>} : memref<128x128xf32, #tpu.memory_space<vmem>>, vector<1x16xf32>,
        %swap3A_789 = vector.shape_cast %swap3A_788 : vector<1x16xf32> to vector<16xf32>
        %swap3A_790 = vector.shape_cast %mul3A_785 : vector<16xf32> to vector<1x16xf32>
        tpu.vector_store %arg11[%swap3A_786, %swap3A_787], %swap3A_790 {strides = array<i32>} : memref<128x128xf32, #tpu.memory_space<vmem>>, vector<1x16xf32>,
        %get3A_791 = arith.index_cast %add3A_730 : i32 to index
        %get3A_792 = arith.constant 96 : index
        %get3A_793 = tpu.vector_load %arg11[%get3A_791, %get3A_792] {strides = array<i32>} : memref<128x128xf32, #tpu.memory_space<vmem>>, vector<1x16xf32>,
        %get3A_794 = vector.shape_cast %get3A_793 : vector<1x16xf32> to vector<16xf32>
        %mul3A_795 = arith.mulf %get3A_794, %gather3A_726 : vector<16xf32>
        %swap3A_796 = arith.index_cast %add3A_730 : i32 to index
        %swap3A_797 = arith.constant 96 : index
        %swap3A_798 = tpu.vector_load %arg11[%swap3A_796, %swap3A_797] {strides = array<i32>} : memref<128x128xf32, #tpu.memory_space<vmem>>, vector<1x16xf32>,
        %swap3A_799 = vector.shape_cast %swap3A_798 : vector<1x16xf32> to vector<16xf32>
        %swap3A_800 = vector.shape_cast %mul3A_795 : vector<16xf32> to vector<1x16xf32>
        tpu.vector_store %arg11[%swap3A_796, %swap3A_797], %swap3A_800 {strides = array<i32>} : memref<128x128xf32, #tpu.memory_space<vmem>>, vector<1x16xf32>,
        %get3A_801 = arith.index_cast %add3A_730 : i32 to index
        %get3A_802 = arith.constant 112 : index
        %get3A_803 = tpu.vector_load %arg11[%get3A_801, %get3A_802] {strides = array<i32>} : memref<128x128xf32, #tpu.memory_space<vmem>>, vector<1x16xf32>,
        %get3A_804 = vector.shape_cast %get3A_803 : vector<1x16xf32> to vector<16xf32>
        %mul3A_805 = arith.mulf %get3A_804, %gather3A_726 : vector<16xf32>
        %swap3A_806 = arith.index_cast %add3A_730 : i32 to index
        %swap3A_807 = arith.constant 112 : index
        %swap3A_808 = tpu.vector_load %arg11[%swap3A_806, %swap3A_807] {strides = array<i32>} : memref<128x128xf32, #tpu.memory_space<vmem>>, vector<1x16xf32>,
        %swap3A_809 = vector.shape_cast %swap3A_808 : vector<1x16xf32> to vector<16xf32>
        %swap3A_810 = vector.shape_cast %mul3A_805 : vector<16xf32> to vector<1x16xf32>
        tpu.vector_store %arg11[%swap3A_806, %swap3A_807], %swap3A_810 {strides = array<i32>} : memref<128x128xf32, #tpu.memory_space<vmem>>, vector<1x16xf32>,
        %broadcast_in_dim3A_811 = arith.constant 8 : i32
        %broadcast_in_dim3A_812 = vector.broadcast %broadcast_in_dim3A_811 : i32 to vector<16xi32>
        %lt3A_813 = arith.constant 0 : i32
        %lt3A_814 = vector.broadcast %lt3A_813 : i32 to vector<16xi32>
        %lt3A_815 = arith.cmpi slt, %broadcast_in_dim3A_812, %lt3A_814 : vector<16xi32>
        %add3A_816 = arith.constant 16 : i32
        %add3A_817 = vector.broadcast %add3A_816 : i32 to vector<16xi32>
        %add3A_818 = arith.addi %broadcast_in_dim3A_812, %add3A_817 : vector<16xi32>
        %select_n3A_819 = arith.select %lt3A_815, %add3A_818, %broadcast_in_dim3A_812 : vector<16xi1>, vector<16xi32>
        %broadcast_in_dim3A_820 = vector.shape_cast %select_n3A_819 : vector<16xi32> to vector<16x1xi32>
        %gather3A_821 = vector.shape_cast %broadcast_in_dim3A_820 : vector<16x1xi32> to vector<16xi32>
        %gather3A_822 = tpu.dynamic_gather %get3A_46[%gather3A_821] in [0] : vector<16xf32>, vector<16xi32> -> vector<16xf32>
        %mul3A_823 = arith.constant 16 : i32
        %mul3A_824 = arith.muli %scan3A_42, %mul3A_823 : i32
        %add3A_825 = arith.constant 8 : i32
        %add3A_826 = arith.addi %mul3A_824, %add3A_825 : i32
        %get3A_827 = arith.index_cast %add3A_826 : i32 to index
        %get3A_828 = arith.constant 0 : index
        %get3A_829 = tpu.vector_load %arg11[%get3A_827, %get3A_828] {strides = array<i32>} : memref<128x128xf32, #tpu.memory_space<vmem>>, vector<1x16xf32>,
        %get3A_830 = vector.shape_cast %get3A_829 : vector<1x16xf32> to vector<16xf32>
        %mul3A_831 = arith.mulf %get3A_830, %gather3A_822 : vector<16xf32>
        %swap3A_832 = arith.index_cast %add3A_826 : i32 to index
        %swap3A_833 = arith.constant 0 : index
        %swap3A_834 = tpu.vector_load %arg11[%swap3A_832, %swap3A_833] {strides = array<i32>} : memref<128x128xf32, #tpu.memory_space<vmem>>, vector<1x16xf32>,
        %swap3A_835 = vector.shape_cast %swap3A_834 : vector<1x16xf32> to vector<16xf32>
        %swap3A_836 = vector.shape_cast %mul3A_831 : vector<16xf32> to vector<1x16xf32>
        tpu.vector_store %arg11[%swap3A_832, %swap3A_833], %swap3A_836 {strides = array<i32>} : memref<128x128xf32, #tpu.memory_space<vmem>>, vector<1x16xf32>,
        %get3A_837 = arith.index_cast %add3A_826 : i32 to index
        %get3A_838 = arith.constant 16 : index
        %get3A_839 = tpu.vector_load %arg11[%get3A_837, %get3A_838] {strides = array<i32>} : memref<128x128xf32, #tpu.memory_space<vmem>>, vector<1x16xf32>,
        %get3A_840 = vector.shape_cast %get3A_839 : vector<1x16xf32> to vector<16xf32>
        %mul3A_841 = arith.mulf %get3A_840, %gather3A_822 : vector<16xf32>
        %swap3A_842 = arith.index_cast %add3A_826 : i32 to index
        %swap3A_843 = arith.constant 16 : index
        %swap3A_844 = tpu.vector_load %arg11[%swap3A_842, %swap3A_843] {strides = array<i32>} : memref<128x128xf32, #tpu.memory_space<vmem>>, vector<1x16xf32>,
        %swap3A_845 = vector.shape_cast %swap3A_844 : vector<1x16xf32> to vector<16xf32>
        %swap3A_846 = vector.shape_cast %mul3A_841 : vector<16xf32> to vector<1x16xf32>
        tpu.vector_store %arg11[%swap3A_842, %swap3A_843], %swap3A_846 {strides = array<i32>} : memref<128x128xf32, #tpu.memory_space<vmem>>, vector<1x16xf32>,
        %get3A_847 = arith.index_cast %add3A_826 : i32 to index
        %get3A_848 = arith.constant 32 : index
        %get3A_849 = tpu.vector_load %arg11[%get3A_847, %get3A_848] {strides = array<i32>} : memref<128x128xf32, #tpu.memory_space<vmem>>, vector<1x16xf32>,
        %get3A_850 = vector.shape_cast %get3A_849 : vector<1x16xf32> to vector<16xf32>
        %mul3A_851 = arith.mulf %get3A_850, %gather3A_822 : vector<16xf32>
        %swap3A_852 = arith.index_cast %add3A_826 : i32 to index
        %swap3A_853 = arith.constant 32 : index
        %swap3A_854 = tpu.vector_load %arg11[%swap3A_852, %swap3A_853] {strides = array<i32>} : memref<128x128xf32, #tpu.memory_space<vmem>>, vector<1x16xf32>,
        %swap3A_855 = vector.shape_cast %swap3A_854 : vector<1x16xf32> to vector<16xf32>
        %swap3A_856 = vector.shape_cast %mul3A_851 : vector<16xf32> to vector<1x16xf32>
        tpu.vector_store %arg11[%swap3A_852, %swap3A_853], %swap3A_856 {strides = array<i32>} : memref<128x128xf32, #tpu.memory_space<vmem>>, vector<1x16xf32>,
        %get3A_857 = arith.index_cast %add3A_826 : i32 to index
        %get3A_858 = arith.constant 48 : index
        %get3A_859 = tpu.vector_load %arg11[%get3A_857, %get3A_858] {strides = array<i32>} : memref<128x128xf32, #tpu.memory_space<vmem>>, vector<1x16xf32>,
        %get3A_860 = vector.shape_cast %get3A_859 : vector<1x16xf32> to vector<16xf32>
        %mul3A_861 = arith.mulf %get3A_860, %gather3A_822 : vector<16xf32>
        %swap3A_862 = arith.index_cast %add3A_826 : i32 to index
        %swap3A_863 = arith.constant 48 : index
        %swap3A_864 = tpu.vector_load %arg11[%swap3A_862, %swap3A_863] {strides = array<i32>} : memref<128x128xf32, #tpu.memory_space<vmem>>, vector<1x16xf32>,
        %swap3A_865 = vector.shape_cast %swap3A_864 : vector<1x16xf32> to vector<16xf32>
        %swap3A_866 = vector.shape_cast %mul3A_861 : vector<16xf32> to vector<1x16xf32>
        tpu.vector_store %arg11[%swap3A_862, %swap3A_863], %swap3A_866 {strides = array<i32>} : memref<128x128xf32, #tpu.memory_space<vmem>>, vector<1x16xf32>,
        %get3A_867 = arith.index_cast %add3A_826 : i32 to index
        %get3A_868 = arith.constant 64 : index
        %get3A_869 = tpu.vector_load %arg11[%get3A_867, %get3A_868] {strides = array<i32>} : memref<128x128xf32, #tpu.memory_space<vmem>>, vector<1x16xf32>,
        %get3A_870 = vector.shape_cast %get3A_869 : vector<1x16xf32> to vector<16xf32>
        %mul3A_871 = arith.mulf %get3A_870, %gather3A_822 : vector<16xf32>
        %swap3A_872 = arith.index_cast %add3A_826 : i32 to index
        %swap3A_873 = arith.constant 64 : index
        %swap3A_874 = tpu.vector_load %arg11[%swap3A_872, %swap3A_873] {strides = array<i32>} : memref<128x128xf32, #tpu.memory_space<vmem>>, vector<1x16xf32>,
        %swap3A_875 = vector.shape_cast %swap3A_874 : vector<1x16xf32> to vector<16xf32>
        %swap3A_876 = vector.shape_cast %mul3A_871 : vector<16xf32> to vector<1x16xf32>
        tpu.vector_store %arg11[%swap3A_872, %swap3A_873], %swap3A_876 {strides = array<i32>} : memref<128x128xf32, #tpu.memory_space<vmem>>, vector<1x16xf32>,
        %get3A_877 = arith.index_cast %add3A_826 : i32 to index
        %get3A_878 = arith.constant 80 : index
        %get3A_879 = tpu.vector_load %arg11[%get3A_877, %get3A_878] {strides = array<i32>} : memref<128x128xf32, #tpu.memory_space<vmem>>, vector<1x16xf32>,
        %get3A_880 = vector.shape_cast %get3A_879 : vector<1x16xf32> to vector<16xf32>
        %mul3A_881 = arith.mulf %get3A_880, %gather3A_822 : vector<16xf32>
        %swap3A_882 = arith.index_cast %add3A_826 : i32 to index
        %swap3A_883 = arith.constant 80 : index
        %swap3A_884 = tpu.vector_load %arg11[%swap3A_882, %swap3A_883] {strides = array<i32>} : memref<128x128xf32, #tpu.memory_space<vmem>>, vector<1x16xf32>,
        %swap3A_885 = vector.shape_cast %swap3A_884 : vector<1x16xf32> to vector<16xf32>
        %swap3A_886 = vector.shape_cast %mul3A_881 : vector<16xf32> to vector<1x16xf32>
        tpu.vector_store %arg11[%swap3A_882, %swap3A_883], %swap3A_886 {strides = array<i32>} : memref<128x128xf32, #tpu.memory_space<vmem>>, vector<1x16xf32>,
        %get3A_887 = arith.index_cast %add3A_826 : i32 to index
        %get3A_888 = arith.constant 96 : index
        %get3A_889 = tpu.vector_load %arg11[%get3A_887, %get3A_888] {strides = array<i32>} : memref<128x128xf32, #tpu.memory_space<vmem>>, vector<1x16xf32>,
        %get3A_890 = vector.shape_cast %get3A_889 : vector<1x16xf32> to vector<16xf32>
        %mul3A_891 = arith.mulf %get3A_890, %gather3A_822 : vector<16xf32>
        %swap3A_892 = arith.index_cast %add3A_826 : i32 to index
        %swap3A_893 = arith.constant 96 : index
        %swap3A_894 = tpu.vector_load %arg11[%swap3A_892, %swap3A_893] {strides = array<i32>} : memref<128x128xf32, #tpu.memory_space<vmem>>, vector<1x16xf32>,
        %swap3A_895 = vector.shape_cast %swap3A_894 : vector<1x16xf32> to vector<16xf32>
        %swap3A_896 = vector.shape_cast %mul3A_891 : vector<16xf32> to vector<1x16xf32>
        tpu.vector_store %arg11[%swap3A_892, %swap3A_893], %swap3A_896 {strides = array<i32>} : memref<128x128xf32, #tpu.memory_space<vmem>>, vector<1x16xf32>,
        %get3A_897 = arith.index_cast %add3A_826 : i32 to index
        %get3A_898 = arith.constant 112 : index
        %get3A_899 = tpu.vector_load %arg11[%get3A_897, %get3A_898] {strides = array<i32>} : memref<128x128xf32, #tpu.memory_space<vmem>>, vector<1x16xf32>,
        %get3A_900 = vector.shape_cast %get3A_899 : vector<1x16xf32> to vector<16xf32>
        %mul3A_901 = arith.mulf %get3A_900, %gather3A_822 : vector<16xf32>
        %swap3A_902 = arith.index_cast %add3A_826 : i32 to index
        %swap3A_903 = arith.constant 112 : index
        %swap3A_904 = tpu.vector_load %arg11[%swap3A_902, %swap3A_903] {strides = array<i32>} : memref<128x128xf32, #tpu.memory_space<vmem>>, vector<1x16xf32>,
        %swap3A_905 = vector.shape_cast %swap3A_904 : vector<1x16xf32> to vector<16xf32>
        %swap3A_906 = vector.shape_cast %mul3A_901 : vector<16xf32> to vector<1x16xf32>
        tpu.vector_store %arg11[%swap3A_902, %swap3A_903], %swap3A_906 {strides = array<i32>} : memref<128x128xf32, #tpu.memory_space<vmem>>, vector<1x16xf32>,
        %broadcast_in_dim3A_907 = arith.constant 9 : i32
        %broadcast_in_dim3A_908 = vector.broadcast %broadcast_in_dim3A_907 : i32 to vector<16xi32>
        %lt3A_909 = arith.constant 0 : i32
        %lt3A_910 = vector.broadcast %lt3A_909 : i32 to vector<16xi32>
        %lt3A_911 = arith.cmpi slt, %broadcast_in_dim3A_908, %lt3A_910 : vector<16xi32>
        %add3A_912 = arith.constant 16 : i32
        %add3A_913 = vector.broadcast %add3A_912 : i32 to vector<16xi32>
        %add3A_914 = arith.addi %broadcast_in_dim3A_908, %add3A_913 : vector<16xi32>
        %select_n3A_915 = arith.select %lt3A_911, %add3A_914, %broadcast_in_dim3A_908 : vector<16xi1>, vector<16xi32>
        %broadcast_in_dim3A_916 = vector.shape_cast %select_n3A_915 : vector<16xi32> to vector<16x1xi32>
        %gather3A_917 = vector.shape_cast %broadcast_in_dim3A_916 : vector<16x1xi32> to vector<16xi32>
        %gather3A_918 = tpu.dynamic_gather %get3A_46[%gather3A_917] in [0] : vector<16xf32>, vector<16xi32> -> vector<16xf32>
        %mul3A_919 = arith.constant 16 : i32
        %mul3A_920 = arith.muli %scan3A_42, %mul3A_919 : i32
        %add3A_921 = arith.constant 9 : i32
        %add3A_922 = arith.addi %mul3A_920, %add3A_921 : i32
        %get3A_923 = arith.index_cast %add3A_922 : i32 to index
        %get3A_924 = arith.constant 0 : index
        %get3A_925 = tpu.vector_load %arg11[%get3A_923, %get3A_924] {strides = array<i32>} : memref<128x128xf32, #tpu.memory_space<vmem>>, vector<1x16xf32>,
        %get3A_926 = vector.shape_cast %get3A_925 : vector<1x16xf32> to vector<16xf32>
        %mul3A_927 = arith.mulf %get3A_926, %gather3A_918 : vector<16xf32>
        %swap3A_928 = arith.index_cast %add3A_922 : i32 to index
        %swap3A_929 = arith.constant 0 : index
        %swap3A_930 = tpu.vector_load %arg11[%swap3A_928, %swap3A_929] {strides = array<i32>} : memref<128x128xf32, #tpu.memory_space<vmem>>, vector<1x16xf32>,
        %swap3A_931 = vector.shape_cast %swap3A_930 : vector<1x16xf32> to vector<16xf32>
        %swap3A_932 = vector.shape_cast %mul3A_927 : vector<16xf32> to vector<1x16xf32>
        tpu.vector_store %arg11[%swap3A_928, %swap3A_929], %swap3A_932 {strides = array<i32>} : memref<128x128xf32, #tpu.memory_space<vmem>>, vector<1x16xf32>,
        %get3A_933 = arith.index_cast %add3A_922 : i32 to index
        %get3A_934 = arith.constant 16 : index
        %get3A_935 = tpu.vector_load %arg11[%get3A_933, %get3A_934] {strides = array<i32>} : memref<128x128xf32, #tpu.memory_space<vmem>>, vector<1x16xf32>,
        %get3A_936 = vector.shape_cast %get3A_935 : vector<1x16xf32> to vector<16xf32>
        %mul3A_937 = arith.mulf %get3A_936, %gather3A_918 : vector<16xf32>
        %swap3A_938 = arith.index_cast %add3A_922 : i32 to index
        %swap3A_939 = arith.constant 16 : index
        %swap3A_940 = tpu.vector_load %arg11[%swap3A_938, %swap3A_939] {strides = array<i32>} : memref<128x128xf32, #tpu.memory_space<vmem>>, vector<1x16xf32>,
        %swap3A_941 = vector.shape_cast %swap3A_940 : vector<1x16xf32> to vector<16xf32>
        %swap3A_942 = vector.shape_cast %mul3A_937 : vector<16xf32> to vector<1x16xf32>
        tpu.vector_store %arg11[%swap3A_938, %swap3A_939], %swap3A_942 {strides = array<i32>} : memref<128x128xf32, #tpu.memory_space<vmem>>, vector<1x16xf32>,
        %get3A_943 = arith.index_cast %add3A_922 : i32 to index
        %get3A_944 = arith.constant 32 : index
        %get3A_945 = tpu.vector_load %arg11[%get3A_943, %get3A_944] {strides = array<i32>} : memref<128x128xf32, #tpu.memory_space<vmem>>, vector<1x16xf32>,
        %get3A_946 = vector.shape_cast %get3A_945 : vector<1x16xf32> to vector<16xf32>
        %mul3A_947 = arith.mulf %get3A_946, %gather3A_918 : vector<16xf32>
        %swap3A_948 = arith.index_cast %add3A_922 : i32 to index
        %swap3A_949 = arith.constant 32 : index
        %swap3A_950 = tpu.vector_load %arg11[%swap3A_948, %swap3A_949] {strides = array<i32>} : memref<128x128xf32, #tpu.memory_space<vmem>>, vector<1x16xf32>,
        %swap3A_951 = vector.shape_cast %swap3A_950 : vector<1x16xf32> to vector<16xf32>
        %swap3A_952 = vector.shape_cast %mul3A_947 : vector<16xf32> to vector<1x16xf32>
        tpu.vector_store %arg11[%swap3A_948, %swap3A_949], %swap3A_952 {strides = array<i32>} : memref<128x128xf32, #tpu.memory_space<vmem>>, vector<1x16xf32>,
        %get3A_953 = arith.index_cast %add3A_922 : i32 to index
        %get3A_954 = arith.constant 48 : index
        %get3A_955 = tpu.vector_load %arg11[%get3A_953, %get3A_954] {strides = array<i32>} : memref<128x128xf32, #tpu.memory_space<vmem>>, vector<1x16xf32>,
        %get3A_956 = vector.shape_cast %get3A_955 : vector<1x16xf32> to vector<16xf32>
        %mul3A_957 = arith.mulf %get3A_956, %gather3A_918 : vector<16xf32>
        %swap3A_958 = arith.index_cast %add3A_922 : i32 to index
        %swap3A_959 = arith.constant 48 : index
        %swap3A_960 = tpu.vector_load %arg11[%swap3A_958, %swap3A_959] {strides = array<i32>} : memref<128x128xf32, #tpu.memory_space<vmem>>, vector<1x16xf32>,
        %swap3A_961 = vector.shape_cast %swap3A_960 : vector<1x16xf32> to vector<16xf32>
        %swap3A_962 = vector.shape_cast %mul3A_957 : vector<16xf32> to vector<1x16xf32>
        tpu.vector_store %arg11[%swap3A_958, %swap3A_959], %swap3A_962 {strides = array<i32>} : memref<128x128xf32, #tpu.memory_space<vmem>>, vector<1x16xf32>,
        %get3A_963 = arith.index_cast %add3A_922 : i32 to index
        %get3A_964 = arith.constant 64 : index
        %get3A_965 = tpu.vector_load %arg11[%get3A_963, %get3A_964] {strides = array<i32>} : memref<128x128xf32, #tpu.memory_space<vmem>>, vector<1x16xf32>,
        %get3A_966 = vector.shape_cast %get3A_965 : vector<1x16xf32> to vector<16xf32>
        %mul3A_967 = arith.mulf %get3A_966, %gather3A_918 : vector<16xf32>
        %swap3A_968 = arith.index_cast %add3A_922 : i32 to index
        %swap3A_969 = arith.constant 64 : index
        %swap3A_970 = tpu.vector_load %arg11[%swap3A_968, %swap3A_969] {strides = array<i32>} : memref<128x128xf32, #tpu.memory_space<vmem>>, vector<1x16xf32>,
        %swap3A_971 = vector.shape_cast %swap3A_970 : vector<1x16xf32> to vector<16xf32>
        %swap3A_972 = vector.shape_cast %mul3A_967 : vector<16xf32> to vector<1x16xf32>
        tpu.vector_store %arg11[%swap3A_968, %swap3A_969], %swap3A_972 {strides = array<i32>} : memref<128x128xf32, #tpu.memory_space<vmem>>, vector<1x16xf32>,
        %get3A_973 = arith.index_cast %add3A_922 : i32 to index
        %get3A_974 = arith.constant 80 : index
        %get3A_975 = tpu.vector_load %arg11[%get3A_973, %get3A_974] {strides = array<i32>} : memref<128x128xf32, #tpu.memory_space<vmem>>, vector<1x16xf32>,
        %get3A_976 = vector.shape_cast %get3A_975 : vector<1x16xf32> to vector<16xf32>
        %mul3A_977 = arith.mulf %get3A_976, %gather3A_918 : vector<16xf32>
        %swap3A_978 = arith.index_cast %add3A_922 : i32 to index
        %swap3A_979 = arith.constant 80 : index
        %swap3A_980 = tpu.vector_load %arg11[%swap3A_978, %swap3A_979] {strides = array<i32>} : memref<128x128xf32, #tpu.memory_space<vmem>>, vector<1x16xf32>,
        %swap3A_981 = vector.shape_cast %swap3A_980 : vector<1x16xf32> to vector<16xf32>
        %swap3A_982 = vector.shape_cast %mul3A_977 : vector<16xf32> to vector<1x16xf32>
        tpu.vector_store %arg11[%swap3A_978, %swap3A_979], %swap3A_982 {strides = array<i32>} : memref<128x128xf32, #tpu.memory_space<vmem>>, vector<1x16xf32>,
        %get3A_983 = arith.index_cast %add3A_922 : i32 to index
        %get3A_984 = arith.constant 96 : index
        %get3A_985 = tpu.vector_load %arg11[%get3A_983, %get3A_984] {strides = array<i32>} : memref<128x128xf32, #tpu.memory_space<vmem>>, vector<1x16xf32>,
        %get3A_986 = vector.shape_cast %get3A_985 : vector<1x16xf32> to vector<16xf32>
        %mul3A_987 = arith.mulf %get3A_986, %gather3A_918 : vector<16xf32>
        %swap3A_988 = arith.index_cast %add3A_922 : i32 to index
        %swap3A_989 = arith.constant 96 : index
        %swap3A_990 = tpu.vector_load %arg11[%swap3A_988, %swap3A_989] {strides = array<i32>} : memref<128x128xf32, #tpu.memory_space<vmem>>, vector<1x16xf32>,
        %swap3A_991 = vector.shape_cast %swap3A_990 : vector<1x16xf32> to vector<16xf32>
        %swap3A_992 = vector.shape_cast %mul3A_987 : vector<16xf32> to vector<1x16xf32>
        tpu.vector_store %arg11[%swap3A_988, %swap3A_989], %swap3A_992 {strides = array<i32>} : memref<128x128xf32, #tpu.memory_space<vmem>>, vector<1x16xf32>,
        %get3A_993 = arith.index_cast %add3A_922 : i32 to index
        %get3A_994 = arith.constant 112 : index
        %get3A_995 = tpu.vector_load %arg11[%get3A_993, %get3A_994] {strides = array<i32>} : memref<128x128xf32, #tpu.memory_space<vmem>>, vector<1x16xf32>,
        %get3A_996 = vector.shape_cast %get3A_995 : vector<1x16xf32> to vector<16xf32>
        %mul3A_997 = arith.mulf %get3A_996, %gather3A_918 : vector<16xf32>
        %swap3A_998 = arith.index_cast %add3A_922 : i32 to index
        %swap3A_999 = arith.constant 112 : index
        %swap3A_1000 = tpu.vector_load %arg11[%swap3A_998, %swap3A_999] {strides = array<i32>} : memref<128x128xf32, #tpu.memory_space<vmem>>, vector<1x16xf32>,
        %swap3A_1001 = vector.shape_cast %swap3A_1000 : vector<1x16xf32> to vector<16xf32>
        %swap3A_1002 = vector.shape_cast %mul3A_997 : vector<16xf32> to vector<1x16xf32>
        tpu.vector_store %arg11[%swap3A_998, %swap3A_999], %swap3A_1002 {strides = array<i32>} : memref<128x128xf32, #tpu.memory_space<vmem>>, vector<1x16xf32>,
        %broadcast_in_dim3A_1003 = arith.constant 10 : i32
        %broadcast_in_dim3A_1004 = vector.broadcast %broadcast_in_dim3A_1003 : i32 to vector<16xi32>
        %lt3A_1005 = arith.constant 0 : i32
        %lt3A_1006 = vector.broadcast %lt3A_1005 : i32 to vector<16xi32>
        %lt3A_1007 = arith.cmpi slt, %broadcast_in_dim3A_1004, %lt3A_1006 : vector<16xi32>
        %add3A_1008 = arith.constant 16 : i32
        %add3A_1009 = vector.broadcast %add3A_1008 : i32 to vector<16xi32>
        %add3A_1010 = arith.addi %broadcast_in_dim3A_1004, %add3A_1009 : vector<16xi32>
        %select_n3A_1011 = arith.select %lt3A_1007, %add3A_1010, %broadcast_in_dim3A_1004 : vector<16xi1>, vector<16xi32>
        %broadcast_in_dim3A_1012 = vector.shape_cast %select_n3A_1011 : vector<16xi32> to vector<16x1xi32>
        %gather3A_1013 = vector.shape_cast %broadcast_in_dim3A_1012 : vector<16x1xi32> to vector<16xi32>
        %gather3A_1014 = tpu.dynamic_gather %get3A_46[%gather3A_1013] in [0] : vector<16xf32>, vector<16xi32> -> vector<16xf32>
        %mul3A_1015 = arith.constant 16 : i32
        %mul3A_1016 = arith.muli %scan3A_42, %mul3A_1015 : i32
        %add3A_1017 = arith.constant 10 : i32
        %add3A_1018 = arith.addi %mul3A_1016, %add3A_1017 : i32
        %get3A_1019 = arith.index_cast %add3A_1018 : i32 to index
        %get3A_1020 = arith.constant 0 : index
        %get3A_1021 = tpu.vector_load %arg11[%get3A_1019, %get3A_1020] {strides = array<i32>} : memref<128x128xf32, #tpu.memory_space<vmem>>, vector<1x16xf32>,
        %get3A_1022 = vector.shape_cast %get3A_1021 : vector<1x16xf32> to vector<16xf32>
        %mul3A_1023 = arith.mulf %get3A_1022, %gather3A_1014 : vector<16xf32>
        %swap3A_1024 = arith.index_cast %add3A_1018 : i32 to index
        %swap3A_1025 = arith.constant 0 : index
        %swap3A_1026 = tpu.vector_load %arg11[%swap3A_1024, %swap3A_1025] {strides = array<i32>} : memref<128x128xf32, #tpu.memory_space<vmem>>, vector<1x16xf32>,
        %swap3A_1027 = vector.shape_cast %swap3A_1026 : vector<1x16xf32> to vector<16xf32>
        %swap3A_1028 = vector.shape_cast %mul3A_1023 : vector<16xf32> to vector<1x16xf32>
        tpu.vector_store %arg11[%swap3A_1024, %swap3A_1025], %swap3A_1028 {strides = array<i32>} : memref<128x128xf32, #tpu.memory_space<vmem>>, vector<1x16xf32>,
        %get3A_1029 = arith.index_cast %add3A_1018 : i32 to index
        %get3A_1030 = arith.constant 16 : index
        %get3A_1031 = tpu.vector_load %arg11[%get3A_1029, %get3A_1030] {strides = array<i32>} : memref<128x128xf32, #tpu.memory_space<vmem>>, vector<1x16xf32>,
        %get3A_1032 = vector.shape_cast %get3A_1031 : vector<1x16xf32> to vector<16xf32>
        %mul3A_1033 = arith.mulf %get3A_1032, %gather3A_1014 : vector<16xf32>
        %swap3A_1034 = arith.index_cast %add3A_1018 : i32 to index
        %swap3A_1035 = arith.constant 16 : index
        %swap3A_1036 = tpu.vector_load %arg11[%swap3A_1034, %swap3A_1035] {strides = array<i32>} : memref<128x128xf32, #tpu.memory_space<vmem>>, vector<1x16xf32>,
        %swap3A_1037 = vector.shape_cast %swap3A_1036 : vector<1x16xf32> to vector<16xf32>
        %swap3A_1038 = vector.shape_cast %mul3A_1033 : vector<16xf32> to vector<1x16xf32>
        tpu.vector_store %arg11[%swap3A_1034, %swap3A_1035], %swap3A_1038 {strides = array<i32>} : memref<128x128xf32, #tpu.memory_space<vmem>>, vector<1x16xf32>,
        %get3A_1039 = arith.index_cast %add3A_1018 : i32 to index
        %get3A_1040 = arith.constant 32 : index
        %get3A_1041 = tpu.vector_load %arg11[%get3A_1039, %get3A_1040] {strides = array<i32>} : memref<128x128xf32, #tpu.memory_space<vmem>>, vector<1x16xf32>,
        %get3A_1042 = vector.shape_cast %get3A_1041 : vector<1x16xf32> to vector<16xf32>
        %mul3A_1043 = arith.mulf %get3A_1042, %gather3A_1014 : vector<16xf32>
        %swap3A_1044 = arith.index_cast %add3A_1018 : i32 to index
        %swap3A_1045 = arith.constant 32 : index
        %swap3A_1046 = tpu.vector_load %arg11[%swap3A_1044, %swap3A_1045] {strides = array<i32>} : memref<128x128xf32, #tpu.memory_space<vmem>>, vector<1x16xf32>,
        %swap3A_1047 = vector.shape_cast %swap3A_1046 : vector<1x16xf32> to vector<16xf32>
        %swap3A_1048 = vector.shape_cast %mul3A_1043 : vector<16xf32> to vector<1x16xf32>
        tpu.vector_store %arg11[%swap3A_1044, %swap3A_1045], %swap3A_1048 {strides = array<i32>} : memref<128x128xf32, #tpu.memory_space<vmem>>, vector<1x16xf32>,
        %get3A_1049 = arith.index_cast %add3A_1018 : i32 to index
        %get3A_1050 = arith.constant 48 : index
        %get3A_1051 = tpu.vector_load %arg11[%get3A_1049, %get3A_1050] {strides = array<i32>} : memref<128x128xf32, #tpu.memory_space<vmem>>, vector<1x16xf32>,
        %get3A_1052 = vector.shape_cast %get3A_1051 : vector<1x16xf32> to vector<16xf32>
        %mul3A_1053 = arith.mulf %get3A_1052, %gather3A_1014 : vector<16xf32>
        %swap3A_1054 = arith.index_cast %add3A_1018 : i32 to index
        %swap3A_1055 = arith.constant 48 : index
        %swap3A_1056 = tpu.vector_load %arg11[%swap3A_1054, %swap3A_1055] {strides = array<i32>} : memref<128x128xf32, #tpu.memory_space<vmem>>, vector<1x16xf32>,
        %swap3A_1057 = vector.shape_cast %swap3A_1056 : vector<1x16xf32> to vector<16xf32>
        %swap3A_1058 = vector.shape_cast %mul3A_1053 : vector<16xf32> to vector<1x16xf32>
        tpu.vector_store %arg11[%swap3A_1054, %swap3A_1055], %swap3A_1058 {strides = array<i32>} : memref<128x128xf32, #tpu.memory_space<vmem>>, vector<1x16xf32>,
        %get3A_1059 = arith.index_cast %add3A_1018 : i32 to index
        %get3A_1060 = arith.constant 64 : index
        %get3A_1061 = tpu.vector_load %arg11[%get3A_1059, %get3A_1060] {strides = array<i32>} : memref<128x128xf32, #tpu.memory_space<vmem>>, vector<1x16xf32>,
        %get3A_1062 = vector.shape_cast %get3A_1061 : vector<1x16xf32> to vector<16xf32>
        %mul3A_1063 = arith.mulf %get3A_1062, %gather3A_1014 : vector<16xf32>
        %swap3A_1064 = arith.index_cast %add3A_1018 : i32 to index
        %swap3A_1065 = arith.constant 64 : index
        %swap3A_1066 = tpu.vector_load %arg11[%swap3A_1064, %swap3A_1065] {strides = array<i32>} : memref<128x128xf32, #tpu.memory_space<vmem>>, vector<1x16xf32>,
        %swap3A_1067 = vector.shape_cast %swap3A_1066 : vector<1x16xf32> to vector<16xf32>
        %swap3A_1068 = vector.shape_cast %mul3A_1063 : vector<16xf32> to vector<1x16xf32>
        tpu.vector_store %arg11[%swap3A_1064, %swap3A_1065], %swap3A_1068 {strides = array<i32>} : memref<128x128xf32, #tpu.memory_space<vmem>>, vector<1x16xf32>,
        %get3A_1069 = arith.index_cast %add3A_1018 : i32 to index
        %get3A_1070 = arith.constant 80 : index
        %get3A_1071 = tpu.vector_load %arg11[%get3A_1069, %get3A_1070] {strides = array<i32>} : memref<128x128xf32, #tpu.memory_space<vmem>>, vector<1x16xf32>,
        %get3A_1072 = vector.shape_cast %get3A_1071 : vector<1x16xf32> to vector<16xf32>
        %mul3A_1073 = arith.mulf %get3A_1072, %gather3A_1014 : vector<16xf32>
        %swap3A_1074 = arith.index_cast %add3A_1018 : i32 to index
        %swap3A_1075 = arith.constant 80 : index
        %swap3A_1076 = tpu.vector_load %arg11[%swap3A_1074, %swap3A_1075] {strides = array<i32>} : memref<128x128xf32, #tpu.memory_space<vmem>>, vector<1x16xf32>,
        %swap3A_1077 = vector.shape_cast %swap3A_1076 : vector<1x16xf32> to vector<16xf32>
        %swap3A_1078 = vector.shape_cast %mul3A_1073 : vector<16xf32> to vector<1x16xf32>
        tpu.vector_store %arg11[%swap3A_1074, %swap3A_1075], %swap3A_1078 {strides = array<i32>} : memref<128x128xf32, #tpu.memory_space<vmem>>, vector<1x16xf32>,
        %get3A_1079 = arith.index_cast %add3A_1018 : i32 to index
        %get3A_1080 = arith.constant 96 : index
        %get3A_1081 = tpu.vector_load %arg11[%get3A_1079, %get3A_1080] {strides = array<i32>} : memref<128x128xf32, #tpu.memory_space<vmem>>, vector<1x16xf32>,
        %get3A_1082 = vector.shape_cast %get3A_1081 : vector<1x16xf32> to vector<16xf32>
        %mul3A_1083 = arith.mulf %get3A_1082, %gather3A_1014 : vector<16xf32>
        %swap3A_1084 = arith.index_cast %add3A_1018 : i32 to index
        %swap3A_1085 = arith.constant 96 : index
        %swap3A_1086 = tpu.vector_load %arg11[%swap3A_1084, %swap3A_1085] {strides = array<i32>} : memref<128x128xf32, #tpu.memory_space<vmem>>, vector<1x16xf32>,
        %swap3A_1087 = vector.shape_cast %swap3A_1086 : vector<1x16xf32> to vector<16xf32>
        %swap3A_1088 = vector.shape_cast %mul3A_1083 : vector<16xf32> to vector<1x16xf32>
        tpu.vector_store %arg11[%swap3A_1084, %swap3A_1085], %swap3A_1088 {strides = array<i32>} : memref<128x128xf32, #tpu.memory_space<vmem>>, vector<1x16xf32>,
        %get3A_1089 = arith.index_cast %add3A_1018 : i32 to index
        %get3A_1090 = arith.constant 112 : index
        %get3A_1091 = tpu.vector_load %arg11[%get3A_1089, %get3A_1090] {strides = array<i32>} : memref<128x128xf32, #tpu.memory_space<vmem>>, vector<1x16xf32>,
        %get3A_1092 = vector.shape_cast %get3A_1091 : vector<1x16xf32> to vector<16xf32>
        %mul3A_1093 = arith.mulf %get3A_1092, %gather3A_1014 : vector<16xf32>
        %swap3A_1094 = arith.index_cast %add3A_1018 : i32 to index
        %swap3A_1095 = arith.constant 112 : index
        %swap3A_1096 = tpu.vector_load %arg11[%swap3A_1094, %swap3A_1095] {strides = array<i32>} : memref<128x128xf32, #tpu.memory_space<vmem>>, vector<1x16xf32>,
        %swap3A_1097 = vector.shape_cast %swap3A_1096 : vector<1x16xf32> to vector<16xf32>
        %swap3A_1098 = vector.shape_cast %mul3A_1093 : vector<16xf32> to vector<1x16xf32>
        tpu.vector_store %arg11[%swap3A_1094, %swap3A_1095], %swap3A_1098 {strides = array<i32>} : memref<128x128xf32, #tpu.memory_space<vmem>>, vector<1x16xf32>,
        %broadcast_in_dim3A_1099 = arith.constant 11 : i32
        %broadcast_in_dim3A_1100 = vector.broadcast %broadcast_in_dim3A_1099 : i32 to vector<16xi32>
        %lt3A_1101 = arith.constant 0 : i32
        %lt3A_1102 = vector.broadcast %lt3A_1101 : i32 to vector<16xi32>
        %lt3A_1103 = arith.cmpi slt, %broadcast_in_dim3A_1100, %lt3A_1102 : vector<16xi32>
        %add3A_1104 = arith.constant 16 : i32
        %add3A_1105 = vector.broadcast %add3A_1104 : i32 to vector<16xi32>
        %add3A_1106 = arith.addi %broadcast_in_dim3A_1100, %add3A_1105 : vector<16xi32>
        %select_n3A_1107 = arith.select %lt3A_1103, %add3A_1106, %broadcast_in_dim3A_1100 : vector<16xi1>, vector<16xi32>
        %broadcast_in_dim3A_1108 = vector.shape_cast %select_n3A_1107 : vector<16xi32> to vector<16x1xi32>
        %gather3A_1109 = vector.shape_cast %broadcast_in_dim3A_1108 : vector<16x1xi32> to vector<16xi32>
        %gather3A_1110 = tpu.dynamic_gather %get3A_46[%gather3A_1109] in [0] : vector<16xf32>, vector<16xi32> -> vector<16xf32>
        %mul3A_1111 = arith.constant 16 : i32
        %mul3A_1112 = arith.muli %scan3A_42, %mul3A_1111 : i32
        %add3A_1113 = arith.constant 11 : i32
        %add3A_1114 = arith.addi %mul3A_1112, %add3A_1113 : i32
        %get3A_1115 = arith.index_cast %add3A_1114 : i32 to index
        %get3A_1116 = arith.constant 0 : index
        %get3A_1117 = tpu.vector_load %arg11[%get3A_1115, %get3A_1116] {strides = array<i32>} : memref<128x128xf32, #tpu.memory_space<vmem>>, vector<1x16xf32>,
        %get3A_1118 = vector.shape_cast %get3A_1117 : vector<1x16xf32> to vector<16xf32>
        %mul3A_1119 = arith.mulf %get3A_1118, %gather3A_1110 : vector<16xf32>
        %swap3A_1120 = arith.index_cast %add3A_1114 : i32 to index
        %swap3A_1121 = arith.constant 0 : index
        %swap3A_1122 = tpu.vector_load %arg11[%swap3A_1120, %swap3A_1121] {strides = array<i32>} : memref<128x128xf32, #tpu.memory_space<vmem>>, vector<1x16xf32>,
        %swap3A_1123 = vector.shape_cast %swap3A_1122 : vector<1x16xf32> to vector<16xf32>
        %swap3A_1124 = vector.shape_cast %mul3A_1119 : vector<16xf32> to vector<1x16xf32>
        tpu.vector_store %arg11[%swap3A_1120, %swap3A_1121], %swap3A_1124 {strides = array<i32>} : memref<128x128xf32, #tpu.memory_space<vmem>>, vector<1x16xf32>,
        %get3A_1125 = arith.index_cast %add3A_1114 : i32 to index
        %get3A_1126 = arith.constant 16 : index
        %get3A_1127 = tpu.vector_load %arg11[%get3A_1125, %get3A_1126] {strides = array<i32>} : memref<128x128xf32, #tpu.memory_space<vmem>>, vector<1x16xf32>,
        %get3A_1128 = vector.shape_cast %get3A_1127 : vector<1x16xf32> to vector<16xf32>
        %mul3A_1129 = arith.mulf %get3A_1128, %gather3A_1110 : vector<16xf32>
        %swap3A_1130 = arith.index_cast %add3A_1114 : i32 to index
        %swap3A_1131 = arith.constant 16 : index
        %swap3A_1132 = tpu.vector_load %arg11[%swap3A_1130, %swap3A_1131] {strides = array<i32>} : memref<128x128xf32, #tpu.memory_space<vmem>>, vector<1x16xf32>,
        %swap3A_1133 = vector.shape_cast %swap3A_1132 : vector<1x16xf32> to vector<16xf32>
        %swap3A_1134 = vector.shape_cast %mul3A_1129 : vector<16xf32> to vector<1x16xf32>
        tpu.vector_store %arg11[%swap3A_1130, %swap3A_1131], %swap3A_1134 {strides = array<i32>} : memref<128x128xf32, #tpu.memory_space<vmem>>, vector<1x16xf32>,
        %get3A_1135 = arith.index_cast %add3A_1114 : i32 to index
        %get3A_1136 = arith.constant 32 : index
        %get3A_1137 = tpu.vector_load %arg11[%get3A_1135, %get3A_1136] {strides = array<i32>} : memref<128x128xf32, #tpu.memory_space<vmem>>, vector<1x16xf32>,
        %get3A_1138 = vector.shape_cast %get3A_1137 : vector<1x16xf32> to vector<16xf32>
        %mul3A_1139 = arith.mulf %get3A_1138, %gather3A_1110 : vector<16xf32>
        %swap3A_1140 = arith.index_cast %add3A_1114 : i32 to index
        %swap3A_1141 = arith.constant 32 : index
        %swap3A_1142 = tpu.vector_load %arg11[%swap3A_1140, %swap3A_1141] {strides = array<i32>} : memref<128x128xf32, #tpu.memory_space<vmem>>, vector<1x16xf32>,
        %swap3A_1143 = vector.shape_cast %swap3A_1142 : vector<1x16xf32> to vector<16xf32>
        %swap3A_1144 = vector.shape_cast %mul3A_1139 : vector<16xf32> to vector<1x16xf32>
        tpu.vector_store %arg11[%swap3A_1140, %swap3A_1141], %swap3A_1144 {strides = array<i32>} : memref<128x128xf32, #tpu.memory_space<vmem>>, vector<1x16xf32>,
        %get3A_1145 = arith.index_cast %add3A_1114 : i32 to index
        %get3A_1146 = arith.constant 48 : index
        %get3A_1147 = tpu.vector_load %arg11[%get3A_1145, %get3A_1146] {strides = array<i32>} : memref<128x128xf32, #tpu.memory_space<vmem>>, vector<1x16xf32>,
        %get3A_1148 = vector.shape_cast %get3A_1147 : vector<1x16xf32> to vector<16xf32>
        %mul3A_1149 = arith.mulf %get3A_1148, %gather3A_1110 : vector<16xf32>
        %swap3A_1150 = arith.index_cast %add3A_1114 : i32 to index
        %swap3A_1151 = arith.constant 48 : index
        %swap3A_1152 = tpu.vector_load %arg11[%swap3A_1150, %swap3A_1151] {strides = array<i32>} : memref<128x128xf32, #tpu.memory_space<vmem>>, vector<1x16xf32>,
        %swap3A_1153 = vector.shape_cast %swap3A_1152 : vector<1x16xf32> to vector<16xf32>
        %swap3A_1154 = vector.shape_cast %mul3A_1149 : vector<16xf32> to vector<1x16xf32>
        tpu.vector_store %arg11[%swap3A_1150, %swap3A_1151], %swap3A_1154 {strides = array<i32>} : memref<128x128xf32, #tpu.memory_space<vmem>>, vector<1x16xf32>,
        %get3A_1155 = arith.index_cast %add3A_1114 : i32 to index
        %get3A_1156 = arith.constant 64 : index
        %get3A_1157 = tpu.vector_load %arg11[%get3A_1155, %get3A_1156] {strides = array<i32>} : memref<128x128xf32, #tpu.memory_space<vmem>>, vector<1x16xf32>,
        %get3A_1158 = vector.shape_cast %get3A_1157 : vector<1x16xf32> to vector<16xf32>
        %mul3A_1159 = arith.mulf %get3A_1158, %gather3A_1110 : vector<16xf32>
        %swap3A_1160 = arith.index_cast %add3A_1114 : i32 to index
        %swap3A_1161 = arith.constant 64 : index
        %swap3A_1162 = tpu.vector_load %arg11[%swap3A_1160, %swap3A_1161] {strides = array<i32>} : memref<128x128xf32, #tpu.memory_space<vmem>>, vector<1x16xf32>,
        %swap3A_1163 = vector.shape_cast %swap3A_1162 : vector<1x16xf32> to vector<16xf32>
        %swap3A_1164 = vector.shape_cast %mul3A_1159 : vector<16xf32> to vector<1x16xf32>
        tpu.vector_store %arg11[%swap3A_1160, %swap3A_1161], %swap3A_1164 {strides = array<i32>} : memref<128x128xf32, #tpu.memory_space<vmem>>, vector<1x16xf32>,
        %get3A_1165 = arith.index_cast %add3A_1114 : i32 to index
        %get3A_1166 = arith.constant 80 : index
        %get3A_1167 = tpu.vector_load %arg11[%get3A_1165, %get3A_1166] {strides = array<i32>} : memref<128x128xf32, #tpu.memory_space<vmem>>, vector<1x16xf32>,
        %get3A_1168 = vector.shape_cast %get3A_1167 : vector<1x16xf32> to vector<16xf32>
        %mul3A_1169 = arith.mulf %get3A_1168, %gather3A_1110 : vector<16xf32>
        %swap3A_1170 = arith.index_cast %add3A_1114 : i32 to index
        %swap3A_1171 = arith.constant 80 : index
        %swap3A_1172 = tpu.vector_load %arg11[%swap3A_1170, %swap3A_1171] {strides = array<i32>} : memref<128x128xf32, #tpu.memory_space<vmem>>, vector<1x16xf32>,
        %swap3A_1173 = vector.shape_cast %swap3A_1172 : vector<1x16xf32> to vector<16xf32>
        %swap3A_1174 = vector.shape_cast %mul3A_1169 : vector<16xf32> to vector<1x16xf32>
        tpu.vector_store %arg11[%swap3A_1170, %swap3A_1171], %swap3A_1174 {strides = array<i32>} : memref<128x128xf32, #tpu.memory_space<vmem>>, vector<1x16xf32>,
        %get3A_1175 = arith.index_cast %add3A_1114 : i32 to index
        %get3A_1176 = arith.constant 96 : index
        %get3A_1177 = tpu.vector_load %arg11[%get3A_1175, %get3A_1176] {strides = array<i32>} : memref<128x128xf32, #tpu.memory_space<vmem>>, vector<1x16xf32>,
        %get3A_1178 = vector.shape_cast %get3A_1177 : vector<1x16xf32> to vector<16xf32>
        %mul3A_1179 = arith.mulf %get3A_1178, %gather3A_1110 : vector<16xf32>
        %swap3A_1180 = arith.index_cast %add3A_1114 : i32 to index
        %swap3A_1181 = arith.constant 96 : index
        %swap3A_1182 = tpu.vector_load %arg11[%swap3A_1180, %swap3A_1181] {strides = array<i32>} : memref<128x128xf32, #tpu.memory_space<vmem>>, vector<1x16xf32>,
        %swap3A_1183 = vector.shape_cast %swap3A_1182 : vector<1x16xf32> to vector<16xf32>
        %swap3A_1184 = vector.shape_cast %mul3A_1179 : vector<16xf32> to vector<1x16xf32>
        tpu.vector_store %arg11[%swap3A_1180, %swap3A_1181], %swap3A_1184 {strides = array<i32>} : memref<128x128xf32, #tpu.memory_space<vmem>>, vector<1x16xf32>,
        %get3A_1185 = arith.index_cast %add3A_1114 : i32 to index
        %get3A_1186 = arith.constant 112 : index
        %get3A_1187 = tpu.vector_load %arg11[%get3A_1185, %get3A_1186] {strides = array<i32>} : memref<128x128xf32, #tpu.memory_space<vmem>>, vector<1x16xf32>,
        %get3A_1188 = vector.shape_cast %get3A_1187 : vector<1x16xf32> to vector<16xf32>
        %mul3A_1189 = arith.mulf %get3A_1188, %gather3A_1110 : vector<16xf32>
        %swap3A_1190 = arith.index_cast %add3A_1114 : i32 to index
        %swap3A_1191 = arith.constant 112 : index
        %swap3A_1192 = tpu.vector_load %arg11[%swap3A_1190, %swap3A_1191] {strides = array<i32>} : memref<128x128xf32, #tpu.memory_space<vmem>>, vector<1x16xf32>,
        %swap3A_1193 = vector.shape_cast %swap3A_1192 : vector<1x16xf32> to vector<16xf32>
        %swap3A_1194 = vector.shape_cast %mul3A_1189 : vector<16xf32> to vector<1x16xf32>
        tpu.vector_store %arg11[%swap3A_1190, %swap3A_1191], %swap3A_1194 {strides = array<i32>} : memref<128x128xf32, #tpu.memory_space<vmem>>, vector<1x16xf32>,
        %broadcast_in_dim3A_1195 = arith.constant 12 : i32
        %broadcast_in_dim3A_1196 = vector.broadcast %broadcast_in_dim3A_1195 : i32 to vector<16xi32>
        %lt3A_1197 = arith.constant 0 : i32
        %lt3A_1198 = vector.broadcast %lt3A_1197 : i32 to vector<16xi32>
        %lt3A_1199 = arith.cmpi slt, %broadcast_in_dim3A_1196, %lt3A_1198 : vector<16xi32>
        %add3A_1200 = arith.constant 16 : i32
        %add3A_1201 = vector.broadcast %add3A_1200 : i32 to vector<16xi32>
        %add3A_1202 = arith.addi %broadcast_in_dim3A_1196, %add3A_1201 : vector<16xi32>
        %select_n3A_1203 = arith.select %lt3A_1199, %add3A_1202, %broadcast_in_dim3A_1196 : vector<16xi1>, vector<16xi32>
        %broadcast_in_dim3A_1204 = vector.shape_cast %select_n3A_1203 : vector<16xi32> to vector<16x1xi32>
        %gather3A_1205 = vector.shape_cast %broadcast_in_dim3A_1204 : vector<16x1xi32> to vector<16xi32>
        %gather3A_1206 = tpu.dynamic_gather %get3A_46[%gather3A_1205] in [0] : vector<16xf32>, vector<16xi32> -> vector<16xf32>
        %mul3A_1207 = arith.constant 16 : i32
        %mul3A_1208 = arith.muli %scan3A_42, %mul3A_1207 : i32
        %add3A_1209 = arith.constant 12 : i32
        %add3A_1210 = arith.addi %mul3A_1208, %add3A_1209 : i32
        %get3A_1211 = arith.index_cast %add3A_1210 : i32 to index
        %get3A_1212 = arith.constant 0 : index
        %get3A_1213 = tpu.vector_load %arg11[%get3A_1211, %get3A_1212] {strides = array<i32>} : memref<128x128xf32, #tpu.memory_space<vmem>>, vector<1x16xf32>,
        %get3A_1214 = vector.shape_cast %get3A_1213 : vector<1x16xf32> to vector<16xf32>
        %mul3A_1215 = arith.mulf %get3A_1214, %gather3A_1206 : vector<16xf32>
        %swap3A_1216 = arith.index_cast %add3A_1210 : i32 to index
        %swap3A_1217 = arith.constant 0 : index
        %swap3A_1218 = tpu.vector_load %arg11[%swap3A_1216, %swap3A_1217] {strides = array<i32>} : memref<128x128xf32, #tpu.memory_space<vmem>>, vector<1x16xf32>,
        %swap3A_1219 = vector.shape_cast %swap3A_1218 : vector<1x16xf32> to vector<16xf32>
        %swap3A_1220 = vector.shape_cast %mul3A_1215 : vector<16xf32> to vector<1x16xf32>
        tpu.vector_store %arg11[%swap3A_1216, %swap3A_1217], %swap3A_1220 {strides = array<i32>} : memref<128x128xf32, #tpu.memory_space<vmem>>, vector<1x16xf32>,
        %get3A_1221 = arith.index_cast %add3A_1210 : i32 to index
        %get3A_1222 = arith.constant 16 : index
        %get3A_1223 = tpu.vector_load %arg11[%get3A_1221, %get3A_1222] {strides = array<i32>} : memref<128x128xf32, #tpu.memory_space<vmem>>, vector<1x16xf32>,
        %get3A_1224 = vector.shape_cast %get3A_1223 : vector<1x16xf32> to vector<16xf32>
        %mul3A_1225 = arith.mulf %get3A_1224, %gather3A_1206 : vector<16xf32>
        %swap3A_1226 = arith.index_cast %add3A_1210 : i32 to index
        %swap3A_1227 = arith.constant 16 : index
        %swap3A_1228 = tpu.vector_load %arg11[%swap3A_1226, %swap3A_1227] {strides = array<i32>} : memref<128x128xf32, #tpu.memory_space<vmem>>, vector<1x16xf32>,
        %swap3A_1229 = vector.shape_cast %swap3A_1228 : vector<1x16xf32> to vector<16xf32>
        %swap3A_1230 = vector.shape_cast %mul3A_1225 : vector<16xf32> to vector<1x16xf32>
        tpu.vector_store %arg11[%swap3A_1226, %swap3A_1227], %swap3A_1230 {strides = array<i32>} : memref<128x128xf32, #tpu.memory_space<vmem>>, vector<1x16xf32>,
        %get3A_1231 = arith.index_cast %add3A_1210 : i32 to index
        %get3A_1232 = arith.constant 32 : index
        %get3A_1233 = tpu.vector_load %arg11[%get3A_1231, %get3A_1232] {strides = array<i32>} : memref<128x128xf32, #tpu.memory_space<vmem>>, vector<1x16xf32>,
        %get3A_1234 = vector.shape_cast %get3A_1233 : vector<1x16xf32> to vector<16xf32>
        %mul3A_1235 = arith.mulf %get3A_1234, %gather3A_1206 : vector<16xf32>
        %swap3A_1236 = arith.index_cast %add3A_1210 : i32 to index
        %swap3A_1237 = arith.constant 32 : index
        %swap3A_1238 = tpu.vector_load %arg11[%swap3A_1236, %swap3A_1237] {strides = array<i32>} : memref<128x128xf32, #tpu.memory_space<vmem>>, vector<1x16xf32>,
        %swap3A_1239 = vector.shape_cast %swap3A_1238 : vector<1x16xf32> to vector<16xf32>
        %swap3A_1240 = vector.shape_cast %mul3A_1235 : vector<16xf32> to vector<1x16xf32>
        tpu.vector_store %arg11[%swap3A_1236, %swap3A_1237], %swap3A_1240 {strides = array<i32>} : memref<128x128xf32, #tpu.memory_space<vmem>>, vector<1x16xf32>,
        %get3A_1241 = arith.index_cast %add3A_1210 : i32 to index
        %get3A_1242 = arith.constant 48 : index
        %get3A_1243 = tpu.vector_load %arg11[%get3A_1241, %get3A_1242] {strides = array<i32>} : memref<128x128xf32, #tpu.memory_space<vmem>>, vector<1x16xf32>,
        %get3A_1244 = vector.shape_cast %get3A_1243 : vector<1x16xf32> to vector<16xf32>
        %mul3A_1245 = arith.mulf %get3A_1244, %gather3A_1206 : vector<16xf32>
        %swap3A_1246 = arith.index_cast %add3A_1210 : i32 to index
        %swap3A_1247 = arith.constant 48 : index
        %swap3A_1248 = tpu.vector_load %arg11[%swap3A_1246, %swap3A_1247] {strides = array<i32>} : memref<128x128xf32, #tpu.memory_space<vmem>>, vector<1x16xf32>,
        %swap3A_1249 = vector.shape_cast %swap3A_1248 : vector<1x16xf32> to vector<16xf32>
        %swap3A_1250 = vector.shape_cast %mul3A_1245 : vector<16xf32> to vector<1x16xf32>
        tpu.vector_store %arg11[%swap3A_1246, %swap3A_1247], %swap3A_1250 {strides = array<i32>} : memref<128x128xf32, #tpu.memory_space<vmem>>, vector<1x16xf32>,
        %get3A_1251 = arith.index_cast %add3A_1210 : i32 to index
        %get3A_1252 = arith.constant 64 : index
        %get3A_1253 = tpu.vector_load %arg11[%get3A_1251, %get3A_1252] {strides = array<i32>} : memref<128x128xf32, #tpu.memory_space<vmem>>, vector<1x16xf32>,
        %get3A_1254 = vector.shape_cast %get3A_1253 : vector<1x16xf32> to vector<16xf32>
        %mul3A_1255 = arith.mulf %get3A_1254, %gather3A_1206 : vector<16xf32>
        %swap3A_1256 = arith.index_cast %add3A_1210 : i32 to index
        %swap3A_1257 = arith.constant 64 : index
        %swap3A_1258 = tpu.vector_load %arg11[%swap3A_1256, %swap3A_1257] {strides = array<i32>} : memref<128x128xf32, #tpu.memory_space<vmem>>, vector<1x16xf32>,
        %swap3A_1259 = vector.shape_cast %swap3A_1258 : vector<1x16xf32> to vector<16xf32>
        %swap3A_1260 = vector.shape_cast %mul3A_1255 : vector<16xf32> to vector<1x16xf32>
        tpu.vector_store %arg11[%swap3A_1256, %swap3A_1257], %swap3A_1260 {strides = array<i32>} : memref<128x128xf32, #tpu.memory_space<vmem>>, vector<1x16xf32>,
        %get3A_1261 = arith.index_cast %add3A_1210 : i32 to index
        %get3A_1262 = arith.constant 80 : index
        %get3A_1263 = tpu.vector_load %arg11[%get3A_1261, %get3A_1262] {strides = array<i32>} : memref<128x128xf32, #tpu.memory_space<vmem>>, vector<1x16xf32>,
        %get3A_1264 = vector.shape_cast %get3A_1263 : vector<1x16xf32> to vector<16xf32>
        %mul3A_1265 = arith.mulf %get3A_1264, %gather3A_1206 : vector<16xf32>
        %swap3A_1266 = arith.index_cast %add3A_1210 : i32 to index
        %swap3A_1267 = arith.constant 80 : index
        %swap3A_1268 = tpu.vector_load %arg11[%swap3A_1266, %swap3A_1267] {strides = array<i32>} : memref<128x128xf32, #tpu.memory_space<vmem>>, vector<1x16xf32>,
        %swap3A_1269 = vector.shape_cast %swap3A_1268 : vector<1x16xf32> to vector<16xf32>
        %swap3A_1270 = vector.shape_cast %mul3A_1265 : vector<16xf32> to vector<1x16xf32>
        tpu.vector_store %arg11[%swap3A_1266, %swap3A_1267], %swap3A_1270 {strides = array<i32>} : memref<128x128xf32, #tpu.memory_space<vmem>>, vector<1x16xf32>,
        %get3A_1271 = arith.index_cast %add3A_1210 : i32 to index
        %get3A_1272 = arith.constant 96 : index
        %get3A_1273 = tpu.vector_load %arg11[%get3A_1271, %get3A_1272] {strides = array<i32>} : memref<128x128xf32, #tpu.memory_space<vmem>>, vector<1x16xf32>,
        %get3A_1274 = vector.shape_cast %get3A_1273 : vector<1x16xf32> to vector<16xf32>
        %mul3A_1275 = arith.mulf %get3A_1274, %gather3A_1206 : vector<16xf32>
        %swap3A_1276 = arith.index_cast %add3A_1210 : i32 to index
        %swap3A_1277 = arith.constant 96 : index
        %swap3A_1278 = tpu.vector_load %arg11[%swap3A_1276, %swap3A_1277] {strides = array<i32>} : memref<128x128xf32, #tpu.memory_space<vmem>>, vector<1x16xf32>,
        %swap3A_1279 = vector.shape_cast %swap3A_1278 : vector<1x16xf32> to vector<16xf32>
        %swap3A_1280 = vector.shape_cast %mul3A_1275 : vector<16xf32> to vector<1x16xf32>
        tpu.vector_store %arg11[%swap3A_1276, %swap3A_1277], %swap3A_1280 {strides = array<i32>} : memref<128x128xf32, #tpu.memory_space<vmem>>, vector<1x16xf32>,
        %get3A_1281 = arith.index_cast %add3A_1210 : i32 to index
        %get3A_1282 = arith.constant 112 : index
        %get3A_1283 = tpu.vector_load %arg11[%get3A_1281, %get3A_1282] {strides = array<i32>} : memref<128x128xf32, #tpu.memory_space<vmem>>, vector<1x16xf32>,
        %get3A_1284 = vector.shape_cast %get3A_1283 : vector<1x16xf32> to vector<16xf32>
        %mul3A_1285 = arith.mulf %get3A_1284, %gather3A_1206 : vector<16xf32>
        %swap3A_1286 = arith.index_cast %add3A_1210 : i32 to index
        %swap3A_1287 = arith.constant 112 : index
        %swap3A_1288 = tpu.vector_load %arg11[%swap3A_1286, %swap3A_1287] {strides = array<i32>} : memref<128x128xf32, #tpu.memory_space<vmem>>, vector<1x16xf32>,
        %swap3A_1289 = vector.shape_cast %swap3A_1288 : vector<1x16xf32> to vector<16xf32>
        %swap3A_1290 = vector.shape_cast %mul3A_1285 : vector<16xf32> to vector<1x16xf32>
        tpu.vector_store %arg11[%swap3A_1286, %swap3A_1287], %swap3A_1290 {strides = array<i32>} : memref<128x128xf32, #tpu.memory_space<vmem>>, vector<1x16xf32>,
        %broadcast_in_dim3A_1291 = arith.constant 13 : i32
        %broadcast_in_dim3A_1292 = vector.broadcast %broadcast_in_dim3A_1291 : i32 to vector<16xi32>
        %lt3A_1293 = arith.constant 0 : i32
        %lt3A_1294 = vector.broadcast %lt3A_1293 : i32 to vector<16xi32>
        %lt3A_1295 = arith.cmpi slt, %broadcast_in_dim3A_1292, %lt3A_1294 : vector<16xi32>
        %add3A_1296 = arith.constant 16 : i32
        %add3A_1297 = vector.broadcast %add3A_1296 : i32 to vector<16xi32>
        %add3A_1298 = arith.addi %broadcast_in_dim3A_1292, %add3A_1297 : vector<16xi32>
        %select_n3A_1299 = arith.select %lt3A_1295, %add3A_1298, %broadcast_in_dim3A_1292 : vector<16xi1>, vector<16xi32>
        %broadcast_in_dim3A_1300 = vector.shape_cast %select_n3A_1299 : vector<16xi32> to vector<16x1xi32>
        %gather3A_1301 = vector.shape_cast %broadcast_in_dim3A_1300 : vector<16x1xi32> to vector<16xi32>
        %gather3A_1302 = tpu.dynamic_gather %get3A_46[%gather3A_1301] in [0] : vector<16xf32>, vector<16xi32> -> vector<16xf32>
        %mul3A_1303 = arith.constant 16 : i32
        %mul3A_1304 = arith.muli %scan3A_42, %mul3A_1303 : i32
        %add3A_1305 = arith.constant 13 : i32
        %add3A_1306 = arith.addi %mul3A_1304, %add3A_1305 : i32
        %get3A_1307 = arith.index_cast %add3A_1306 : i32 to index
        %get3A_1308 = arith.constant 0 : index
        %get3A_1309 = tpu.vector_load %arg11[%get3A_1307, %get3A_1308] {strides = array<i32>} : memref<128x128xf32, #tpu.memory_space<vmem>>, vector<1x16xf32>,
        %get3A_1310 = vector.shape_cast %get3A_1309 : vector<1x16xf32> to vector<16xf32>
        %mul3A_1311 = arith.mulf %get3A_1310, %gather3A_1302 : vector<16xf32>
        %swap3A_1312 = arith.index_cast %add3A_1306 : i32 to index
        %swap3A_1313 = arith.constant 0 : index
        %swap3A_1314 = tpu.vector_load %arg11[%swap3A_1312, %swap3A_1313] {strides = array<i32>} : memref<128x128xf32, #tpu.memory_space<vmem>>, vector<1x16xf32>,
        %swap3A_1315 = vector.shape_cast %swap3A_1314 : vector<1x16xf32> to vector<16xf32>
        %swap3A_1316 = vector.shape_cast %mul3A_1311 : vector<16xf32> to vector<1x16xf32>
        tpu.vector_store %arg11[%swap3A_1312, %swap3A_1313], %swap3A_1316 {strides = array<i32>} : memref<128x128xf32, #tpu.memory_space<vmem>>, vector<1x16xf32>,
        %get3A_1317 = arith.index_cast %add3A_1306 : i32 to index
        %get3A_1318 = arith.constant 16 : index
        %get3A_1319 = tpu.vector_load %arg11[%get3A_1317, %get3A_1318] {strides = array<i32>} : memref<128x128xf32, #tpu.memory_space<vmem>>, vector<1x16xf32>,
        %get3A_1320 = vector.shape_cast %get3A_1319 : vector<1x16xf32> to vector<16xf32>
        %mul3A_1321 = arith.mulf %get3A_1320, %gather3A_1302 : vector<16xf32>
        %swap3A_1322 = arith.index_cast %add3A_1306 : i32 to index
        %swap3A_1323 = arith.constant 16 : index
        %swap3A_1324 = tpu.vector_load %arg11[%swap3A_1322, %swap3A_1323] {strides = array<i32>} : memref<128x128xf32, #tpu.memory_space<vmem>>, vector<1x16xf32>,
        %swap3A_1325 = vector.shape_cast %swap3A_1324 : vector<1x16xf32> to vector<16xf32>
        %swap3A_1326 = vector.shape_cast %mul3A_1321 : vector<16xf32> to vector<1x16xf32>
        tpu.vector_store %arg11[%swap3A_1322, %swap3A_1323], %swap3A_1326 {strides = array<i32>} : memref<128x128xf32, #tpu.memory_space<vmem>>, vector<1x16xf32>,
        %get3A_1327 = arith.index_cast %add3A_1306 : i32 to index
        %get3A_1328 = arith.constant 32 : index
        %get3A_1329 = tpu.vector_load %arg11[%get3A_1327, %get3A_1328] {strides = array<i32>} : memref<128x128xf32, #tpu.memory_space<vmem>>, vector<1x16xf32>,
        %get3A_1330 = vector.shape_cast %get3A_1329 : vector<1x16xf32> to vector<16xf32>
        %mul3A_1331 = arith.mulf %get3A_1330, %gather3A_1302 : vector<16xf32>
        %swap3A_1332 = arith.index_cast %add3A_1306 : i32 to index
        %swap3A_1333 = arith.constant 32 : index
        %swap3A_1334 = tpu.vector_load %arg11[%swap3A_1332, %swap3A_1333] {strides = array<i32>} : memref<128x128xf32, #tpu.memory_space<vmem>>, vector<1x16xf32>,
        %swap3A_1335 = vector.shape_cast %swap3A_1334 : vector<1x16xf32> to vector<16xf32>
        %swap3A_1336 = vector.shape_cast %mul3A_1331 : vector<16xf32> to vector<1x16xf32>
        tpu.vector_store %arg11[%swap3A_1332, %swap3A_1333], %swap3A_1336 {strides = array<i32>} : memref<128x128xf32, #tpu.memory_space<vmem>>, vector<1x16xf32>,
        %get3A_1337 = arith.index_cast %add3A_1306 : i32 to index
        %get3A_1338 = arith.constant 48 : index
        %get3A_1339 = tpu.vector_load %arg11[%get3A_1337, %get3A_1338] {strides = array<i32>} : memref<128x128xf32, #tpu.memory_space<vmem>>, vector<1x16xf32>,
        %get3A_1340 = vector.shape_cast %get3A_1339 : vector<1x16xf32> to vector<16xf32>
        %mul3A_1341 = arith.mulf %get3A_1340, %gather3A_1302 : vector<16xf32>
        %swap3A_1342 = arith.index_cast %add3A_1306 : i32 to index
        %swap3A_1343 = arith.constant 48 : index
        %swap3A_1344 = tpu.vector_load %arg11[%swap3A_1342, %swap3A_1343] {strides = array<i32>} : memref<128x128xf32, #tpu.memory_space<vmem>>, vector<1x16xf32>,
        %swap3A_1345 = vector.shape_cast %swap3A_1344 : vector<1x16xf32> to vector<16xf32>
        %swap3A_1346 = vector.shape_cast %mul3A_1341 : vector<16xf32> to vector<1x16xf32>
        tpu.vector_store %arg11[%swap3A_1342, %swap3A_1343], %swap3A_1346 {strides = array<i32>} : memref<128x128xf32, #tpu.memory_space<vmem>>, vector<1x16xf32>,
        %get3A_1347 = arith.index_cast %add3A_1306 : i32 to index
        %get3A_1348 = arith.constant 64 : index
        %get3A_1349 = tpu.vector_load %arg11[%get3A_1347, %get3A_1348] {strides = array<i32>} : memref<128x128xf32, #tpu.memory_space<vmem>>, vector<1x16xf32>,
        %get3A_1350 = vector.shape_cast %get3A_1349 : vector<1x16xf32> to vector<16xf32>
        %mul3A_1351 = arith.mulf %get3A_1350, %gather3A_1302 : vector<16xf32>
        %swap3A_1352 = arith.index_cast %add3A_1306 : i32 to index
        %swap3A_1353 = arith.constant 64 : index
        %swap3A_1354 = tpu.vector_load %arg11[%swap3A_1352, %swap3A_1353] {strides = array<i32>} : memref<128x128xf32, #tpu.memory_space<vmem>>, vector<1x16xf32>,
        %swap3A_1355 = vector.shape_cast %swap3A_1354 : vector<1x16xf32> to vector<16xf32>
        %swap3A_1356 = vector.shape_cast %mul3A_1351 : vector<16xf32> to vector<1x16xf32>
        tpu.vector_store %arg11[%swap3A_1352, %swap3A_1353], %swap3A_1356 {strides = array<i32>} : memref<128x128xf32, #tpu.memory_space<vmem>>, vector<1x16xf32>,
        %get3A_1357 = arith.index_cast %add3A_1306 : i32 to index
        %get3A_1358 = arith.constant 80 : index
        %get3A_1359 = tpu.vector_load %arg11[%get3A_1357, %get3A_1358] {strides = array<i32>} : memref<128x128xf32, #tpu.memory_space<vmem>>, vector<1x16xf32>,
        %get3A_1360 = vector.shape_cast %get3A_1359 : vector<1x16xf32> to vector<16xf32>
        %mul3A_1361 = arith.mulf %get3A_1360, %gather3A_1302 : vector<16xf32>
        %swap3A_1362 = arith.index_cast %add3A_1306 : i32 to index
        %swap3A_1363 = arith.constant 80 : index
        %swap3A_1364 = tpu.vector_load %arg11[%swap3A_1362, %swap3A_1363] {strides = array<i32>} : memref<128x128xf32, #tpu.memory_space<vmem>>, vector<1x16xf32>,
        %swap3A_1365 = vector.shape_cast %swap3A_1364 : vector<1x16xf32> to vector<16xf32>
        %swap3A_1366 = vector.shape_cast %mul3A_1361 : vector<16xf32> to vector<1x16xf32>
        tpu.vector_store %arg11[%swap3A_1362, %swap3A_1363], %swap3A_1366 {strides = array<i32>} : memref<128x128xf32, #tpu.memory_space<vmem>>, vector<1x16xf32>,
        %get3A_1367 = arith.index_cast %add3A_1306 : i32 to index
        %get3A_1368 = arith.constant 96 : index
        %get3A_1369 = tpu.vector_load %arg11[%get3A_1367, %get3A_1368] {strides = array<i32>} : memref<128x128xf32, #tpu.memory_space<vmem>>, vector<1x16xf32>,
        %get3A_1370 = vector.shape_cast %get3A_1369 : vector<1x16xf32> to vector<16xf32>
        %mul3A_1371 = arith.mulf %get3A_1370, %gather3A_1302 : vector<16xf32>
        %swap3A_1372 = arith.index_cast %add3A_1306 : i32 to index
        %swap3A_1373 = arith.constant 96 : index
        %swap3A_1374 = tpu.vector_load %arg11[%swap3A_1372, %swap3A_1373] {strides = array<i32>} : memref<128x128xf32, #tpu.memory_space<vmem>>, vector<1x16xf32>,
        %swap3A_1375 = vector.shape_cast %swap3A_1374 : vector<1x16xf32> to vector<16xf32>
        %swap3A_1376 = vector.shape_cast %mul3A_1371 : vector<16xf32> to vector<1x16xf32>
        tpu.vector_store %arg11[%swap3A_1372, %swap3A_1373], %swap3A_1376 {strides = array<i32>} : memref<128x128xf32, #tpu.memory_space<vmem>>, vector<1x16xf32>,
        %get3A_1377 = arith.index_cast %add3A_1306 : i32 to index
        %get3A_1378 = arith.constant 112 : index
        %get3A_1379 = tpu.vector_load %arg11[%get3A_1377, %get3A_1378] {strides = array<i32>} : memref<128x128xf32, #tpu.memory_space<vmem>>, vector<1x16xf32>,
        %get3A_1380 = vector.shape_cast %get3A_1379 : vector<1x16xf32> to vector<16xf32>
        %mul3A_1381 = arith.mulf %get3A_1380, %gather3A_1302 : vector<16xf32>
        %swap3A_1382 = arith.index_cast %add3A_1306 : i32 to index
        %swap3A_1383 = arith.constant 112 : index
        %swap3A_1384 = tpu.vector_load %arg11[%swap3A_1382, %swap3A_1383] {strides = array<i32>} : memref<128x128xf32, #tpu.memory_space<vmem>>, vector<1x16xf32>,
        %swap3A_1385 = vector.shape_cast %swap3A_1384 : vector<1x16xf32> to vector<16xf32>
        %swap3A_1386 = vector.shape_cast %mul3A_1381 : vector<16xf32> to vector<1x16xf32>
        tpu.vector_store %arg11[%swap3A_1382, %swap3A_1383], %swap3A_1386 {strides = array<i32>} : memref<128x128xf32, #tpu.memory_space<vmem>>, vector<1x16xf32>,
        %broadcast_in_dim3A_1387 = arith.constant 14 : i32
        %broadcast_in_dim3A_1388 = vector.broadcast %broadcast_in_dim3A_1387 : i32 to vector<16xi32>
        %lt3A_1389 = arith.constant 0 : i32
        %lt3A_1390 = vector.broadcast %lt3A_1389 : i32 to vector<16xi32>
        %lt3A_1391 = arith.cmpi slt, %broadcast_in_dim3A_1388, %lt3A_1390 : vector<16xi32>
        %add3A_1392 = arith.constant 16 : i32
        %add3A_1393 = vector.broadcast %add3A_1392 : i32 to vector<16xi32>
        %add3A_1394 = arith.addi %broadcast_in_dim3A_1388, %add3A_1393 : vector<16xi32>
        %select_n3A_1395 = arith.select %lt3A_1391, %add3A_1394, %broadcast_in_dim3A_1388 : vector<16xi1>, vector<16xi32>
        %broadcast_in_dim3A_1396 = vector.shape_cast %select_n3A_1395 : vector<16xi32> to vector<16x1xi32>
        %gather3A_1397 = vector.shape_cast %broadcast_in_dim3A_1396 : vector<16x1xi32> to vector<16xi32>
        %gather3A_1398 = tpu.dynamic_gather %get3A_46[%gather3A_1397] in [0] : vector<16xf32>, vector<16xi32> -> vector<16xf32>
        %mul3A_1399 = arith.constant 16 : i32
        %mul3A_1400 = arith.muli %scan3A_42, %mul3A_1399 : i32
        %add3A_1401 = arith.constant 14 : i32
        %add3A_1402 = arith.addi %mul3A_1400, %add3A_1401 : i32
        %get3A_1403 = arith.index_cast %add3A_1402 : i32 to index
        %get3A_1404 = arith.constant 0 : index
        %get3A_1405 = tpu.vector_load %arg11[%get3A_1403, %get3A_1404] {strides = array<i32>} : memref<128x128xf32, #tpu.memory_space<vmem>>, vector<1x16xf32>,
        %get3A_1406 = vector.shape_cast %get3A_1405 : vector<1x16xf32> to vector<16xf32>
        %mul3A_1407 = arith.mulf %get3A_1406, %gather3A_1398 : vector<16xf32>
        %swap3A_1408 = arith.index_cast %add3A_1402 : i32 to index
        %swap3A_1409 = arith.constant 0 : index
        %swap3A_1410 = tpu.vector_load %arg11[%swap3A_1408, %swap3A_1409] {strides = array<i32>} : memref<128x128xf32, #tpu.memory_space<vmem>>, vector<1x16xf32>,
        %swap3A_1411 = vector.shape_cast %swap3A_1410 : vector<1x16xf32> to vector<16xf32>
        %swap3A_1412 = vector.shape_cast %mul3A_1407 : vector<16xf32> to vector<1x16xf32>
        tpu.vector_store %arg11[%swap3A_1408, %swap3A_1409], %swap3A_1412 {strides = array<i32>} : memref<128x128xf32, #tpu.memory_space<vmem>>, vector<1x16xf32>,
        %get3A_1413 = arith.index_cast %add3A_1402 : i32 to index
        %get3A_1414 = arith.constant 16 : index
        %get3A_1415 = tpu.vector_load %arg11[%get3A_1413, %get3A_1414] {strides = array<i32>} : memref<128x128xf32, #tpu.memory_space<vmem>>, vector<1x16xf32>,
        %get3A_1416 = vector.shape_cast %get3A_1415 : vector<1x16xf32> to vector<16xf32>
        %mul3A_1417 = arith.mulf %get3A_1416, %gather3A_1398 : vector<16xf32>
        %swap3A_1418 = arith.index_cast %add3A_1402 : i32 to index
        %swap3A_1419 = arith.constant 16 : index
        %swap3A_1420 = tpu.vector_load %arg11[%swap3A_1418, %swap3A_1419] {strides = array<i32>} : memref<128x128xf32, #tpu.memory_space<vmem>>, vector<1x16xf32>,
        %swap3A_1421 = vector.shape_cast %swap3A_1420 : vector<1x16xf32> to vector<16xf32>
        %swap3A_1422 = vector.shape_cast %mul3A_1417 : vector<16xf32> to vector<1x16xf32>
        tpu.vector_store %arg11[%swap3A_1418, %swap3A_1419], %swap3A_1422 {strides = array<i32>} : memref<128x128xf32, #tpu.memory_space<vmem>>, vector<1x16xf32>,
        %get3A_1423 = arith.index_cast %add3A_1402 : i32 to index
        %get3A_1424 = arith.constant 32 : index
        %get3A_1425 = tpu.vector_load %arg11[%get3A_1423, %get3A_1424] {strides = array<i32>} : memref<128x128xf32, #tpu.memory_space<vmem>>, vector<1x16xf32>,
        %get3A_1426 = vector.shape_cast %get3A_1425 : vector<1x16xf32> to vector<16xf32>
        %mul3A_1427 = arith.mulf %get3A_1426, %gather3A_1398 : vector<16xf32>
        %swap3A_1428 = arith.index_cast %add3A_1402 : i32 to index
        %swap3A_1429 = arith.constant 32 : index
        %swap3A_1430 = tpu.vector_load %arg11[%swap3A_1428, %swap3A_1429] {strides = array<i32>} : memref<128x128xf32, #tpu.memory_space<vmem>>, vector<1x16xf32>,
        %swap3A_1431 = vector.shape_cast %swap3A_1430 : vector<1x16xf32> to vector<16xf32>
        %swap3A_1432 = vector.shape_cast %mul3A_1427 : vector<16xf32> to vector<1x16xf32>
        tpu.vector_store %arg11[%swap3A_1428, %swap3A_1429], %swap3A_1432 {strides = array<i32>} : memref<128x128xf32, #tpu.memory_space<vmem>>, vector<1x16xf32>,
        %get3A_1433 = arith.index_cast %add3A_1402 : i32 to index
        %get3A_1434 = arith.constant 48 : index
        %get3A_1435 = tpu.vector_load %arg11[%get3A_1433, %get3A_1434] {strides = array<i32>} : memref<128x128xf32, #tpu.memory_space<vmem>>, vector<1x16xf32>,
        %get3A_1436 = vector.shape_cast %get3A_1435 : vector<1x16xf32> to vector<16xf32>
        %mul3A_1437 = arith.mulf %get3A_1436, %gather3A_1398 : vector<16xf32>
        %swap3A_1438 = arith.index_cast %add3A_1402 : i32 to index
        %swap3A_1439 = arith.constant 48 : index
        %swap3A_1440 = tpu.vector_load %arg11[%swap3A_1438, %swap3A_1439] {strides = array<i32>} : memref<128x128xf32, #tpu.memory_space<vmem>>, vector<1x16xf32>,
        %swap3A_1441 = vector.shape_cast %swap3A_1440 : vector<1x16xf32> to vector<16xf32>
        %swap3A_1442 = vector.shape_cast %mul3A_1437 : vector<16xf32> to vector<1x16xf32>
        tpu.vector_store %arg11[%swap3A_1438, %swap3A_1439], %swap3A_1442 {strides = array<i32>} : memref<128x128xf32, #tpu.memory_space<vmem>>, vector<1x16xf32>,
        %get3A_1443 = arith.index_cast %add3A_1402 : i32 to index
        %get3A_1444 = arith.constant 64 : index
        %get3A_1445 = tpu.vector_load %arg11[%get3A_1443, %get3A_1444] {strides = array<i32>} : memref<128x128xf32, #tpu.memory_space<vmem>>, vector<1x16xf32>,
        %get3A_1446 = vector.shape_cast %get3A_1445 : vector<1x16xf32> to vector<16xf32>
        %mul3A_1447 = arith.mulf %get3A_1446, %gather3A_1398 : vector<16xf32>
        %swap3A_1448 = arith.index_cast %add3A_1402 : i32 to index
        %swap3A_1449 = arith.constant 64 : index
        %swap3A_1450 = tpu.vector_load %arg11[%swap3A_1448, %swap3A_1449] {strides = array<i32>} : memref<128x128xf32, #tpu.memory_space<vmem>>, vector<1x16xf32>,
        %swap3A_1451 = vector.shape_cast %swap3A_1450 : vector<1x16xf32> to vector<16xf32>
        %swap3A_1452 = vector.shape_cast %mul3A_1447 : vector<16xf32> to vector<1x16xf32>
        tpu.vector_store %arg11[%swap3A_1448, %swap3A_1449], %swap3A_1452 {strides = array<i32>} : memref<128x128xf32, #tpu.memory_space<vmem>>, vector<1x16xf32>,
        %get3A_1453 = arith.index_cast %add3A_1402 : i32 to index
        %get3A_1454 = arith.constant 80 : index
        %get3A_1455 = tpu.vector_load %arg11[%get3A_1453, %get3A_1454] {strides = array<i32>} : memref<128x128xf32, #tpu.memory_space<vmem>>, vector<1x16xf32>,
        %get3A_1456 = vector.shape_cast %get3A_1455 : vector<1x16xf32> to vector<16xf32>
        %mul3A_1457 = arith.mulf %get3A_1456, %gather3A_1398 : vector<16xf32>
        %swap3A_1458 = arith.index_cast %add3A_1402 : i32 to index
        %swap3A_1459 = arith.constant 80 : index
        %swap3A_1460 = tpu.vector_load %arg11[%swap3A_1458, %swap3A_1459] {strides = array<i32>} : memref<128x128xf32, #tpu.memory_space<vmem>>, vector<1x16xf32>,
        %swap3A_1461 = vector.shape_cast %swap3A_1460 : vector<1x16xf32> to vector<16xf32>
        %swap3A_1462 = vector.shape_cast %mul3A_1457 : vector<16xf32> to vector<1x16xf32>
        tpu.vector_store %arg11[%swap3A_1458, %swap3A_1459], %swap3A_1462 {strides = array<i32>} : memref<128x128xf32, #tpu.memory_space<vmem>>, vector<1x16xf32>,
        %get3A_1463 = arith.index_cast %add3A_1402 : i32 to index
        %get3A_1464 = arith.constant 96 : index
        %get3A_1465 = tpu.vector_load %arg11[%get3A_1463, %get3A_1464] {strides = array<i32>} : memref<128x128xf32, #tpu.memory_space<vmem>>, vector<1x16xf32>,
        %get3A_1466 = vector.shape_cast %get3A_1465 : vector<1x16xf32> to vector<16xf32>
        %mul3A_1467 = arith.mulf %get3A_1466, %gather3A_1398 : vector<16xf32>
        %swap3A_1468 = arith.index_cast %add3A_1402 : i32 to index
        %swap3A_1469 = arith.constant 96 : index
        %swap3A_1470 = tpu.vector_load %arg11[%swap3A_1468, %swap3A_1469] {strides = array<i32>} : memref<128x128xf32, #tpu.memory_space<vmem>>, vector<1x16xf32>,
        %swap3A_1471 = vector.shape_cast %swap3A_1470 : vector<1x16xf32> to vector<16xf32>
        %swap3A_1472 = vector.shape_cast %mul3A_1467 : vector<16xf32> to vector<1x16xf32>
        tpu.vector_store %arg11[%swap3A_1468, %swap3A_1469], %swap3A_1472 {strides = array<i32>} : memref<128x128xf32, #tpu.memory_space<vmem>>, vector<1x16xf32>,
        %get3A_1473 = arith.index_cast %add3A_1402 : i32 to index
        %get3A_1474 = arith.constant 112 : index
        %get3A_1475 = tpu.vector_load %arg11[%get3A_1473, %get3A_1474] {strides = array<i32>} : memref<128x128xf32, #tpu.memory_space<vmem>>, vector<1x16xf32>,
        %get3A_1476 = vector.shape_cast %get3A_1475 : vector<1x16xf32> to vector<16xf32>
        %mul3A_1477 = arith.mulf %get3A_1476, %gather3A_1398 : vector<16xf32>
        %swap3A_1478 = arith.index_cast %add3A_1402 : i32 to index
        %swap3A_1479 = arith.constant 112 : index
        %swap3A_1480 = tpu.vector_load %arg11[%swap3A_1478, %swap3A_1479] {strides = array<i32>} : memref<128x128xf32, #tpu.memory_space<vmem>>, vector<1x16xf32>,
        %swap3A_1481 = vector.shape_cast %swap3A_1480 : vector<1x16xf32> to vector<16xf32>
        %swap3A_1482 = vector.shape_cast %mul3A_1477 : vector<16xf32> to vector<1x16xf32>
        tpu.vector_store %arg11[%swap3A_1478, %swap3A_1479], %swap3A_1482 {strides = array<i32>} : memref<128x128xf32, #tpu.memory_space<vmem>>, vector<1x16xf32>,
        %broadcast_in_dim3A_1483 = arith.constant 15 : i32
        %broadcast_in_dim3A_1484 = vector.broadcast %broadcast_in_dim3A_1483 : i32 to vector<16xi32>
        %lt3A_1485 = arith.constant 0 : i32
        %lt3A_1486 = vector.broadcast %lt3A_1485 : i32 to vector<16xi32>
        %lt3A_1487 = arith.cmpi slt, %broadcast_in_dim3A_1484, %lt3A_1486 : vector<16xi32>
        %add3A_1488 = arith.constant 16 : i32
        %add3A_1489 = vector.broadcast %add3A_1488 : i32 to vector<16xi32>
        %add3A_1490 = arith.addi %broadcast_in_dim3A_1484, %add3A_1489 : vector<16xi32>
        %select_n3A_1491 = arith.select %lt3A_1487, %add3A_1490, %broadcast_in_dim3A_1484 : vector<16xi1>, vector<16xi32>
        %broadcast_in_dim3A_1492 = vector.shape_cast %select_n3A_1491 : vector<16xi32> to vector<16x1xi32>
        %gather3A_1493 = vector.shape_cast %broadcast_in_dim3A_1492 : vector<16x1xi32> to vector<16xi32>
        %gather3A_1494 = tpu.dynamic_gather %get3A_46[%gather3A_1493] in [0] : vector<16xf32>, vector<16xi32> -> vector<16xf32>
        %mul3A_1495 = arith.constant 16 : i32
        %mul3A_1496 = arith.muli %scan3A_42, %mul3A_1495 : i32
        %add3A_1497 = arith.constant 15 : i32
        %add3A_1498 = arith.addi %mul3A_1496, %add3A_1497 : i32
        %get3A_1499 = arith.index_cast %add3A_1498 : i32 to index
        %get3A_1500 = arith.constant 0 : index
        %get3A_1501 = tpu.vector_load %arg11[%get3A_1499, %get3A_1500] {strides = array<i32>} : memref<128x128xf32, #tpu.memory_space<vmem>>, vector<1x16xf32>,
        %get3A_1502 = vector.shape_cast %get3A_1501 : vector<1x16xf32> to vector<16xf32>
        %mul3A_1503 = arith.mulf %get3A_1502, %gather3A_1494 : vector<16xf32>
        %swap3A_1504 = arith.index_cast %add3A_1498 : i32 to index
        %swap3A_1505 = arith.constant 0 : index
        %swap3A_1506 = tpu.vector_load %arg11[%swap3A_1504, %swap3A_1505] {strides = array<i32>} : memref<128x128xf32, #tpu.memory_space<vmem>>, vector<1x16xf32>,
        %swap3A_1507 = vector.shape_cast %swap3A_1506 : vector<1x16xf32> to vector<16xf32>
        %swap3A_1508 = vector.shape_cast %mul3A_1503 : vector<16xf32> to vector<1x16xf32>
        tpu.vector_store %arg11[%swap3A_1504, %swap3A_1505], %swap3A_1508 {strides = array<i32>} : memref<128x128xf32, #tpu.memory_space<vmem>>, vector<1x16xf32>,
        %get3A_1509 = arith.index_cast %add3A_1498 : i32 to index
        %get3A_1510 = arith.constant 16 : index
        %get3A_1511 = tpu.vector_load %arg11[%get3A_1509, %get3A_1510] {strides = array<i32>} : memref<128x128xf32, #tpu.memory_space<vmem>>, vector<1x16xf32>,
        %get3A_1512 = vector.shape_cast %get3A_1511 : vector<1x16xf32> to vector<16xf32>
        %mul3A_1513 = arith.mulf %get3A_1512, %gather3A_1494 : vector<16xf32>
        %swap3A_1514 = arith.index_cast %add3A_1498 : i32 to index
        %swap3A_1515 = arith.constant 16 : index
        %swap3A_1516 = tpu.vector_load %arg11[%swap3A_1514, %swap3A_1515] {strides = array<i32>} : memref<128x128xf32, #tpu.memory_space<vmem>>, vector<1x16xf32>,
        %swap3A_1517 = vector.shape_cast %swap3A_1516 : vector<1x16xf32> to vector<16xf32>
        %swap3A_1518 = vector.shape_cast %mul3A_1513 : vector<16xf32> to vector<1x16xf32>
        tpu.vector_store %arg11[%swap3A_1514, %swap3A_1515], %swap3A_1518 {strides = array<i32>} : memref<128x128xf32, #tpu.memory_space<vmem>>, vector<1x16xf32>,
        %get3A_1519 = arith.index_cast %add3A_1498 : i32 to index
        %get3A_1520 = arith.constant 32 : index
        %get3A_1521 = tpu.vector_load %arg11[%get3A_1519, %get3A_1520] {strides = array<i32>} : memref<128x128xf32, #tpu.memory_space<vmem>>, vector<1x16xf32>,
        %get3A_1522 = vector.shape_cast %get3A_1521 : vector<1x16xf32> to vector<16xf32>
        %mul3A_1523 = arith.mulf %get3A_1522, %gather3A_1494 : vector<16xf32>
        %swap3A_1524 = arith.index_cast %add3A_1498 : i32 to index
        %swap3A_1525 = arith.constant 32 : index
        %swap3A_1526 = tpu.vector_load %arg11[%swap3A_1524, %swap3A_1525] {strides = array<i32>} : memref<128x128xf32, #tpu.memory_space<vmem>>, vector<1x16xf32>,
        %swap3A_1527 = vector.shape_cast %swap3A_1526 : vector<1x16xf32> to vector<16xf32>
        %swap3A_1528 = vector.shape_cast %mul3A_1523 : vector<16xf32> to vector<1x16xf32>
        tpu.vector_store %arg11[%swap3A_1524, %swap3A_1525], %swap3A_1528 {strides = array<i32>} : memref<128x128xf32, #tpu.memory_space<vmem>>, vector<1x16xf32>,
        %get3A_1529 = arith.index_cast %add3A_1498 : i32 to index
        %get3A_1530 = arith.constant 48 : index
        %get3A_1531 = tpu.vector_load %arg11[%get3A_1529, %get3A_1530] {strides = array<i32>} : memref<128x128xf32, #tpu.memory_space<vmem>>, vector<1x16xf32>,
        %get3A_1532 = vector.shape_cast %get3A_1531 : vector<1x16xf32> to vector<16xf32>
        %mul3A_1533 = arith.mulf %get3A_1532, %gather3A_1494 : vector<16xf32>
        %swap3A_1534 = arith.index_cast %add3A_1498 : i32 to index
        %swap3A_1535 = arith.constant 48 : index
        %swap3A_1536 = tpu.vector_load %arg11[%swap3A_1534, %swap3A_1535] {strides = array<i32>} : memref<128x128xf32, #tpu.memory_space<vmem>>, vector<1x16xf32>,
        %swap3A_1537 = vector.shape_cast %swap3A_1536 : vector<1x16xf32> to vector<16xf32>
        %swap3A_1538 = vector.shape_cast %mul3A_1533 : vector<16xf32> to vector<1x16xf32>
        tpu.vector_store %arg11[%swap3A_1534, %swap3A_1535], %swap3A_1538 {strides = array<i32>} : memref<128x128xf32, #tpu.memory_space<vmem>>, vector<1x16xf32>,
        %get3A_1539 = arith.index_cast %add3A_1498 : i32 to index
        %get3A_1540 = arith.constant 64 : index
        %get3A_1541 = tpu.vector_load %arg11[%get3A_1539, %get3A_1540] {strides = array<i32>} : memref<128x128xf32, #tpu.memory_space<vmem>>, vector<1x16xf32>,
        %get3A_1542 = vector.shape_cast %get3A_1541 : vector<1x16xf32> to vector<16xf32>
        %mul3A_1543 = arith.mulf %get3A_1542, %gather3A_1494 : vector<16xf32>
        %swap3A_1544 = arith.index_cast %add3A_1498 : i32 to index
        %swap3A_1545 = arith.constant 64 : index
        %swap3A_1546 = tpu.vector_load %arg11[%swap3A_1544, %swap3A_1545] {strides = array<i32>} : memref<128x128xf32, #tpu.memory_space<vmem>>, vector<1x16xf32>,
        %swap3A_1547 = vector.shape_cast %swap3A_1546 : vector<1x16xf32> to vector<16xf32>
        %swap3A_1548 = vector.shape_cast %mul3A_1543 : vector<16xf32> to vector<1x16xf32>
        tpu.vector_store %arg11[%swap3A_1544, %swap3A_1545], %swap3A_1548 {strides = array<i32>} : memref<128x128xf32, #tpu.memory_space<vmem>>, vector<1x16xf32>,
        %get3A_1549 = arith.index_cast %add3A_1498 : i32 to index
        %get3A_1550 = arith.constant 80 : index
        %get3A_1551 = tpu.vector_load %arg11[%get3A_1549, %get3A_1550] {strides = array<i32>} : memref<128x128xf32, #tpu.memory_space<vmem>>, vector<1x16xf32>,
        %get3A_1552 = vector.shape_cast %get3A_1551 : vector<1x16xf32> to vector<16xf32>
        %mul3A_1553 = arith.mulf %get3A_1552, %gather3A_1494 : vector<16xf32>
        %swap3A_1554 = arith.index_cast %add3A_1498 : i32 to index
        %swap3A_1555 = arith.constant 80 : index
        %swap3A_1556 = tpu.vector_load %arg11[%swap3A_1554, %swap3A_1555] {strides = array<i32>} : memref<128x128xf32, #tpu.memory_space<vmem>>, vector<1x16xf32>,
        %swap3A_1557 = vector.shape_cast %swap3A_1556 : vector<1x16xf32> to vector<16xf32>
        %swap3A_1558 = vector.shape_cast %mul3A_1553 : vector<16xf32> to vector<1x16xf32>
        tpu.vector_store %arg11[%swap3A_1554, %swap3A_1555], %swap3A_1558 {strides = array<i32>} : memref<128x128xf32, #tpu.memory_space<vmem>>, vector<1x16xf32>,
        %get3A_1559 = arith.index_cast %add3A_1498 : i32 to index
        %get3A_1560 = arith.constant 96 : index
        %get3A_1561 = tpu.vector_load %arg11[%get3A_1559, %get3A_1560] {strides = array<i32>} : memref<128x128xf32, #tpu.memory_space<vmem>>, vector<1x16xf32>,
        %get3A_1562 = vector.shape_cast %get3A_1561 : vector<1x16xf32> to vector<16xf32>
        %mul3A_1563 = arith.mulf %get3A_1562, %gather3A_1494 : vector<16xf32>
        %swap3A_1564 = arith.index_cast %add3A_1498 : i32 to index
        %swap3A_1565 = arith.constant 96 : index
        %swap3A_1566 = tpu.vector_load %arg11[%swap3A_1564, %swap3A_1565] {strides = array<i32>} : memref<128x128xf32, #tpu.memory_space<vmem>>, vector<1x16xf32>,
        %swap3A_1567 = vector.shape_cast %swap3A_1566 : vector<1x16xf32> to vector<16xf32>
        %swap3A_1568 = vector.shape_cast %mul3A_1563 : vector<16xf32> to vector<1x16xf32>
        tpu.vector_store %arg11[%swap3A_1564, %swap3A_1565], %swap3A_1568 {strides = array<i32>} : memref<128x128xf32, #tpu.memory_space<vmem>>, vector<1x16xf32>,
        %get3A_1569 = arith.index_cast %add3A_1498 : i32 to index
        %get3A_1570 = arith.constant 112 : index
        %get3A_1571 = tpu.vector_load %arg11[%get3A_1569, %get3A_1570] {strides = array<i32>} : memref<128x128xf32, #tpu.memory_space<vmem>>, vector<1x16xf32>,
        %get3A_1572 = vector.shape_cast %get3A_1571 : vector<1x16xf32> to vector<16xf32>
        %mul3A_1573 = arith.mulf %get3A_1572, %gather3A_1494 : vector<16xf32>
        %swap3A_1574 = arith.index_cast %add3A_1498 : i32 to index
        %swap3A_1575 = arith.constant 112 : index
        %swap3A_1576 = tpu.vector_load %arg11[%swap3A_1574, %swap3A_1575] {strides = array<i32>} : memref<128x128xf32, #tpu.memory_space<vmem>>, vector<1x16xf32>,
        %swap3A_1577 = vector.shape_cast %swap3A_1576 : vector<1x16xf32> to vector<16xf32>
        %swap3A_1578 = vector.shape_cast %mul3A_1573 : vector<16xf32> to vector<1x16xf32>
        tpu.vector_store %arg11[%swap3A_1574, %swap3A_1575], %swap3A_1578 {strides = array<i32>} : memref<128x128xf32, #tpu.memory_space<vmem>>, vector<1x16xf32>,
      }
      %scan3A_41 = arith.constant 8 : i32
      "tpu.region"() ({
        %run_scoped3A = tpu.sem_alloc : memref<!tpu.dma_semaphore, #tpu.memory_space<semaphore_mem>>
        %dma_start3A_42 = arith.constant 0 : i32
        %dma_start3A_43 = arith.constant 0 : i32
        %dma_start3A_44 = tpu.memref_slice %arg12[%dma_start3A_42, %dma_start3A_43] : memref<10000x128xf32, #tpu.memory_space<vmem_shared>> -> memref<10000x128xf32, #tpu.memory_space<vmem_shared>>
        tpu.enqueue_indirect_dma source(%arg11 : memref<128x128xf32, #tpu.memory_space<vmem>>) target(%dma_start3A_44 : memref<10000x128xf32, #tpu.memory_space<vmem_shared>>) offsets(%arg9 : memref<128xi32, #tpu.memory_space<vmem>>) semaphore(%run_scoped3A : memref<!tpu.dma_semaphore, #tpu.memory_space<semaphore_mem>>) {add = true}
        %dma_wait3A_45 = arith.constant 0 : i32
        %dma_wait3A_46 = arith.constant 0 : i32
        %dma_wait3A_47 = tpu.memref_slice %arg12[%dma_wait3A_45, %dma_wait3A_46] : memref<10000x128xf32, #tpu.memory_space<vmem_shared>> -> memref<10000x128xf32, #tpu.memory_space<vmem_shared>>
        tpu.wait_indirect_dma semaphore(%run_scoped3A : memref<!tpu.dma_semaphore, #tpu.memory_space<semaphore_mem>>) src(%arg11 : memref<128x128xf32, #tpu.memory_space<vmem>>) dst(%dma_wait3A_47 : memref<10000x128xf32, #tpu.memory_space<vmem_shared>>)
        tpu.yield
      }) : () -> ()
    } else {
    }
    %barrier3A_17 = arith.constant 0 : index
    tpu.barrier barrier_id(%barrier3A_17)
    %lt3A_18 = arith.constant 15 : i32
    %lt3A_19 = arith.cmpi slt, %arg1, %lt3A_18 : i32
    %convert_element_type3A_20 = arith.extui %lt3A_19 : i1 to i32
    %cond3A_21 = arith.constant 0 : i32
    %cond3A_22 = arith.cmpi ne, %convert_element_type3A_20, %cond3A_21 : i32
    scf.if %cond3A_22 {
      %mul3A_28 = arith.constant 624 : i32
      %mul3A_29 = arith.muli %arg1, %mul3A_28 : i32
      "tpu.region"() ({
        %run_scoped3A = tpu.sem_alloc : memref<!tpu.dma_semaphore, #tpu.memory_space<semaphore_mem>>
        %dma_start3A = arith.constant 0 : i32
        %dma_start3A_30 = tpu.memref_slice %arg7[%arg0, %mul3A_29, %dma_start3A] : memref<2x10000x128xf32, #tpu.memory_space<hbm>> -> memref<1x624x128xf32, #tpu.memory_space<hbm>>
        %dma_start3A_31 = tpu.memref_squeeze %dma_start3A_30 : memref<1x624x128xf32, #tpu.memory_space<hbm>> -> memref<624x128xf32, #tpu.memory_space<hbm>>
        %dma_start3A_32 = arith.constant 0 : i32
        %dma_start3A_33 = tpu.memref_slice %arg12[%mul3A_29, %dma_start3A_32] : memref<10000x128xf32, #tpu.memory_space<vmem_shared>> -> memref<624x128xf32, #tpu.memory_space<vmem_shared>>
        tpu.enqueue_dma source(%dma_start3A_33 : memref<624x128xf32, #tpu.memory_space<vmem_shared>>) target(%dma_start3A_31 : memref<624x128xf32, #tpu.memory_space<hbm>>) target_semaphore(%run_scoped3A : memref<!tpu.dma_semaphore, #tpu.memory_space<semaphore_mem>>)
        %dma_wait3A = arith.constant 0 : i32
        %dma_wait3A_34 = tpu.memref_slice %arg7[%arg0, %mul3A_29, %dma_wait3A] : memref<2x10000x128xf32, #tpu.memory_space<hbm>> -> memref<1x624x128xf32, #tpu.memory_space<hbm>>
        %dma_wait3A_35 = tpu.memref_squeeze %dma_wait3A_34 : memref<1x624x128xf32, #tpu.memory_space<hbm>> -> memref<624x128xf32, #tpu.memory_space<hbm>>
        %dma_wait3A_36 = arith.constant 0 : i32
        %dma_wait3A_37 = tpu.memref_slice %arg12[%mul3A_29, %dma_wait3A_36] : memref<10000x128xf32, #tpu.memory_space<vmem_shared>> -> memref<624x128xf32, #tpu.memory_space<vmem_shared>>
        tpu.wait_dma2 semaphore(%run_scoped3A : memref<!tpu.dma_semaphore, #tpu.memory_space<semaphore_mem>>) src(%dma_wait3A_37 : memref<624x128xf32, #tpu.memory_space<vmem_shared>>) dst(%dma_wait3A_35 : memref<624x128xf32, #tpu.memory_space<hbm>>)
        tpu.yield
      }) : () -> ()
    } else {
    }
    %eq3A_23 = arith.constant 15 : i32
    %eq3A_24 = arith.cmpi eq, %arg1, %eq3A_23 : i32
    %convert_element_type3A_25 = arith.extui %eq3A_24 : i1 to i32
    %cond3A_26 = arith.constant 0 : i32
    %cond3A_27 = arith.cmpi ne, %convert_element_type3A_25, %cond3A_26 : i32
    scf.if %cond3A_27 {
      "tpu.region"() ({
        %run_scoped3A = tpu.sem_alloc : memref<!tpu.dma_semaphore, #tpu.memory_space<semaphore_mem>>
        %dma_start3A = arith.constant 9360 : i32
        %dma_start3A_28 = arith.constant 0 : i32
        %dma_start3A_29 = tpu.memref_slice %arg7[%arg0, %dma_start3A, %dma_start3A_28] : memref<2x10000x128xf32, #tpu.memory_space<hbm>> -> memref<1x640x128xf32, #tpu.memory_space<hbm>>
        %dma_start3A_30 = tpu.memref_squeeze %dma_start3A_29 : memref<1x640x128xf32, #tpu.memory_space<hbm>> -> memref<640x128xf32, #tpu.memory_space<hbm>>
        %dma_start3A_31 = arith.constant 9360 : i32
        %dma_start3A_32 = arith.constant 0 : i32
        %dma_start3A_33 = tpu.memref_slice %arg12[%dma_start3A_31, %dma_start3A_32] : memref<10000x128xf32, #tpu.memory_space<vmem_shared>> -> memref<640x128xf32, #tpu.memory_space<vmem_shared>>
        tpu.enqueue_dma source(%dma_start3A_33 : memref<640x128xf32, #tpu.memory_space<vmem_shared>>) target(%dma_start3A_30 : memref<640x128xf32, #tpu.memory_space<hbm>>) target_semaphore(%run_scoped3A : memref<!tpu.dma_semaphore, #tpu.memory_space<semaphore_mem>>)
        %dma_wait3A = arith.constant 9360 : i32
        %dma_wait3A_34 = arith.constant 0 : i32
        %dma_wait3A_35 = tpu.memref_slice %arg7[%arg0, %dma_wait3A, %dma_wait3A_34] : memref<2x10000x128xf32, #tpu.memory_space<hbm>> -> memref<1x640x128xf32, #tpu.memory_space<hbm>>
        %dma_wait3A_36 = tpu.memref_squeeze %dma_wait3A_35 : memref<1x640x128xf32, #tpu.memory_space<hbm>> -> memref<640x128xf32, #tpu.memory_space<hbm>>
        %dma_wait3A_37 = arith.constant 9360 : i32
        %dma_wait3A_38 = arith.constant 0 : i32
        %dma_wait3A_39 = tpu.memref_slice %arg12[%dma_wait3A_37, %dma_wait3A_38] : memref<10000x128xf32, #tpu.memory_space<vmem_shared>> -> memref<640x128xf32, #tpu.memory_space<vmem_shared>>
        tpu.wait_dma2 semaphore(%run_scoped3A : memref<!tpu.dma_semaphore, #tpu.memory_space<semaphore_mem>>) src(%dma_wait3A_39 : memref<640x128xf32, #tpu.memory_space<vmem_shared>>) dst(%dma_wait3A_36 : memref<640x128xf32, #tpu.memory_space<hbm>>)
        tpu.yield
      }) : () -> ()
    } else {
    }
    return
  }
}

module attributes {stable_mosaic.version = 14 : i64} {
  func.func @_combine_body(%arg0: i32, %arg1: memref<2x2000x128xf32, #tpu.memory_space<vmem>>, %arg2: memref<2000x128xf32, #tpu.memory_space<vmem>>) attributes {dimension_semantics = [#tpu.dimension_semantics<arbitrary>], iteration_bounds = array<i64: 5>, scalar_prefetch = 0 : i64, scratch_operands = 0 : i64, tpu.core_type = #tpu.core_type<tc>, window_params = [{transform_indices = @transform_0, window_bounds = array<i64: 2, 2000, 128>}, {transform_indices = @transform_1, window_bounds = array<i64: 2000, 128>}]} {
    %get3A = arith.constant 0 : index
    %get3A_0 = arith.constant 0 : index
    %get3A_1 = arith.constant 0 : index
    %get3A_2 = vector.load %arg1[%get3A, %get3A_0, %get3A_1] : memref<2x2000x128xf32, #tpu.memory_space<vmem>>, vector<1x2000x128xf32>
    %get3A_3 = vector.shape_cast %get3A_2 : vector<1x2000x128xf32> to vector<2000x128xf32>
    %get3A_4 = arith.constant 1 : index
    %get3A_5 = arith.constant 0 : index
    %get3A_6 = arith.constant 0 : index
    %get3A_7 = vector.load %arg1[%get3A_4, %get3A_5, %get3A_6] : memref<2x2000x128xf32, #tpu.memory_space<vmem>>, vector<1x2000x128xf32>
    %get3A_8 = vector.shape_cast %get3A_7 : vector<1x2000x128xf32> to vector<2000x128xf32>
    %add3A = arith.addf %get3A_3, %get3A_8 : vector<2000x128xf32>
    %swap3A = arith.constant 0 : index
    %swap3A_9 = arith.constant 0 : index
    %swap3A_10 = vector.load %arg2[%swap3A, %swap3A_9] : memref<2000x128xf32, #tpu.memory_space<vmem>>, vector<2000x128xf32>
    tpu.vector_store %arg2[%swap3A, %swap3A_9], %add3A {strides = array<i32>} : memref<2000x128xf32, #tpu.memory_space<vmem>>, vector<2000x128xf32>,
    return
  }
  func.func @transform_0(%arg0: i32) -> (i32, i32, i32) {
    %c0_i32 = arith.constant 0 : i32
    %c0_i32_0 = arith.constant 0 : i32
    %c0_i32_1 = arith.constant 0 : i32
    return %c0_i32, %arg0, %c0_i32_0 : i32, i32, i32
  }
  func.func @transform_1(%arg0: i32) -> (i32, i32) {
    %c0_i32 = arith.constant 0 : i32
    %c0_i32_0 = arith.constant 0 : i32
    return %arg0, %c0_i32 : i32, i32
  }
}

module attributes {stable_mosaic.version = 14 : i64} {
  func.func @_mm_body(%arg0: i32, %arg1: memref<2000x128xf32, #tpu.memory_space<vmem>>, %arg2: memref<128x128xf32, #tpu.memory_space<vmem>>, %arg3: memref<2000x128xf32, #tpu.memory_space<vmem>>) attributes {dimension_semantics = [#tpu.dimension_semantics<arbitrary>], iteration_bounds = array<i64: 5>, scalar_prefetch = 0 : i64, scratch_operands = 0 : i64, tpu.core_type = #tpu.core_type<tc>, window_params = [{transform_indices = @transform_0, window_bounds = array<i64: 2000, 128>}, {pipeline_mode = #tpu.pipeline_mode<synchronous>, transform_indices = @transform_1, window_bounds = array<i64: 128, 128>}, {transform_indices = @transform_2, window_bounds = array<i64: 2000, 128>}]} {
    %get3A = arith.constant 0 : index
    %get3A_0 = arith.constant 0 : index
    %get3A_1 = vector.load %arg1[%get3A, %get3A_0] : memref<2000x128xf32, #tpu.memory_space<vmem>>, vector<2000x128xf32>
    %get3A_2 = arith.constant 0 : index
    %get3A_3 = arith.constant 0 : index
    %get3A_4 = vector.load %arg2[%get3A_2, %get3A_3] : memref<128x128xf32, #tpu.memory_space<vmem>>, vector<128x128xf32>
    %dot_general3A = arith.constant dense<0.000000e+00> : vector<2000x128xf32>
    %dot_general3A_5 = tpu.matmul %get3A_1, %get3A_4, %dot_general3A {dimension_numbers = #tpu.dot_dimension_numbers<[1], [0], [0], [1], [0, 0, 1, 1], [], []>, transpose_lhs_hint = false} : vector<2000x128xf32>, vector<128x128xf32>, vector<2000x128xf32> -> vector<2000x128xf32>
    %swap3A = arith.constant 0 : index
    %swap3A_6 = arith.constant 0 : index
    %swap3A_7 = vector.load %arg3[%swap3A, %swap3A_6] : memref<2000x128xf32, #tpu.memory_space<vmem>>, vector<2000x128xf32>
    tpu.vector_store %arg3[%swap3A, %swap3A_6], %dot_general3A_5 {strides = array<i32>} : memref<2000x128xf32, #tpu.memory_space<vmem>>, vector<2000x128xf32>,
    return
  }
  func.func @transform_0(%arg0: i32) -> (i32, i32) {
    %c0_i32 = arith.constant 0 : i32
    %c0_i32_0 = arith.constant 0 : i32
    return %arg0, %c0_i32 : i32, i32
  }
  func.func @transform_1(%arg0: i32) -> (i32, i32) {
    %c0_i32 = arith.constant 0 : i32
    %c0_i32_0 = arith.constant 0 : i32
    %c0_i32_1 = arith.constant 0 : i32
    return %c0_i32, %c0_i32_0 : i32, i32
  }
  func.func @transform_2(%arg0: i32) -> (i32, i32) {
    %c0_i32 = arith.constant 0 : i32
    %c0_i32_0 = arith.constant 0 : i32
    return %arg0, %c0_i32 : i32, i32
  }
}

</mosaic_0001>

<sc_bundles>
// kernel: kernel.5.cloned.1.call-start
scs
__scs_entry_jumppad:
0x0: {  	(pc) =	sbr.rel $0x88, $3  }
0x1: {  	(tag) =	ssettag $0x0;
	lr =	simm.s32 $0x1  }
0x2: {  	[smem:$0x3F9D] =	sst lr;
	_ =	strace $0xD0000000  }
0x3: {  	_ = 	snop  }
0x4: {  	_ = 	snop  }
0x5: {  	_ = 	snop  }
0x6: {  	_ = 	snop  }
0x7: {  	_ = 	snop  }
__scs_overlays_trampoline_lowered:
0x8: {  	[smem:$0x3FAC] =	sst s0  }
0x9: {  	[smem:$0x3FAD] =	sst s1  }
0xa: {  	[smem:$0x3FAE] =	sst s2  }
0xb: {  	[smem:$0x3FAF] =	sst s3  }
0xc: {  	[smem:$0x3FB0] =	sst s4  }
0xd: {  	[smem:$0x3FB1] =	sst s5  }
0xe: {  	[smem:$0x3FB2] =	sst s6  }
0xf: {  	[smem:$0x3FB3] =	sst s7  }
0x10: {  	[smem:$0x3FB4] =	sst s8  }
0x11: {  	[smem:$0x3FB5] =	sst s9;
	s0 =	simm.s32 @!p0 $0x0  }
0x12: {  	s1 =	sld [smem:$0x3F9B];
	s0 =	simm.s32 @p0 $0x1  }
0x13: {  	[smem:$0x3FB6] =	sst s0;
	s0 =	simm.s32 @!p1 $0x0  }
0x14: {  	s2 =	sld [smem:$0x3F9A];
	s0 =	simm.s32 @p1 $0x1  }
0x15: {  	[smem:$0x3FB7] =	sst s0;
	s0 =	simm.s32 @!p2 $0x0  }
0x16: {  	s3 =	sld [smem:$0x3FDB];
	s0 =	simm.s32 @p2 $0x1  }
0x17: {  	s4 =	simm.s32 $0x1BF5;
	[smem:$0x3FB9] =	sst s0  }
0x18: {  	s0 =	sld [smem:$0x3F9C];
	_ =	swait.ge [sflag:s4], $0x0  }
0x19: {  	s7 =	sld [smem:$0x3F9D]  }
0x1a: {  	s8 =	sadd.s32 $0xFFFFE003, lr  }
0x1b: {  	s9 =	sadd.s32 $0xFFFFFEF7, lr;
	s5 =	simm.s32 $0xFFFFFFFF;
	p2 =	slt.u32 s8, $0xFFFFF086  }
0x1c: {  	p1 =	slt.u32 s9, $0xF7A;
	s5 =	simm.s32 @!p2 $0x0  }
0x1d: {  	s5 =	simm.s32 @p1 $0x1;
	p0 =	seq.s32 s7, s2  }
0x1e: {  	s7 =	smul.u32 @!p0 $0xF7A, s2;
	p2 =	seq.s32 @!p0 s5, $0x0  }
0x1f: {  	s9 =	smul.u32 $0xF7A, s1;
	s8 =	simm.s32 @!p0 $0x1BF5;
	p2 =	por !p2, p0  }
0x20: {  	[sflag:s8] =	ssyncset.s32 @!p0 $0xFFFFF086;
	s6 =	sadd.s32 @!p0 s3, s7;
	s7 =	simm.s32 @!p0 $0x108  }
0x21: {  	s3 =	sadd.s32 s3, s9;
	s6 =	sadd.s32 @!p0 $0x88, s6;
	s7 =	simm.s32 @p2 $0x1082  }
0x22: {  	[simem:s7], [sflag:s8] =	dma.local @!p0 [hbm:s6], $0xF7A  }
0x23: {  	s9 =	sor.u32 $0xD0000000, s2;
	s6 =	simm.s32 $0x108;
	_ =	swait.ge @!p0 [sflag:s8], $0x0  }
0x24: {  	s3 =	sadd.s32 $0x88, s3;
	s6 =	simm.s32 @!p1 $0x1082;
	[sflag:s4] =	ssyncset.s32 $0xFFFFF086  }
0x25: {  	[simem:s6], [sflag:s4] =	dma.local [hbm:s3], $0xF7A  }
0x26: {  	[smem:$0x3F9D] =	sst s1;
	(tag) =	ssettag s2;
	_ =	strace s9  }
0x27: {  	s1 =	sld [smem:$0x3FAD]  }
0x28: {  	s2 =	sld [smem:$0x3FAE]  }
0x29: {  	s4 =	sld [smem:$0x3FB0]  }
0x2a: {  	p0 =	seq.s32 s5, $0x0;
	s5 =	sld [smem:$0x3FB1]  }
0x2b: {  	s6 =	sld [smem:$0x3FB2]  }
0x2c: {  	s7 =	sld [smem:$0x3FB3]  }
0x2d: {  	s3 =	simm.s32 $0x108;
	s8 =	sld [smem:$0x3FB4]  }
0x2e: {  	s3 =	simm.s32 @!p0 $0x1082;
	s9 =	sld [smem:$0x3FB5]  }
0x2f: {  	lr =	sadd.s32 s0, s3;
	s0 =	sld [smem:$0x3FAC]  }
0x30: {  	s3 =	sld [smem:$0x3FAF]  }
0x31: {  	[smem:$0x3FB8] =	sst s10  }
0x32: {  	s10 =	sld [smem:$0x3FB6];
	_ =	sdelay $0x3  }
0x33: {  	p0 =	seq.s32 s10, $0x1;
	s10 =	sld [smem:$0x3FB8];
	_ =	sdelay $0x3  }
0x34: {  	[smem:$0x3FB8] =	sst s10  }
0x35: {  	s10 =	sld [smem:$0x3FB7];
	_ =	sdelay $0x3  }
0x36: {  	p1 =	seq.s32 s10, $0x1;
	s10 =	sld [smem:$0x3FB8];
	_ =	sdelay $0x3  }
0x37: {  	[smem:$0x3FB8] =	sst s10  }
0x38: {  	s10 =	sld [smem:$0x3FB9]  }
0x39: {  	_ = 	snop;
	(pc) =	sbr.ind lr, $3  }
0x3a: {  	_ = 	snop  }
0x3b: {  	_ = 	snop  }
0x3c: {  	p2 =	seq.s32 s10, $0x1;
	s10 =	sld [smem:$0x3FB8]  }
0x3d: {  	_ =	shalt  }
0x3e: {  	_ =	shalt  }
0x3f: {  	_ =	shalt  }
0x40: {  	_ =	shalt  }
0x41: {  	_ =	shalt  }
0x42: {  	_ =	shalt  }
0x43: {  	_ =	shalt  }
0x44: {  	_ =	shalt  }
0x45: {  	_ =	shalt  }
0x46: {  	_ =	shalt  }
0x47: {  	_ =	shalt  }
0x48: {  	_ =	shalt  }
0x49: {  	_ =	shalt  }
0x4a: {  	_ =	shalt  }
0x4b: {  	_ =	shalt  }
0x4c: {  	_ =	shalt  }
0x4d: {  	_ =	shalt  }
0x4e: {  	_ =	shalt  }
0x4f: {  	_ =	shalt  }
0x50: {  	_ =	shalt  }
0x51: {  	_ =	shalt  }
0x52: {  	_ =	shalt  }
0x53: {  	_ =	shalt  }
0x54: {  	_ =	shalt  }
0x55: {  	_ =	shalt  }
0x56: {  	_ =	shalt  }
0x57: {  	_ =	shalt  }
0x58: {  	_ =	shalt  }
0x59: {  	_ =	shalt  }
0x5a: {  	_ =	shalt  }
0x5b: {  	_ =	shalt  }
0x5c: {  	_ =	shalt  }
0x5d: {  	_ =	shalt  }
0x5e: {  	_ =	shalt  }
0x5f: {  	_ =	shalt  }
0x60: {  	_ =	shalt  }
0x61: {  	_ =	shalt  }
0x62: {  	_ =	shalt  }
0x63: {  	_ =	shalt  }
0x64: {  	_ =	shalt  }
0x65: {  	_ =	shalt  }
0x66: {  	_ =	shalt  }
0x67: {  	_ =	shalt  }
0x68: {  	_ =	shalt  }
0x69: {  	_ =	shalt  }
0x6a: {  	_ =	shalt  }
0x6b: {  	_ =	shalt  }
0x6c: {  	_ =	shalt  }
0x6d: {  	_ =	shalt  }
0x6e: {  	_ =	shalt  }
0x6f: {  	_ =	shalt  }
0x70: {  	_ =	shalt  }
0x71: {  	_ =	shalt  }
0x72: {  	_ =	shalt  }
0x73: {  	_ =	shalt  }
0x74: {  	_ =	shalt  }
0x75: {  	_ =	shalt  }
0x76: {  	_ =	shalt  }
0x77: {  	_ =	shalt  }
0x78: {  	_ =	shalt  }
0x79: {  	_ =	shalt  }
0x7a: {  	_ =	shalt  }
0x7b: {  	_ =	shalt  }
0x7c: {  	_ =	shalt  }
0x7d: {  	_ =	shalt  }
0x7e: {  	_ =	shalt  }
0x7f: {  	_ =	shalt  }
0x80: {  	_ =	shalt  }
0x81: {  	_ =	shalt  }
0x82: {  	_ =	shalt  }
0x83: {  	_ =	shalt  }
0x84: {  	_ =	shalt  }
0x85: {  	_ =	shalt  }
0x86: {  	_ =	shalt  }
0x87: {  	_ =	shalt  }
.Lfunc_end0:
.L_simem_size_0:
called_computation_lowered:
.L_overlay_start_0:
0x88: {  	s2 =	sld [smem:$0x3FD9]  }
0x89: {  	s3 =	sld [smem:$0x3FFE];
	_ =	sdelay $0x1  }
0x8a: {  	s1 =	srdreg.scid  }
0x8b: {  	s0 =	sand.u32 $0x1, s1  }
0x8c: {  	s17 =	sshll.u32 s0, $0xA;
	s2 =	sadd.s32 s3, s2  }
0x8d: {  	s2 =	sadd.s32 s2, s17  }
0x8e: {  	[smem:$0x3FC4] =	sst s2  }
0x8f: {  	_ = 	snop  }
0x90: {  	s2 =	sld [smem:$0x3FC7]  }
0x91: {  	s18 =	sld [smem:$0x3FD0];
	(tm) =	ssettm $0x1  }
0x92: {  	s4 =	sld [smem:$0x3FFB];
	_ =	sdelay $0x3  }
0x93: {  	_ =	strace s4  }
0x94: {  	s4 =	sld [smem:$0x3FFC];
	_ =	sdelay $0x3  }
0x95: {  	_ =	strace s4  }
0x96: {  	s4 =	sld [smem:$0x3FFD];
	_ =	sdelay $0x3  }
0x97: {  	_ =	strace s4  }
0x98: {  	_ =	strace $0x8FFFFFFF  }
0x99: {  	s19 =	sld [smem:$0x3FDB];
	_ =	sdelay $0x1  }
0x9a: {  	s5 =	simm.s32 $_scs_section_size  }
0x9b: {  	s6 =	simm.s32 $_size__tile_overlayer_lowered;
	s7 =	simm.s32 $_tile_overlayer_lowered  }
0x9c: {  	s22 =	simm.s32 $0x1BFF;
	s21 =	sshll.u32 s7, $0x1;
	s4 =	sadd.s32 s5, s19  }
0x9d: {  	s8 =	simm.s32 $0x0;
	s20 =	sshll.u32 s6, $0x1;
	s6 =	sadd.s32 s21, s4  }
0x9e: {  	[timem:s8], [sflag:s22] =	dma.local [hbm:s6], s20  }
0x9f: {  	_ =	swait.ge [sflag:s22], s20  }
0xa0: {  	s5 =	ssub.s32 $0x0, s20;
	[sflag:s22] =	ssyncset.done $0x0  }
0xa1: {  	[sflag:s22] =	ssyncadd.s32 s5;
	_ =	sdelay $0x1  }
0xa2: {  	s23 =	simm.s32 $0x1B8B  }
0xa3: {  	_ =	swait.ge [sflag:s23], $0x1  }
0xa4: {  	[sflag:s23] =	ssyncset.done $0x0  }
0xa5: {  	s25 =	simm.s32 $0x1B8E;
	s24 =	sld [smem:$0x3FFE];
	[sflag:s23] =	ssyncadd.s32 $0xFFFFFFFF  }
0xa6: {  	s26 =	simm.s32 $execute0_lowered;
	[smem:$0x3FD2] =	sst s25  }
0xa7: {  	s6 =	sshll.u32 s26, $0x1;
	_ =	strace $0x80000046;
	[dreg:$0x1] =	wrdreg $0xFFFFFFFF  }
0xa8: {  	s28 =	simm.s32 $_size_execute0_lowered;
	s4 =	sadd.s32 s4, s6;
	[dreg:$0x0] =	wrdreg $0x0  }
0xa9: {  	s6 =	sshll.u32 s28, $0x1;
	[dreg:$0x2] =	wrdreg s4  }
0xaa: {  	[dreg:$0x3] =	wrdreg s6  }
0xab: {  	[dreg:$0x4] =	wrdreg $0xC0  }
0xac: {  	_ =	task [dreg:s8], $0x5FFFF  }
0xad: {  	[dreg:$0x1] =	wrdreg $0xFFFFFFFF  }
0xae: {  	[dreg:$0x0] =	wrdreg $0x60  }
0xaf: {  	[dreg:$0x2] =	wrdreg s18  }
0xb0: {  	[dreg:$0x3] =	wrdreg s24  }
0xb1: {  	[dreg:$0x4] =	wrdreg s2  }
0xb2: {  	[dreg:$0x5] =	wrdreg $0x41800  }
0xb3: {  	[dreg:$0x6] =	wrdreg $0x9  }
0xb4: {  	_ =	task.clear_ibuf [dreg:s8], $0x7FFFF;
	_ =	strace $0x90000046  }
0xb5: {  	s29 =	simm.s32 $0x9;
	_ =	strace $0x80000048  }
0xb6: {  	_ =	swait.ge [sflag:s29], $0x1  }
0xb7: {  	[sflag:s29] =	ssyncadd.s32 $0xFFFFFFFF  }
0xb8: {  	_ =	strace $0x90000048  }
0xb9: {  	_ =	sfence  }
0xba: {  	s30 =	sld [smem:$0x0];
	_ =	sdelay $0x2  }
0xbb: {  	s31 =	sshll.u32 s1, $0xD;
	s1 =	sshrl.u32 s1, $0x2  }
0xbc: {  	s3 =	sand.u32 $0x4000, s31;
	s1 =	sadd.s32 s1, s30  }
0xbd: {  	s0 =	sor.u32 s3, s0;
	s1 =	sshll.u32 s1, $0x11  }
0xbe: {  	s0 =	sor.u32 s1, s0  }
0xbf: {  	s0 =	sadd.s32 $0x8F2B, s0  }
0xc0: {  	[sflag:s0] =	ssyncadd.remote.s32 $0x1  }
0xc1: {  	_ =	sfence.sel $0xFFFF  }
0xc2: {  	[dreg:$0x0] =	wrdreg $0xFFFFFFFF;
	(pc) =	sbr.abs _section_cstart, $3  }
0xc3: {  	[dreg:$0x1] =	wrdreg $0xFFFFFFFF  }
0xc4: {  	_ =	task.clear_ibuf [dreg:s8], $0x2FFFF;
	_ =	strace $0x9FFFFFFF  }
0xc5: {  	(tm) =	ssettm $0x7FFFFFFF  }
tec
execute0_lowered:
.L_overlay_start_1:
0x0: {  	(tag) =	ssettag $0x1  }
0x1: {  	s1 =	rddreg [dreg:$0x0]  }
0x2: {  	s6 =	rddreg [dreg:$0x1]  }
0x3: {  	s2 =	rddreg [dreg:$0x2]  }
0x4: {  	s3 =	rddreg [dreg:$0x3]  }
0x5: {  	s0 =	rddreg [dreg:$0x4];
	s4 =	simm.s32 $0x0  }
0x6: {  	s7 =	srdreg.scid;
	s21 =	simm.s32 $0x2;
	s22 =	simm.s32 $0x80  }
0x7: {  	s23 =	simm.s32 $0x100;
	s24 =	simm.s32 $0x180;
	s25 =	simm.s32 $0x1  }
0x8: {  	s5 =	sadd.s32 $0xA200, s6;
	s10 =	sand.u32 $0x1, s7;
	s7 =	sadd.s32 $0x400, s6  }
0x9: {  	s8 =	sadd.s32 $0x14000, s6;
	s15 =	sadd.s32 $0x16800, s6;
	s6 =	stileid.u32  }
0xa: {  	s26 =	simm.s32 $0x1FC2;
	[smem:$0x7FF] =	sst s4;
	s12 =	smul.u32 $0x4E000, s6  }
0xb: {  	_ =	strace $0x80000047;
	s9 =	ssub.s32 $0x2, s10;
	s28 =	smul.u32 $0x138800, s10  }
0xc: {  	s13 =	sshll.u32 s6, $0x5;
	s14 =	sshll.u32 s10, $0x4;
	s18 =	smul.u32 $0x13800, s6  }
0xd: {  	p0 =	seq.s32 s6, $0xF;
	p1 =	sgt.u32 s6, $0x1;
	s11 =	sshrl.u32 s9, $0x1  }
0xe: {  	s17 =	ssub.s32 s9, s11;
	s9 =	sor.u32 s14, s13;
	s29 =	sshrl.u32 s12, $0x2  }
0xf: {  	v0 =	vimm.s32 $0x0;
	s11 =	sadd.s32 $0x124800, s3;
	s18 =	sadd.s32 s18, s28;
	s19 =	sshrl.u32 s28, $0x3  }
.Ltmp0:
0x10: {  	v1 =	vimm.s32 $0x1;
	v2 =	vimm.s32 $0x2;
	v3 =	vimm.s32 $0x3;
	s16 =	sor.u32 $0x9C00, s9;
	s10 =	sadd.s32 s29, s3;
	(pc) =	sbr.rel .LBB2_1-.Ltmp0, $4  }
0x11: {  	v4 =	vimm.s32 $0x4;
	v5 =	vimm.s32 $0x5;
	v6 =	vimm.s32 $0x6;
	s30 =	sshrl.u32 s18, $0x3;
	s31 =	sadd.s32 s15, s19;
	s17 =	smax.u32 s17, $0x1  }
0x12: {  	v7 =	vimm.s32 $0x7;
	v8 =	vimm.s32 $0x8;
	v9 =	vimm.s32 $0x9;
	s18 =	sshrl.u32 @p0 s11, $0x3;
	s19 =	sshll.u32 @!p0 s6, $0x6;
	s12 =	sadd.s32 s5, s16  }
0x13: {  	v10 =	vimm.s32 $0xA;
	v11 =	vimm.s32 $0xB;
	v12 =	vimm.s32 $0xC;
	s13 =	sadd.s32 s7, s16;
	s14 =	sadd.s32 s2, s16;
	s15 =	sadd.s32 s15, s30  }
0x14: {  	v13 =	vimm.s32 $0xD;
	v14 =	vimm.s32 $0xE;
	v15 =	vimm.s32 $0xF;
	s16 =	sadd.s32 $0x24900, s31;
	s19 =	sor.u32 @!p0 $0x1C02, s19;
	s20 =	sshrl.u32 @!p0 s10, $0x3  }
.LBB2_11:
0x15: {  	s28 =	sshrl.u32 s11, $0x3  }
0x16: {  	[hbm:s16], [sflag:s26] =	dma.local [spmem:s28], $0x2800  }
0x17: {  	_ =	swait.ge [sflag:s21], $0x2800  }
0x18: {  	[sflag:s21] =	ssyncset.done $0x0  }
0x19: {  	[sflag:s21] =	ssyncadd.s32 $0xFFFFD800  }
.LBB2_12:
0x1a: {  	s4 =	sadd.s32 $0x1, s4  }
0x1b: {  	p2 =	sne.s32 s4, s17  }
.Ltmp1:
0x1c: {  	_ = 	snop;
	(pc) =	sbr.rel @!p2 .LBB2_13-.Ltmp1, $1  }
0x1d: {  	_ =	sdelay $0x3  }
.LBB2_1:
0x1e: {  	s28 =	simm.s32 @p0 $0x1FC2  }
0x1f: {  	[spmem:s18], [sflag:s28] =	dma.local @p0 [hbm:s8], $0x2800  }
0x20: {  	s28 =	simm.s32 @p0 $0x2  }
0x21: {  	_ =	swait.ge @p0 [sflag:s28], $0x2800  }
0x22: {  	[sflag:s28] =	ssyncset.done @p0 $0x0  }
0x23: {  	[sflag:s28] =	ssyncadd.s32 @p0 $0xFFFFD800;
	s28 =	simm.s32 @!p0 $0x2  }
0x24: {  	[spmem:s20], [sflag:s19] =	dma.local @!p0 [hbm:s8], $0x2700  }
0x25: {  	_ =	swait.ge @!p0 [sflag:s28], $0x2700  }
0x26: {  	[sflag:s28] =	ssyncset.done @!p0 $0x0  }
0x27: {  	[sflag:s28] =	ssyncadd.s32 @!p0 $0xFFFFD900  }
0x28: {  	s28 =	simm.s32 $0x0;
	[bflag:$0x0] =	sbarrier.arrive $0xFFFF  }
.LBB2_2:
0x29: {  	s29 =	sshll.u32 s28, $0x9  }
0x2a: {  	s30 =	sor.u32 s9, s29  }
0x2b: {  	s29 =	simm.s32 $0x0;
	s31 =	sadd.s32 s5, s30  }
0x2c: {  	[tilespmem:s29], [sflag:$0x2] =	stream.linear.gather [hbm4b:s31+s29], $0x80, $0x38;
	[tilespmem:$0x17A00] =	vst v63  }
0x2d: {  	_ =	swait.ge [sflag:s21], $0x80  }
0x2e: {  	[sflag:s21] =	ssyncset.done $0x0  }
0x2f: {  	s31 =	sadd.s32 s7, s30;
	[sflag:s21] =	ssyncadd.s32 $0xFFFFFF80  }
0x30: {  	[tilespmem:s22], [sflag:$0x2] =	stream.linear.gather [hbm4b:s31+s29], $0x80, $0x38;
	[tilespmem:$0x17A00] =	vst v63  }
0x31: {  	_ =	swait.ge [sflag:s21], $0x80  }
0x32: {  	[sflag:s21] =	ssyncset.done $0x0  }
0x33: {  	s30 =	sadd.s32 s2, s30;
	[sflag:s21] =	ssyncadd.s32 $0xFFFFFF80  }
0x34: {  	[tilespmem:s23], [sflag:$0x2] =	stream.linear.gather [hbm4b:s30+s29], $0x80, $0x38;
	[tilespmem:$0x17A00] =	vst v63  }
0x35: {  	_ =	swait.ge [sflag:s21], $0x80  }
0x36: {  	[sflag:s21] =	ssyncset.done $0x0  }
0x37: {  	[sflag:s21] =	ssyncadd.s32 $0xFFFFFF80  }
0x38: {  	[tilespmem:s24], [sflag:$0x1] =	stream.indirect.gather [hbm4b:s1+s22], $0x80, s29, s22, $0xb8;
	[tilespmem:$0x17A00] =	vst v63  }
0x39: {  	_ =	swait.ge [sflag:s25], $0x4000  }
0x3a: {  	[sflag:s25] =	ssyncset.done $0x0  }
0x3b: {  	[sflag:s25] =	ssyncadd.s32 $0xFFFFC000  }
.LBB2_3:
0x3c: {  	s30 =	sshll.u32 s29, $0x4  }
0x3d: {  	s30 =	sand.u32 $0x3FFFFFF0, s30  }
0x3e: {  	s31 =	sshll.u32 s29, $0xB;
	v16 =	vld [tilespmem:s30+$0x100]  }
0x3f: {  	s30 =	sand.u32 $0x3FFFF800, s31  }
0x40: {  	v17 =	vld [tilespmem:s30+$0x180]  }
0x41: {  	v18 =	vld [tilespmem:s30+$0x190]  }
0x42: {  	v19 =	vld [tilespmem:s30+$0x1A0]  }
0x43: {  	v21 =	vld [tilespmem:s30+$0x1B0];
	v20 =	vperm.xlane v16, v0  }
0x44: {  	v22 =	vld [tilespmem:s30+$0x1C0]  }
0x45: {  	v23 =	vld [tilespmem:s30+$0x1D0];
	v17 =	vmul.f32 v17, v20  }
0x46: {  	v24 =	vld [tilespmem:s30+$0x1E0];
	v18 =	vmul.f32 v18, v20  }
0x47: {  	v48 =	vld [tilespmem:s30+$0x1F0];
	[tilespmem:s30+$0x180] =	vst v17;
	v17 =	vmul.f32 v19, v20  }
0x48: {  	v50 =	vld [tilespmem:s30+$0x200];
	v49 =	vmul.f32 v21, v20;
	[tilespmem:s30+$0x190] =	vst v18  }
0x49: {  	v51 =	vld [tilespmem:s30+$0x210];
	[tilespmem:s30+$0x1A0] =	vst v17;
	v17 =	vmul.f32 v22, v20  }
0x4a: {  	v53 =	vld [tilespmem:s30+$0x220];
	v52 =	vmul.f32 v23, v20;
	[tilespmem:s30+$0x1B0] =	vst v49  }
0x4b: {  	v25 =	vld [tilespmem:s30+$0x230];
	v54 =	vperm.xlane v16, v1;
	[tilespmem:s30+$0x1C0] =	vst v17;
	v17 =	vmul.f32 v24, v20  }
0x4c: {  	v56 =	vld [tilespmem:s30+$0x240];
	v55 =	vmul.f32 v48, v20;
	[tilespmem:s30+$0x1D0] =	vst v52  }
0x4d: {  	v57 =	vld [tilespmem:s30+$0x250];
	[tilespmem:s30+$0x1E0] =	vst v17;
	v17 =	vmul.f32 v50, v54  }
0x4e: {  	v59 =	vld [tilespmem:s30+$0x260];
	v58 =	vmul.f32 v51, v54;
	[tilespmem:s30+$0x1F0] =	vst v55  }
0x4f: {  	v60 =	vld [tilespmem:s30+$0x270];
	[tilespmem:s30+$0x200] =	vst v17;
	v17 =	vmul.f32 v53, v54  }
0x50: {  	v62 =	vld [tilespmem:s30+$0x280];
	v61 =	vmul.f32 v25, v54;
	[tilespmem:s30+$0x210] =	vst v58  }
0x51: {  	v63 =	vld [tilespmem:s30+$0x290];
	[tilespmem:s30+$0x220] =	vst v17;
	v17 =	vmul.f32 v56, v54  }
0x52: {  	v29 =	vld [tilespmem:s30+$0x2A0];
	v28 =	vmul.f32 v57, v54;
	[tilespmem:s30+$0x230] =	vst v61  }
0x53: {  	v31 =	vld [tilespmem:s30+$0x2B0];
	v30 =	vperm.xlane v16, v2;
	[tilespmem:s30+$0x240] =	vst v17;
	v17 =	vmul.f32 v59, v54  }
0x54: {  	v33 =	vld [tilespmem:s30+$0x2C0];
	v32 =	vmul.f32 v60, v54;
	[tilespmem:s30+$0x250] =	vst v28  }
0x55: {  	v34 =	vld [tilespmem:s30+$0x2D0];
	[tilespmem:s30+$0x260] =	vst v17;
	v17 =	vmul.f32 v62, v30  }
0x56: {  	v36 =	vld [tilespmem:s30+$0x2E0];
	v35 =	vmul.f32 v63, v30;
	[tilespmem:s30+$0x270] =	vst v32  }
0x57: {  	v37 =	vld [tilespmem:s30+$0x2F0];
	[tilespmem:s30+$0x280] =	vst v17;
	v17 =	vmul.f32 v29, v30  }
0x58: {  	v39 =	vld [tilespmem:s30+$0x300];
	v38 =	vmul.f32 v31, v30;
	[tilespmem:s30+$0x290] =	vst v35  }
0x59: {  	v40 =	vld [tilespmem:s30+$0x310];
	[tilespmem:s30+$0x2A0] =	vst v17;
	v17 =	vmul.f32 v33, v30  }
0x5a: {  	v42 =	vld [tilespmem:s30+$0x320];
	v41 =	vmul.f32 v34, v30;
	[tilespmem:s30+$0x2B0] =	vst v38  }
0x5b: {  	v44 =	vld [tilespmem:s30+$0x330];
	v43 =	vperm.xlane v16, v3;
	[tilespmem:s30+$0x2C0] =	vst v17;
	v17 =	vmul.f32 v36, v30  }
0x5c: {  	v46 =	vld [tilespmem:s30+$0x340];
	v45 =	vmul.f32 v37, v30;
	[tilespmem:s30+$0x2D0] =	vst v41  }
0x5d: {  	v50 =	vld [tilespmem:s30+$0x370];
	[tilespmem:s30+$0x2E0] =	vst v17;
	v17 =	vmul.f32 v39, v43  }
0x5e: {  	v48 =	vmul.f32 v40, v43;
	[tilespmem:s30+$0x2F0] =	vst v45;
	v49 =	vld [tilespmem:s30+$0x360]  }
0x5f: {  	v47 =	vld [tilespmem:s30+$0x350];
	[tilespmem:s30+$0x300] =	vst v17;
	v17 =	vmul.f32 v42, v43  }
0x60: {  	v51 =	vmul.f32 v44, v43;
	[tilespmem:s30+$0x310] =	vst v48;
	v52 =	vld [tilespmem:s30+$0x380]  }
0x61: {  	v57 =	vld [tilespmem:s30+$0x3B0];
	[tilespmem:s30+$0x320] =	vst v17;
	v17 =	vmul.f32 v46, v43  }
0x62: {  	[tilespmem:s30+$0x330] =	vst v51;
	v55 =	vld [tilespmem:s30+$0x3A0];
	v58 =	vmul.f32 v50, v43  }
0x63: {  	v60 =	vld [tilespmem:s30+$0x3D0];
	v56 =	vperm.xlane v16, v4;
	[tilespmem:s30+$0x340] =	vst v17;
	v17 =	vmul.f32 v49, v43  }
0x64: {  	v54 =	vmul.f32 v47, v43;
	v59 =	vld [tilespmem:s30+$0x3C0];
	[tilespmem:s30+$0x370] =	vst v58  }
0x65: {  	v63 =	vld [tilespmem:s30+$0x3F0];
	[tilespmem:s30+$0x360] =	vst v17;
	v17 =	vmul.f32 v52, v56  }
0x66: {  	v28 =	vmul.f32 v57, v56;
	[tilespmem:s30+$0x350] =	vst v54;
	v62 =	vld [tilespmem:s30+$0x3E0]  }
0x67: {  	v53 =	vld [tilespmem:s30+$0x390];
	[tilespmem:s30+$0x380] =	vst v17;
	v17 =	vmul.f32 v55, v56  }
0x68: {  	v31 =	vmul.f32 v60, v56;
	[tilespmem:s30+$0x3B0] =	vst v28;
	v29 =	vld [tilespmem:s30+$0x400]  }
0x69: {  	v34 =	vld [tilespmem:s30+$0x430];
	[tilespmem:s30+$0x3A0] =	vst v17;
	v17 =	vmul.f32 v59, v56  }
0x6a: {  	v32 =	vld [tilespmem:s30+$0x420];
	v35 =	vmul.f32 v63, v56;
	[tilespmem:s30+$0x3D0] =	vst v31  }
0x6b: {  	v37 =	vld [tilespmem:s30+$0x450];
	v33 =	vperm.xlane v16, v5;
	[tilespmem:s30+$0x3C0] =	vst v17;
	v17 =	vmul.f32 v62, v56  }
0x6c: {  	v61 =	vmul.f32 v53, v56;
	[tilespmem:s30+$0x3F0] =	vst v35;
	v36 =	vld [tilespmem:s30+$0x440]  }
0x6d: {  	v40 =	vld [tilespmem:s30+$0x470];
	[tilespmem:s30+$0x3E0] =	vst v17;
	v17 =	vmul.f32 v29, v33  }
0x6e: {  	[tilespmem:s30+$0x390] =	vst v61;
	v41 =	vmul.f32 v34, v33;
	v39 =	vld [tilespmem:s30+$0x460]  }
0x6f: {  	v30 =	vld [tilespmem:s30+$0x410];
	[tilespmem:s30+$0x400] =	vst v17;
	v17 =	vmul.f32 v32, v33  }
0x70: {  	v44 =	vmul.f32 v37, v33;
	[tilespmem:s30+$0x430] =	vst v41;
	v42 =	vld [tilespmem:s30+$0x480]  }
0x71: {  	v47 =	vld [tilespmem:s30+$0x4B0];
	[tilespmem:s30+$0x420] =	vst v17;
	v17 =	vmul.f32 v36, v33  }
0x72: {  	v45 =	vld [tilespmem:s30+$0x4A0];
	v48 =	vmul.f32 v40, v33;
	[tilespmem:s30+$0x450] =	vst v44  }
0x73: {  	v50 =	vld [tilespmem:s30+$0x4D0];
	v46 =	vperm.xlane v16, v6;
	[tilespmem:s30+$0x440] =	vst v17;
	v17 =	vmul.f32 v39, v33  }
0x74: {  	[tilespmem:s30+$0x470] =	vst v48;
	v38 =	vmul.f32 v30, v33;
	v49 =	vld [tilespmem:s30+$0x4C0]  }
0x75: {  	v53 =	vld [tilespmem:s30+$0x4F0];
	[tilespmem:s30+$0x460] =	vst v17;
	v17 =	vmul.f32 v42, v46  }
0x76: {  	[tilespmem:s30+$0x410] =	vst v38;
	v54 =	vmul.f32 v47, v46;
	v52 =	vld [tilespmem:s30+$0x4E0]  }
0x77: {  	v43 =	vld [tilespmem:s30+$0x490];
	[tilespmem:s30+$0x480] =	vst v17;
	v17 =	vmul.f32 v45, v46  }
0x78: {  	v57 =	vmul.f32 v50, v46;
	[tilespmem:s30+$0x4B0] =	vst v54;
	v55 =	vld [tilespmem:s30+$0x500]  }
0x79: {  	v60 =	vld [tilespmem:s30+$0x530];
	[tilespmem:s30+$0x4A0] =	vst v17;
	v17 =	vmul.f32 v49, v46  }
0x7a: {  	v58 =	vld [tilespmem:s30+$0x520];
	v61 =	vmul.f32 v53, v46;
	[tilespmem:s30+$0x4D0] =	vst v57  }
0x7b: {  	v63 =	vld [tilespmem:s30+$0x550];
	v59 =	vperm.xlane v16, v7;
	[tilespmem:s30+$0x4C0] =	vst v17;
	v17 =	vmul.f32 v52, v46  }
0x7c: {  	[tilespmem:s30+$0x4F0] =	vst v61;
	v51 =	vmul.f32 v43, v46;
	v62 =	vld [tilespmem:s30+$0x540]  }
0x7d: {  	v30 =	vld [tilespmem:s30+$0x570];
	[tilespmem:s30+$0x4E0] =	vst v17;
	v17 =	vmul.f32 v55, v59  }
0x7e: {  	[tilespmem:s30+$0x490] =	vst v51;
	v31 =	vmul.f32 v60, v59;
	v29 =	vld [tilespmem:s30+$0x560]  }
0x7f: {  	v56 =	vld [tilespmem:s30+$0x510];
	[tilespmem:s30+$0x500] =	vst v17;
	v17 =	vmul.f32 v58, v59  }
0x80: {  	v34 =	vmul.f32 v63, v59;
	[tilespmem:s30+$0x530] =	vst v31;
	v32 =	vld [tilespmem:s30+$0x580]  }
0x81: {  	v37 =	vld [tilespmem:s30+$0x5B0];
	[tilespmem:s30+$0x520] =	vst v17;
	v17 =	vmul.f32 v62, v59  }
0x82: {  	v35 =	vld [tilespmem:s30+$0x5A0];
	v38 =	vmul.f32 v30, v59;
	[tilespmem:s30+$0x550] =	vst v34  }
0x83: {  	v40 =	vld [tilespmem:s30+$0x5D0];
	v36 =	vperm.xlane v16, v8;
	[tilespmem:s30+$0x540] =	vst v17;
	v17 =	vmul.f32 v29, v59  }
0x84: {  	[tilespmem:s30+$0x570] =	vst v38;
	v28 =	vmul.f32 v56, v59;
	v39 =	vld [tilespmem:s30+$0x5C0]  }
0x85: {  	v43 =	vld [tilespmem:s30+$0x5F0];
	[tilespmem:s30+$0x560] =	vst v17;
	v17 =	vmul.f32 v32, v36  }
0x86: {  	[tilespmem:s30+$0x510] =	vst v28;
	v44 =	vmul.f32 v37, v36;
	v42 =	vld [tilespmem:s30+$0x5E0]  }
0x87: {  	v33 =	vld [tilespmem:s30+$0x590];
	[tilespmem:s30+$0x580] =	vst v17;
	v17 =	vmul.f32 v35, v36  }
0x88: {  	v47 =	vmul.f32 v40, v36;
	[tilespmem:s30+$0x5B0] =	vst v44;
	v45 =	vld [tilespmem:s30+$0x600]  }
0x89: {  	v50 =	vld [tilespmem:s30+$0x630];
	[tilespmem:s30+$0x5A0] =	vst v17;
	v17 =	vmul.f32 v39, v36  }
0x8a: {  	v48 =	vld [tilespmem:s30+$0x620];
	v51 =	vmul.f32 v43, v36;
	[tilespmem:s30+$0x5D0] =	vst v47  }
0x8b: {  	v53 =	vld [tilespmem:s30+$0x650];
	v49 =	vperm.xlane v16, v9;
	[tilespmem:s30+$0x5C0] =	vst v17;
	v17 =	vmul.f32 v42, v36  }
0x8c: {  	[tilespmem:s30+$0x5F0] =	vst v51;
	v41 =	vmul.f32 v33, v36;
	v52 =	vld [tilespmem:s30+$0x640]  }
0x8d: {  	v56 =	vld [tilespmem:s30+$0x670];
	[tilespmem:s30+$0x5E0] =	vst v17;
	v17 =	vmul.f32 v45, v49  }
0x8e: {  	[tilespmem:s30+$0x590] =	vst v41;
	v57 =	vmul.f32 v50, v49;
	v55 =	vld [tilespmem:s30+$0x660]  }
0x8f: {  	v46 =	vld [tilespmem:s30+$0x610];
	[tilespmem:s30+$0x600] =	vst v17;
	v17 =	vmul.f32 v48, v49  }
0x90: {  	v60 =	vmul.f32 v53, v49;
	[tilespmem:s30+$0x630] =	vst v57;
	v58 =	vld [tilespmem:s30+$0x680]  }
0x91: {  	v63 =	vld [tilespmem:s30+$0x6B0];
	[tilespmem:s30+$0x620] =	vst v17;
	v17 =	vmul.f32 v52, v49  }
0x92: {  	v61 =	vld [tilespmem:s30+$0x6A0];
	v28 =	vmul.f32 v56, v49;
	[tilespmem:s30+$0x650] =	vst v60  }
0x93: {  	v30 =	vld [tilespmem:s30+$0x6D0];
	v62 =	vperm.xlane v16, v10;
	[tilespmem:s30+$0x640] =	vst v17;
	v17 =	vmul.f32 v55, v49  }
0x94: {  	[tilespmem:s30+$0x670] =	vst v28;
	v54 =	vmul.f32 v46, v49;
	v29 =	vld [tilespmem:s30+$0x6C0]  }
0x95: {  	v33 =	vld [tilespmem:s30+$0x6F0];
	[tilespmem:s30+$0x660] =	vst v17;
	v17 =	vmul.f32 v58, v62  }
0x96: {  	[tilespmem:s30+$0x610] =	vst v54;
	v34 =	vmul.f32 v63, v62;
	v32 =	vld [tilespmem:s30+$0x6E0]  }
0x97: {  	v59 =	vld [tilespmem:s30+$0x690];
	[tilespmem:s30+$0x680] =	vst v17;
	v17 =	vmul.f32 v61, v62  }
0x98: {  	v37 =	vmul.f32 v30, v62;
	[tilespmem:s30+$0x6B0] =	vst v34;
	v35 =	vld [tilespmem:s30+$0x700]  }
0x99: {  	v40 =	vld [tilespmem:s30+$0x730];
	[tilespmem:s30+$0x6A0] =	vst v17;
	v17 =	vmul.f32 v29, v62  }
0x9a: {  	v38 =	vld [tilespmem:s30+$0x720];
	v41 =	vmul.f32 v33, v62;
	[tilespmem:s30+$0x6D0] =	vst v37  }
0x9b: {  	v43 =	vld [tilespmem:s30+$0x750];
	v39 =	vperm.xlane v16, v11;
	[tilespmem:s30+$0x6C0] =	vst v17;
	v17 =	vmul.f32 v32, v62  }
0x9c: {  	[tilespmem:s30+$0x6F0] =	vst v41;
	v31 =	vmul.f32 v59, v62;
	v42 =	vld [tilespmem:s30+$0x740]  }
0x9d: {  	v46 =	vld [tilespmem:s30+$0x770];
	[tilespmem:s30+$0x6E0] =	vst v17;
	v17 =	vmul.f32 v35, v39  }
0x9e: {  	[tilespmem:s30+$0x690] =	vst v31;
	v47 =	vmul.f32 v40, v39;
	v45 =	vld [tilespmem:s30+$0x760]  }
0x9f: {  	v36 =	vld [tilespmem:s30+$0x710];
	[tilespmem:s30+$0x700] =	vst v17;
	v17 =	vmul.f32 v38, v39  }
0xa0: {  	v50 =	vmul.f32 v43, v39;
	[tilespmem:s30+$0x730] =	vst v47;
	v48 =	vld [tilespmem:s30+$0x780]  }
0xa1: {  	v53 =	vld [tilespmem:s30+$0x7B0];
	[tilespmem:s30+$0x720] =	vst v17;
	v17 =	vmul.f32 v42, v39  }
0xa2: {  	v51 =	vld [tilespmem:s30+$0x7A0];
	v54 =	vmul.f32 v46, v39;
	[tilespmem:s30+$0x750] =	vst v50  }
0xa3: {  	v56 =	vld [tilespmem:s30+$0x7D0];
	v52 =	vperm.xlane v16, v12;
	[tilespmem:s30+$0x740] =	vst v17;
	v17 =	vmul.f32 v45, v39  }
0xa4: {  	[tilespmem:s30+$0x770] =	vst v54;
	v44 =	vmul.f32 v36, v39;
	v55 =	vld [tilespmem:s30+$0x7C0]  }
0xa5: {  	v59 =	vld [tilespmem:s30+$0x7F0];
	[tilespmem:s30+$0x760] =	vst v17;
	v17 =	vmul.f32 v48, v52  }
0xa6: {  	[tilespmem:s30+$0x710] =	vst v44;
	v60 =	vmul.f32 v53, v52;
	v58 =	vld [tilespmem:s30+$0x7E0]  }
0xa7: {  	v49 =	vld [tilespmem:s30+$0x790];
	[tilespmem:s30+$0x780] =	vst v17;
	v17 =	vmul.f32 v51, v52  }
0xa8: {  	v63 =	vmul.f32 v56, v52;
	[tilespmem:s30+$0x7B0] =	vst v60;
	v61 =	vld [tilespmem:s30+$0x800]  }
0xa9: {  	v30 =	vld [tilespmem:s30+$0x830];
	[tilespmem:s30+$0x7A0] =	vst v17;
	v17 =	vmul.f32 v55, v52  }
0xaa: {  	v28 =	vld [tilespmem:s30+$0x820];
	v31 =	vmul.f32 v59, v52;
	[tilespmem:s30+$0x7D0] =	vst v63  }
0xab: {  	v33 =	vld [tilespmem:s30+$0x850];
	v29 =	vperm.xlane v16, v13;
	[tilespmem:s30+$0x7C0] =	vst v17;
	v17 =	vmul.f32 v58, v52  }
0xac: {  	[tilespmem:s30+$0x7F0] =	vst v31;
	v57 =	vmul.f32 v49, v52;
	v32 =	vld [tilespmem:s30+$0x840]  }
0xad: {  	v36 =	vld [tilespmem:s30+$0x870];
	[tilespmem:s30+$0x7E0] =	vst v17;
	v17 =	vmul.f32 v61, v29  }
0xae: {  	[tilespmem:s30+$0x790] =	vst v57;
	v37 =	vmul.f32 v30, v29;
	v35 =	vld [tilespmem:s30+$0x860]  }
0xaf: {  	v62 =	vld [tilespmem:s30+$0x810];
	[tilespmem:s30+$0x800] =	vst v17;
	v17 =	vmul.f32 v28, v29  }
0xb0: {  	v40 =	vmul.f32 v33, v29;
	[tilespmem:s30+$0x830] =	vst v37;
	v38 =	vld [tilespmem:s30+$0x880]  }
0xb1: {  	v43 =	vld [tilespmem:s30+$0x8B0];
	[tilespmem:s30+$0x820] =	vst v17;
	v17 =	vmul.f32 v32, v29  }
0xb2: {  	v41 =	vld [tilespmem:s30+$0x8A0];
	v44 =	vmul.f32 v36, v29;
	[tilespmem:s30+$0x850] =	vst v40  }
0xb3: {  	v46 =	vld [tilespmem:s30+$0x8D0];
	v42 =	vperm.xlane v16, v14;
	[tilespmem:s30+$0x840] =	vst v17;
	v17 =	vmul.f32 v35, v29  }
0xb4: {  	[tilespmem:s30+$0x870] =	vst v44;
	v34 =	vmul.f32 v62, v29;
	v45 =	vld [tilespmem:s30+$0x8C0]  }
0xb5: {  	v49 =	vld [tilespmem:s30+$0x8F0];
	[tilespmem:s30+$0x860] =	vst v17;
	v17 =	vmul.f32 v38, v42  }
0xb6: {  	[tilespmem:s30+$0x810] =	vst v34;
	v50 =	vmul.f32 v43, v42;
	v48 =	vld [tilespmem:s30+$0x8E0]  }
0xb7: {  	v39 =	vld [tilespmem:s30+$0x890];
	[tilespmem:s30+$0x880] =	vst v17;
	v17 =	vmul.f32 v41, v42  }
0xb8: {  	v53 =	vmul.f32 v46, v42;
	[tilespmem:s30+$0x8B0] =	vst v50;
	v51 =	vld [tilespmem:s30+$0x900]  }
0xb9: {  	v55 =	vld [tilespmem:s30+$0x930];
	[tilespmem:s30+$0x8A0] =	vst v17;
	v17 =	vmul.f32 v45, v42  }
0xba: {  	v54 =	vld [tilespmem:s30+$0x920];
	v56 =	vmul.f32 v49, v42;
	[tilespmem:s30+$0x8D0] =	vst v53  }
0xbb: {  	v16 =	vperm.xlane v16, v15;
	v52 =	vld [tilespmem:s30+$0x910];
	[tilespmem:s30+$0x8C0] =	vst v17;
	v17 =	vmul.f32 v48, v42  }
0xbc: {  	v57 =	vld [tilespmem:s30+$0x940];
	[tilespmem:s30+$0x8F0] =	vst v56;
	v47 =	vmul.f32 v39, v42  }
0xbd: {  	v58 =	vld [tilespmem:s30+$0x950];
	[tilespmem:s30+$0x8E0] =	vst v17;
	v17 =	vmul.f32 v51, v16  }
0xbe: {  	v60 =	vld [tilespmem:s30+$0x960];
	[tilespmem:s30+$0x890] =	vst v47;
	v62 =	vmul.f32 v55, v16  }
0xbf: {  	v61 =	vld [tilespmem:s30+$0x970];
	[tilespmem:s30+$0x900] =	vst v17;
	v17 =	vmul.f32 v54, v16  }
0xc0: {  	v59 =	vmul.f32 v52, v16;
	[tilespmem:s30+$0x930] =	vst v62  }
0xc1: {  	p2 =	sne.s32 s29, $0x7;
	[tilespmem:s30+$0x920] =	vst v17;
	v17 =	vmul.f32 v57, v16  }
.Ltmp2:
0xc2: {  	v63 =	vmul.f32 v58, v16;
	[tilespmem:s30+$0x910] =	vst v59;
	(pc) =	sbr.rel @p2 .LBB2_3-.Ltmp2, $4  }
0xc3: {  	[tilespmem:s30+$0x940] =	vst v17;
	v17 =	vmul.f32 v60, v16  }
0xc4: {  	[tilespmem:s30+$0x950] =	vst v63;
	v16 =	vmul.f32 v61, v16  }
0xc5: {  	[tilespmem:s30+$0x960] =	vst v17  }
0xc6: {  	s29 =	sadd.s32 $0x1, s29;
	[tilespmem:s30+$0x970] =	vst v16  }
0xc7: {  	s28 =	sadd.s32 $0x1, s28  }
0xc8: {  	p2 =	sne.s32 s28, $0x4E  }
.Ltmp3:
0xc9: {  	_ = 	snop;
	(pc) =	sbr.rel @p2 .LBB2_2-.Ltmp3, $4  }
0xca: {  	[spmem:s3] =	stream.indirect.scatter.add.f32 [tilespmem:s24], [sflag:$0x2], $0x80, s22, s22, $0xb8;
	[tilespmem:$0x17A00] =	vst v63  }
0xcb: {  	_ =	swait.ge [sflag:s21], $0x4000  }
0xcc: {  	[sflag:s21] =	ssyncset.done $0x0  }
0xcd: {  	[sflag:s21] =	ssyncadd.s32 $0xFFFFC000  }
.Ltmp4:
0xce: {  	(pc) =	sbr.rel @p1 .LBB2_9-.Ltmp4, $1  }
0xcf: {  	_ =	sdelay $0x3  }
0xd0: {  	s28 =	simm.s32 $0x0  }
0xd1: {  	[tilespmem:s28], [sflag:$0x2] =	stream.linear.gather [hbm4b:s12+s28], $0x80, $0x38;
	[tilespmem:$0x17A00] =	vst v63  }
0xd2: {  	_ =	swait.ge [sflag:s21], $0x80  }
0xd3: {  	[sflag:s21] =	ssyncset.done $0x0  }
0xd4: {  	[sflag:s21] =	ssyncadd.s32 $0xFFFFFF80  }
0xd5: {  	[tilespmem:s22], [sflag:$0x2] =	stream.linear.gather [hbm4b:s13+s28], $0x80, $0x38;
	[tilespmem:$0x17A00] =	vst v63  }
0xd6: {  	_ =	swait.ge [sflag:s21], $0x80  }
0xd7: {  	[sflag:s21] =	ssyncset.done $0x0  }
0xd8: {  	[sflag:s21] =	ssyncadd.s32 $0xFFFFFF80  }
0xd9: {  	[tilespmem:s23], [sflag:$0x2] =	stream.linear.gather [hbm4b:s14+s28], $0x80, $0x38;
	[tilespmem:$0x17A00] =	vst v63  }
0xda: {  	_ =	swait.ge [sflag:s21], $0x80  }
0xdb: {  	[sflag:s21] =	ssyncset.done $0x0  }
0xdc: {  	[sflag:s21] =	ssyncadd.s32 $0xFFFFFF80  }
0xdd: {  	[tilespmem:s24], [sflag:$0x1] =	stream.indirect.gather [hbm4b:s1+s22], $0x80, s28, s22, $0xb8;
	[tilespmem:$0x17A00] =	vst v63  }
0xde: {  	_ =	swait.ge [sflag:s25], $0x4000  }
0xdf: {  	[sflag:s25] =	ssyncset.done $0x0  }
0xe0: {  	[sflag:s25] =	ssyncadd.s32 $0xFFFFC000  }
.LBB2_7:
0xe1: {  	s29 =	sshll.u32 s28, $0x4  }
0xe2: {  	s29 =	sand.u32 $0x3FFFFFF0, s29  }
0xe3: {  	s31 =	sshll.u32 s28, $0xB;
	v16 =	vld [tilespmem:s29+$0x100]  }
0xe4: {  	s29 =	sand.u32 $0x3FFFF800, s31  }
0xe5: {  	v17 =	vld [tilespmem:s29+$0x180]  }
0xe6: {  	v18 =	vld [tilespmem:s29+$0x190]  }
0xe7: {  	v19 =	vld [tilespmem:s29+$0x1A0]  }
0xe8: {  	v21 =	vld [tilespmem:s29+$0x1B0];
	v20 =	vperm.xlane v16, v0  }
0xe9: {  	v22 =	vld [tilespmem:s29+$0x1C0]  }
0xea: {  	v23 =	vld [tilespmem:s29+$0x1D0];
	v17 =	vmul.f32 v17, v20  }
0xeb: {  	v24 =	vld [tilespmem:s29+$0x1E0];
	v18 =	vmul.f32 v18, v20  }
0xec: {  	v48 =	vld [tilespmem:s29+$0x1F0];
	[tilespmem:s29+$0x180] =	vst v17;
	v17 =	vmul.f32 v19, v20  }
0xed: {  	v50 =	vld [tilespmem:s29+$0x200];
	v49 =	vmul.f32 v21, v20;
	[tilespmem:s29+$0x190] =	vst v18  }
0xee: {  	v51 =	vld [tilespmem:s29+$0x210];
	[tilespmem:s29+$0x1A0] =	vst v17;
	v17 =	vmul.f32 v22, v20  }
0xef: {  	v53 =	vld [tilespmem:s29+$0x220];
	v52 =	vmul.f32 v23, v20;
	[tilespmem:s29+$0x1B0] =	vst v49  }
0xf0: {  	v25 =	vld [tilespmem:s29+$0x230];
	v54 =	vperm.xlane v16, v1;
	[tilespmem:s29+$0x1C0] =	vst v17;
	v17 =	vmul.f32 v24, v20  }
0xf1: {  	v56 =	vld [tilespmem:s29+$0x240];
	v55 =	vmul.f32 v48, v20;
	[tilespmem:s29+$0x1D0] =	vst v52  }
0xf2: {  	v57 =	vld [tilespmem:s29+$0x250];
	[tilespmem:s29+$0x1E0] =	vst v17;
	v17 =	vmul.f32 v50, v54  }
0xf3: {  	v59 =	vld [tilespmem:s29+$0x260];
	v58 =	vmul.f32 v51, v54;
	[tilespmem:s29+$0x1F0] =	vst v55  }
0xf4: {  	v60 =	vld [tilespmem:s29+$0x270];
	[tilespmem:s29+$0x200] =	vst v17;
	v17 =	vmul.f32 v53, v54  }
0xf5: {  	v62 =	vld [tilespmem:s29+$0x280];
	v61 =	vmul.f32 v25, v54;
	[tilespmem:s29+$0x210] =	vst v58  }
0xf6: {  	v63 =	vld [tilespmem:s29+$0x290];
	[tilespmem:s29+$0x220] =	vst v17;
	v17 =	vmul.f32 v56, v54  }
0xf7: {  	v29 =	vld [tilespmem:s29+$0x2A0];
	v28 =	vmul.f32 v57, v54;
	[tilespmem:s29+$0x230] =	vst v61  }
0xf8: {  	v31 =	vld [tilespmem:s29+$0x2B0];
	v30 =	vperm.xlane v16, v2;
	[tilespmem:s29+$0x240] =	vst v17;
	v17 =	vmul.f32 v59, v54  }
0xf9: {  	v33 =	vld [tilespmem:s29+$0x2C0];
	v32 =	vmul.f32 v60, v54;
	[tilespmem:s29+$0x250] =	vst v28  }
0xfa: {  	v34 =	vld [tilespmem:s29+$0x2D0];
	[tilespmem:s29+$0x260] =	vst v17;
	v17 =	vmul.f32 v62, v30  }
0xfb: {  	v36 =	vld [tilespmem:s29+$0x2E0];
	v35 =	vmul.f32 v63, v30;
	[tilespmem:s29+$0x270] =	vst v32  }
0xfc: {  	v37 =	vld [tilespmem:s29+$0x2F0];
	[tilespmem:s29+$0x280] =	vst v17;
	v17 =	vmul.f32 v29, v30  }
0xfd: {  	v39 =	vld [tilespmem:s29+$0x300];
	v38 =	vmul.f32 v31, v30;
	[tilespmem:s29+$0x290] =	vst v35  }
0xfe: {  	v40 =	vld [tilespmem:s29+$0x310];
	[tilespmem:s29+$0x2A0] =	vst v17;
	v17 =	vmul.f32 v33, v30  }
0xff: {  	v42 =	vld [tilespmem:s29+$0x320];
	v41 =	vmul.f32 v34, v30;
	[tilespmem:s29+$0x2B0] =	vst v38  }
0x100: {  	v44 =	vld [tilespmem:s29+$0x330];
	v43 =	vperm.xlane v16, v3;
	[tilespmem:s29+$0x2C0] =	vst v17;
	v17 =	vmul.f32 v36, v30  }
0x101: {  	v46 =	vld [tilespmem:s29+$0x340];
	v45 =	vmul.f32 v37, v30;
	[tilespmem:s29+$0x2D0] =	vst v41  }
0x102: {  	v50 =	vld [tilespmem:s29+$0x370];
	[tilespmem:s29+$0x2E0] =	vst v17;
	v17 =	vmul.f32 v39, v43  }
0x103: {  	v48 =	vmul.f32 v40, v43;
	[tilespmem:s29+$0x2F0] =	vst v45;
	v49 =	vld [tilespmem:s29+$0x360]  }
0x104: {  	v47 =	vld [tilespmem:s29+$0x350];
	[tilespmem:s29+$0x300] =	vst v17;
	v17 =	vmul.f32 v42, v43  }
0x105: {  	v51 =	vmul.f32 v44, v43;
	[tilespmem:s29+$0x310] =	vst v48;
	v52 =	vld [tilespmem:s29+$0x380]  }
0x106: {  	v57 =	vld [tilespmem:s29+$0x3B0];
	[tilespmem:s29+$0x320] =	vst v17;
	v17 =	vmul.f32 v46, v43  }
0x107: {  	[tilespmem:s29+$0x330] =	vst v51;
	v55 =	vld [tilespmem:s29+$0x3A0];
	v58 =	vmul.f32 v50, v43  }
0x108: {  	v60 =	vld [tilespmem:s29+$0x3D0];
	v56 =	vperm.xlane v16, v4;
	[tilespmem:s29+$0x340] =	vst v17;
	v17 =	vmul.f32 v49, v43  }
0x109: {  	v54 =	vmul.f32 v47, v43;
	v59 =	vld [tilespmem:s29+$0x3C0];
	[tilespmem:s29+$0x370] =	vst v58  }
0x10a: {  	v63 =	vld [tilespmem:s29+$0x3F0];
	[tilespmem:s29+$0x360] =	vst v17;
	v17 =	vmul.f32 v52, v56  }
0x10b: {  	v28 =	vmul.f32 v57, v56;
	[tilespmem:s29+$0x350] =	vst v54;
	v62 =	vld [tilespmem:s29+$0x3E0]  }
0x10c: {  	v53 =	vld [tilespmem:s29+$0x390];
	[tilespmem:s29+$0x380] =	vst v17;
	v17 =	vmul.f32 v55, v56  }
0x10d: {  	v31 =	vmul.f32 v60, v56;
	[tilespmem:s29+$0x3B0] =	vst v28;
	v29 =	vld [tilespmem:s29+$0x400]  }
0x10e: {  	v34 =	vld [tilespmem:s29+$0x430];
	[tilespmem:s29+$0x3A0] =	vst v17;
	v17 =	vmul.f32 v59, v56  }
0x10f: {  	v32 =	vld [tilespmem:s29+$0x420];
	v35 =	vmul.f32 v63, v56;
	[tilespmem:s29+$0x3D0] =	vst v31  }
0x110: {  	v37 =	vld [tilespmem:s29+$0x450];
	v33 =	vperm.xlane v16, v5;
	[tilespmem:s29+$0x3C0] =	vst v17;
	v17 =	vmul.f32 v62, v56  }
0x111: {  	v61 =	vmul.f32 v53, v56;
	[tilespmem:s29+$0x3F0] =	vst v35;
	v36 =	vld [tilespmem:s29+$0x440]  }
0x112: {  	v40 =	vld [tilespmem:s29+$0x470];
	[tilespmem:s29+$0x3E0] =	vst v17;
	v17 =	vmul.f32 v29, v33  }
0x113: {  	[tilespmem:s29+$0x390] =	vst v61;
	v41 =	vmul.f32 v34, v33;
	v39 =	vld [tilespmem:s29+$0x460]  }
0x114: {  	v30 =	vld [tilespmem:s29+$0x410];
	[tilespmem:s29+$0x400] =	vst v17;
	v17 =	vmul.f32 v32, v33  }
0x115: {  	v44 =	vmul.f32 v37, v33;
	[tilespmem:s29+$0x430] =	vst v41;
	v42 =	vld [tilespmem:s29+$0x480]  }
0x116: {  	v47 =	vld [tilespmem:s29+$0x4B0];
	[tilespmem:s29+$0x420] =	vst v17;
	v17 =	vmul.f32 v36, v33  }
0x117: {  	v45 =	vld [tilespmem:s29+$0x4A0];
	v48 =	vmul.f32 v40, v33;
	[tilespmem:s29+$0x450] =	vst v44  }
0x118: {  	v50 =	vld [tilespmem:s29+$0x4D0];
	v46 =	vperm.xlane v16, v6;
	[tilespmem:s29+$0x440] =	vst v17;
	v17 =	vmul.f32 v39, v33  }
0x119: {  	[tilespmem:s29+$0x470] =	vst v48;
	v38 =	vmul.f32 v30, v33;
	v49 =	vld [tilespmem:s29+$0x4C0]  }
0x11a: {  	v53 =	vld [tilespmem:s29+$0x4F0];
	[tilespmem:s29+$0x460] =	vst v17;
	v17 =	vmul.f32 v42, v46  }
0x11b: {  	[tilespmem:s29+$0x410] =	vst v38;
	v54 =	vmul.f32 v47, v46;
	v52 =	vld [tilespmem:s29+$0x4E0]  }
0x11c: {  	v43 =	vld [tilespmem:s29+$0x490];
	[tilespmem:s29+$0x480] =	vst v17;
	v17 =	vmul.f32 v45, v46  }
0x11d: {  	v57 =	vmul.f32 v50, v46;
	[tilespmem:s29+$0x4B0] =	vst v54;
	v55 =	vld [tilespmem:s29+$0x500]  }
0x11e: {  	v60 =	vld [tilespmem:s29+$0x530];
	[tilespmem:s29+$0x4A0] =	vst v17;
	v17 =	vmul.f32 v49, v46  }
0x11f: {  	v58 =	vld [tilespmem:s29+$0x520];
	v61 =	vmul.f32 v53, v46;
	[tilespmem:s29+$0x4D0] =	vst v57  }
0x120: {  	v63 =	vld [tilespmem:s29+$0x550];
	v59 =	vperm.xlane v16, v7;
	[tilespmem:s29+$0x4C0] =	vst v17;
	v17 =	vmul.f32 v52, v46  }
0x121: {  	[tilespmem:s29+$0x4F0] =	vst v61;
	v51 =	vmul.f32 v43, v46;
	v62 =	vld [tilespmem:s29+$0x540]  }
0x122: {  	v30 =	vld [tilespmem:s29+$0x570];
	[tilespmem:s29+$0x4E0] =	vst v17;
	v17 =	vmul.f32 v55, v59  }
0x123: {  	[tilespmem:s29+$0x490] =	vst v51;
	v31 =	vmul.f32 v60, v59;
	v29 =	vld [tilespmem:s29+$0x560]  }
0x124: {  	v56 =	vld [tilespmem:s29+$0x510];
	[tilespmem:s29+$0x500] =	vst v17;
	v17 =	vmul.f32 v58, v59  }
0x125: {  	v34 =	vmul.f32 v63, v59;
	[tilespmem:s29+$0x530] =	vst v31;
	v32 =	vld [tilespmem:s29+$0x580]  }
0x126: {  	v37 =	vld [tilespmem:s29+$0x5B0];
	[tilespmem:s29+$0x520] =	vst v17;
	v17 =	vmul.f32 v62, v59  }
0x127: {  	v35 =	vld [tilespmem:s29+$0x5A0];
	v38 =	vmul.f32 v30, v59;
	[tilespmem:s29+$0x550] =	vst v34  }
0x128: {  	v40 =	vld [tilespmem:s29+$0x5D0];
	v36 =	vperm.xlane v16, v8;
	[tilespmem:s29+$0x540] =	vst v17;
	v17 =	vmul.f32 v29, v59  }
0x129: {  	[tilespmem:s29+$0x570] =	vst v38;
	v28 =	vmul.f32 v56, v59;
	v39 =	vld [tilespmem:s29+$0x5C0]  }
0x12a: {  	v43 =	vld [tilespmem:s29+$0x5F0];
	[tilespmem:s29+$0x560] =	vst v17;
	v17 =	vmul.f32 v32, v36  }
0x12b: {  	[tilespmem:s29+$0x510] =	vst v28;
	v44 =	vmul.f32 v37, v36;
	v42 =	vld [tilespmem:s29+$0x5E0]  }
0x12c: {  	v33 =	vld [tilespmem:s29+$0x590];
	[tilespmem:s29+$0x580] =	vst v17;
	v17 =	vmul.f32 v35, v36  }
0x12d: {  	v47 =	vmul.f32 v40, v36;
	[tilespmem:s29+$0x5B0] =	vst v44;
	v45 =	vld [tilespmem:s29+$0x600]  }
0x12e: {  	v50 =	vld [tilespmem:s29+$0x630];
	[tilespmem:s29+$0x5A0] =	vst v17;
	v17 =	vmul.f32 v39, v36  }
0x12f: {  	v48 =	vld [tilespmem:s29+$0x620];
	v51 =	vmul.f32 v43, v36;
	[tilespmem:s29+$0x5D0] =	vst v47  }
0x130: {  	v53 =	vld [tilespmem:s29+$0x650];
	v49 =	vperm.xlane v16, v9;
	[tilespmem:s29+$0x5C0] =	vst v17;
	v17 =	vmul.f32 v42, v36  }
0x131: {  	[tilespmem:s29+$0x5F0] =	vst v51;
	v41 =	vmul.f32 v33, v36;
	v52 =	vld [tilespmem:s29+$0x640]  }
0x132: {  	v56 =	vld [tilespmem:s29+$0x670];
	[tilespmem:s29+$0x5E0] =	vst v17;
	v17 =	vmul.f32 v45, v49  }
0x133: {  	[tilespmem:s29+$0x590] =	vst v41;
	v57 =	vmul.f32 v50, v49;
	v55 =	vld [tilespmem:s29+$0x660]  }
0x134: {  	v46 =	vld [tilespmem:s29+$0x610];
	[tilespmem:s29+$0x600] =	vst v17;
	v17 =	vmul.f32 v48, v49  }
0x135: {  	v60 =	vmul.f32 v53, v49;
	[tilespmem:s29+$0x630] =	vst v57;
	v58 =	vld [tilespmem:s29+$0x680]  }
0x136: {  	v63 =	vld [tilespmem:s29+$0x6B0];
	[tilespmem:s29+$0x620] =	vst v17;
	v17 =	vmul.f32 v52, v49  }
0x137: {  	v61 =	vld [tilespmem:s29+$0x6A0];
	v28 =	vmul.f32 v56, v49;
	[tilespmem:s29+$0x650] =	vst v60  }
0x138: {  	v30 =	vld [tilespmem:s29+$0x6D0];
	v62 =	vperm.xlane v16, v10;
	[tilespmem:s29+$0x640] =	vst v17;
	v17 =	vmul.f32 v55, v49  }
0x139: {  	[tilespmem:s29+$0x670] =	vst v28;
	v54 =	vmul.f32 v46, v49;
	v29 =	vld [tilespmem:s29+$0x6C0]  }
0x13a: {  	v33 =	vld [tilespmem:s29+$0x6F0];
	[tilespmem:s29+$0x660] =	vst v17;
	v17 =	vmul.f32 v58, v62  }
0x13b: {  	[tilespmem:s29+$0x610] =	vst v54;
	v34 =	vmul.f32 v63, v62;
	v32 =	vld [tilespmem:s29+$0x6E0]  }
0x13c: {  	v59 =	vld [tilespmem:s29+$0x690];
	[tilespmem:s29+$0x680] =	vst v17;
	v17 =	vmul.f32 v61, v62  }
0x13d: {  	v37 =	vmul.f32 v30, v62;
	[tilespmem:s29+$0x6B0] =	vst v34;
	v35 =	vld [tilespmem:s29+$0x700]  }
0x13e: {  	v40 =	vld [tilespmem:s29+$0x730];
	[tilespmem:s29+$0x6A0] =	vst v17;
	v17 =	vmul.f32 v29, v62  }
0x13f: {  	v38 =	vld [tilespmem:s29+$0x720];
	v41 =	vmul.f32 v33, v62;
	[tilespmem:s29+$0x6D0] =	vst v37  }
0x140: {  	v43 =	vld [tilespmem:s29+$0x750];
	v39 =	vperm.xlane v16, v11;
	[tilespmem:s29+$0x6C0] =	vst v17;
	v17 =	vmul.f32 v32, v62  }
0x141: {  	[tilespmem:s29+$0x6F0] =	vst v41;
	v31 =	vmul.f32 v59, v62;
	v42 =	vld [tilespmem:s29+$0x740]  }
0x142: {  	v46 =	vld [tilespmem:s29+$0x770];
	[tilespmem:s29+$0x6E0] =	vst v17;
	v17 =	vmul.f32 v35, v39  }
0x143: {  	[tilespmem:s29+$0x690] =	vst v31;
	v47 =	vmul.f32 v40, v39;
	v45 =	vld [tilespmem:s29+$0x760]  }
0x144: {  	v36 =	vld [tilespmem:s29+$0x710];
	[tilespmem:s29+$0x700] =	vst v17;
	v17 =	vmul.f32 v38, v39  }
0x145: {  	v50 =	vmul.f32 v43, v39;
	[tilespmem:s29+$0x730] =	vst v47;
	v48 =	vld [tilespmem:s29+$0x780]  }
0x146: {  	v53 =	vld [tilespmem:s29+$0x7B0];
	[tilespmem:s29+$0x720] =	vst v17;
	v17 =	vmul.f32 v42, v39  }
0x147: {  	v51 =	vld [tilespmem:s29+$0x7A0];
	v54 =	vmul.f32 v46, v39;
	[tilespmem:s29+$0x750] =	vst v50  }
0x148: {  	v56 =	vld [tilespmem:s29+$0x7D0];
	v52 =	vperm.xlane v16, v12;
	[tilespmem:s29+$0x740] =	vst v17;
	v17 =	vmul.f32 v45, v39  }
0x149: {  	[tilespmem:s29+$0x770] =	vst v54;
	v44 =	vmul.f32 v36, v39;
	v55 =	vld [tilespmem:s29+$0x7C0]  }
0x14a: {  	v59 =	vld [tilespmem:s29+$0x7F0];
	[tilespmem:s29+$0x760] =	vst v17;
	v17 =	vmul.f32 v48, v52  }
0x14b: {  	[tilespmem:s29+$0x710] =	vst v44;
	v60 =	vmul.f32 v53, v52;
	v58 =	vld [tilespmem:s29+$0x7E0]  }
0x14c: {  	v49 =	vld [tilespmem:s29+$0x790];
	[tilespmem:s29+$0x780] =	vst v17;
	v17 =	vmul.f32 v51, v52  }
0x14d: {  	v63 =	vmul.f32 v56, v52;
	[tilespmem:s29+$0x7B0] =	vst v60;
	v61 =	vld [tilespmem:s29+$0x800]  }
0x14e: {  	v30 =	vld [tilespmem:s29+$0x830];
	[tilespmem:s29+$0x7A0] =	vst v17;
	v17 =	vmul.f32 v55, v52  }
0x14f: {  	v28 =	vld [tilespmem:s29+$0x820];
	v31 =	vmul.f32 v59, v52;
	[tilespmem:s29+$0x7D0] =	vst v63  }
0x150: {  	v33 =	vld [tilespmem:s29+$0x850];
	v29 =	vperm.xlane v16, v13;
	[tilespmem:s29+$0x7C0] =	vst v17;
	v17 =	vmul.f32 v58, v52  }
0x151: {  	[tilespmem:s29+$0x7F0] =	vst v31;
	v57 =	vmul.f32 v49, v52;
	v32 =	vld [tilespmem:s29+$0x840]  }
0x152: {  	v36 =	vld [tilespmem:s29+$0x870];
	[tilespmem:s29+$0x7E0] =	vst v17;
	v17 =	vmul.f32 v61, v29  }
0x153: {  	[tilespmem:s29+$0x790] =	vst v57;
	v37 =	vmul.f32 v30, v29;
	v35 =	vld [tilespmem:s29+$0x860]  }
0x154: {  	v62 =	vld [tilespmem:s29+$0x810];
	[tilespmem:s29+$0x800] =	vst v17;
	v17 =	vmul.f32 v28, v29  }
0x155: {  	v40 =	vmul.f32 v33, v29;
	[tilespmem:s29+$0x830] =	vst v37;
	v38 =	vld [tilespmem:s29+$0x880]  }
0x156: {  	v43 =	vld [tilespmem:s29+$0x8B0];
	[tilespmem:s29+$0x820] =	vst v17;
	v17 =	vmul.f32 v32, v29  }
0x157: {  	v41 =	vld [tilespmem:s29+$0x8A0];
	v44 =	vmul.f32 v36, v29;
	[tilespmem:s29+$0x850] =	vst v40  }
0x158: {  	v46 =	vld [tilespmem:s29+$0x8D0];
	v42 =	vperm.xlane v16, v14;
	[tilespmem:s29+$0x840] =	vst v17;
	v17 =	vmul.f32 v35, v29  }
0x159: {  	[tilespmem:s29+$0x870] =	vst v44;
	v34 =	vmul.f32 v62, v29;
	v45 =	vld [tilespmem:s29+$0x8C0]  }
0x15a: {  	v49 =	vld [tilespmem:s29+$0x8F0];
	[tilespmem:s29+$0x860] =	vst v17;
	v17 =	vmul.f32 v38, v42  }
0x15b: {  	[tilespmem:s29+$0x810] =	vst v34;
	v50 =	vmul.f32 v43, v42;
	v48 =	vld [tilespmem:s29+$0x8E0]  }
0x15c: {  	v39 =	vld [tilespmem:s29+$0x890];
	[tilespmem:s29+$0x880] =	vst v17;
	v17 =	vmul.f32 v41, v42  }
0x15d: {  	v53 =	vmul.f32 v46, v42;
	[tilespmem:s29+$0x8B0] =	vst v50;
	v51 =	vld [tilespmem:s29+$0x900]  }
0x15e: {  	v55 =	vld [tilespmem:s29+$0x930];
	[tilespmem:s29+$0x8A0] =	vst v17;
	v17 =	vmul.f32 v45, v42  }
0x15f: {  	v54 =	vld [tilespmem:s29+$0x920];
	v56 =	vmul.f32 v49, v42;
	[tilespmem:s29+$0x8D0] =	vst v53  }
0x160: {  	v16 =	vperm.xlane v16, v15;
	v52 =	vld [tilespmem:s29+$0x910];
	[tilespmem:s29+$0x8C0] =	vst v17;
	v17 =	vmul.f32 v48, v42  }
0x161: {  	v57 =	vld [tilespmem:s29+$0x940];
	[tilespmem:s29+$0x8F0] =	vst v56;
	v47 =	vmul.f32 v39, v42  }
0x162: {  	v58 =	vld [tilespmem:s29+$0x950];
	[tilespmem:s29+$0x8E0] =	vst v17;
	v17 =	vmul.f32 v51, v16  }
0x163: {  	v60 =	vld [tilespmem:s29+$0x960];
	[tilespmem:s29+$0x890] =	vst v47;
	v62 =	vmul.f32 v55, v16  }
0x164: {  	v61 =	vld [tilespmem:s29+$0x970];
	[tilespmem:s29+$0x900] =	vst v17;
	v17 =	vmul.f32 v54, v16  }
0x165: {  	v59 =	vmul.f32 v52, v16;
	[tilespmem:s29+$0x930] =	vst v62  }
0x166: {  	p2 =	sne.s32 s28, $0x7;
	[tilespmem:s29+$0x920] =	vst v17;
	v17 =	vmul.f32 v57, v16  }
.Ltmp5:
0x167: {  	v63 =	vmul.f32 v58, v16;
	[tilespmem:s29+$0x910] =	vst v59;
	(pc) =	sbr.rel @p2 .LBB2_7-.Ltmp5, $4  }
0x168: {  	[tilespmem:s29+$0x940] =	vst v17;
	v17 =	vmul.f32 v60, v16  }
0x169: {  	[tilespmem:s29+$0x950] =	vst v63;
	v16 =	vmul.f32 v61, v16  }
0x16a: {  	[tilespmem:s29+$0x960] =	vst v17  }
0x16b: {  	s28 =	sadd.s32 $0x1, s28;
	[tilespmem:s29+$0x970] =	vst v16  }
0x16c: {  	[spmem:s3] =	stream.indirect.scatter.add.f32 [tilespmem:s24], [sflag:$0x2], $0x80, s22, s22, $0xb8;
	[tilespmem:$0x17A00] =	vst v63  }
.Ltmp6:
0x16d: {  	_ =	swait.ge [sflag:s21], $0x4000;
	(pc) =	sbr.rel .LBB2_10-.Ltmp6, $3  }
0x16e: {  	[sflag:s21] =	ssyncset.done $0x0  }
0x16f: {  	[sflag:s21] =	ssyncadd.s32 $0xFFFFC000  }
0x170: {  	[bflag:$0x0] =	sbarrier.arrive $0xFFFF;
	_ =	sdelay $0x1  }
.LBB2_9:
.Ltmp7:
0x171: {  	(pc) =	sbr.rel @p0 .LBB2_11-.Ltmp7, $2  }
0x172: {  	_ =	sdelay $0x1  }
0x173: {  	[bflag:$0x0] =	sbarrier.arrive $0xFFFF;
	_ =	sdelay $0x1  }
.LBB2_10:
0x174: {  	s28 =	sshll.u32 s6, $0x6  }
.Ltmp8:
0x175: {  	s29 =	sshrl.u32 s10, $0x3;
	s28 =	sor.u32 $0x1C02, s28;
	(pc) =	sbr.rel .LBB2_12-.Ltmp8, $4  }
0x176: {  	[hbm:s15], [sflag:s28] =	dma.local [spmem:s29], $0x2700  }
0x177: {  	_ =	swait.ge [sflag:s21], $0x2700  }
0x178: {  	[sflag:s21] =	ssyncset.done $0x0  }
0x179: {  	[sflag:s21] =	ssyncadd.s32 $0xFFFFD900  }
.LBB2_13:
0x17a: {  	_ =	sfence.sel $0x180000  }
0x17b: {  	[bflag:$0x0] =	sbarrier.arrive $0xFFFF  }
0x17c: {  	p0 =	sne.s32 s6, $0x0;
	_ =	strace $0x90000047  }
0x17d: {  	s0 =	sadd.s32 @!p0 $0x100000, s0;
	[bflag:$0x2] =	sbarrier.arrive $0xFFFF  }
0x17e: {  	[sflag:s0] =	ssyncadd.tile.s32 @!p0 $0x1;
	_ =	shalt  }
.Lfunc_end2:
_tile_overlayer_lowered:
.L_overlay_start_2:
0x17f: {  	(tag) =	ssettag $0x2  }
0x180: {  	s0 =	rddreg [dreg:$0x0];
	s2 =	stileid.u32  }
0x181: {  	s1 =	rddreg [dreg:$0x1];
	p0 =	sne.s32 s2, $0x0  }
0x182: {  	s3 =	rddreg [dreg:$0x2];
	[bflag:$0x3] =	sbarrier.arrive $0xFFFF;
	s2 =	simm.s32 @!p0 $0x1C02  }
0x183: {  	[timem:s3], [sflag:s2] =	dma.local @!p0 [hbm:s0], s1  }
0x184: {  	s0 =	simm.s32 @!p0 $0x2  }
0x185: {  	_ =	swait.ge @!p0 [sflag:s0], s1  }
0x186: {  	s1 =	ssub.s32 @!p0 $0x0, s1;
	[sflag:s0] =	ssyncset.done @!p0 $0x0  }
0x187: {  	[sflag:s0] =	ssyncadd.s32 @!p0 s1  }
0x188: {  	[bflag:$0x3] =	sbarrier.arrive $0xFFFF  }
0x189: {  	_ =	shalt  }

</sc_bundles>
